<compile_context>
chip_gen: v7x
topology: tpu7x:2x2x1
jax: 0.10.2.dev20260603
libtpu: 0.0.44.dev20260713+nightly
codegen_flags: <defaults>
</compile_context>

<pallas_src>
import functools

import jax
import jax.numpy as jnp
from jax import lax
from jax.experimental import pallas as pl
from jax.experimental.pallas import tpu as pltpu
from jax.experimental.pallas import tpu_sc as plsc

N = 10000
D = 128
NP = 10112
E_RAW = 320000
E_TOT = E_RAW + N
NC = 2
NS = 16
NWORK = NC * NS
BB = 128
BPW = -(-E_TOT // (NWORK * BB))
E_PAD = NWORK * BPW * BB
EPW = BPW * BB
RPS = NP // NS
RB = 632
F32 = jnp.float32



def _tc_first_body(x_ref, w_ref, asw_ref, adw_ref, h_ref, as_ref, ad_ref):
    h = jnp.dot(x_ref[...], w_ref[...], preferred_element_type=F32)
    h_ref[...] = h
    as_ref[...] = jnp.sum(h * asw_ref[...], axis=-1, keepdims=True)
    ad_ref[...] = jnp.sum(h * adw_ref[...], axis=-1, keepdims=True)


def _tc_mid_body(ph_ref, pd_ref, b_ref, w_ref, asw_ref, adw_ref,
                 h_ref, as_ref, ad_ref):
    agg = ph_ref[0] + ph_ref[1]
    den = pd_ref[0, :, 0:1] + pd_ref[1, :, 0:1]
    xl = agg / (den + 1e-16) + b_ref[...]
    xl = jnp.where(xl > 0, xl, jnp.exp(jnp.minimum(xl, 0.0)) - 1.0)
    h = jnp.dot(xl, w_ref[...], preferred_element_type=F32)
    h_ref[...] = h
    as_ref[...] = jnp.sum(h * asw_ref[...], axis=-1, keepdims=True)
    ad_ref[...] = jnp.sum(h * adw_ref[...], axis=-1, keepdims=True)


def _tc_final_body(ph_ref, pd_ref, b_ref, out_ref):
    agg = ph_ref[0] + ph_ref[1]
    den = pd_ref[0, :, 0:1] + pd_ref[1, :, 0:1]
    out_ref[...] = agg / (den + 1e-16) + b_ref[...]


_SPEC_W = pl.BlockSpec((D, D), lambda i: (0, 0))
_SPEC_AW = pl.BlockSpec((1, D), lambda i: (0, 0))
_SPEC_ROWS = pl.BlockSpec((RB, D), lambda i: (i, 0))
_SPEC_COL = pl.BlockSpec((RB, 1), lambda i: (i, 0))
_SPEC_PH = pl.BlockSpec((NC, RB, D), lambda i: (0, i, 0))
_SPEC_PD = pl.BlockSpec((NC, RB, 16), lambda i: (0, i, 0))

_OUT_HAA = [jax.ShapeDtypeStruct((NP, D), F32),
            jax.ShapeDtypeStruct((NP, 1), F32),
            jax.ShapeDtypeStruct((NP, 1), F32)]


def _tc_first(xp, w, asw, adw):
    return pl.pallas_call(
        _tc_first_body,
        grid=(NP // RB,),
        in_specs=[_SPEC_ROWS, _SPEC_W, _SPEC_AW, _SPEC_AW],
        out_specs=[_SPEC_ROWS, _SPEC_COL, _SPEC_COL],
        out_shape=_OUT_HAA,
    )(xp, w, asw, adw)


def _tc_mid(ph, pdn, b, w, asw, adw):
    return pl.pallas_call(
        _tc_mid_body,
        grid=(NP // RB,),
        in_specs=[_SPEC_PH, _SPEC_PD, _SPEC_AW, _SPEC_W, _SPEC_AW, _SPEC_AW],
        out_specs=[_SPEC_ROWS, _SPEC_COL, _SPEC_COL],
        out_shape=_OUT_HAA,
    )(ph, pdn, b, w, asw, adw)


def _tc_final(ph, pdn, b):
    return pl.pallas_call(
        _tc_final_body,
        grid=(NP // RB,),
        in_specs=[_SPEC_PH, _SPEC_PD, _SPEC_AW],
        out_specs=_SPEC_ROWS,
        out_shape=jax.ShapeDtypeStruct((NP, D), F32),
    )(ph, pdn, b)



def _sc_edge_body(h_hbm, as_hbm, ad_hbm, src_hbm, dst_hbm,
                  ph_hbm, pd_hbm,
                  as_v, ad_v, src_v, dst_v, p_v, rows_v, pcol_v,
                  acc_h, acc_d, sem):
    cid = lax.axis_index("c")
    sid = lax.axis_index("s")
    wid = sid * NC + cid

    pltpu.sync_copy(as_hbm, as_v)
    pltpu.sync_copy(ad_hbm, ad_v)

    def _zero_row(i, carry):
        for j in range(D // 16):
            rows_v[i, pl.ds(j * 16, 16)] = jnp.zeros((16,), F32)
        pcol_v[i, :] = jnp.zeros((16,), F32)
        return carry

    lax.fori_loop(0, BB, _zero_row, 0)
    for c in range(-(-RPS // BB)):
        r0 = sid * RPS + c * BB
        nr = min(BB, RPS - c * BB)
        pltpu.sync_copy(rows_v.at[pl.ds(0, nr)], acc_h.at[pl.ds(r0, nr)])
        pltpu.sync_copy(pcol_v.at[pl.ds(0, nr)], acc_d.at[pl.ds(r0, nr)])
    plsc.subcore_barrier()

    def _block(b, carry):
        base = wid * EPW + b * BB
        pltpu.sync_copy(src_hbm.at[pl.ds(base, BB)], src_v)
        pltpu.sync_copy(dst_hbm.at[pl.ds(base, BB)], dst_v)
        for k in range(BB // 16):
            s_idx = src_v[pl.ds(k * 16, 16)]
            d_idx = dst_v[pl.ds(k * 16, 16)]
            e = plsc.load_gather(as_v, [s_idx]) + plsc.load_gather(ad_v, [d_idx])
            e = jnp.where(e > 0, e, 0.2 * e)
            p_v[pl.ds(k * 16, 16)] = jnp.exp(e)
        pltpu.async_copy(h_hbm.at[src_v], rows_v, sem).wait()

        def _row(i, c2):
            pb = plsc.load_gather(p_v, [jnp.full((16,), i, jnp.int32)])
            for j in range(D // 16):
                rows_v[i, pl.ds(j * 16, 16)] = rows_v[i, pl.ds(j * 16, 16)] * pb
            pcol_v[i, :] = pb
            return c2

        lax.fori_loop(0, BB, _row, 0)
        pltpu.sync_copy(rows_v, acc_h.at[dst_v], add=True)
        pltpu.sync_copy(pcol_v, acc_d.at[dst_v], add=True)
        return carry

    lax.fori_loop(0, BPW, _block, 0)
    plsc.subcore_barrier()

    for c in range(-(-RPS // BB)):
        r0 = sid * RPS + c * BB
        nr = min(BB, RPS - c * BB)
        pltpu.sync_copy(acc_h.at[pl.ds(r0, nr)], ph_hbm.at[cid, pl.ds(r0, nr)])
        pltpu.sync_copy(acc_d.at[pl.ds(r0, nr)], pd_hbm.at[cid, pl.ds(r0, nr)])


_sc_edge = functools.partial(
    pl.kernel,
    mesh=plsc.VectorSubcoreMesh(core_axis_name="c", subcore_axis_name="s"),
    compiler_params=pltpu.CompilerParams(needs_layout_passes=False,
                                         use_tc_tiling_on_sc=False),
    out_type=[jax.ShapeDtypeStruct((NC, NP, D), F32),
              jax.ShapeDtypeStruct((NC, NP, 16), F32)],
    scratch_types=[
        pltpu.VMEM((NP,), F32),
        pltpu.VMEM((NP,), F32),
        pltpu.VMEM((BB,), jnp.int32),
        pltpu.VMEM((BB,), jnp.int32),
        pltpu.VMEM((BB,), F32),
        pltpu.VMEM((BB, D), F32),
        pltpu.VMEM((BB, 16), F32),
        pltpu.VMEM_SHARED((NP, D), F32),
        pltpu.VMEM_SHARED((NP, 16), F32),
        pltpu.SemaphoreType.DMA,
    ],
)(_sc_edge_body)



def kernel(x, edge_index, W1, a_s1, a_d1, b1, W2, a_s2, a_d2, b2,
           W3, a_s3, a_d3, b3):
    pad_e = E_PAD - E_TOT
    loops = jnp.arange(N, dtype=jnp.int32)
    src = jnp.concatenate([edge_index[0], loops,
                           jnp.zeros((pad_e,), jnp.int32)])
    dst = jnp.concatenate([edge_index[1], loops,
                           jnp.full((pad_e,), N, jnp.int32)])
    xp = jnp.pad(x, ((0, NP - N), (0, 0)))

    h, asf, adf = _tc_first(xp, W1, a_s1, a_d1)
    ph, pdn = _sc_edge(h, asf.reshape(NP), adf.reshape(NP), src, dst)
    h, asf, adf = _tc_mid(ph, pdn, b1.reshape(1, D), W2, a_s2, a_d2)
    ph, pdn = _sc_edge(h, asf.reshape(NP), adf.reshape(NP), src, dst)
    h, asf, adf = _tc_mid(ph, pdn, b2.reshape(1, D), W3, a_s3, a_d3)
    ph, pdn = _sc_edge(h, asf.reshape(NP), adf.reshape(NP), src, dst)
    out = _tc_final(ph, pdn, b3.reshape(1, D))
    return out[:N]

# --- scband reference (transcript-rebuilt; emitter-appended) ---
"""Pipeline reference for scband-gat-89043261980679 (READ-ONLY COPY).

The authoritative reference and input builder live on the scoring server;
editing this copy changes nothing except your own understanding.
"""

import jax, jax.numpy as jnp
import numpy as np

N = 10000
E = 320000
D = 128
H = 1
C = 128


def _param(key, shape, scale=0.1):
    return jax.random.normal(key, shape, dtype=jnp.float32) * scale


def setup_inputs(seed: int = 0):
    key = jax.random.key(seed)
    ks = jax.random.split(key, 16)
    x = jax.random.normal(ks[0], (N, D), dtype=jnp.float32)
    edge_index = jax.random.randint(ks[1], (2, E), 0, N, dtype=jnp.int32)
    inp = {"x": x, "edge_index": edge_index}
    # layer 1: in=D, heads=H, ch=C, concat=True
    inp["W1"] = _param(ks[2], (D, H * C))
    inp["a_s1"] = _param(ks[3], (H, C))
    inp["a_d1"] = _param(ks[4], (H, C))
    inp["b1"] = jnp.zeros((H * C,), dtype=jnp.float32)
    # layer 2: in=H*C, heads=H, ch=C, concat=True
    inp["W2"] = _param(ks[5], (H * C, H * C))
    inp["a_s2"] = _param(ks[6], (H, C))
    inp["a_d2"] = _param(ks[7], (H, C))
    inp["b2"] = jnp.zeros((H * C,), dtype=jnp.float32)
    # layer 3: in=H*C, heads=1, ch=C, concat=False
    inp["W3"] = _param(ks[8], (H * C, 1 * C))
    inp["a_s3"] = _param(ks[9], (1, C))
    inp["a_d3"] = _param(ks[10], (1, C))
    inp["b3"] = jnp.zeros((C,), dtype=jnp.float32)
    return inp


def _gat_layer(x, src, dst, W, a_s, a_d, b, heads, ch, concat):
    n = x.shape[0]
    h = (x @ W).reshape(n, heads, ch)
    alpha_src = (h * a_s[None]).sum(-1)  # [N, H]
    alpha_dst = (h * a_d[None]).sum(-1)  # [N, H]
    e = alpha_src[src] + alpha_dst[dst]  # [E, H]
    e = jnp.where(e > 0, e, 0.2 * e)  # LeakyReLU(0.2)
    e_max = jax.ops.segment_max(e, dst, num_segments=n)
    e_max = jnp.where(jnp.isfinite(e_max), e_max, 0.0)
    p = jnp.exp(e - jax.lax.stop_gradient(e_max)[dst])
    denom = jax.ops.segment_sum(p, dst, num_segments=n)
    alpha = p / (denom[dst] + 1e-16)  # softmax over incoming edges per dst
    msg = h[src] * alpha[:, :, None]  # [E, H, C]
    out = jax.ops.segment_sum(msg, dst, num_segments=n)  # [N, H, C]
    if concat:
        out = out.reshape(n, heads * ch)
    else:
        out = out.mean(axis=1)
    return out + b


def reference(x, edge_index, W1, a_s1, a_d1, b1, W2, a_s2, a_d2, b2, W3, a_s3, a_d3, b3):
    n = x.shape[0]
    loops = jnp.arange(n, dtype=edge_index.dtype)
    src = jnp.concatenate([edge_index[0], loops])  # add_self_loops=True (PyG default)
    dst = jnp.concatenate([edge_index[1], loops])
    h = _gat_layer(x, src, dst, W1, a_s1, a_d1, b1, H, C, True)
    h = jax.nn.elu(h)
    h = _gat_layer(h, src, dst, W2, a_s2, a_d2, b2, H, C, True)
    h = jax.nn.elu(h)
    out = _gat_layer(h, src, dst, W3, a_s3, a_d3, b3, 1, C, False)
    return out

if __name__ == "__main__":
    import jax
    _d = setup_inputs()
    print(jax.jit(kernel)(*tuple(_d.values())))

</pallas_src>

<mosaic_0001>
#map = affine_map<(d0, d1) -> (0, 0)>
#map1 = affine_map<(d0, d1) -> (0)>
#map2 = affine_map<(d0, d1) -> (0, 0, 0)>
module attributes {stable_mosaic.version = 14 : i64} {
  func.func @_sc_edge_body(%arg0: i32, %arg1: i32, %arg2: memref<10112x128xf32, #tpu.memory_space<hbm>>, %arg3: memref<10112xf32, #tpu.memory_space<hbm>>, %arg4: memref<10112xf32, #tpu.memory_space<hbm>>, %arg5: memref<331776xi32, #tpu.memory_space<hbm>>, %arg6: memref<331776xi32, #tpu.memory_space<hbm>>, %arg7: memref<2x10112x128xf32, #tpu.memory_space<hbm>>, %arg8: memref<2x10112x16xf32, #tpu.memory_space<hbm>>, %arg9: memref<10112xf32, #tpu.memory_space<vmem>>, %arg10: memref<10112xf32, #tpu.memory_space<vmem>>, %arg11: memref<128xi32, #tpu.memory_space<vmem>>, %arg12: memref<128xi32, #tpu.memory_space<vmem>>, %arg13: memref<128xf32, #tpu.memory_space<vmem>>, %arg14: memref<128x128xf32, #tpu.memory_space<vmem>>, %arg15: memref<128x16xf32, #tpu.memory_space<vmem>>, %arg16: memref<10112x128xf32, #tpu.memory_space<vmem_shared>>, %arg17: memref<10112x16xf32, #tpu.memory_space<vmem_shared>>, %arg18: memref<!tpu.dma_semaphore, #tpu.memory_space<semaphore_mem>>) attributes {dimension_semantics = [#tpu.dimension_semantics<core_parallel>, #tpu.dimension_semantics<subcore_parallel>], iteration_bounds = array<i64: 2, 16>, scalar_prefetch = 0 : i64, scratch_operands = 10 : i64, tpu.core_type = #tpu.core_type<sc_vector_subcore>, window_params = [{transform_indices = #map}, {transform_indices = #map1}, {transform_indices = #map1}, {transform_indices = #map1}, {transform_indices = #map1}, {transform_indices = #map2}, {transform_indices = #map2}]} {
    %mul3A = arith.constant 2 : i32
    %mul3A_0 = arith.muli %arg1, %mul3A : i32
    %add3A = arith.addi %mul3A_0, %arg0 : i32
    "tpu.region"() ({
      %run_scoped3A = tpu.sem_alloc : memref<!tpu.dma_semaphore, #tpu.memory_space<semaphore_mem>>
      tpu.enqueue_dma source(%arg3 : memref<10112xf32, #tpu.memory_space<hbm>>) target(%arg9 : memref<10112xf32, #tpu.memory_space<vmem>>) target_semaphore(%run_scoped3A : memref<!tpu.dma_semaphore, #tpu.memory_space<semaphore_mem>>)
      tpu.wait_dma2 semaphore(%run_scoped3A : memref<!tpu.dma_semaphore, #tpu.memory_space<semaphore_mem>>) src(%arg3 : memref<10112xf32, #tpu.memory_space<hbm>>) dst(%arg9 : memref<10112xf32, #tpu.memory_space<vmem>>)
      tpu.yield
    }) : () -> ()
    "tpu.region"() ({
      %run_scoped3A = tpu.sem_alloc : memref<!tpu.dma_semaphore, #tpu.memory_space<semaphore_mem>>
      tpu.enqueue_dma source(%arg4 : memref<10112xf32, #tpu.memory_space<hbm>>) target(%arg10 : memref<10112xf32, #tpu.memory_space<vmem>>) target_semaphore(%run_scoped3A : memref<!tpu.dma_semaphore, #tpu.memory_space<semaphore_mem>>)
      tpu.wait_dma2 semaphore(%run_scoped3A : memref<!tpu.dma_semaphore, #tpu.memory_space<semaphore_mem>>) src(%arg4 : memref<10112xf32, #tpu.memory_space<hbm>>) dst(%arg10 : memref<10112xf32, #tpu.memory_space<vmem>>)
      tpu.yield
    }) : () -> ()
    %scan3A = arith.constant 0 : i32
    %scan3A_1 = arith.constant 0 : i32
    %scan3A_2 = arith.constant 128 : i32
    %scan3A_3 = arith.addi %scan3A_1, %scan3A_2 : i32
    %scan3A_4 = arith.constant 1 : i32
    scf.for %scan3A_53 = %scan3A_1 to %scan3A_3 step %scan3A_4  : i32 {
      %broadcast_in_dim3A = arith.constant 0.000000e+00 : f32
      %broadcast_in_dim3A_54 = vector.broadcast %broadcast_in_dim3A : f32 to vector<16xf32>
      %swap3A = arith.index_cast %scan3A_53 : i32 to index
      %swap3A_55 = arith.constant 0 : index
      %swap3A_56 = tpu.vector_load %arg14[%swap3A, %swap3A_55] {strides = array<i32>} : memref<128x128xf32, #tpu.memory_space<vmem>>, vector<16xf32>,
      tpu.vector_store %arg14[%swap3A, %swap3A_55], %broadcast_in_dim3A_54 {strides = array<i32>} : memref<128x128xf32, #tpu.memory_space<vmem>>, vector<16xf32>,
      %broadcast_in_dim3A_57 = arith.constant 0.000000e+00 : f32
      %broadcast_in_dim3A_58 = vector.broadcast %broadcast_in_dim3A_57 : f32 to vector<16xf32>
      %swap3A_59 = arith.index_cast %scan3A_53 : i32 to index
      %swap3A_60 = arith.constant 16 : index
      %swap3A_61 = tpu.vector_load %arg14[%swap3A_59, %swap3A_60] {strides = array<i32>} : memref<128x128xf32, #tpu.memory_space<vmem>>, vector<16xf32>,
      tpu.vector_store %arg14[%swap3A_59, %swap3A_60], %broadcast_in_dim3A_58 {strides = array<i32>} : memref<128x128xf32, #tpu.memory_space<vmem>>, vector<16xf32>,
      %broadcast_in_dim3A_62 = arith.constant 0.000000e+00 : f32
      %broadcast_in_dim3A_63 = vector.broadcast %broadcast_in_dim3A_62 : f32 to vector<16xf32>
      %swap3A_64 = arith.index_cast %scan3A_53 : i32 to index
      %swap3A_65 = arith.constant 32 : index
      %swap3A_66 = tpu.vector_load %arg14[%swap3A_64, %swap3A_65] {strides = array<i32>} : memref<128x128xf32, #tpu.memory_space<vmem>>, vector<16xf32>,
      tpu.vector_store %arg14[%swap3A_64, %swap3A_65], %broadcast_in_dim3A_63 {strides = array<i32>} : memref<128x128xf32, #tpu.memory_space<vmem>>, vector<16xf32>,
      %broadcast_in_dim3A_67 = arith.constant 0.000000e+00 : f32
      %broadcast_in_dim3A_68 = vector.broadcast %broadcast_in_dim3A_67 : f32 to vector<16xf32>
      %swap3A_69 = arith.index_cast %scan3A_53 : i32 to index
      %swap3A_70 = arith.constant 48 : index
      %swap3A_71 = tpu.vector_load %arg14[%swap3A_69, %swap3A_70] {strides = array<i32>} : memref<128x128xf32, #tpu.memory_space<vmem>>, vector<16xf32>,
      tpu.vector_store %arg14[%swap3A_69, %swap3A_70], %broadcast_in_dim3A_68 {strides = array<i32>} : memref<128x128xf32, #tpu.memory_space<vmem>>, vector<16xf32>,
      %broadcast_in_dim3A_72 = arith.constant 0.000000e+00 : f32
      %broadcast_in_dim3A_73 = vector.broadcast %broadcast_in_dim3A_72 : f32 to vector<16xf32>
      %swap3A_74 = arith.index_cast %scan3A_53 : i32 to index
      %swap3A_75 = arith.constant 64 : index
      %swap3A_76 = tpu.vector_load %arg14[%swap3A_74, %swap3A_75] {strides = array<i32>} : memref<128x128xf32, #tpu.memory_space<vmem>>, vector<16xf32>,
      tpu.vector_store %arg14[%swap3A_74, %swap3A_75], %broadcast_in_dim3A_73 {strides = array<i32>} : memref<128x128xf32, #tpu.memory_space<vmem>>, vector<16xf32>,
      %broadcast_in_dim3A_77 = arith.constant 0.000000e+00 : f32
      %broadcast_in_dim3A_78 = vector.broadcast %broadcast_in_dim3A_77 : f32 to vector<16xf32>
      %swap3A_79 = arith.index_cast %scan3A_53 : i32 to index
      %swap3A_80 = arith.constant 80 : index
      %swap3A_81 = tpu.vector_load %arg14[%swap3A_79, %swap3A_80] {strides = array<i32>} : memref<128x128xf32, #tpu.memory_space<vmem>>, vector<16xf32>,
      tpu.vector_store %arg14[%swap3A_79, %swap3A_80], %broadcast_in_dim3A_78 {strides = array<i32>} : memref<128x128xf32, #tpu.memory_space<vmem>>, vector<16xf32>,
      %broadcast_in_dim3A_82 = arith.constant 0.000000e+00 : f32
      %broadcast_in_dim3A_83 = vector.broadcast %broadcast_in_dim3A_82 : f32 to vector<16xf32>
      %swap3A_84 = arith.index_cast %scan3A_53 : i32 to index
      %swap3A_85 = arith.constant 96 : index
      %swap3A_86 = tpu.vector_load %arg14[%swap3A_84, %swap3A_85] {strides = array<i32>} : memref<128x128xf32, #tpu.memory_space<vmem>>, vector<16xf32>,
      tpu.vector_store %arg14[%swap3A_84, %swap3A_85], %broadcast_in_dim3A_83 {strides = array<i32>} : memref<128x128xf32, #tpu.memory_space<vmem>>, vector<16xf32>,
      %broadcast_in_dim3A_87 = arith.constant 0.000000e+00 : f32
      %broadcast_in_dim3A_88 = vector.broadcast %broadcast_in_dim3A_87 : f32 to vector<16xf32>
      %swap3A_89 = arith.index_cast %scan3A_53 : i32 to index
      %swap3A_90 = arith.constant 112 : index
      %swap3A_91 = tpu.vector_load %arg14[%swap3A_89, %swap3A_90] {strides = array<i32>} : memref<128x128xf32, #tpu.memory_space<vmem>>, vector<16xf32>,
      tpu.vector_store %arg14[%swap3A_89, %swap3A_90], %broadcast_in_dim3A_88 {strides = array<i32>} : memref<128x128xf32, #tpu.memory_space<vmem>>, vector<16xf32>,
      %broadcast_in_dim3A_92 = arith.constant 0.000000e+00 : f32
      %broadcast_in_dim3A_93 = vector.broadcast %broadcast_in_dim3A_92 : f32 to vector<16xf32>
      %swap3A_94 = arith.index_cast %scan3A_53 : i32 to index
      %swap3A_95 = arith.constant 0 : index
      %swap3A_96 = tpu.vector_load %arg15[%swap3A_94, %swap3A_95] {strides = array<i32>} : memref<128x16xf32, #tpu.memory_space<vmem>>, vector<16xf32>,
      tpu.vector_store %arg15[%swap3A_94, %swap3A_95], %broadcast_in_dim3A_93 {strides = array<i32>} : memref<128x16xf32, #tpu.memory_space<vmem>>, vector<16xf32>,
    }
    %scan3A_5 = arith.constant 128 : i32
    %mul3A_6 = arith.constant 632 : i32
    %mul3A_7 = arith.muli %arg1, %mul3A_6 : i32
    %add3A_8 = arith.constant 0 : i32
    %add3A_9 = arith.addi %mul3A_7, %add3A_8 : i32
    "tpu.region"() ({
      %run_scoped3A = tpu.sem_alloc : memref<!tpu.dma_semaphore, #tpu.memory_space<semaphore_mem>>
      %dma_start3A = arith.constant 0 : i32
      %dma_start3A_53 = arith.constant 0 : i32
      %dma_start3A_54 = tpu.memref_slice %arg14[%dma_start3A, %dma_start3A_53] : memref<128x128xf32, #tpu.memory_space<vmem>> -> memref<128x128xf32, #tpu.memory_space<vmem>>
      %dma_start3A_55 = arith.constant 0 : i32
      %dma_start3A_56 = tpu.memref_slice %arg16[%add3A_9, %dma_start3A_55] : memref<10112x128xf32, #tpu.memory_space<vmem_shared>> -> memref<128x128xf32, #tpu.memory_space<vmem_shared>>
      %dma_start3A_57 = arith.constant 0 : i32
      %dma_start3A_58 = tpu.memref_slice %arg16[%add3A_9, %dma_start3A_57] : memref<10112x128xf32, #tpu.memory_space<vmem_shared>> -> memref<128x128xf32, #tpu.memory_space<vmem_shared>>
      %dma_start3A_59 = arith.constant 0 : i32
      %dma_start3A_60 = arith.constant 0 : i32
      %dma_start3A_61 = tpu.memref_slice %arg14[%dma_start3A_59, %dma_start3A_60] : memref<128x128xf32, #tpu.memory_space<vmem>> -> memref<128x128xf32, #tpu.memory_space<vmem>>
      tpu.enqueue_dma source(%dma_start3A_61 : memref<128x128xf32, #tpu.memory_space<vmem>>) target(%dma_start3A_58 : memref<128x128xf32, #tpu.memory_space<vmem_shared>>) target_semaphore(%run_scoped3A : memref<!tpu.dma_semaphore, #tpu.memory_space<semaphore_mem>>)
      %dma_wait3A = arith.constant 0 : i32
      %dma_wait3A_62 = arith.constant 0 : i32
      %dma_wait3A_63 = tpu.memref_slice %arg14[%dma_wait3A, %dma_wait3A_62] : memref<128x128xf32, #tpu.memory_space<vmem>> -> memref<128x128xf32, #tpu.memory_space<vmem>>
      %dma_wait3A_64 = arith.constant 0 : i32
      %dma_wait3A_65 = tpu.memref_slice %arg16[%add3A_9, %dma_wait3A_64] : memref<10112x128xf32, #tpu.memory_space<vmem_shared>> -> memref<128x128xf32, #tpu.memory_space<vmem_shared>>
      %dma_wait3A_66 = arith.constant 0 : i32
      %dma_wait3A_67 = tpu.memref_slice %arg16[%add3A_9, %dma_wait3A_66] : memref<10112x128xf32, #tpu.memory_space<vmem_shared>> -> memref<128x128xf32, #tpu.memory_space<vmem_shared>>
      %dma_wait3A_68 = arith.constant 0 : i32
      %dma_wait3A_69 = arith.constant 0 : i32
      %dma_wait3A_70 = tpu.memref_slice %arg14[%dma_wait3A_68, %dma_wait3A_69] : memref<128x128xf32, #tpu.memory_space<vmem>> -> memref<128x128xf32, #tpu.memory_space<vmem>>
      tpu.wait_dma2 semaphore(%run_scoped3A : memref<!tpu.dma_semaphore, #tpu.memory_space<semaphore_mem>>) src(%dma_wait3A_70 : memref<128x128xf32, #tpu.memory_space<vmem>>) dst(%dma_wait3A_67 : memref<128x128xf32, #tpu.memory_space<vmem_shared>>)
      tpu.yield
    }) : () -> ()
    "tpu.region"() ({
      %run_scoped3A = tpu.sem_alloc : memref<!tpu.dma_semaphore, #tpu.memory_space<semaphore_mem>>
      %dma_start3A = arith.constant 0 : i32
      %dma_start3A_53 = arith.constant 0 : i32
      %dma_start3A_54 = tpu.memref_slice %arg15[%dma_start3A, %dma_start3A_53] : memref<128x16xf32, #tpu.memory_space<vmem>> -> memref<128x16xf32, #tpu.memory_space<vmem>>
      %dma_start3A_55 = arith.constant 0 : i32
      %dma_start3A_56 = tpu.memref_slice %arg17[%add3A_9, %dma_start3A_55] : memref<10112x16xf32, #tpu.memory_space<vmem_shared>> -> memref<128x16xf32, #tpu.memory_space<vmem_shared>>
      %dma_start3A_57 = arith.constant 0 : i32
      %dma_start3A_58 = tpu.memref_slice %arg17[%add3A_9, %dma_start3A_57] : memref<10112x16xf32, #tpu.memory_space<vmem_shared>> -> memref<128x16xf32, #tpu.memory_space<vmem_shared>>
      %dma_start3A_59 = arith.constant 0 : i32
      %dma_start3A_60 = arith.constant 0 : i32
      %dma_start3A_61 = tpu.memref_slice %arg15[%dma_start3A_59, %dma_start3A_60] : memref<128x16xf32, #tpu.memory_space<vmem>> -> memref<128x16xf32, #tpu.memory_space<vmem>>
      tpu.enqueue_dma source(%dma_start3A_61 : memref<128x16xf32, #tpu.memory_space<vmem>>) target(%dma_start3A_58 : memref<128x16xf32, #tpu.memory_space<vmem_shared>>) target_semaphore(%run_scoped3A : memref<!tpu.dma_semaphore, #tpu.memory_space<semaphore_mem>>)
      %dma_wait3A = arith.constant 0 : i32
      %dma_wait3A_62 = arith.constant 0 : i32
      %dma_wait3A_63 = tpu.memref_slice %arg15[%dma_wait3A, %dma_wait3A_62] : memref<128x16xf32, #tpu.memory_space<vmem>> -> memref<128x16xf32, #tpu.memory_space<vmem>>
      %dma_wait3A_64 = arith.constant 0 : i32
      %dma_wait3A_65 = tpu.memref_slice %arg17[%add3A_9, %dma_wait3A_64] : memref<10112x16xf32, #tpu.memory_space<vmem_shared>> -> memref<128x16xf32, #tpu.memory_space<vmem_shared>>
      %dma_wait3A_66 = arith.constant 0 : i32
      %dma_wait3A_67 = tpu.memref_slice %arg17[%add3A_9, %dma_wait3A_66] : memref<10112x16xf32, #tpu.memory_space<vmem_shared>> -> memref<128x16xf32, #tpu.memory_space<vmem_shared>>
      %dma_wait3A_68 = arith.constant 0 : i32
      %dma_wait3A_69 = arith.constant 0 : i32
      %dma_wait3A_70 = tpu.memref_slice %arg15[%dma_wait3A_68, %dma_wait3A_69] : memref<128x16xf32, #tpu.memory_space<vmem>> -> memref<128x16xf32, #tpu.memory_space<vmem>>
      tpu.wait_dma2 semaphore(%run_scoped3A : memref<!tpu.dma_semaphore, #tpu.memory_space<semaphore_mem>>) src(%dma_wait3A_70 : memref<128x16xf32, #tpu.memory_space<vmem>>) dst(%dma_wait3A_67 : memref<128x16xf32, #tpu.memory_space<vmem_shared>>)
      tpu.yield
    }) : () -> ()
    %mul3A_10 = arith.constant 632 : i32
    %mul3A_11 = arith.muli %arg1, %mul3A_10 : i32
    %add3A_12 = arith.constant 128 : i32
    %add3A_13 = arith.addi %mul3A_11, %add3A_12 : i32
    "tpu.region"() ({
      %run_scoped3A = tpu.sem_alloc : memref<!tpu.dma_semaphore, #tpu.memory_space<semaphore_mem>>
      %dma_start3A = arith.constant 0 : i32
      %dma_start3A_53 = arith.constant 0 : i32
      %dma_start3A_54 = tpu.memref_slice %arg14[%dma_start3A, %dma_start3A_53] : memref<128x128xf32, #tpu.memory_space<vmem>> -> memref<128x128xf32, #tpu.memory_space<vmem>>
      %dma_start3A_55 = arith.constant 0 : i32
      %dma_start3A_56 = tpu.memref_slice %arg16[%add3A_13, %dma_start3A_55] : memref<10112x128xf32, #tpu.memory_space<vmem_shared>> -> memref<128x128xf32, #tpu.memory_space<vmem_shared>>
      %dma_start3A_57 = arith.constant 0 : i32
      %dma_start3A_58 = tpu.memref_slice %arg16[%add3A_13, %dma_start3A_57] : memref<10112x128xf32, #tpu.memory_space<vmem_shared>> -> memref<128x128xf32, #tpu.memory_space<vmem_shared>>
      %dma_start3A_59 = arith.constant 0 : i32
      %dma_start3A_60 = arith.constant 0 : i32
      %dma_start3A_61 = tpu.memref_slice %arg14[%dma_start3A_59, %dma_start3A_60] : memref<128x128xf32, #tpu.memory_space<vmem>> -> memref<128x128xf32, #tpu.memory_space<vmem>>
      tpu.enqueue_dma source(%dma_start3A_61 : memref<128x128xf32, #tpu.memory_space<vmem>>) target(%dma_start3A_58 : memref<128x128xf32, #tpu.memory_space<vmem_shared>>) target_semaphore(%run_scoped3A : memref<!tpu.dma_semaphore, #tpu.memory_space<semaphore_mem>>)
      %dma_wait3A = arith.constant 0 : i32
      %dma_wait3A_62 = arith.constant 0 : i32
      %dma_wait3A_63 = tpu.memref_slice %arg14[%dma_wait3A, %dma_wait3A_62] : memref<128x128xf32, #tpu.memory_space<vmem>> -> memref<128x128xf32, #tpu.memory_space<vmem>>
      %dma_wait3A_64 = arith.constant 0 : i32
      %dma_wait3A_65 = tpu.memref_slice %arg16[%add3A_13, %dma_wait3A_64] : memref<10112x128xf32, #tpu.memory_space<vmem_shared>> -> memref<128x128xf32, #tpu.memory_space<vmem_shared>>
      %dma_wait3A_66 = arith.constant 0 : i32
      %dma_wait3A_67 = tpu.memref_slice %arg16[%add3A_13, %dma_wait3A_66] : memref<10112x128xf32, #tpu.memory_space<vmem_shared>> -> memref<128x128xf32, #tpu.memory_space<vmem_shared>>
      %dma_wait3A_68 = arith.constant 0 : i32
      %dma_wait3A_69 = arith.constant 0 : i32
      %dma_wait3A_70 = tpu.memref_slice %arg14[%dma_wait3A_68, %dma_wait3A_69] : memref<128x128xf32, #tpu.memory_space<vmem>> -> memref<128x128xf32, #tpu.memory_space<vmem>>
      tpu.wait_dma2 semaphore(%run_scoped3A : memref<!tpu.dma_semaphore, #tpu.memory_space<semaphore_mem>>) src(%dma_wait3A_70 : memref<128x128xf32, #tpu.memory_space<vmem>>) dst(%dma_wait3A_67 : memref<128x128xf32, #tpu.memory_space<vmem_shared>>)
      tpu.yield
    }) : () -> ()
    "tpu.region"() ({
      %run_scoped3A = tpu.sem_alloc : memref<!tpu.dma_semaphore, #tpu.memory_space<semaphore_mem>>
      %dma_start3A = arith.constant 0 : i32
      %dma_start3A_53 = arith.constant 0 : i32
      %dma_start3A_54 = tpu.memref_slice %arg15[%dma_start3A, %dma_start3A_53] : memref<128x16xf32, #tpu.memory_space<vmem>> -> memref<128x16xf32, #tpu.memory_space<vmem>>
      %dma_start3A_55 = arith.constant 0 : i32
      %dma_start3A_56 = tpu.memref_slice %arg17[%add3A_13, %dma_start3A_55] : memref<10112x16xf32, #tpu.memory_space<vmem_shared>> -> memref<128x16xf32, #tpu.memory_space<vmem_shared>>
      %dma_start3A_57 = arith.constant 0 : i32
      %dma_start3A_58 = tpu.memref_slice %arg17[%add3A_13, %dma_start3A_57] : memref<10112x16xf32, #tpu.memory_space<vmem_shared>> -> memref<128x16xf32, #tpu.memory_space<vmem_shared>>
      %dma_start3A_59 = arith.constant 0 : i32
      %dma_start3A_60 = arith.constant 0 : i32
      %dma_start3A_61 = tpu.memref_slice %arg15[%dma_start3A_59, %dma_start3A_60] : memref<128x16xf32, #tpu.memory_space<vmem>> -> memref<128x16xf32, #tpu.memory_space<vmem>>
      tpu.enqueue_dma source(%dma_start3A_61 : memref<128x16xf32, #tpu.memory_space<vmem>>) target(%dma_start3A_58 : memref<128x16xf32, #tpu.memory_space<vmem_shared>>) target_semaphore(%run_scoped3A : memref<!tpu.dma_semaphore, #tpu.memory_space<semaphore_mem>>)
      %dma_wait3A = arith.constant 0 : i32
      %dma_wait3A_62 = arith.constant 0 : i32
      %dma_wait3A_63 = tpu.memref_slice %arg15[%dma_wait3A, %dma_wait3A_62] : memref<128x16xf32, #tpu.memory_space<vmem>> -> memref<128x16xf32, #tpu.memory_space<vmem>>
      %dma_wait3A_64 = arith.constant 0 : i32
      %dma_wait3A_65 = tpu.memref_slice %arg17[%add3A_13, %dma_wait3A_64] : memref<10112x16xf32, #tpu.memory_space<vmem_shared>> -> memref<128x16xf32, #tpu.memory_space<vmem_shared>>
      %dma_wait3A_66 = arith.constant 0 : i32
      %dma_wait3A_67 = tpu.memref_slice %arg17[%add3A_13, %dma_wait3A_66] : memref<10112x16xf32, #tpu.memory_space<vmem_shared>> -> memref<128x16xf32, #tpu.memory_space<vmem_shared>>
      %dma_wait3A_68 = arith.constant 0 : i32
      %dma_wait3A_69 = arith.constant 0 : i32
      %dma_wait3A_70 = tpu.memref_slice %arg15[%dma_wait3A_68, %dma_wait3A_69] : memref<128x16xf32, #tpu.memory_space<vmem>> -> memref<128x16xf32, #tpu.memory_space<vmem>>
      tpu.wait_dma2 semaphore(%run_scoped3A : memref<!tpu.dma_semaphore, #tpu.memory_space<semaphore_mem>>) src(%dma_wait3A_70 : memref<128x16xf32, #tpu.memory_space<vmem>>) dst(%dma_wait3A_67 : memref<128x16xf32, #tpu.memory_space<vmem_shared>>)
      tpu.yield
    }) : () -> ()
    %mul3A_14 = arith.constant 632 : i32
    %mul3A_15 = arith.muli %arg1, %mul3A_14 : i32
    %add3A_16 = arith.constant 256 : i32
    %add3A_17 = arith.addi %mul3A_15, %add3A_16 : i32
    "tpu.region"() ({
      %run_scoped3A = tpu.sem_alloc : memref<!tpu.dma_semaphore, #tpu.memory_space<semaphore_mem>>
      %dma_start3A = arith.constant 0 : i32
      %dma_start3A_53 = arith.constant 0 : i32
      %dma_start3A_54 = tpu.memref_slice %arg14[%dma_start3A, %dma_start3A_53] : memref<128x128xf32, #tpu.memory_space<vmem>> -> memref<128x128xf32, #tpu.memory_space<vmem>>
      %dma_start3A_55 = arith.constant 0 : i32
      %dma_start3A_56 = tpu.memref_slice %arg16[%add3A_17, %dma_start3A_55] : memref<10112x128xf32, #tpu.memory_space<vmem_shared>> -> memref<128x128xf32, #tpu.memory_space<vmem_shared>>
      %dma_start3A_57 = arith.constant 0 : i32
      %dma_start3A_58 = tpu.memref_slice %arg16[%add3A_17, %dma_start3A_57] : memref<10112x128xf32, #tpu.memory_space<vmem_shared>> -> memref<128x128xf32, #tpu.memory_space<vmem_shared>>
      %dma_start3A_59 = arith.constant 0 : i32
      %dma_start3A_60 = arith.constant 0 : i32
      %dma_start3A_61 = tpu.memref_slice %arg14[%dma_start3A_59, %dma_start3A_60] : memref<128x128xf32, #tpu.memory_space<vmem>> -> memref<128x128xf32, #tpu.memory_space<vmem>>
      tpu.enqueue_dma source(%dma_start3A_61 : memref<128x128xf32, #tpu.memory_space<vmem>>) target(%dma_start3A_58 : memref<128x128xf32, #tpu.memory_space<vmem_shared>>) target_semaphore(%run_scoped3A : memref<!tpu.dma_semaphore, #tpu.memory_space<semaphore_mem>>)
      %dma_wait3A = arith.constant 0 : i32
      %dma_wait3A_62 = arith.constant 0 : i32
      %dma_wait3A_63 = tpu.memref_slice %arg14[%dma_wait3A, %dma_wait3A_62] : memref<128x128xf32, #tpu.memory_space<vmem>> -> memref<128x128xf32, #tpu.memory_space<vmem>>
      %dma_wait3A_64 = arith.constant 0 : i32
      %dma_wait3A_65 = tpu.memref_slice %arg16[%add3A_17, %dma_wait3A_64] : memref<10112x128xf32, #tpu.memory_space<vmem_shared>> -> memref<128x128xf32, #tpu.memory_space<vmem_shared>>
      %dma_wait3A_66 = arith.constant 0 : i32
      %dma_wait3A_67 = tpu.memref_slice %arg16[%add3A_17, %dma_wait3A_66] : memref<10112x128xf32, #tpu.memory_space<vmem_shared>> -> memref<128x128xf32, #tpu.memory_space<vmem_shared>>
      %dma_wait3A_68 = arith.constant 0 : i32
      %dma_wait3A_69 = arith.constant 0 : i32
      %dma_wait3A_70 = tpu.memref_slice %arg14[%dma_wait3A_68, %dma_wait3A_69] : memref<128x128xf32, #tpu.memory_space<vmem>> -> memref<128x128xf32, #tpu.memory_space<vmem>>
      tpu.wait_dma2 semaphore(%run_scoped3A : memref<!tpu.dma_semaphore, #tpu.memory_space<semaphore_mem>>) src(%dma_wait3A_70 : memref<128x128xf32, #tpu.memory_space<vmem>>) dst(%dma_wait3A_67 : memref<128x128xf32, #tpu.memory_space<vmem_shared>>)
      tpu.yield
    }) : () -> ()
    "tpu.region"() ({
      %run_scoped3A = tpu.sem_alloc : memref<!tpu.dma_semaphore, #tpu.memory_space<semaphore_mem>>
      %dma_start3A = arith.constant 0 : i32
      %dma_start3A_53 = arith.constant 0 : i32
      %dma_start3A_54 = tpu.memref_slice %arg15[%dma_start3A, %dma_start3A_53] : memref<128x16xf32, #tpu.memory_space<vmem>> -> memref<128x16xf32, #tpu.memory_space<vmem>>
      %dma_start3A_55 = arith.constant 0 : i32
      %dma_start3A_56 = tpu.memref_slice %arg17[%add3A_17, %dma_start3A_55] : memref<10112x16xf32, #tpu.memory_space<vmem_shared>> -> memref<128x16xf32, #tpu.memory_space<vmem_shared>>
      %dma_start3A_57 = arith.constant 0 : i32
      %dma_start3A_58 = tpu.memref_slice %arg17[%add3A_17, %dma_start3A_57] : memref<10112x16xf32, #tpu.memory_space<vmem_shared>> -> memref<128x16xf32, #tpu.memory_space<vmem_shared>>
      %dma_start3A_59 = arith.constant 0 : i32
      %dma_start3A_60 = arith.constant 0 : i32
      %dma_start3A_61 = tpu.memref_slice %arg15[%dma_start3A_59, %dma_start3A_60] : memref<128x16xf32, #tpu.memory_space<vmem>> -> memref<128x16xf32, #tpu.memory_space<vmem>>
      tpu.enqueue_dma source(%dma_start3A_61 : memref<128x16xf32, #tpu.memory_space<vmem>>) target(%dma_start3A_58 : memref<128x16xf32, #tpu.memory_space<vmem_shared>>) target_semaphore(%run_scoped3A : memref<!tpu.dma_semaphore, #tpu.memory_space<semaphore_mem>>)
      %dma_wait3A = arith.constant 0 : i32
      %dma_wait3A_62 = arith.constant 0 : i32
      %dma_wait3A_63 = tpu.memref_slice %arg15[%dma_wait3A, %dma_wait3A_62] : memref<128x16xf32, #tpu.memory_space<vmem>> -> memref<128x16xf32, #tpu.memory_space<vmem>>
      %dma_wait3A_64 = arith.constant 0 : i32
      %dma_wait3A_65 = tpu.memref_slice %arg17[%add3A_17, %dma_wait3A_64] : memref<10112x16xf32, #tpu.memory_space<vmem_shared>> -> memref<128x16xf32, #tpu.memory_space<vmem_shared>>
      %dma_wait3A_66 = arith.constant 0 : i32
      %dma_wait3A_67 = tpu.memref_slice %arg17[%add3A_17, %dma_wait3A_66] : memref<10112x16xf32, #tpu.memory_space<vmem_shared>> -> memref<128x16xf32, #tpu.memory_space<vmem_shared>>
      %dma_wait3A_68 = arith.constant 0 : i32
      %dma_wait3A_69 = arith.constant 0 : i32
      %dma_wait3A_70 = tpu.memref_slice %arg15[%dma_wait3A_68, %dma_wait3A_69] : memref<128x16xf32, #tpu.memory_space<vmem>> -> memref<128x16xf32, #tpu.memory_space<vmem>>
      tpu.wait_dma2 semaphore(%run_scoped3A : memref<!tpu.dma_semaphore, #tpu.memory_space<semaphore_mem>>) src(%dma_wait3A_70 : memref<128x16xf32, #tpu.memory_space<vmem>>) dst(%dma_wait3A_67 : memref<128x16xf32, #tpu.memory_space<vmem_shared>>)
      tpu.yield
    }) : () -> ()
    %mul3A_18 = arith.constant 632 : i32
    %mul3A_19 = arith.muli %arg1, %mul3A_18 : i32
    %add3A_20 = arith.constant 384 : i32
    %add3A_21 = arith.addi %mul3A_19, %add3A_20 : i32
    "tpu.region"() ({
      %run_scoped3A = tpu.sem_alloc : memref<!tpu.dma_semaphore, #tpu.memory_space<semaphore_mem>>
      %dma_start3A = arith.constant 0 : i32
      %dma_start3A_53 = arith.constant 0 : i32
      %dma_start3A_54 = tpu.memref_slice %arg14[%dma_start3A, %dma_start3A_53] : memref<128x128xf32, #tpu.memory_space<vmem>> -> memref<128x128xf32, #tpu.memory_space<vmem>>
      %dma_start3A_55 = arith.constant 0 : i32
      %dma_start3A_56 = tpu.memref_slice %arg16[%add3A_21, %dma_start3A_55] : memref<10112x128xf32, #tpu.memory_space<vmem_shared>> -> memref<128x128xf32, #tpu.memory_space<vmem_shared>>
      %dma_start3A_57 = arith.constant 0 : i32
      %dma_start3A_58 = tpu.memref_slice %arg16[%add3A_21, %dma_start3A_57] : memref<10112x128xf32, #tpu.memory_space<vmem_shared>> -> memref<128x128xf32, #tpu.memory_space<vmem_shared>>
      %dma_start3A_59 = arith.constant 0 : i32
      %dma_start3A_60 = arith.constant 0 : i32
      %dma_start3A_61 = tpu.memref_slice %arg14[%dma_start3A_59, %dma_start3A_60] : memref<128x128xf32, #tpu.memory_space<vmem>> -> memref<128x128xf32, #tpu.memory_space<vmem>>
      tpu.enqueue_dma source(%dma_start3A_61 : memref<128x128xf32, #tpu.memory_space<vmem>>) target(%dma_start3A_58 : memref<128x128xf32, #tpu.memory_space<vmem_shared>>) target_semaphore(%run_scoped3A : memref<!tpu.dma_semaphore, #tpu.memory_space<semaphore_mem>>)
      %dma_wait3A = arith.constant 0 : i32
      %dma_wait3A_62 = arith.constant 0 : i32
      %dma_wait3A_63 = tpu.memref_slice %arg14[%dma_wait3A, %dma_wait3A_62] : memref<128x128xf32, #tpu.memory_space<vmem>> -> memref<128x128xf32, #tpu.memory_space<vmem>>
      %dma_wait3A_64 = arith.constant 0 : i32
      %dma_wait3A_65 = tpu.memref_slice %arg16[%add3A_21, %dma_wait3A_64] : memref<10112x128xf32, #tpu.memory_space<vmem_shared>> -> memref<128x128xf32, #tpu.memory_space<vmem_shared>>
      %dma_wait3A_66 = arith.constant 0 : i32
      %dma_wait3A_67 = tpu.memref_slice %arg16[%add3A_21, %dma_wait3A_66] : memref<10112x128xf32, #tpu.memory_space<vmem_shared>> -> memref<128x128xf32, #tpu.memory_space<vmem_shared>>
      %dma_wait3A_68 = arith.constant 0 : i32
      %dma_wait3A_69 = arith.constant 0 : i32
      %dma_wait3A_70 = tpu.memref_slice %arg14[%dma_wait3A_68, %dma_wait3A_69] : memref<128x128xf32, #tpu.memory_space<vmem>> -> memref<128x128xf32, #tpu.memory_space<vmem>>
      tpu.wait_dma2 semaphore(%run_scoped3A : memref<!tpu.dma_semaphore, #tpu.memory_space<semaphore_mem>>) src(%dma_wait3A_70 : memref<128x128xf32, #tpu.memory_space<vmem>>) dst(%dma_wait3A_67 : memref<128x128xf32, #tpu.memory_space<vmem_shared>>)
      tpu.yield
    }) : () -> ()
    "tpu.region"() ({
      %run_scoped3A = tpu.sem_alloc : memref<!tpu.dma_semaphore, #tpu.memory_space<semaphore_mem>>
      %dma_start3A = arith.constant 0 : i32
      %dma_start3A_53 = arith.constant 0 : i32
      %dma_start3A_54 = tpu.memref_slice %arg15[%dma_start3A, %dma_start3A_53] : memref<128x16xf32, #tpu.memory_space<vmem>> -> memref<128x16xf32, #tpu.memory_space<vmem>>
      %dma_start3A_55 = arith.constant 0 : i32
      %dma_start3A_56 = tpu.memref_slice %arg17[%add3A_21, %dma_start3A_55] : memref<10112x16xf32, #tpu.memory_space<vmem_shared>> -> memref<128x16xf32, #tpu.memory_space<vmem_shared>>
      %dma_start3A_57 = arith.constant 0 : i32
      %dma_start3A_58 = tpu.memref_slice %arg17[%add3A_21, %dma_start3A_57] : memref<10112x16xf32, #tpu.memory_space<vmem_shared>> -> memref<128x16xf32, #tpu.memory_space<vmem_shared>>
      %dma_start3A_59 = arith.constant 0 : i32
      %dma_start3A_60 = arith.constant 0 : i32
      %dma_start3A_61 = tpu.memref_slice %arg15[%dma_start3A_59, %dma_start3A_60] : memref<128x16xf32, #tpu.memory_space<vmem>> -> memref<128x16xf32, #tpu.memory_space<vmem>>
      tpu.enqueue_dma source(%dma_start3A_61 : memref<128x16xf32, #tpu.memory_space<vmem>>) target(%dma_start3A_58 : memref<128x16xf32, #tpu.memory_space<vmem_shared>>) target_semaphore(%run_scoped3A : memref<!tpu.dma_semaphore, #tpu.memory_space<semaphore_mem>>)
      %dma_wait3A = arith.constant 0 : i32
      %dma_wait3A_62 = arith.constant 0 : i32
      %dma_wait3A_63 = tpu.memref_slice %arg15[%dma_wait3A, %dma_wait3A_62] : memref<128x16xf32, #tpu.memory_space<vmem>> -> memref<128x16xf32, #tpu.memory_space<vmem>>
      %dma_wait3A_64 = arith.constant 0 : i32
      %dma_wait3A_65 = tpu.memref_slice %arg17[%add3A_21, %dma_wait3A_64] : memref<10112x16xf32, #tpu.memory_space<vmem_shared>> -> memref<128x16xf32, #tpu.memory_space<vmem_shared>>
      %dma_wait3A_66 = arith.constant 0 : i32
      %dma_wait3A_67 = tpu.memref_slice %arg17[%add3A_21, %dma_wait3A_66] : memref<10112x16xf32, #tpu.memory_space<vmem_shared>> -> memref<128x16xf32, #tpu.memory_space<vmem_shared>>
      %dma_wait3A_68 = arith.constant 0 : i32
      %dma_wait3A_69 = arith.constant 0 : i32
      %dma_wait3A_70 = tpu.memref_slice %arg15[%dma_wait3A_68, %dma_wait3A_69] : memref<128x16xf32, #tpu.memory_space<vmem>> -> memref<128x16xf32, #tpu.memory_space<vmem>>
      tpu.wait_dma2 semaphore(%run_scoped3A : memref<!tpu.dma_semaphore, #tpu.memory_space<semaphore_mem>>) src(%dma_wait3A_70 : memref<128x16xf32, #tpu.memory_space<vmem>>) dst(%dma_wait3A_67 : memref<128x16xf32, #tpu.memory_space<vmem_shared>>)
      tpu.yield
    }) : () -> ()
    %mul3A_22 = arith.constant 632 : i32
    %mul3A_23 = arith.muli %arg1, %mul3A_22 : i32
    %add3A_24 = arith.constant 512 : i32
    %add3A_25 = arith.addi %mul3A_23, %add3A_24 : i32
    "tpu.region"() ({
      %run_scoped3A = tpu.sem_alloc : memref<!tpu.dma_semaphore, #tpu.memory_space<semaphore_mem>>
      %dma_start3A = arith.constant 0 : i32
      %dma_start3A_53 = arith.constant 0 : i32
      %dma_start3A_54 = tpu.memref_slice %arg14[%dma_start3A, %dma_start3A_53] : memref<128x128xf32, #tpu.memory_space<vmem>> -> memref<120x128xf32, #tpu.memory_space<vmem>>
      %dma_start3A_55 = arith.constant 0 : i32
      %dma_start3A_56 = tpu.memref_slice %arg16[%add3A_25, %dma_start3A_55] : memref<10112x128xf32, #tpu.memory_space<vmem_shared>> -> memref<120x128xf32, #tpu.memory_space<vmem_shared>>
      %dma_start3A_57 = arith.constant 0 : i32
      %dma_start3A_58 = tpu.memref_slice %arg16[%add3A_25, %dma_start3A_57] : memref<10112x128xf32, #tpu.memory_space<vmem_shared>> -> memref<120x128xf32, #tpu.memory_space<vmem_shared>>
      %dma_start3A_59 = arith.constant 0 : i32
      %dma_start3A_60 = arith.constant 0 : i32
      %dma_start3A_61 = tpu.memref_slice %arg14[%dma_start3A_59, %dma_start3A_60] : memref<128x128xf32, #tpu.memory_space<vmem>> -> memref<120x128xf32, #tpu.memory_space<vmem>>
      tpu.enqueue_dma source(%dma_start3A_61 : memref<120x128xf32, #tpu.memory_space<vmem>>) target(%dma_start3A_58 : memref<120x128xf32, #tpu.memory_space<vmem_shared>>) target_semaphore(%run_scoped3A : memref<!tpu.dma_semaphore, #tpu.memory_space<semaphore_mem>>)
      %dma_wait3A = arith.constant 0 : i32
      %dma_wait3A_62 = arith.constant 0 : i32
      %dma_wait3A_63 = tpu.memref_slice %arg14[%dma_wait3A, %dma_wait3A_62] : memref<128x128xf32, #tpu.memory_space<vmem>> -> memref<120x128xf32, #tpu.memory_space<vmem>>
      %dma_wait3A_64 = arith.constant 0 : i32
      %dma_wait3A_65 = tpu.memref_slice %arg16[%add3A_25, %dma_wait3A_64] : memref<10112x128xf32, #tpu.memory_space<vmem_shared>> -> memref<120x128xf32, #tpu.memory_space<vmem_shared>>
      %dma_wait3A_66 = arith.constant 0 : i32
      %dma_wait3A_67 = tpu.memref_slice %arg16[%add3A_25, %dma_wait3A_66] : memref<10112x128xf32, #tpu.memory_space<vmem_shared>> -> memref<120x128xf32, #tpu.memory_space<vmem_shared>>
      %dma_wait3A_68 = arith.constant 0 : i32
      %dma_wait3A_69 = arith.constant 0 : i32
      %dma_wait3A_70 = tpu.memref_slice %arg14[%dma_wait3A_68, %dma_wait3A_69] : memref<128x128xf32, #tpu.memory_space<vmem>> -> memref<120x128xf32, #tpu.memory_space<vmem>>
      tpu.wait_dma2 semaphore(%run_scoped3A : memref<!tpu.dma_semaphore, #tpu.memory_space<semaphore_mem>>) src(%dma_wait3A_70 : memref<120x128xf32, #tpu.memory_space<vmem>>) dst(%dma_wait3A_67 : memref<120x128xf32, #tpu.memory_space<vmem_shared>>)
      tpu.yield
    }) : () -> ()
    "tpu.region"() ({
      %run_scoped3A = tpu.sem_alloc : memref<!tpu.dma_semaphore, #tpu.memory_space<semaphore_mem>>
      %dma_start3A = arith.constant 0 : i32
      %dma_start3A_53 = arith.constant 0 : i32
      %dma_start3A_54 = tpu.memref_slice %arg15[%dma_start3A, %dma_start3A_53] : memref<128x16xf32, #tpu.memory_space<vmem>> -> memref<120x16xf32, #tpu.memory_space<vmem>>
      %dma_start3A_55 = arith.constant 0 : i32
      %dma_start3A_56 = tpu.memref_slice %arg17[%add3A_25, %dma_start3A_55] : memref<10112x16xf32, #tpu.memory_space<vmem_shared>> -> memref<120x16xf32, #tpu.memory_space<vmem_shared>>
      %dma_start3A_57 = arith.constant 0 : i32
      %dma_start3A_58 = tpu.memref_slice %arg17[%add3A_25, %dma_start3A_57] : memref<10112x16xf32, #tpu.memory_space<vmem_shared>> -> memref<120x16xf32, #tpu.memory_space<vmem_shared>>
      %dma_start3A_59 = arith.constant 0 : i32
      %dma_start3A_60 = arith.constant 0 : i32
      %dma_start3A_61 = tpu.memref_slice %arg15[%dma_start3A_59, %dma_start3A_60] : memref<128x16xf32, #tpu.memory_space<vmem>> -> memref<120x16xf32, #tpu.memory_space<vmem>>
      tpu.enqueue_dma source(%dma_start3A_61 : memref<120x16xf32, #tpu.memory_space<vmem>>) target(%dma_start3A_58 : memref<120x16xf32, #tpu.memory_space<vmem_shared>>) target_semaphore(%run_scoped3A : memref<!tpu.dma_semaphore, #tpu.memory_space<semaphore_mem>>)
      %dma_wait3A = arith.constant 0 : i32
      %dma_wait3A_62 = arith.constant 0 : i32
      %dma_wait3A_63 = tpu.memref_slice %arg15[%dma_wait3A, %dma_wait3A_62] : memref<128x16xf32, #tpu.memory_space<vmem>> -> memref<120x16xf32, #tpu.memory_space<vmem>>
      %dma_wait3A_64 = arith.constant 0 : i32
      %dma_wait3A_65 = tpu.memref_slice %arg17[%add3A_25, %dma_wait3A_64] : memref<10112x16xf32, #tpu.memory_space<vmem_shared>> -> memref<120x16xf32, #tpu.memory_space<vmem_shared>>
      %dma_wait3A_66 = arith.constant 0 : i32
      %dma_wait3A_67 = tpu.memref_slice %arg17[%add3A_25, %dma_wait3A_66] : memref<10112x16xf32, #tpu.memory_space<vmem_shared>> -> memref<120x16xf32, #tpu.memory_space<vmem_shared>>
      %dma_wait3A_68 = arith.constant 0 : i32
      %dma_wait3A_69 = arith.constant 0 : i32
      %dma_wait3A_70 = tpu.memref_slice %arg15[%dma_wait3A_68, %dma_wait3A_69] : memref<128x16xf32, #tpu.memory_space<vmem>> -> memref<120x16xf32, #tpu.memory_space<vmem>>
      tpu.wait_dma2 semaphore(%run_scoped3A : memref<!tpu.dma_semaphore, #tpu.memory_space<semaphore_mem>>) src(%dma_wait3A_70 : memref<120x16xf32, #tpu.memory_space<vmem>>) dst(%dma_wait3A_67 : memref<120x16xf32, #tpu.memory_space<vmem_shared>>)
      tpu.yield
    }) : () -> ()
    %barrier3A = arith.constant 0 : index
    tpu.barrier barrier_id(%barrier3A)
    %scan3A_26 = arith.constant 0 : i32
    %scan3A_27 = arith.constant 0 : i32
    %scan3A_28 = arith.constant 81 : i32
    %scan3A_29 = arith.addi %scan3A_27, %scan3A_28 : i32
    %scan3A_30 = arith.constant 1 : i32
    scf.for %scan3A_53 = %scan3A_27 to %scan3A_29 step %scan3A_30  : i32 {
      %mul3A_54 = arith.constant 10368 : i32
      %mul3A_55 = arith.muli %add3A, %mul3A_54 : i32
      %mul3A_56 = arith.constant 128 : i32
      %mul3A_57 = arith.muli %scan3A_53, %mul3A_56 : i32
      %add3A_58 = arith.addi %mul3A_55, %mul3A_57 : i32
      "tpu.region"() ({
        %run_scoped3A = tpu.sem_alloc : memref<!tpu.dma_semaphore, #tpu.memory_space<semaphore_mem>>
        %dma_start3A_199 = tpu.memref_slice %arg5[%add3A_58] : memref<331776xi32, #tpu.memory_space<hbm>> -> memref<128xi32, #tpu.memory_space<hbm>>
        %dma_start3A_200 = tpu.memref_slice %arg5[%add3A_58] : memref<331776xi32, #tpu.memory_space<hbm>> -> memref<128xi32, #tpu.memory_space<hbm>>
        tpu.enqueue_dma source(%dma_start3A_200 : memref<128xi32, #tpu.memory_space<hbm>>) target(%arg11 : memref<128xi32, #tpu.memory_space<vmem>>) target_semaphore(%run_scoped3A : memref<!tpu.dma_semaphore, #tpu.memory_space<semaphore_mem>>)
        %dma_wait3A_201 = tpu.memref_slice %arg5[%add3A_58] : memref<331776xi32, #tpu.memory_space<hbm>> -> memref<128xi32, #tpu.memory_space<hbm>>
        %dma_wait3A_202 = tpu.memref_slice %arg5[%add3A_58] : memref<331776xi32, #tpu.memory_space<hbm>> -> memref<128xi32, #tpu.memory_space<hbm>>
        tpu.wait_dma2 semaphore(%run_scoped3A : memref<!tpu.dma_semaphore, #tpu.memory_space<semaphore_mem>>) src(%dma_wait3A_202 : memref<128xi32, #tpu.memory_space<hbm>>) dst(%arg11 : memref<128xi32, #tpu.memory_space<vmem>>)
        tpu.yield
      }) : () -> ()
      "tpu.region"() ({
        %run_scoped3A = tpu.sem_alloc : memref<!tpu.dma_semaphore, #tpu.memory_space<semaphore_mem>>
        %dma_start3A_199 = tpu.memref_slice %arg6[%add3A_58] : memref<331776xi32, #tpu.memory_space<hbm>> -> memref<128xi32, #tpu.memory_space<hbm>>
        %dma_start3A_200 = tpu.memref_slice %arg6[%add3A_58] : memref<331776xi32, #tpu.memory_space<hbm>> -> memref<128xi32, #tpu.memory_space<hbm>>
        tpu.enqueue_dma source(%dma_start3A_200 : memref<128xi32, #tpu.memory_space<hbm>>) target(%arg12 : memref<128xi32, #tpu.memory_space<vmem>>) target_semaphore(%run_scoped3A : memref<!tpu.dma_semaphore, #tpu.memory_space<semaphore_mem>>)
        %dma_wait3A_201 = tpu.memref_slice %arg6[%add3A_58] : memref<331776xi32, #tpu.memory_space<hbm>> -> memref<128xi32, #tpu.memory_space<hbm>>
        %dma_wait3A_202 = tpu.memref_slice %arg6[%add3A_58] : memref<331776xi32, #tpu.memory_space<hbm>> -> memref<128xi32, #tpu.memory_space<hbm>>
        tpu.wait_dma2 semaphore(%run_scoped3A : memref<!tpu.dma_semaphore, #tpu.memory_space<semaphore_mem>>) src(%dma_wait3A_202 : memref<128xi32, #tpu.memory_space<hbm>>) dst(%arg12 : memref<128xi32, #tpu.memory_space<vmem>>)
        tpu.yield
      }) : () -> ()
      %get3A = arith.constant 0 : index
      %get3A_59 = tpu.vector_load %arg11[%get3A] {strides = array<i32>} : memref<128xi32, #tpu.memory_space<vmem>>, vector<16xi32>,
      %get3A_60 = arith.constant 0 : index
      %get3A_61 = tpu.vector_load %arg12[%get3A_60] {strides = array<i32>} : memref<128xi32, #tpu.memory_space<vmem>>, vector<16xi32>,
      %gather3A = tpu.vector_load_idx %arg9[%get3A_59] : memref<10112xf32, #tpu.memory_space<vmem>>[vector<16xi32>], vector<16xf32>,
      %gather3A_62 = tpu.vector_load_idx %arg10[%get3A_61] : memref<10112xf32, #tpu.memory_space<vmem>>[vector<16xi32>], vector<16xf32>,
      %add3A_63 = arith.addf %gather3A, %gather3A_62 : vector<16xf32>
      %gt3A = arith.constant 0.000000e+00 : f32
      %gt3A_64 = vector.broadcast %gt3A : f32 to vector<16xf32>
      %gt3A_65 = arith.cmpf ogt, %add3A_63, %gt3A_64 : vector<16xf32>
      %mul3A_66 = arith.constant 2.000000e-01 : f32
      %mul3A_67 = vector.broadcast %mul3A_66 : f32 to vector<16xf32>
      %mul3A_68 = arith.mulf %mul3A_67, %add3A_63 : vector<16xf32>
      %select_n3A = arith.select %gt3A_65, %add3A_63, %mul3A_68 : vector<16xi1>, vector<16xf32>
      %exp3A = math.exp %select_n3A : vector<16xf32>
      %swap3A = arith.constant 0 : index
      %swap3A_69 = tpu.vector_load %arg13[%swap3A] {strides = array<i32>} : memref<128xf32, #tpu.memory_space<vmem>>, vector<16xf32>,
      tpu.vector_store %arg13[%swap3A], %exp3A {strides = array<i32>} : memref<128xf32, #tpu.memory_space<vmem>>, vector<16xf32>,
      %get3A_70 = arith.constant 16 : index
      %get3A_71 = tpu.vector_load %arg11[%get3A_70] {strides = array<i32>} : memref<128xi32, #tpu.memory_space<vmem>>, vector<16xi32>,
      %get3A_72 = arith.constant 16 : index
      %get3A_73 = tpu.vector_load %arg12[%get3A_72] {strides = array<i32>} : memref<128xi32, #tpu.memory_space<vmem>>, vector<16xi32>,
      %gather3A_74 = tpu.vector_load_idx %arg9[%get3A_71] : memref<10112xf32, #tpu.memory_space<vmem>>[vector<16xi32>], vector<16xf32>,
      %gather3A_75 = tpu.vector_load_idx %arg10[%get3A_73] : memref<10112xf32, #tpu.memory_space<vmem>>[vector<16xi32>], vector<16xf32>,
      %add3A_76 = arith.addf %gather3A_74, %gather3A_75 : vector<16xf32>
      %gt3A_77 = arith.constant 0.000000e+00 : f32
      %gt3A_78 = vector.broadcast %gt3A_77 : f32 to vector<16xf32>
      %gt3A_79 = arith.cmpf ogt, %add3A_76, %gt3A_78 : vector<16xf32>
      %mul3A_80 = arith.constant 2.000000e-01 : f32
      %mul3A_81 = vector.broadcast %mul3A_80 : f32 to vector<16xf32>
      %mul3A_82 = arith.mulf %mul3A_81, %add3A_76 : vector<16xf32>
      %select_n3A_83 = arith.select %gt3A_79, %add3A_76, %mul3A_82 : vector<16xi1>, vector<16xf32>
      %exp3A_84 = math.exp %select_n3A_83 : vector<16xf32>
      %swap3A_85 = arith.constant 16 : index
      %swap3A_86 = tpu.vector_load %arg13[%swap3A_85] {strides = array<i32>} : memref<128xf32, #tpu.memory_space<vmem>>, vector<16xf32>,
      tpu.vector_store %arg13[%swap3A_85], %exp3A_84 {strides = array<i32>} : memref<128xf32, #tpu.memory_space<vmem>>, vector<16xf32>,
      %get3A_87 = arith.constant 32 : index
      %get3A_88 = tpu.vector_load %arg11[%get3A_87] {strides = array<i32>} : memref<128xi32, #tpu.memory_space<vmem>>, vector<16xi32>,
      %get3A_89 = arith.constant 32 : index
      %get3A_90 = tpu.vector_load %arg12[%get3A_89] {strides = array<i32>} : memref<128xi32, #tpu.memory_space<vmem>>, vector<16xi32>,
      %gather3A_91 = tpu.vector_load_idx %arg9[%get3A_88] : memref<10112xf32, #tpu.memory_space<vmem>>[vector<16xi32>], vector<16xf32>,
      %gather3A_92 = tpu.vector_load_idx %arg10[%get3A_90] : memref<10112xf32, #tpu.memory_space<vmem>>[vector<16xi32>], vector<16xf32>,
      %add3A_93 = arith.addf %gather3A_91, %gather3A_92 : vector<16xf32>
      %gt3A_94 = arith.constant 0.000000e+00 : f32
      %gt3A_95 = vector.broadcast %gt3A_94 : f32 to vector<16xf32>
      %gt3A_96 = arith.cmpf ogt, %add3A_93, %gt3A_95 : vector<16xf32>
      %mul3A_97 = arith.constant 2.000000e-01 : f32
      %mul3A_98 = vector.broadcast %mul3A_97 : f32 to vector<16xf32>
      %mul3A_99 = arith.mulf %mul3A_98, %add3A_93 : vector<16xf32>
      %select_n3A_100 = arith.select %gt3A_96, %add3A_93, %mul3A_99 : vector<16xi1>, vector<16xf32>
      %exp3A_101 = math.exp %select_n3A_100 : vector<16xf32>
      %swap3A_102 = arith.constant 32 : index
      %swap3A_103 = tpu.vector_load %arg13[%swap3A_102] {strides = array<i32>} : memref<128xf32, #tpu.memory_space<vmem>>, vector<16xf32>,
      tpu.vector_store %arg13[%swap3A_102], %exp3A_101 {strides = array<i32>} : memref<128xf32, #tpu.memory_space<vmem>>, vector<16xf32>,
      %get3A_104 = arith.constant 48 : index
      %get3A_105 = tpu.vector_load %arg11[%get3A_104] {strides = array<i32>} : memref<128xi32, #tpu.memory_space<vmem>>, vector<16xi32>,
      %get3A_106 = arith.constant 48 : index
      %get3A_107 = tpu.vector_load %arg12[%get3A_106] {strides = array<i32>} : memref<128xi32, #tpu.memory_space<vmem>>, vector<16xi32>,
      %gather3A_108 = tpu.vector_load_idx %arg9[%get3A_105] : memref<10112xf32, #tpu.memory_space<vmem>>[vector<16xi32>], vector<16xf32>,
      %gather3A_109 = tpu.vector_load_idx %arg10[%get3A_107] : memref<10112xf32, #tpu.memory_space<vmem>>[vector<16xi32>], vector<16xf32>,
      %add3A_110 = arith.addf %gather3A_108, %gather3A_109 : vector<16xf32>
      %gt3A_111 = arith.constant 0.000000e+00 : f32
      %gt3A_112 = vector.broadcast %gt3A_111 : f32 to vector<16xf32>
      %gt3A_113 = arith.cmpf ogt, %add3A_110, %gt3A_112 : vector<16xf32>
      %mul3A_114 = arith.constant 2.000000e-01 : f32
      %mul3A_115 = vector.broadcast %mul3A_114 : f32 to vector<16xf32>
      %mul3A_116 = arith.mulf %mul3A_115, %add3A_110 : vector<16xf32>
      %select_n3A_117 = arith.select %gt3A_113, %add3A_110, %mul3A_116 : vector<16xi1>, vector<16xf32>
      %exp3A_118 = math.exp %select_n3A_117 : vector<16xf32>
      %swap3A_119 = arith.constant 48 : index
      %swap3A_120 = tpu.vector_load %arg13[%swap3A_119] {strides = array<i32>} : memref<128xf32, #tpu.memory_space<vmem>>, vector<16xf32>,
      tpu.vector_store %arg13[%swap3A_119], %exp3A_118 {strides = array<i32>} : memref<128xf32, #tpu.memory_space<vmem>>, vector<16xf32>,
      %get3A_121 = arith.constant 64 : index
      %get3A_122 = tpu.vector_load %arg11[%get3A_121] {strides = array<i32>} : memref<128xi32, #tpu.memory_space<vmem>>, vector<16xi32>,
      %get3A_123 = arith.constant 64 : index
      %get3A_124 = tpu.vector_load %arg12[%get3A_123] {strides = array<i32>} : memref<128xi32, #tpu.memory_space<vmem>>, vector<16xi32>,
      %gather3A_125 = tpu.vector_load_idx %arg9[%get3A_122] : memref<10112xf32, #tpu.memory_space<vmem>>[vector<16xi32>], vector<16xf32>,
      %gather3A_126 = tpu.vector_load_idx %arg10[%get3A_124] : memref<10112xf32, #tpu.memory_space<vmem>>[vector<16xi32>], vector<16xf32>,
      %add3A_127 = arith.addf %gather3A_125, %gather3A_126 : vector<16xf32>
      %gt3A_128 = arith.constant 0.000000e+00 : f32
      %gt3A_129 = vector.broadcast %gt3A_128 : f32 to vector<16xf32>
      %gt3A_130 = arith.cmpf ogt, %add3A_127, %gt3A_129 : vector<16xf32>
      %mul3A_131 = arith.constant 2.000000e-01 : f32
      %mul3A_132 = vector.broadcast %mul3A_131 : f32 to vector<16xf32>
      %mul3A_133 = arith.mulf %mul3A_132, %add3A_127 : vector<16xf32>
      %select_n3A_134 = arith.select %gt3A_130, %add3A_127, %mul3A_133 : vector<16xi1>, vector<16xf32>
      %exp3A_135 = math.exp %select_n3A_134 : vector<16xf32>
      %swap3A_136 = arith.constant 64 : index
      %swap3A_137 = tpu.vector_load %arg13[%swap3A_136] {strides = array<i32>} : memref<128xf32, #tpu.memory_space<vmem>>, vector<16xf32>,
      tpu.vector_store %arg13[%swap3A_136], %exp3A_135 {strides = array<i32>} : memref<128xf32, #tpu.memory_space<vmem>>, vector<16xf32>,
      %get3A_138 = arith.constant 80 : index
      %get3A_139 = tpu.vector_load %arg11[%get3A_138] {strides = array<i32>} : memref<128xi32, #tpu.memory_space<vmem>>, vector<16xi32>,
      %get3A_140 = arith.constant 80 : index
      %get3A_141 = tpu.vector_load %arg12[%get3A_140] {strides = array<i32>} : memref<128xi32, #tpu.memory_space<vmem>>, vector<16xi32>,
      %gather3A_142 = tpu.vector_load_idx %arg9[%get3A_139] : memref<10112xf32, #tpu.memory_space<vmem>>[vector<16xi32>], vector<16xf32>,
      %gather3A_143 = tpu.vector_load_idx %arg10[%get3A_141] : memref<10112xf32, #tpu.memory_space<vmem>>[vector<16xi32>], vector<16xf32>,
      %add3A_144 = arith.addf %gather3A_142, %gather3A_143 : vector<16xf32>
      %gt3A_145 = arith.constant 0.000000e+00 : f32
      %gt3A_146 = vector.broadcast %gt3A_145 : f32 to vector<16xf32>
      %gt3A_147 = arith.cmpf ogt, %add3A_144, %gt3A_146 : vector<16xf32>
      %mul3A_148 = arith.constant 2.000000e-01 : f32
      %mul3A_149 = vector.broadcast %mul3A_148 : f32 to vector<16xf32>
      %mul3A_150 = arith.mulf %mul3A_149, %add3A_144 : vector<16xf32>
      %select_n3A_151 = arith.select %gt3A_147, %add3A_144, %mul3A_150 : vector<16xi1>, vector<16xf32>
      %exp3A_152 = math.exp %select_n3A_151 : vector<16xf32>
      %swap3A_153 = arith.constant 80 : index
      %swap3A_154 = tpu.vector_load %arg13[%swap3A_153] {strides = array<i32>} : memref<128xf32, #tpu.memory_space<vmem>>, vector<16xf32>,
      tpu.vector_store %arg13[%swap3A_153], %exp3A_152 {strides = array<i32>} : memref<128xf32, #tpu.memory_space<vmem>>, vector<16xf32>,
      %get3A_155 = arith.constant 96 : index
      %get3A_156 = tpu.vector_load %arg11[%get3A_155] {strides = array<i32>} : memref<128xi32, #tpu.memory_space<vmem>>, vector<16xi32>,
      %get3A_157 = arith.constant 96 : index
      %get3A_158 = tpu.vector_load %arg12[%get3A_157] {strides = array<i32>} : memref<128xi32, #tpu.memory_space<vmem>>, vector<16xi32>,
      %gather3A_159 = tpu.vector_load_idx %arg9[%get3A_156] : memref<10112xf32, #tpu.memory_space<vmem>>[vector<16xi32>], vector<16xf32>,
      %gather3A_160 = tpu.vector_load_idx %arg10[%get3A_158] : memref<10112xf32, #tpu.memory_space<vmem>>[vector<16xi32>], vector<16xf32>,
      %add3A_161 = arith.addf %gather3A_159, %gather3A_160 : vector<16xf32>
      %gt3A_162 = arith.constant 0.000000e+00 : f32
      %gt3A_163 = vector.broadcast %gt3A_162 : f32 to vector<16xf32>
      %gt3A_164 = arith.cmpf ogt, %add3A_161, %gt3A_163 : vector<16xf32>
      %mul3A_165 = arith.constant 2.000000e-01 : f32
      %mul3A_166 = vector.broadcast %mul3A_165 : f32 to vector<16xf32>
      %mul3A_167 = arith.mulf %mul3A_166, %add3A_161 : vector<16xf32>
      %select_n3A_168 = arith.select %gt3A_164, %add3A_161, %mul3A_167 : vector<16xi1>, vector<16xf32>
      %exp3A_169 = math.exp %select_n3A_168 : vector<16xf32>
      %swap3A_170 = arith.constant 96 : index
      %swap3A_171 = tpu.vector_load %arg13[%swap3A_170] {strides = array<i32>} : memref<128xf32, #tpu.memory_space<vmem>>, vector<16xf32>,
      tpu.vector_store %arg13[%swap3A_170], %exp3A_169 {strides = array<i32>} : memref<128xf32, #tpu.memory_space<vmem>>, vector<16xf32>,
      %get3A_172 = arith.constant 112 : index
      %get3A_173 = tpu.vector_load %arg11[%get3A_172] {strides = array<i32>} : memref<128xi32, #tpu.memory_space<vmem>>, vector<16xi32>,
      %get3A_174 = arith.constant 112 : index
      %get3A_175 = tpu.vector_load %arg12[%get3A_174] {strides = array<i32>} : memref<128xi32, #tpu.memory_space<vmem>>, vector<16xi32>,
      %gather3A_176 = tpu.vector_load_idx %arg9[%get3A_173] : memref<10112xf32, #tpu.memory_space<vmem>>[vector<16xi32>], vector<16xf32>,
      %gather3A_177 = tpu.vector_load_idx %arg10[%get3A_175] : memref<10112xf32, #tpu.memory_space<vmem>>[vector<16xi32>], vector<16xf32>,
      %add3A_178 = arith.addf %gather3A_176, %gather3A_177 : vector<16xf32>
      %gt3A_179 = arith.constant 0.000000e+00 : f32
      %gt3A_180 = vector.broadcast %gt3A_179 : f32 to vector<16xf32>
      %gt3A_181 = arith.cmpf ogt, %add3A_178, %gt3A_180 : vector<16xf32>
      %mul3A_182 = arith.constant 2.000000e-01 : f32
      %mul3A_183 = vector.broadcast %mul3A_182 : f32 to vector<16xf32>
      %mul3A_184 = arith.mulf %mul3A_183, %add3A_178 : vector<16xf32>
      %select_n3A_185 = arith.select %gt3A_181, %add3A_178, %mul3A_184 : vector<16xi1>, vector<16xf32>
      %exp3A_186 = math.exp %select_n3A_185 : vector<16xf32>
      %swap3A_187 = arith.constant 112 : index
      %swap3A_188 = tpu.vector_load %arg13[%swap3A_187] {strides = array<i32>} : memref<128xf32, #tpu.memory_space<vmem>>, vector<16xf32>,
      tpu.vector_store %arg13[%swap3A_187], %exp3A_186 {strides = array<i32>} : memref<128xf32, #tpu.memory_space<vmem>>, vector<16xf32>,
      %dma_start3A = arith.constant 0 : i32
      %dma_start3A_189 = arith.constant 0 : i32
      %dma_start3A_190 = tpu.memref_slice %arg2[%dma_start3A, %dma_start3A_189] : memref<10112x128xf32, #tpu.memory_space<hbm>> -> memref<10112x128xf32, #tpu.memory_space<hbm>>
      tpu.enqueue_indirect_dma source(%dma_start3A_190 : memref<10112x128xf32, #tpu.memory_space<hbm>>) target(%arg14 : memref<128x128xf32, #tpu.memory_space<vmem>>) offsets(%arg11 : memref<128xi32, #tpu.memory_space<vmem>>) semaphore(%arg18 : memref<!tpu.dma_semaphore, #tpu.memory_space<semaphore_mem>>)
      %dma_wait3A = arith.constant 0 : i32
      %dma_wait3A_191 = arith.constant 0 : i32
      %dma_wait3A_192 = tpu.memref_slice %arg2[%dma_wait3A, %dma_wait3A_191] : memref<10112x128xf32, #tpu.memory_space<hbm>> -> memref<10112x128xf32, #tpu.memory_space<hbm>>
      tpu.wait_indirect_dma semaphore(%arg18 : memref<!tpu.dma_semaphore, #tpu.memory_space<semaphore_mem>>) src(%dma_wait3A_192 : memref<10112x128xf32, #tpu.memory_space<hbm>>) dst(%arg14 : memref<128x128xf32, #tpu.memory_space<vmem>>)
      %scan3A_193 = arith.constant 0 : i32
      %scan3A_194 = arith.constant 0 : i32
      %scan3A_195 = arith.constant 128 : i32
      %scan3A_196 = arith.addi %scan3A_194, %scan3A_195 : i32
      %scan3A_197 = arith.constant 1 : i32
      scf.for %scan3A_199 = %scan3A_194 to %scan3A_196 step %scan3A_197  : i32 {
        %broadcast_in_dim3A = vector.broadcast %scan3A_199 : i32 to vector<16xi32>
        %gather3A_200 = tpu.vector_load_idx %arg13[%broadcast_in_dim3A] : memref<128xf32, #tpu.memory_space<vmem>>[vector<16xi32>], vector<16xf32>,
        %get3A_201 = arith.index_cast %scan3A_199 : i32 to index
        %get3A_202 = arith.constant 0 : index
        %get3A_203 = tpu.vector_load %arg14[%get3A_201, %get3A_202] {strides = array<i32>} : memref<128x128xf32, #tpu.memory_space<vmem>>, vector<16xf32>,
        %mul3A_204 = arith.mulf %get3A_203, %gather3A_200 : vector<16xf32>
        %swap3A_205 = arith.index_cast %scan3A_199 : i32 to index
        %swap3A_206 = arith.constant 0 : index
        %swap3A_207 = tpu.vector_load %arg14[%swap3A_205, %swap3A_206] {strides = array<i32>} : memref<128x128xf32, #tpu.memory_space<vmem>>, vector<16xf32>,
        tpu.vector_store %arg14[%swap3A_205, %swap3A_206], %mul3A_204 {strides = array<i32>} : memref<128x128xf32, #tpu.memory_space<vmem>>, vector<16xf32>,
        %get3A_208 = arith.index_cast %scan3A_199 : i32 to index
        %get3A_209 = arith.constant 16 : index
        %get3A_210 = tpu.vector_load %arg14[%get3A_208, %get3A_209] {strides = array<i32>} : memref<128x128xf32, #tpu.memory_space<vmem>>, vector<16xf32>,
        %mul3A_211 = arith.mulf %get3A_210, %gather3A_200 : vector<16xf32>
        %swap3A_212 = arith.index_cast %scan3A_199 : i32 to index
        %swap3A_213 = arith.constant 16 : index
        %swap3A_214 = tpu.vector_load %arg14[%swap3A_212, %swap3A_213] {strides = array<i32>} : memref<128x128xf32, #tpu.memory_space<vmem>>, vector<16xf32>,
        tpu.vector_store %arg14[%swap3A_212, %swap3A_213], %mul3A_211 {strides = array<i32>} : memref<128x128xf32, #tpu.memory_space<vmem>>, vector<16xf32>,
        %get3A_215 = arith.index_cast %scan3A_199 : i32 to index
        %get3A_216 = arith.constant 32 : index
        %get3A_217 = tpu.vector_load %arg14[%get3A_215, %get3A_216] {strides = array<i32>} : memref<128x128xf32, #tpu.memory_space<vmem>>, vector<16xf32>,
        %mul3A_218 = arith.mulf %get3A_217, %gather3A_200 : vector<16xf32>
        %swap3A_219 = arith.index_cast %scan3A_199 : i32 to index
        %swap3A_220 = arith.constant 32 : index
        %swap3A_221 = tpu.vector_load %arg14[%swap3A_219, %swap3A_220] {strides = array<i32>} : memref<128x128xf32, #tpu.memory_space<vmem>>, vector<16xf32>,
        tpu.vector_store %arg14[%swap3A_219, %swap3A_220], %mul3A_218 {strides = array<i32>} : memref<128x128xf32, #tpu.memory_space<vmem>>, vector<16xf32>,
        %get3A_222 = arith.index_cast %scan3A_199 : i32 to index
        %get3A_223 = arith.constant 48 : index
        %get3A_224 = tpu.vector_load %arg14[%get3A_222, %get3A_223] {strides = array<i32>} : memref<128x128xf32, #tpu.memory_space<vmem>>, vector<16xf32>,
        %mul3A_225 = arith.mulf %get3A_224, %gather3A_200 : vector<16xf32>
        %swap3A_226 = arith.index_cast %scan3A_199 : i32 to index
        %swap3A_227 = arith.constant 48 : index
        %swap3A_228 = tpu.vector_load %arg14[%swap3A_226, %swap3A_227] {strides = array<i32>} : memref<128x128xf32, #tpu.memory_space<vmem>>, vector<16xf32>,
        tpu.vector_store %arg14[%swap3A_226, %swap3A_227], %mul3A_225 {strides = array<i32>} : memref<128x128xf32, #tpu.memory_space<vmem>>, vector<16xf32>,
        %get3A_229 = arith.index_cast %scan3A_199 : i32 to index
        %get3A_230 = arith.constant 64 : index
        %get3A_231 = tpu.vector_load %arg14[%get3A_229, %get3A_230] {strides = array<i32>} : memref<128x128xf32, #tpu.memory_space<vmem>>, vector<16xf32>,
        %mul3A_232 = arith.mulf %get3A_231, %gather3A_200 : vector<16xf32>
        %swap3A_233 = arith.index_cast %scan3A_199 : i32 to index
        %swap3A_234 = arith.constant 64 : index
        %swap3A_235 = tpu.vector_load %arg14[%swap3A_233, %swap3A_234] {strides = array<i32>} : memref<128x128xf32, #tpu.memory_space<vmem>>, vector<16xf32>,
        tpu.vector_store %arg14[%swap3A_233, %swap3A_234], %mul3A_232 {strides = array<i32>} : memref<128x128xf32, #tpu.memory_space<vmem>>, vector<16xf32>,
        %get3A_236 = arith.index_cast %scan3A_199 : i32 to index
        %get3A_237 = arith.constant 80 : index
        %get3A_238 = tpu.vector_load %arg14[%get3A_236, %get3A_237] {strides = array<i32>} : memref<128x128xf32, #tpu.memory_space<vmem>>, vector<16xf32>,
        %mul3A_239 = arith.mulf %get3A_238, %gather3A_200 : vector<16xf32>
        %swap3A_240 = arith.index_cast %scan3A_199 : i32 to index
        %swap3A_241 = arith.constant 80 : index
        %swap3A_242 = tpu.vector_load %arg14[%swap3A_240, %swap3A_241] {strides = array<i32>} : memref<128x128xf32, #tpu.memory_space<vmem>>, vector<16xf32>,
        tpu.vector_store %arg14[%swap3A_240, %swap3A_241], %mul3A_239 {strides = array<i32>} : memref<128x128xf32, #tpu.memory_space<vmem>>, vector<16xf32>,
        %get3A_243 = arith.index_cast %scan3A_199 : i32 to index
        %get3A_244 = arith.constant 96 : index
        %get3A_245 = tpu.vector_load %arg14[%get3A_243, %get3A_244] {strides = array<i32>} : memref<128x128xf32, #tpu.memory_space<vmem>>, vector<16xf32>,
        %mul3A_246 = arith.mulf %get3A_245, %gather3A_200 : vector<16xf32>
        %swap3A_247 = arith.index_cast %scan3A_199 : i32 to index
        %swap3A_248 = arith.constant 96 : index
        %swap3A_249 = tpu.vector_load %arg14[%swap3A_247, %swap3A_248] {strides = array<i32>} : memref<128x128xf32, #tpu.memory_space<vmem>>, vector<16xf32>,
        tpu.vector_store %arg14[%swap3A_247, %swap3A_248], %mul3A_246 {strides = array<i32>} : memref<128x128xf32, #tpu.memory_space<vmem>>, vector<16xf32>,
        %get3A_250 = arith.index_cast %scan3A_199 : i32 to index
        %get3A_251 = arith.constant 112 : index
        %get3A_252 = tpu.vector_load %arg14[%get3A_250, %get3A_251] {strides = array<i32>} : memref<128x128xf32, #tpu.memory_space<vmem>>, vector<16xf32>,
        %mul3A_253 = arith.mulf %get3A_252, %gather3A_200 : vector<16xf32>
        %swap3A_254 = arith.index_cast %scan3A_199 : i32 to index
        %swap3A_255 = arith.constant 112 : index
        %swap3A_256 = tpu.vector_load %arg14[%swap3A_254, %swap3A_255] {strides = array<i32>} : memref<128x128xf32, #tpu.memory_space<vmem>>, vector<16xf32>,
        tpu.vector_store %arg14[%swap3A_254, %swap3A_255], %mul3A_253 {strides = array<i32>} : memref<128x128xf32, #tpu.memory_space<vmem>>, vector<16xf32>,
        %swap3A_257 = arith.index_cast %scan3A_199 : i32 to index
        %swap3A_258 = arith.constant 0 : index
        %swap3A_259 = tpu.vector_load %arg15[%swap3A_257, %swap3A_258] {strides = array<i32>} : memref<128x16xf32, #tpu.memory_space<vmem>>, vector<16xf32>,
        tpu.vector_store %arg15[%swap3A_257, %swap3A_258], %gather3A_200 {strides = array<i32>} : memref<128x16xf32, #tpu.memory_space<vmem>>, vector<16xf32>,
      }
      %scan3A_198 = arith.constant 128 : i32
      "tpu.region"() ({
        %run_scoped3A = tpu.sem_alloc : memref<!tpu.dma_semaphore, #tpu.memory_space<semaphore_mem>>
        %dma_start3A_199 = arith.constant 0 : i32
        %dma_start3A_200 = arith.constant 0 : i32
        %dma_start3A_201 = tpu.memref_slice %arg16[%dma_start3A_199, %dma_start3A_200] : memref<10112x128xf32, #tpu.memory_space<vmem_shared>> -> memref<10112x128xf32, #tpu.memory_space<vmem_shared>>
        tpu.enqueue_indirect_dma source(%arg14 : memref<128x128xf32, #tpu.memory_space<vmem>>) target(%dma_start3A_201 : memref<10112x128xf32, #tpu.memory_space<vmem_shared>>) offsets(%arg12 : memref<128xi32, #tpu.memory_space<vmem>>) semaphore(%run_scoped3A : memref<!tpu.dma_semaphore, #tpu.memory_space<semaphore_mem>>) {add = true}
        %dma_wait3A_202 = arith.constant 0 : i32
        %dma_wait3A_203 = arith.constant 0 : i32
        %dma_wait3A_204 = tpu.memref_slice %arg16[%dma_wait3A_202, %dma_wait3A_203] : memref<10112x128xf32, #tpu.memory_space<vmem_shared>> -> memref<10112x128xf32, #tpu.memory_space<vmem_shared>>
        tpu.wait_indirect_dma semaphore(%run_scoped3A : memref<!tpu.dma_semaphore, #tpu.memory_space<semaphore_mem>>) src(%arg14 : memref<128x128xf32, #tpu.memory_space<vmem>>) dst(%dma_wait3A_204 : memref<10112x128xf32, #tpu.memory_space<vmem_shared>>)
        tpu.yield
      }) : () -> ()
      "tpu.region"() ({
        %run_scoped3A = tpu.sem_alloc : memref<!tpu.dma_semaphore, #tpu.memory_space<semaphore_mem>>
        %dma_start3A_199 = arith.constant 0 : i32
        %dma_start3A_200 = arith.constant 0 : i32
        %dma_start3A_201 = tpu.memref_slice %arg17[%dma_start3A_199, %dma_start3A_200] : memref<10112x16xf32, #tpu.memory_space<vmem_shared>> -> memref<10112x16xf32, #tpu.memory_space<vmem_shared>>
        tpu.enqueue_indirect_dma source(%arg15 : memref<128x16xf32, #tpu.memory_space<vmem>>) target(%dma_start3A_201 : memref<10112x16xf32, #tpu.memory_space<vmem_shared>>) offsets(%arg12 : memref<128xi32, #tpu.memory_space<vmem>>) semaphore(%run_scoped3A : memref<!tpu.dma_semaphore, #tpu.memory_space<semaphore_mem>>) {add = true}
        %dma_wait3A_202 = arith.constant 0 : i32
        %dma_wait3A_203 = arith.constant 0 : i32
        %dma_wait3A_204 = tpu.memref_slice %arg17[%dma_wait3A_202, %dma_wait3A_203] : memref<10112x16xf32, #tpu.memory_space<vmem_shared>> -> memref<10112x16xf32, #tpu.memory_space<vmem_shared>>
        tpu.wait_indirect_dma semaphore(%run_scoped3A : memref<!tpu.dma_semaphore, #tpu.memory_space<semaphore_mem>>) src(%arg15 : memref<128x16xf32, #tpu.memory_space<vmem>>) dst(%dma_wait3A_204 : memref<10112x16xf32, #tpu.memory_space<vmem_shared>>)
        tpu.yield
      }) : () -> ()
    }
    %scan3A_31 = arith.constant 81 : i32
    %barrier3A_32 = arith.constant 0 : index
    tpu.barrier barrier_id(%barrier3A_32)
    %mul3A_33 = arith.constant 632 : i32
    %mul3A_34 = arith.muli %arg1, %mul3A_33 : i32
    %add3A_35 = arith.constant 0 : i32
    %add3A_36 = arith.addi %mul3A_34, %add3A_35 : i32
    "tpu.region"() ({
      %run_scoped3A = tpu.sem_alloc : memref<!tpu.dma_semaphore, #tpu.memory_space<semaphore_mem>>
      %dma_start3A = arith.constant 0 : i32
      %dma_start3A_53 = tpu.memref_slice %arg7[%arg0, %add3A_36, %dma_start3A] : memref<2x10112x128xf32, #tpu.memory_space<hbm>> -> memref<1x128x128xf32, #tpu.memory_space<hbm>>
      %dma_start3A_54 = tpu.memref_squeeze %dma_start3A_53 : memref<1x128x128xf32, #tpu.memory_space<hbm>> -> memref<128x128xf32, #tpu.memory_space<hbm>>
      %dma_start3A_55 = arith.constant 0 : i32
      %dma_start3A_56 = tpu.memref_slice %arg16[%add3A_36, %dma_start3A_55] : memref<10112x128xf32, #tpu.memory_space<vmem_shared>> -> memref<128x128xf32, #tpu.memory_space<vmem_shared>>
      tpu.enqueue_dma source(%dma_start3A_56 : memref<128x128xf32, #tpu.memory_space<vmem_shared>>) target(%dma_start3A_54 : memref<128x128xf32, #tpu.memory_space<hbm>>) target_semaphore(%run_scoped3A : memref<!tpu.dma_semaphore, #tpu.memory_space<semaphore_mem>>)
      %dma_wait3A = arith.constant 0 : i32
      %dma_wait3A_57 = tpu.memref_slice %arg7[%arg0, %add3A_36, %dma_wait3A] : memref<2x10112x128xf32, #tpu.memory_space<hbm>> -> memref<1x128x128xf32, #tpu.memory_space<hbm>>
      %dma_wait3A_58 = tpu.memref_squeeze %dma_wait3A_57 : memref<1x128x128xf32, #tpu.memory_space<hbm>> -> memref<128x128xf32, #tpu.memory_space<hbm>>
      %dma_wait3A_59 = arith.constant 0 : i32
      %dma_wait3A_60 = tpu.memref_slice %arg16[%add3A_36, %dma_wait3A_59] : memref<10112x128xf32, #tpu.memory_space<vmem_shared>> -> memref<128x128xf32, #tpu.memory_space<vmem_shared>>
      tpu.wait_dma2 semaphore(%run_scoped3A : memref<!tpu.dma_semaphore, #tpu.memory_space<semaphore_mem>>) src(%dma_wait3A_60 : memref<128x128xf32, #tpu.memory_space<vmem_shared>>) dst(%dma_wait3A_58 : memref<128x128xf32, #tpu.memory_space<hbm>>)
      tpu.yield
    }) : () -> ()
    "tpu.region"() ({
      %run_scoped3A = tpu.sem_alloc : memref<!tpu.dma_semaphore, #tpu.memory_space<semaphore_mem>>
      %dma_start3A = arith.constant 0 : i32
      %dma_start3A_53 = tpu.memref_slice %arg8[%arg0, %add3A_36, %dma_start3A] : memref<2x10112x16xf32, #tpu.memory_space<hbm>> -> memref<1x128x16xf32, #tpu.memory_space<hbm>>
      %dma_start3A_54 = tpu.memref_squeeze %dma_start3A_53 : memref<1x128x16xf32, #tpu.memory_space<hbm>> -> memref<128x16xf32, #tpu.memory_space<hbm>>
      %dma_start3A_55 = arith.constant 0 : i32
      %dma_start3A_56 = tpu.memref_slice %arg17[%add3A_36, %dma_start3A_55] : memref<10112x16xf32, #tpu.memory_space<vmem_shared>> -> memref<128x16xf32, #tpu.memory_space<vmem_shared>>
      tpu.enqueue_dma source(%dma_start3A_56 : memref<128x16xf32, #tpu.memory_space<vmem_shared>>) target(%dma_start3A_54 : memref<128x16xf32, #tpu.memory_space<hbm>>) target_semaphore(%run_scoped3A : memref<!tpu.dma_semaphore, #tpu.memory_space<semaphore_mem>>)
      %dma_wait3A = arith.constant 0 : i32
      %dma_wait3A_57 = tpu.memref_slice %arg8[%arg0, %add3A_36, %dma_wait3A] : memref<2x10112x16xf32, #tpu.memory_space<hbm>> -> memref<1x128x16xf32, #tpu.memory_space<hbm>>
      %dma_wait3A_58 = tpu.memref_squeeze %dma_wait3A_57 : memref<1x128x16xf32, #tpu.memory_space<hbm>> -> memref<128x16xf32, #tpu.memory_space<hbm>>
      %dma_wait3A_59 = arith.constant 0 : i32
      %dma_wait3A_60 = tpu.memref_slice %arg17[%add3A_36, %dma_wait3A_59] : memref<10112x16xf32, #tpu.memory_space<vmem_shared>> -> memref<128x16xf32, #tpu.memory_space<vmem_shared>>
      tpu.wait_dma2 semaphore(%run_scoped3A : memref<!tpu.dma_semaphore, #tpu.memory_space<semaphore_mem>>) src(%dma_wait3A_60 : memref<128x16xf32, #tpu.memory_space<vmem_shared>>) dst(%dma_wait3A_58 : memref<128x16xf32, #tpu.memory_space<hbm>>)
      tpu.yield
    }) : () -> ()
    %mul3A_37 = arith.constant 632 : i32
    %mul3A_38 = arith.muli %arg1, %mul3A_37 : i32
    %add3A_39 = arith.constant 128 : i32
    %add3A_40 = arith.addi %mul3A_38, %add3A_39 : i32
    "tpu.region"() ({
      %run_scoped3A = tpu.sem_alloc : memref<!tpu.dma_semaphore, #tpu.memory_space<semaphore_mem>>
      %dma_start3A = arith.constant 0 : i32
      %dma_start3A_53 = tpu.memref_slice %arg7[%arg0, %add3A_40, %dma_start3A] : memref<2x10112x128xf32, #tpu.memory_space<hbm>> -> memref<1x128x128xf32, #tpu.memory_space<hbm>>
      %dma_start3A_54 = tpu.memref_squeeze %dma_start3A_53 : memref<1x128x128xf32, #tpu.memory_space<hbm>> -> memref<128x128xf32, #tpu.memory_space<hbm>>
      %dma_start3A_55 = arith.constant 0 : i32
      %dma_start3A_56 = tpu.memref_slice %arg16[%add3A_40, %dma_start3A_55] : memref<10112x128xf32, #tpu.memory_space<vmem_shared>> -> memref<128x128xf32, #tpu.memory_space<vmem_shared>>
      tpu.enqueue_dma source(%dma_start3A_56 : memref<128x128xf32, #tpu.memory_space<vmem_shared>>) target(%dma_start3A_54 : memref<128x128xf32, #tpu.memory_space<hbm>>) target_semaphore(%run_scoped3A : memref<!tpu.dma_semaphore, #tpu.memory_space<semaphore_mem>>)
      %dma_wait3A = arith.constant 0 : i32
      %dma_wait3A_57 = tpu.memref_slice %arg7[%arg0, %add3A_40, %dma_wait3A] : memref<2x10112x128xf32, #tpu.memory_space<hbm>> -> memref<1x128x128xf32, #tpu.memory_space<hbm>>
      %dma_wait3A_58 = tpu.memref_squeeze %dma_wait3A_57 : memref<1x128x128xf32, #tpu.memory_space<hbm>> -> memref<128x128xf32, #tpu.memory_space<hbm>>
      %dma_wait3A_59 = arith.constant 0 : i32
      %dma_wait3A_60 = tpu.memref_slice %arg16[%add3A_40, %dma_wait3A_59] : memref<10112x128xf32, #tpu.memory_space<vmem_shared>> -> memref<128x128xf32, #tpu.memory_space<vmem_shared>>
      tpu.wait_dma2 semaphore(%run_scoped3A : memref<!tpu.dma_semaphore, #tpu.memory_space<semaphore_mem>>) src(%dma_wait3A_60 : memref<128x128xf32, #tpu.memory_space<vmem_shared>>) dst(%dma_wait3A_58 : memref<128x128xf32, #tpu.memory_space<hbm>>)
      tpu.yield
    }) : () -> ()
    "tpu.region"() ({
      %run_scoped3A = tpu.sem_alloc : memref<!tpu.dma_semaphore, #tpu.memory_space<semaphore_mem>>
      %dma_start3A = arith.constant 0 : i32
      %dma_start3A_53 = tpu.memref_slice %arg8[%arg0, %add3A_40, %dma_start3A] : memref<2x10112x16xf32, #tpu.memory_space<hbm>> -> memref<1x128x16xf32, #tpu.memory_space<hbm>>
      %dma_start3A_54 = tpu.memref_squeeze %dma_start3A_53 : memref<1x128x16xf32, #tpu.memory_space<hbm>> -> memref<128x16xf32, #tpu.memory_space<hbm>>
      %dma_start3A_55 = arith.constant 0 : i32
      %dma_start3A_56 = tpu.memref_slice %arg17[%add3A_40, %dma_start3A_55] : memref<10112x16xf32, #tpu.memory_space<vmem_shared>> -> memref<128x16xf32, #tpu.memory_space<vmem_shared>>
      tpu.enqueue_dma source(%dma_start3A_56 : memref<128x16xf32, #tpu.memory_space<vmem_shared>>) target(%dma_start3A_54 : memref<128x16xf32, #tpu.memory_space<hbm>>) target_semaphore(%run_scoped3A : memref<!tpu.dma_semaphore, #tpu.memory_space<semaphore_mem>>)
      %dma_wait3A = arith.constant 0 : i32
      %dma_wait3A_57 = tpu.memref_slice %arg8[%arg0, %add3A_40, %dma_wait3A] : memref<2x10112x16xf32, #tpu.memory_space<hbm>> -> memref<1x128x16xf32, #tpu.memory_space<hbm>>
      %dma_wait3A_58 = tpu.memref_squeeze %dma_wait3A_57 : memref<1x128x16xf32, #tpu.memory_space<hbm>> -> memref<128x16xf32, #tpu.memory_space<hbm>>
      %dma_wait3A_59 = arith.constant 0 : i32
      %dma_wait3A_60 = tpu.memref_slice %arg17[%add3A_40, %dma_wait3A_59] : memref<10112x16xf32, #tpu.memory_space<vmem_shared>> -> memref<128x16xf32, #tpu.memory_space<vmem_shared>>
      tpu.wait_dma2 semaphore(%run_scoped3A : memref<!tpu.dma_semaphore, #tpu.memory_space<semaphore_mem>>) src(%dma_wait3A_60 : memref<128x16xf32, #tpu.memory_space<vmem_shared>>) dst(%dma_wait3A_58 : memref<128x16xf32, #tpu.memory_space<hbm>>)
      tpu.yield
    }) : () -> ()
    %mul3A_41 = arith.constant 632 : i32
    %mul3A_42 = arith.muli %arg1, %mul3A_41 : i32
    %add3A_43 = arith.constant 256 : i32
    %add3A_44 = arith.addi %mul3A_42, %add3A_43 : i32
    "tpu.region"() ({
      %run_scoped3A = tpu.sem_alloc : memref<!tpu.dma_semaphore, #tpu.memory_space<semaphore_mem>>
      %dma_start3A = arith.constant 0 : i32
      %dma_start3A_53 = tpu.memref_slice %arg7[%arg0, %add3A_44, %dma_start3A] : memref<2x10112x128xf32, #tpu.memory_space<hbm>> -> memref<1x128x128xf32, #tpu.memory_space<hbm>>
      %dma_start3A_54 = tpu.memref_squeeze %dma_start3A_53 : memref<1x128x128xf32, #tpu.memory_space<hbm>> -> memref<128x128xf32, #tpu.memory_space<hbm>>
      %dma_start3A_55 = arith.constant 0 : i32
      %dma_start3A_56 = tpu.memref_slice %arg16[%add3A_44, %dma_start3A_55] : memref<10112x128xf32, #tpu.memory_space<vmem_shared>> -> memref<128x128xf32, #tpu.memory_space<vmem_shared>>
      tpu.enqueue_dma source(%dma_start3A_56 : memref<128x128xf32, #tpu.memory_space<vmem_shared>>) target(%dma_start3A_54 : memref<128x128xf32, #tpu.memory_space<hbm>>) target_semaphore(%run_scoped3A : memref<!tpu.dma_semaphore, #tpu.memory_space<semaphore_mem>>)
      %dma_wait3A = arith.constant 0 : i32
      %dma_wait3A_57 = tpu.memref_slice %arg7[%arg0, %add3A_44, %dma_wait3A] : memref<2x10112x128xf32, #tpu.memory_space<hbm>> -> memref<1x128x128xf32, #tpu.memory_space<hbm>>
      %dma_wait3A_58 = tpu.memref_squeeze %dma_wait3A_57 : memref<1x128x128xf32, #tpu.memory_space<hbm>> -> memref<128x128xf32, #tpu.memory_space<hbm>>
      %dma_wait3A_59 = arith.constant 0 : i32
      %dma_wait3A_60 = tpu.memref_slice %arg16[%add3A_44, %dma_wait3A_59] : memref<10112x128xf32, #tpu.memory_space<vmem_shared>> -> memref<128x128xf32, #tpu.memory_space<vmem_shared>>
      tpu.wait_dma2 semaphore(%run_scoped3A : memref<!tpu.dma_semaphore, #tpu.memory_space<semaphore_mem>>) src(%dma_wait3A_60 : memref<128x128xf32, #tpu.memory_space<vmem_shared>>) dst(%dma_wait3A_58 : memref<128x128xf32, #tpu.memory_space<hbm>>)
      tpu.yield
    }) : () -> ()
    "tpu.region"() ({
      %run_scoped3A = tpu.sem_alloc : memref<!tpu.dma_semaphore, #tpu.memory_space<semaphore_mem>>
      %dma_start3A = arith.constant 0 : i32
      %dma_start3A_53 = tpu.memref_slice %arg8[%arg0, %add3A_44, %dma_start3A] : memref<2x10112x16xf32, #tpu.memory_space<hbm>> -> memref<1x128x16xf32, #tpu.memory_space<hbm>>
      %dma_start3A_54 = tpu.memref_squeeze %dma_start3A_53 : memref<1x128x16xf32, #tpu.memory_space<hbm>> -> memref<128x16xf32, #tpu.memory_space<hbm>>
      %dma_start3A_55 = arith.constant 0 : i32
      %dma_start3A_56 = tpu.memref_slice %arg17[%add3A_44, %dma_start3A_55] : memref<10112x16xf32, #tpu.memory_space<vmem_shared>> -> memref<128x16xf32, #tpu.memory_space<vmem_shared>>
      tpu.enqueue_dma source(%dma_start3A_56 : memref<128x16xf32, #tpu.memory_space<vmem_shared>>) target(%dma_start3A_54 : memref<128x16xf32, #tpu.memory_space<hbm>>) target_semaphore(%run_scoped3A : memref<!tpu.dma_semaphore, #tpu.memory_space<semaphore_mem>>)
      %dma_wait3A = arith.constant 0 : i32
      %dma_wait3A_57 = tpu.memref_slice %arg8[%arg0, %add3A_44, %dma_wait3A] : memref<2x10112x16xf32, #tpu.memory_space<hbm>> -> memref<1x128x16xf32, #tpu.memory_space<hbm>>
      %dma_wait3A_58 = tpu.memref_squeeze %dma_wait3A_57 : memref<1x128x16xf32, #tpu.memory_space<hbm>> -> memref<128x16xf32, #tpu.memory_space<hbm>>
      %dma_wait3A_59 = arith.constant 0 : i32
      %dma_wait3A_60 = tpu.memref_slice %arg17[%add3A_44, %dma_wait3A_59] : memref<10112x16xf32, #tpu.memory_space<vmem_shared>> -> memref<128x16xf32, #tpu.memory_space<vmem_shared>>
      tpu.wait_dma2 semaphore(%run_scoped3A : memref<!tpu.dma_semaphore, #tpu.memory_space<semaphore_mem>>) src(%dma_wait3A_60 : memref<128x16xf32, #tpu.memory_space<vmem_shared>>) dst(%dma_wait3A_58 : memref<128x16xf32, #tpu.memory_space<hbm>>)
      tpu.yield
    }) : () -> ()
    %mul3A_45 = arith.constant 632 : i32
    %mul3A_46 = arith.muli %arg1, %mul3A_45 : i32
    %add3A_47 = arith.constant 384 : i32
    %add3A_48 = arith.addi %mul3A_46, %add3A_47 : i32
    "tpu.region"() ({
      %run_scoped3A = tpu.sem_alloc : memref<!tpu.dma_semaphore, #tpu.memory_space<semaphore_mem>>
      %dma_start3A = arith.constant 0 : i32
      %dma_start3A_53 = tpu.memref_slice %arg7[%arg0, %add3A_48, %dma_start3A] : memref<2x10112x128xf32, #tpu.memory_space<hbm>> -> memref<1x128x128xf32, #tpu.memory_space<hbm>>
      %dma_start3A_54 = tpu.memref_squeeze %dma_start3A_53 : memref<1x128x128xf32, #tpu.memory_space<hbm>> -> memref<128x128xf32, #tpu.memory_space<hbm>>
      %dma_start3A_55 = arith.constant 0 : i32
      %dma_start3A_56 = tpu.memref_slice %arg16[%add3A_48, %dma_start3A_55] : memref<10112x128xf32, #tpu.memory_space<vmem_shared>> -> memref<128x128xf32, #tpu.memory_space<vmem_shared>>
      tpu.enqueue_dma source(%dma_start3A_56 : memref<128x128xf32, #tpu.memory_space<vmem_shared>>) target(%dma_start3A_54 : memref<128x128xf32, #tpu.memory_space<hbm>>) target_semaphore(%run_scoped3A : memref<!tpu.dma_semaphore, #tpu.memory_space<semaphore_mem>>)
      %dma_wait3A = arith.constant 0 : i32
      %dma_wait3A_57 = tpu.memref_slice %arg7[%arg0, %add3A_48, %dma_wait3A] : memref<2x10112x128xf32, #tpu.memory_space<hbm>> -> memref<1x128x128xf32, #tpu.memory_space<hbm>>
      %dma_wait3A_58 = tpu.memref_squeeze %dma_wait3A_57 : memref<1x128x128xf32, #tpu.memory_space<hbm>> -> memref<128x128xf32, #tpu.memory_space<hbm>>
      %dma_wait3A_59 = arith.constant 0 : i32
      %dma_wait3A_60 = tpu.memref_slice %arg16[%add3A_48, %dma_wait3A_59] : memref<10112x128xf32, #tpu.memory_space<vmem_shared>> -> memref<128x128xf32, #tpu.memory_space<vmem_shared>>
      tpu.wait_dma2 semaphore(%run_scoped3A : memref<!tpu.dma_semaphore, #tpu.memory_space<semaphore_mem>>) src(%dma_wait3A_60 : memref<128x128xf32, #tpu.memory_space<vmem_shared>>) dst(%dma_wait3A_58 : memref<128x128xf32, #tpu.memory_space<hbm>>)
      tpu.yield
    }) : () -> ()
    "tpu.region"() ({
      %run_scoped3A = tpu.sem_alloc : memref<!tpu.dma_semaphore, #tpu.memory_space<semaphore_mem>>
      %dma_start3A = arith.constant 0 : i32
      %dma_start3A_53 = tpu.memref_slice %arg8[%arg0, %add3A_48, %dma_start3A] : memref<2x10112x16xf32, #tpu.memory_space<hbm>> -> memref<1x128x16xf32, #tpu.memory_space<hbm>>
      %dma_start3A_54 = tpu.memref_squeeze %dma_start3A_53 : memref<1x128x16xf32, #tpu.memory_space<hbm>> -> memref<128x16xf32, #tpu.memory_space<hbm>>
      %dma_start3A_55 = arith.constant 0 : i32
      %dma_start3A_56 = tpu.memref_slice %arg17[%add3A_48, %dma_start3A_55] : memref<10112x16xf32, #tpu.memory_space<vmem_shared>> -> memref<128x16xf32, #tpu.memory_space<vmem_shared>>
      tpu.enqueue_dma source(%dma_start3A_56 : memref<128x16xf32, #tpu.memory_space<vmem_shared>>) target(%dma_start3A_54 : memref<128x16xf32, #tpu.memory_space<hbm>>) target_semaphore(%run_scoped3A : memref<!tpu.dma_semaphore, #tpu.memory_space<semaphore_mem>>)
      %dma_wait3A = arith.constant 0 : i32
      %dma_wait3A_57 = tpu.memref_slice %arg8[%arg0, %add3A_48, %dma_wait3A] : memref<2x10112x16xf32, #tpu.memory_space<hbm>> -> memref<1x128x16xf32, #tpu.memory_space<hbm>>
      %dma_wait3A_58 = tpu.memref_squeeze %dma_wait3A_57 : memref<1x128x16xf32, #tpu.memory_space<hbm>> -> memref<128x16xf32, #tpu.memory_space<hbm>>
      %dma_wait3A_59 = arith.constant 0 : i32
      %dma_wait3A_60 = tpu.memref_slice %arg17[%add3A_48, %dma_wait3A_59] : memref<10112x16xf32, #tpu.memory_space<vmem_shared>> -> memref<128x16xf32, #tpu.memory_space<vmem_shared>>
      tpu.wait_dma2 semaphore(%run_scoped3A : memref<!tpu.dma_semaphore, #tpu.memory_space<semaphore_mem>>) src(%dma_wait3A_60 : memref<128x16xf32, #tpu.memory_space<vmem_shared>>) dst(%dma_wait3A_58 : memref<128x16xf32, #tpu.memory_space<hbm>>)
      tpu.yield
    }) : () -> ()
    %mul3A_49 = arith.constant 632 : i32
    %mul3A_50 = arith.muli %arg1, %mul3A_49 : i32
    %add3A_51 = arith.constant 512 : i32
    %add3A_52 = arith.addi %mul3A_50, %add3A_51 : i32
    "tpu.region"() ({
      %run_scoped3A = tpu.sem_alloc : memref<!tpu.dma_semaphore, #tpu.memory_space<semaphore_mem>>
      %dma_start3A = arith.constant 0 : i32
      %dma_start3A_53 = tpu.memref_slice %arg7[%arg0, %add3A_52, %dma_start3A] : memref<2x10112x128xf32, #tpu.memory_space<hbm>> -> memref<1x120x128xf32, #tpu.memory_space<hbm>>
      %dma_start3A_54 = tpu.memref_squeeze %dma_start3A_53 : memref<1x120x128xf32, #tpu.memory_space<hbm>> -> memref<120x128xf32, #tpu.memory_space<hbm>>
      %dma_start3A_55 = arith.constant 0 : i32
      %dma_start3A_56 = tpu.memref_slice %arg16[%add3A_52, %dma_start3A_55] : memref<10112x128xf32, #tpu.memory_space<vmem_shared>> -> memref<120x128xf32, #tpu.memory_space<vmem_shared>>
      tpu.enqueue_dma source(%dma_start3A_56 : memref<120x128xf32, #tpu.memory_space<vmem_shared>>) target(%dma_start3A_54 : memref<120x128xf32, #tpu.memory_space<hbm>>) target_semaphore(%run_scoped3A : memref<!tpu.dma_semaphore, #tpu.memory_space<semaphore_mem>>)
      %dma_wait3A = arith.constant 0 : i32
      %dma_wait3A_57 = tpu.memref_slice %arg7[%arg0, %add3A_52, %dma_wait3A] : memref<2x10112x128xf32, #tpu.memory_space<hbm>> -> memref<1x120x128xf32, #tpu.memory_space<hbm>>
      %dma_wait3A_58 = tpu.memref_squeeze %dma_wait3A_57 : memref<1x120x128xf32, #tpu.memory_space<hbm>> -> memref<120x128xf32, #tpu.memory_space<hbm>>
      %dma_wait3A_59 = arith.constant 0 : i32
      %dma_wait3A_60 = tpu.memref_slice %arg16[%add3A_52, %dma_wait3A_59] : memref<10112x128xf32, #tpu.memory_space<vmem_shared>> -> memref<120x128xf32, #tpu.memory_space<vmem_shared>>
      tpu.wait_dma2 semaphore(%run_scoped3A : memref<!tpu.dma_semaphore, #tpu.memory_space<semaphore_mem>>) src(%dma_wait3A_60 : memref<120x128xf32, #tpu.memory_space<vmem_shared>>) dst(%dma_wait3A_58 : memref<120x128xf32, #tpu.memory_space<hbm>>)
      tpu.yield
    }) : () -> ()
    "tpu.region"() ({
      %run_scoped3A = tpu.sem_alloc : memref<!tpu.dma_semaphore, #tpu.memory_space<semaphore_mem>>
      %dma_start3A = arith.constant 0 : i32
      %dma_start3A_53 = tpu.memref_slice %arg8[%arg0, %add3A_52, %dma_start3A] : memref<2x10112x16xf32, #tpu.memory_space<hbm>> -> memref<1x120x16xf32, #tpu.memory_space<hbm>>
      %dma_start3A_54 = tpu.memref_squeeze %dma_start3A_53 : memref<1x120x16xf32, #tpu.memory_space<hbm>> -> memref<120x16xf32, #tpu.memory_space<hbm>>
      %dma_start3A_55 = arith.constant 0 : i32
      %dma_start3A_56 = tpu.memref_slice %arg17[%add3A_52, %dma_start3A_55] : memref<10112x16xf32, #tpu.memory_space<vmem_shared>> -> memref<120x16xf32, #tpu.memory_space<vmem_shared>>
      tpu.enqueue_dma source(%dma_start3A_56 : memref<120x16xf32, #tpu.memory_space<vmem_shared>>) target(%dma_start3A_54 : memref<120x16xf32, #tpu.memory_space<hbm>>) target_semaphore(%run_scoped3A : memref<!tpu.dma_semaphore, #tpu.memory_space<semaphore_mem>>)
      %dma_wait3A = arith.constant 0 : i32
      %dma_wait3A_57 = tpu.memref_slice %arg8[%arg0, %add3A_52, %dma_wait3A] : memref<2x10112x16xf32, #tpu.memory_space<hbm>> -> memref<1x120x16xf32, #tpu.memory_space<hbm>>
      %dma_wait3A_58 = tpu.memref_squeeze %dma_wait3A_57 : memref<1x120x16xf32, #tpu.memory_space<hbm>> -> memref<120x16xf32, #tpu.memory_space<hbm>>
      %dma_wait3A_59 = arith.constant 0 : i32
      %dma_wait3A_60 = tpu.memref_slice %arg17[%add3A_52, %dma_wait3A_59] : memref<10112x16xf32, #tpu.memory_space<vmem_shared>> -> memref<120x16xf32, #tpu.memory_space<vmem_shared>>
      tpu.wait_dma2 semaphore(%run_scoped3A : memref<!tpu.dma_semaphore, #tpu.memory_space<semaphore_mem>>) src(%dma_wait3A_60 : memref<120x16xf32, #tpu.memory_space<vmem_shared>>) dst(%dma_wait3A_58 : memref<120x16xf32, #tpu.memory_space<hbm>>)
      tpu.yield
    }) : () -> ()
    return
  }
}

#map = affine_map<(d0, d1) -> (0, 0)>
#map1 = affine_map<(d0, d1) -> (0)>
#map2 = affine_map<(d0, d1) -> (0, 0, 0)>
module attributes {stable_mosaic.version = 14 : i64} {
  func.func @_sc_edge_body(%arg0: i32, %arg1: i32, %arg2: memref<10112x128xf32, #tpu.memory_space<hbm>>, %arg3: memref<10112xf32, #tpu.memory_space<hbm>>, %arg4: memref<10112xf32, #tpu.memory_space<hbm>>, %arg5: memref<331776xi32, #tpu.memory_space<hbm>>, %arg6: memref<331776xi32, #tpu.memory_space<hbm>>, %arg7: memref<2x10112x128xf32, #tpu.memory_space<hbm>>, %arg8: memref<2x10112x16xf32, #tpu.memory_space<hbm>>, %arg9: memref<10112xf32, #tpu.memory_space<vmem>>, %arg10: memref<10112xf32, #tpu.memory_space<vmem>>, %arg11: memref<128xi32, #tpu.memory_space<vmem>>, %arg12: memref<128xi32, #tpu.memory_space<vmem>>, %arg13: memref<128xf32, #tpu.memory_space<vmem>>, %arg14: memref<128x128xf32, #tpu.memory_space<vmem>>, %arg15: memref<128x16xf32, #tpu.memory_space<vmem>>, %arg16: memref<10112x128xf32, #tpu.memory_space<vmem_shared>>, %arg17: memref<10112x16xf32, #tpu.memory_space<vmem_shared>>, %arg18: memref<!tpu.dma_semaphore, #tpu.memory_space<semaphore_mem>>) attributes {dimension_semantics = [#tpu.dimension_semantics<core_parallel>, #tpu.dimension_semantics<subcore_parallel>], iteration_bounds = array<i64: 2, 16>, scalar_prefetch = 0 : i64, scratch_operands = 10 : i64, tpu.core_type = #tpu.core_type<sc_vector_subcore>, window_params = [{transform_indices = #map}, {transform_indices = #map1}, {transform_indices = #map1}, {transform_indices = #map1}, {transform_indices = #map1}, {transform_indices = #map2}, {transform_indices = #map2}]} {
    %mul3A = arith.constant 2 : i32
    %mul3A_0 = arith.muli %arg1, %mul3A : i32
    %add3A = arith.addi %mul3A_0, %arg0 : i32
    "tpu.region"() ({
      %run_scoped3A = tpu.sem_alloc : memref<!tpu.dma_semaphore, #tpu.memory_space<semaphore_mem>>
      tpu.enqueue_dma source(%arg3 : memref<10112xf32, #tpu.memory_space<hbm>>) target(%arg9 : memref<10112xf32, #tpu.memory_space<vmem>>) target_semaphore(%run_scoped3A : memref<!tpu.dma_semaphore, #tpu.memory_space<semaphore_mem>>)
      tpu.wait_dma2 semaphore(%run_scoped3A : memref<!tpu.dma_semaphore, #tpu.memory_space<semaphore_mem>>) src(%arg3 : memref<10112xf32, #tpu.memory_space<hbm>>) dst(%arg9 : memref<10112xf32, #tpu.memory_space<vmem>>)
      tpu.yield
    }) : () -> ()
    "tpu.region"() ({
      %run_scoped3A = tpu.sem_alloc : memref<!tpu.dma_semaphore, #tpu.memory_space<semaphore_mem>>
      tpu.enqueue_dma source(%arg4 : memref<10112xf32, #tpu.memory_space<hbm>>) target(%arg10 : memref<10112xf32, #tpu.memory_space<vmem>>) target_semaphore(%run_scoped3A : memref<!tpu.dma_semaphore, #tpu.memory_space<semaphore_mem>>)
      tpu.wait_dma2 semaphore(%run_scoped3A : memref<!tpu.dma_semaphore, #tpu.memory_space<semaphore_mem>>) src(%arg4 : memref<10112xf32, #tpu.memory_space<hbm>>) dst(%arg10 : memref<10112xf32, #tpu.memory_space<vmem>>)
      tpu.yield
    }) : () -> ()
    %scan3A = arith.constant 0 : i32
    %scan3A_1 = arith.constant 0 : i32
    %scan3A_2 = arith.constant 128 : i32
    %scan3A_3 = arith.addi %scan3A_1, %scan3A_2 : i32
    %scan3A_4 = arith.constant 1 : i32
    scf.for %scan3A_53 = %scan3A_1 to %scan3A_3 step %scan3A_4  : i32 {
      %broadcast_in_dim3A = arith.constant 0.000000e+00 : f32
      %broadcast_in_dim3A_54 = vector.broadcast %broadcast_in_dim3A : f32 to vector<16xf32>
      %swap3A = arith.index_cast %scan3A_53 : i32 to index
      %swap3A_55 = arith.constant 0 : index
      %swap3A_56 = tpu.vector_load %arg14[%swap3A, %swap3A_55] {strides = array<i32>} : memref<128x128xf32, #tpu.memory_space<vmem>>, vector<16xf32>,
      tpu.vector_store %arg14[%swap3A, %swap3A_55], %broadcast_in_dim3A_54 {strides = array<i32>} : memref<128x128xf32, #tpu.memory_space<vmem>>, vector<16xf32>,
      %broadcast_in_dim3A_57 = arith.constant 0.000000e+00 : f32
      %broadcast_in_dim3A_58 = vector.broadcast %broadcast_in_dim3A_57 : f32 to vector<16xf32>
      %swap3A_59 = arith.index_cast %scan3A_53 : i32 to index
      %swap3A_60 = arith.constant 16 : index
      %swap3A_61 = tpu.vector_load %arg14[%swap3A_59, %swap3A_60] {strides = array<i32>} : memref<128x128xf32, #tpu.memory_space<vmem>>, vector<16xf32>,
      tpu.vector_store %arg14[%swap3A_59, %swap3A_60], %broadcast_in_dim3A_58 {strides = array<i32>} : memref<128x128xf32, #tpu.memory_space<vmem>>, vector<16xf32>,
      %broadcast_in_dim3A_62 = arith.constant 0.000000e+00 : f32
      %broadcast_in_dim3A_63 = vector.broadcast %broadcast_in_dim3A_62 : f32 to vector<16xf32>
      %swap3A_64 = arith.index_cast %scan3A_53 : i32 to index
      %swap3A_65 = arith.constant 32 : index
      %swap3A_66 = tpu.vector_load %arg14[%swap3A_64, %swap3A_65] {strides = array<i32>} : memref<128x128xf32, #tpu.memory_space<vmem>>, vector<16xf32>,
      tpu.vector_store %arg14[%swap3A_64, %swap3A_65], %broadcast_in_dim3A_63 {strides = array<i32>} : memref<128x128xf32, #tpu.memory_space<vmem>>, vector<16xf32>,
      %broadcast_in_dim3A_67 = arith.constant 0.000000e+00 : f32
      %broadcast_in_dim3A_68 = vector.broadcast %broadcast_in_dim3A_67 : f32 to vector<16xf32>
      %swap3A_69 = arith.index_cast %scan3A_53 : i32 to index
      %swap3A_70 = arith.constant 48 : index
      %swap3A_71 = tpu.vector_load %arg14[%swap3A_69, %swap3A_70] {strides = array<i32>} : memref<128x128xf32, #tpu.memory_space<vmem>>, vector<16xf32>,
      tpu.vector_store %arg14[%swap3A_69, %swap3A_70], %broadcast_in_dim3A_68 {strides = array<i32>} : memref<128x128xf32, #tpu.memory_space<vmem>>, vector<16xf32>,
      %broadcast_in_dim3A_72 = arith.constant 0.000000e+00 : f32
      %broadcast_in_dim3A_73 = vector.broadcast %broadcast_in_dim3A_72 : f32 to vector<16xf32>
      %swap3A_74 = arith.index_cast %scan3A_53 : i32 to index
      %swap3A_75 = arith.constant 64 : index
      %swap3A_76 = tpu.vector_load %arg14[%swap3A_74, %swap3A_75] {strides = array<i32>} : memref<128x128xf32, #tpu.memory_space<vmem>>, vector<16xf32>,
      tpu.vector_store %arg14[%swap3A_74, %swap3A_75], %broadcast_in_dim3A_73 {strides = array<i32>} : memref<128x128xf32, #tpu.memory_space<vmem>>, vector<16xf32>,
      %broadcast_in_dim3A_77 = arith.constant 0.000000e+00 : f32
      %broadcast_in_dim3A_78 = vector.broadcast %broadcast_in_dim3A_77 : f32 to vector<16xf32>
      %swap3A_79 = arith.index_cast %scan3A_53 : i32 to index
      %swap3A_80 = arith.constant 80 : index
      %swap3A_81 = tpu.vector_load %arg14[%swap3A_79, %swap3A_80] {strides = array<i32>} : memref<128x128xf32, #tpu.memory_space<vmem>>, vector<16xf32>,
      tpu.vector_store %arg14[%swap3A_79, %swap3A_80], %broadcast_in_dim3A_78 {strides = array<i32>} : memref<128x128xf32, #tpu.memory_space<vmem>>, vector<16xf32>,
      %broadcast_in_dim3A_82 = arith.constant 0.000000e+00 : f32
      %broadcast_in_dim3A_83 = vector.broadcast %broadcast_in_dim3A_82 : f32 to vector<16xf32>
      %swap3A_84 = arith.index_cast %scan3A_53 : i32 to index
      %swap3A_85 = arith.constant 96 : index
      %swap3A_86 = tpu.vector_load %arg14[%swap3A_84, %swap3A_85] {strides = array<i32>} : memref<128x128xf32, #tpu.memory_space<vmem>>, vector<16xf32>,
      tpu.vector_store %arg14[%swap3A_84, %swap3A_85], %broadcast_in_dim3A_83 {strides = array<i32>} : memref<128x128xf32, #tpu.memory_space<vmem>>, vector<16xf32>,
      %broadcast_in_dim3A_87 = arith.constant 0.000000e+00 : f32
      %broadcast_in_dim3A_88 = vector.broadcast %broadcast_in_dim3A_87 : f32 to vector<16xf32>
      %swap3A_89 = arith.index_cast %scan3A_53 : i32 to index
      %swap3A_90 = arith.constant 112 : index
      %swap3A_91 = tpu.vector_load %arg14[%swap3A_89, %swap3A_90] {strides = array<i32>} : memref<128x128xf32, #tpu.memory_space<vmem>>, vector<16xf32>,
      tpu.vector_store %arg14[%swap3A_89, %swap3A_90], %broadcast_in_dim3A_88 {strides = array<i32>} : memref<128x128xf32, #tpu.memory_space<vmem>>, vector<16xf32>,
      %broadcast_in_dim3A_92 = arith.constant 0.000000e+00 : f32
      %broadcast_in_dim3A_93 = vector.broadcast %broadcast_in_dim3A_92 : f32 to vector<16xf32>
      %swap3A_94 = arith.index_cast %scan3A_53 : i32 to index
      %swap3A_95 = arith.constant 0 : index
      %swap3A_96 = tpu.vector_load %arg15[%swap3A_94, %swap3A_95] {strides = array<i32>} : memref<128x16xf32, #tpu.memory_space<vmem>>, vector<16xf32>,
      tpu.vector_store %arg15[%swap3A_94, %swap3A_95], %broadcast_in_dim3A_93 {strides = array<i32>} : memref<128x16xf32, #tpu.memory_space<vmem>>, vector<16xf32>,
    }
    %scan3A_5 = arith.constant 128 : i32
    %mul3A_6 = arith.constant 632 : i32
    %mul3A_7 = arith.muli %arg1, %mul3A_6 : i32
    %add3A_8 = arith.constant 0 : i32
    %add3A_9 = arith.addi %mul3A_7, %add3A_8 : i32
    "tpu.region"() ({
      %run_scoped3A = tpu.sem_alloc : memref<!tpu.dma_semaphore, #tpu.memory_space<semaphore_mem>>
      %dma_start3A = arith.constant 0 : i32
      %dma_start3A_53 = arith.constant 0 : i32
      %dma_start3A_54 = tpu.memref_slice %arg14[%dma_start3A, %dma_start3A_53] : memref<128x128xf32, #tpu.memory_space<vmem>> -> memref<128x128xf32, #tpu.memory_space<vmem>>
      %dma_start3A_55 = arith.constant 0 : i32
      %dma_start3A_56 = tpu.memref_slice %arg16[%add3A_9, %dma_start3A_55] : memref<10112x128xf32, #tpu.memory_space<vmem_shared>> -> memref<128x128xf32, #tpu.memory_space<vmem_shared>>
      %dma_start3A_57 = arith.constant 0 : i32
      %dma_start3A_58 = tpu.memref_slice %arg16[%add3A_9, %dma_start3A_57] : memref<10112x128xf32, #tpu.memory_space<vmem_shared>> -> memref<128x128xf32, #tpu.memory_space<vmem_shared>>
      %dma_start3A_59 = arith.constant 0 : i32
      %dma_start3A_60 = arith.constant 0 : i32
      %dma_start3A_61 = tpu.memref_slice %arg14[%dma_start3A_59, %dma_start3A_60] : memref<128x128xf32, #tpu.memory_space<vmem>> -> memref<128x128xf32, #tpu.memory_space<vmem>>
      tpu.enqueue_dma source(%dma_start3A_61 : memref<128x128xf32, #tpu.memory_space<vmem>>) target(%dma_start3A_58 : memref<128x128xf32, #tpu.memory_space<vmem_shared>>) target_semaphore(%run_scoped3A : memref<!tpu.dma_semaphore, #tpu.memory_space<semaphore_mem>>)
      %dma_wait3A = arith.constant 0 : i32
      %dma_wait3A_62 = arith.constant 0 : i32
      %dma_wait3A_63 = tpu.memref_slice %arg14[%dma_wait3A, %dma_wait3A_62] : memref<128x128xf32, #tpu.memory_space<vmem>> -> memref<128x128xf32, #tpu.memory_space<vmem>>
      %dma_wait3A_64 = arith.constant 0 : i32
      %dma_wait3A_65 = tpu.memref_slice %arg16[%add3A_9, %dma_wait3A_64] : memref<10112x128xf32, #tpu.memory_space<vmem_shared>> -> memref<128x128xf32, #tpu.memory_space<vmem_shared>>
      %dma_wait3A_66 = arith.constant 0 : i32
      %dma_wait3A_67 = tpu.memref_slice %arg16[%add3A_9, %dma_wait3A_66] : memref<10112x128xf32, #tpu.memory_space<vmem_shared>> -> memref<128x128xf32, #tpu.memory_space<vmem_shared>>
      %dma_wait3A_68 = arith.constant 0 : i32
      %dma_wait3A_69 = arith.constant 0 : i32
      %dma_wait3A_70 = tpu.memref_slice %arg14[%dma_wait3A_68, %dma_wait3A_69] : memref<128x128xf32, #tpu.memory_space<vmem>> -> memref<128x128xf32, #tpu.memory_space<vmem>>
      tpu.wait_dma2 semaphore(%run_scoped3A : memref<!tpu.dma_semaphore, #tpu.memory_space<semaphore_mem>>) src(%dma_wait3A_70 : memref<128x128xf32, #tpu.memory_space<vmem>>) dst(%dma_wait3A_67 : memref<128x128xf32, #tpu.memory_space<vmem_shared>>)
      tpu.yield
    }) : () -> ()
    "tpu.region"() ({
      %run_scoped3A = tpu.sem_alloc : memref<!tpu.dma_semaphore, #tpu.memory_space<semaphore_mem>>
      %dma_start3A = arith.constant 0 : i32
      %dma_start3A_53 = arith.constant 0 : i32
      %dma_start3A_54 = tpu.memref_slice %arg15[%dma_start3A, %dma_start3A_53] : memref<128x16xf32, #tpu.memory_space<vmem>> -> memref<128x16xf32, #tpu.memory_space<vmem>>
      %dma_start3A_55 = arith.constant 0 : i32
      %dma_start3A_56 = tpu.memref_slice %arg17[%add3A_9, %dma_start3A_55] : memref<10112x16xf32, #tpu.memory_space<vmem_shared>> -> memref<128x16xf32, #tpu.memory_space<vmem_shared>>
      %dma_start3A_57 = arith.constant 0 : i32
      %dma_start3A_58 = tpu.memref_slice %arg17[%add3A_9, %dma_start3A_57] : memref<10112x16xf32, #tpu.memory_space<vmem_shared>> -> memref<128x16xf32, #tpu.memory_space<vmem_shared>>
      %dma_start3A_59 = arith.constant 0 : i32
      %dma_start3A_60 = arith.constant 0 : i32
      %dma_start3A_61 = tpu.memref_slice %arg15[%dma_start3A_59, %dma_start3A_60] : memref<128x16xf32, #tpu.memory_space<vmem>> -> memref<128x16xf32, #tpu.memory_space<vmem>>
      tpu.enqueue_dma source(%dma_start3A_61 : memref<128x16xf32, #tpu.memory_space<vmem>>) target(%dma_start3A_58 : memref<128x16xf32, #tpu.memory_space<vmem_shared>>) target_semaphore(%run_scoped3A : memref<!tpu.dma_semaphore, #tpu.memory_space<semaphore_mem>>)
      %dma_wait3A = arith.constant 0 : i32
      %dma_wait3A_62 = arith.constant 0 : i32
      %dma_wait3A_63 = tpu.memref_slice %arg15[%dma_wait3A, %dma_wait3A_62] : memref<128x16xf32, #tpu.memory_space<vmem>> -> memref<128x16xf32, #tpu.memory_space<vmem>>
      %dma_wait3A_64 = arith.constant 0 : i32
      %dma_wait3A_65 = tpu.memref_slice %arg17[%add3A_9, %dma_wait3A_64] : memref<10112x16xf32, #tpu.memory_space<vmem_shared>> -> memref<128x16xf32, #tpu.memory_space<vmem_shared>>
      %dma_wait3A_66 = arith.constant 0 : i32
      %dma_wait3A_67 = tpu.memref_slice %arg17[%add3A_9, %dma_wait3A_66] : memref<10112x16xf32, #tpu.memory_space<vmem_shared>> -> memref<128x16xf32, #tpu.memory_space<vmem_shared>>
      %dma_wait3A_68 = arith.constant 0 : i32
      %dma_wait3A_69 = arith.constant 0 : i32
      %dma_wait3A_70 = tpu.memref_slice %arg15[%dma_wait3A_68, %dma_wait3A_69] : memref<128x16xf32, #tpu.memory_space<vmem>> -> memref<128x16xf32, #tpu.memory_space<vmem>>
      tpu.wait_dma2 semaphore(%run_scoped3A : memref<!tpu.dma_semaphore, #tpu.memory_space<semaphore_mem>>) src(%dma_wait3A_70 : memref<128x16xf32, #tpu.memory_space<vmem>>) dst(%dma_wait3A_67 : memref<128x16xf32, #tpu.memory_space<vmem_shared>>)
      tpu.yield
    }) : () -> ()
    %mul3A_10 = arith.constant 632 : i32
    %mul3A_11 = arith.muli %arg1, %mul3A_10 : i32
    %add3A_12 = arith.constant 128 : i32
    %add3A_13 = arith.addi %mul3A_11, %add3A_12 : i32
    "tpu.region"() ({
      %run_scoped3A = tpu.sem_alloc : memref<!tpu.dma_semaphore, #tpu.memory_space<semaphore_mem>>
      %dma_start3A = arith.constant 0 : i32
      %dma_start3A_53 = arith.constant 0 : i32
      %dma_start3A_54 = tpu.memref_slice %arg14[%dma_start3A, %dma_start3A_53] : memref<128x128xf32, #tpu.memory_space<vmem>> -> memref<128x128xf32, #tpu.memory_space<vmem>>
      %dma_start3A_55 = arith.constant 0 : i32
      %dma_start3A_56 = tpu.memref_slice %arg16[%add3A_13, %dma_start3A_55] : memref<10112x128xf32, #tpu.memory_space<vmem_shared>> -> memref<128x128xf32, #tpu.memory_space<vmem_shared>>
      %dma_start3A_57 = arith.constant 0 : i32
      %dma_start3A_58 = tpu.memref_slice %arg16[%add3A_13, %dma_start3A_57] : memref<10112x128xf32, #tpu.memory_space<vmem_shared>> -> memref<128x128xf32, #tpu.memory_space<vmem_shared>>
      %dma_start3A_59 = arith.constant 0 : i32
      %dma_start3A_60 = arith.constant 0 : i32
      %dma_start3A_61 = tpu.memref_slice %arg14[%dma_start3A_59, %dma_start3A_60] : memref<128x128xf32, #tpu.memory_space<vmem>> -> memref<128x128xf32, #tpu.memory_space<vmem>>
      tpu.enqueue_dma source(%dma_start3A_61 : memref<128x128xf32, #tpu.memory_space<vmem>>) target(%dma_start3A_58 : memref<128x128xf32, #tpu.memory_space<vmem_shared>>) target_semaphore(%run_scoped3A : memref<!tpu.dma_semaphore, #tpu.memory_space<semaphore_mem>>)
      %dma_wait3A = arith.constant 0 : i32
      %dma_wait3A_62 = arith.constant 0 : i32
      %dma_wait3A_63 = tpu.memref_slice %arg14[%dma_wait3A, %dma_wait3A_62] : memref<128x128xf32, #tpu.memory_space<vmem>> -> memref<128x128xf32, #tpu.memory_space<vmem>>
      %dma_wait3A_64 = arith.constant 0 : i32
      %dma_wait3A_65 = tpu.memref_slice %arg16[%add3A_13, %dma_wait3A_64] : memref<10112x128xf32, #tpu.memory_space<vmem_shared>> -> memref<128x128xf32, #tpu.memory_space<vmem_shared>>
      %dma_wait3A_66 = arith.constant 0 : i32
      %dma_wait3A_67 = tpu.memref_slice %arg16[%add3A_13, %dma_wait3A_66] : memref<10112x128xf32, #tpu.memory_space<vmem_shared>> -> memref<128x128xf32, #tpu.memory_space<vmem_shared>>
      %dma_wait3A_68 = arith.constant 0 : i32
      %dma_wait3A_69 = arith.constant 0 : i32
      %dma_wait3A_70 = tpu.memref_slice %arg14[%dma_wait3A_68, %dma_wait3A_69] : memref<128x128xf32, #tpu.memory_space<vmem>> -> memref<128x128xf32, #tpu.memory_space<vmem>>
      tpu.wait_dma2 semaphore(%run_scoped3A : memref<!tpu.dma_semaphore, #tpu.memory_space<semaphore_mem>>) src(%dma_wait3A_70 : memref<128x128xf32, #tpu.memory_space<vmem>>) dst(%dma_wait3A_67 : memref<128x128xf32, #tpu.memory_space<vmem_shared>>)
      tpu.yield
    }) : () -> ()
    "tpu.region"() ({
      %run_scoped3A = tpu.sem_alloc : memref<!tpu.dma_semaphore, #tpu.memory_space<semaphore_mem>>
      %dma_start3A = arith.constant 0 : i32
      %dma_start3A_53 = arith.constant 0 : i32
      %dma_start3A_54 = tpu.memref_slice %arg15[%dma_start3A, %dma_start3A_53] : memref<128x16xf32, #tpu.memory_space<vmem>> -> memref<128x16xf32, #tpu.memory_space<vmem>>
      %dma_start3A_55 = arith.constant 0 : i32
      %dma_start3A_56 = tpu.memref_slice %arg17[%add3A_13, %dma_start3A_55] : memref<10112x16xf32, #tpu.memory_space<vmem_shared>> -> memref<128x16xf32, #tpu.memory_space<vmem_shared>>
      %dma_start3A_57 = arith.constant 0 : i32
      %dma_start3A_58 = tpu.memref_slice %arg17[%add3A_13, %dma_start3A_57] : memref<10112x16xf32, #tpu.memory_space<vmem_shared>> -> memref<128x16xf32, #tpu.memory_space<vmem_shared>>
      %dma_start3A_59 = arith.constant 0 : i32
      %dma_start3A_60 = arith.constant 0 : i32
      %dma_start3A_61 = tpu.memref_slice %arg15[%dma_start3A_59, %dma_start3A_60] : memref<128x16xf32, #tpu.memory_space<vmem>> -> memref<128x16xf32, #tpu.memory_space<vmem>>
      tpu.enqueue_dma source(%dma_start3A_61 : memref<128x16xf32, #tpu.memory_space<vmem>>) target(%dma_start3A_58 : memref<128x16xf32, #tpu.memory_space<vmem_shared>>) target_semaphore(%run_scoped3A : memref<!tpu.dma_semaphore, #tpu.memory_space<semaphore_mem>>)
      %dma_wait3A = arith.constant 0 : i32
      %dma_wait3A_62 = arith.constant 0 : i32
      %dma_wait3A_63 = tpu.memref_slice %arg15[%dma_wait3A, %dma_wait3A_62] : memref<128x16xf32, #tpu.memory_space<vmem>> -> memref<128x16xf32, #tpu.memory_space<vmem>>
      %dma_wait3A_64 = arith.constant 0 : i32
      %dma_wait3A_65 = tpu.memref_slice %arg17[%add3A_13, %dma_wait3A_64] : memref<10112x16xf32, #tpu.memory_space<vmem_shared>> -> memref<128x16xf32, #tpu.memory_space<vmem_shared>>
      %dma_wait3A_66 = arith.constant 0 : i32
      %dma_wait3A_67 = tpu.memref_slice %arg17[%add3A_13, %dma_wait3A_66] : memref<10112x16xf32, #tpu.memory_space<vmem_shared>> -> memref<128x16xf32, #tpu.memory_space<vmem_shared>>
      %dma_wait3A_68 = arith.constant 0 : i32
      %dma_wait3A_69 = arith.constant 0 : i32
      %dma_wait3A_70 = tpu.memref_slice %arg15[%dma_wait3A_68, %dma_wait3A_69] : memref<128x16xf32, #tpu.memory_space<vmem>> -> memref<128x16xf32, #tpu.memory_space<vmem>>
      tpu.wait_dma2 semaphore(%run_scoped3A : memref<!tpu.dma_semaphore, #tpu.memory_space<semaphore_mem>>) src(%dma_wait3A_70 : memref<128x16xf32, #tpu.memory_space<vmem>>) dst(%dma_wait3A_67 : memref<128x16xf32, #tpu.memory_space<vmem_shared>>)
      tpu.yield
    }) : () -> ()
    %mul3A_14 = arith.constant 632 : i32
    %mul3A_15 = arith.muli %arg1, %mul3A_14 : i32
    %add3A_16 = arith.constant 256 : i32
    %add3A_17 = arith.addi %mul3A_15, %add3A_16 : i32
    "tpu.region"() ({
      %run_scoped3A = tpu.sem_alloc : memref<!tpu.dma_semaphore, #tpu.memory_space<semaphore_mem>>
      %dma_start3A = arith.constant 0 : i32
      %dma_start3A_53 = arith.constant 0 : i32
      %dma_start3A_54 = tpu.memref_slice %arg14[%dma_start3A, %dma_start3A_53] : memref<128x128xf32, #tpu.memory_space<vmem>> -> memref<128x128xf32, #tpu.memory_space<vmem>>
      %dma_start3A_55 = arith.constant 0 : i32
      %dma_start3A_56 = tpu.memref_slice %arg16[%add3A_17, %dma_start3A_55] : memref<10112x128xf32, #tpu.memory_space<vmem_shared>> -> memref<128x128xf32, #tpu.memory_space<vmem_shared>>
      %dma_start3A_57 = arith.constant 0 : i32
      %dma_start3A_58 = tpu.memref_slice %arg16[%add3A_17, %dma_start3A_57] : memref<10112x128xf32, #tpu.memory_space<vmem_shared>> -> memref<128x128xf32, #tpu.memory_space<vmem_shared>>
      %dma_start3A_59 = arith.constant 0 : i32
      %dma_start3A_60 = arith.constant 0 : i32
      %dma_start3A_61 = tpu.memref_slice %arg14[%dma_start3A_59, %dma_start3A_60] : memref<128x128xf32, #tpu.memory_space<vmem>> -> memref<128x128xf32, #tpu.memory_space<vmem>>
      tpu.enqueue_dma source(%dma_start3A_61 : memref<128x128xf32, #tpu.memory_space<vmem>>) target(%dma_start3A_58 : memref<128x128xf32, #tpu.memory_space<vmem_shared>>) target_semaphore(%run_scoped3A : memref<!tpu.dma_semaphore, #tpu.memory_space<semaphore_mem>>)
      %dma_wait3A = arith.constant 0 : i32
      %dma_wait3A_62 = arith.constant 0 : i32
      %dma_wait3A_63 = tpu.memref_slice %arg14[%dma_wait3A, %dma_wait3A_62] : memref<128x128xf32, #tpu.memory_space<vmem>> -> memref<128x128xf32, #tpu.memory_space<vmem>>
      %dma_wait3A_64 = arith.constant 0 : i32
      %dma_wait3A_65 = tpu.memref_slice %arg16[%add3A_17, %dma_wait3A_64] : memref<10112x128xf32, #tpu.memory_space<vmem_shared>> -> memref<128x128xf32, #tpu.memory_space<vmem_shared>>
      %dma_wait3A_66 = arith.constant 0 : i32
      %dma_wait3A_67 = tpu.memref_slice %arg16[%add3A_17, %dma_wait3A_66] : memref<10112x128xf32, #tpu.memory_space<vmem_shared>> -> memref<128x128xf32, #tpu.memory_space<vmem_shared>>
      %dma_wait3A_68 = arith.constant 0 : i32
      %dma_wait3A_69 = arith.constant 0 : i32
      %dma_wait3A_70 = tpu.memref_slice %arg14[%dma_wait3A_68, %dma_wait3A_69] : memref<128x128xf32, #tpu.memory_space<vmem>> -> memref<128x128xf32, #tpu.memory_space<vmem>>
      tpu.wait_dma2 semaphore(%run_scoped3A : memref<!tpu.dma_semaphore, #tpu.memory_space<semaphore_mem>>) src(%dma_wait3A_70 : memref<128x128xf32, #tpu.memory_space<vmem>>) dst(%dma_wait3A_67 : memref<128x128xf32, #tpu.memory_space<vmem_shared>>)
      tpu.yield
    }) : () -> ()
    "tpu.region"() ({
      %run_scoped3A = tpu.sem_alloc : memref<!tpu.dma_semaphore, #tpu.memory_space<semaphore_mem>>
      %dma_start3A = arith.constant 0 : i32
      %dma_start3A_53 = arith.constant 0 : i32
      %dma_start3A_54 = tpu.memref_slice %arg15[%dma_start3A, %dma_start3A_53] : memref<128x16xf32, #tpu.memory_space<vmem>> -> memref<128x16xf32, #tpu.memory_space<vmem>>
      %dma_start3A_55 = arith.constant 0 : i32
      %dma_start3A_56 = tpu.memref_slice %arg17[%add3A_17, %dma_start3A_55] : memref<10112x16xf32, #tpu.memory_space<vmem_shared>> -> memref<128x16xf32, #tpu.memory_space<vmem_shared>>
      %dma_start3A_57 = arith.constant 0 : i32
      %dma_start3A_58 = tpu.memref_slice %arg17[%add3A_17, %dma_start3A_57] : memref<10112x16xf32, #tpu.memory_space<vmem_shared>> -> memref<128x16xf32, #tpu.memory_space<vmem_shared>>
      %dma_start3A_59 = arith.constant 0 : i32
      %dma_start3A_60 = arith.constant 0 : i32
      %dma_start3A_61 = tpu.memref_slice %arg15[%dma_start3A_59, %dma_start3A_60] : memref<128x16xf32, #tpu.memory_space<vmem>> -> memref<128x16xf32, #tpu.memory_space<vmem>>
      tpu.enqueue_dma source(%dma_start3A_61 : memref<128x16xf32, #tpu.memory_space<vmem>>) target(%dma_start3A_58 : memref<128x16xf32, #tpu.memory_space<vmem_shared>>) target_semaphore(%run_scoped3A : memref<!tpu.dma_semaphore, #tpu.memory_space<semaphore_mem>>)
      %dma_wait3A = arith.constant 0 : i32
      %dma_wait3A_62 = arith.constant 0 : i32
      %dma_wait3A_63 = tpu.memref_slice %arg15[%dma_wait3A, %dma_wait3A_62] : memref<128x16xf32, #tpu.memory_space<vmem>> -> memref<128x16xf32, #tpu.memory_space<vmem>>
      %dma_wait3A_64 = arith.constant 0 : i32
      %dma_wait3A_65 = tpu.memref_slice %arg17[%add3A_17, %dma_wait3A_64] : memref<10112x16xf32, #tpu.memory_space<vmem_shared>> -> memref<128x16xf32, #tpu.memory_space<vmem_shared>>
      %dma_wait3A_66 = arith.constant 0 : i32
      %dma_wait3A_67 = tpu.memref_slice %arg17[%add3A_17, %dma_wait3A_66] : memref<10112x16xf32, #tpu.memory_space<vmem_shared>> -> memref<128x16xf32, #tpu.memory_space<vmem_shared>>
      %dma_wait3A_68 = arith.constant 0 : i32
      %dma_wait3A_69 = arith.constant 0 : i32
      %dma_wait3A_70 = tpu.memref_slice %arg15[%dma_wait3A_68, %dma_wait3A_69] : memref<128x16xf32, #tpu.memory_space<vmem>> -> memref<128x16xf32, #tpu.memory_space<vmem>>
      tpu.wait_dma2 semaphore(%run_scoped3A : memref<!tpu.dma_semaphore, #tpu.memory_space<semaphore_mem>>) src(%dma_wait3A_70 : memref<128x16xf32, #tpu.memory_space<vmem>>) dst(%dma_wait3A_67 : memref<128x16xf32, #tpu.memory_space<vmem_shared>>)
      tpu.yield
    }) : () -> ()
    %mul3A_18 = arith.constant 632 : i32
    %mul3A_19 = arith.muli %arg1, %mul3A_18 : i32
    %add3A_20 = arith.constant 384 : i32
    %add3A_21 = arith.addi %mul3A_19, %add3A_20 : i32
    "tpu.region"() ({
      %run_scoped3A = tpu.sem_alloc : memref<!tpu.dma_semaphore, #tpu.memory_space<semaphore_mem>>
      %dma_start3A = arith.constant 0 : i32
      %dma_start3A_53 = arith.constant 0 : i32
      %dma_start3A_54 = tpu.memref_slice %arg14[%dma_start3A, %dma_start3A_53] : memref<128x128xf32, #tpu.memory_space<vmem>> -> memref<128x128xf32, #tpu.memory_space<vmem>>
      %dma_start3A_55 = arith.constant 0 : i32
      %dma_start3A_56 = tpu.memref_slice %arg16[%add3A_21, %dma_start3A_55] : memref<10112x128xf32, #tpu.memory_space<vmem_shared>> -> memref<128x128xf32, #tpu.memory_space<vmem_shared>>
      %dma_start3A_57 = arith.constant 0 : i32
      %dma_start3A_58 = tpu.memref_slice %arg16[%add3A_21, %dma_start3A_57] : memref<10112x128xf32, #tpu.memory_space<vmem_shared>> -> memref<128x128xf32, #tpu.memory_space<vmem_shared>>
      %dma_start3A_59 = arith.constant 0 : i32
      %dma_start3A_60 = arith.constant 0 : i32
      %dma_start3A_61 = tpu.memref_slice %arg14[%dma_start3A_59, %dma_start3A_60] : memref<128x128xf32, #tpu.memory_space<vmem>> -> memref<128x128xf32, #tpu.memory_space<vmem>>
      tpu.enqueue_dma source(%dma_start3A_61 : memref<128x128xf32, #tpu.memory_space<vmem>>) target(%dma_start3A_58 : memref<128x128xf32, #tpu.memory_space<vmem_shared>>) target_semaphore(%run_scoped3A : memref<!tpu.dma_semaphore, #tpu.memory_space<semaphore_mem>>)
      %dma_wait3A = arith.constant 0 : i32
      %dma_wait3A_62 = arith.constant 0 : i32
      %dma_wait3A_63 = tpu.memref_slice %arg14[%dma_wait3A, %dma_wait3A_62] : memref<128x128xf32, #tpu.memory_space<vmem>> -> memref<128x128xf32, #tpu.memory_space<vmem>>
      %dma_wait3A_64 = arith.constant 0 : i32
      %dma_wait3A_65 = tpu.memref_slice %arg16[%add3A_21, %dma_wait3A_64] : memref<10112x128xf32, #tpu.memory_space<vmem_shared>> -> memref<128x128xf32, #tpu.memory_space<vmem_shared>>
      %dma_wait3A_66 = arith.constant 0 : i32
      %dma_wait3A_67 = tpu.memref_slice %arg16[%add3A_21, %dma_wait3A_66] : memref<10112x128xf32, #tpu.memory_space<vmem_shared>> -> memref<128x128xf32, #tpu.memory_space<vmem_shared>>
      %dma_wait3A_68 = arith.constant 0 : i32
      %dma_wait3A_69 = arith.constant 0 : i32
      %dma_wait3A_70 = tpu.memref_slice %arg14[%dma_wait3A_68, %dma_wait3A_69] : memref<128x128xf32, #tpu.memory_space<vmem>> -> memref<128x128xf32, #tpu.memory_space<vmem>>
      tpu.wait_dma2 semaphore(%run_scoped3A : memref<!tpu.dma_semaphore, #tpu.memory_space<semaphore_mem>>) src(%dma_wait3A_70 : memref<128x128xf32, #tpu.memory_space<vmem>>) dst(%dma_wait3A_67 : memref<128x128xf32, #tpu.memory_space<vmem_shared>>)
      tpu.yield
    }) : () -> ()
    "tpu.region"() ({
      %run_scoped3A = tpu.sem_alloc : memref<!tpu.dma_semaphore, #tpu.memory_space<semaphore_mem>>
      %dma_start3A = arith.constant 0 : i32
      %dma_start3A_53 = arith.constant 0 : i32
      %dma_start3A_54 = tpu.memref_slice %arg15[%dma_start3A, %dma_start3A_53] : memref<128x16xf32, #tpu.memory_space<vmem>> -> memref<128x16xf32, #tpu.memory_space<vmem>>
      %dma_start3A_55 = arith.constant 0 : i32
      %dma_start3A_56 = tpu.memref_slice %arg17[%add3A_21, %dma_start3A_55] : memref<10112x16xf32, #tpu.memory_space<vmem_shared>> -> memref<128x16xf32, #tpu.memory_space<vmem_shared>>
      %dma_start3A_57 = arith.constant 0 : i32
      %dma_start3A_58 = tpu.memref_slice %arg17[%add3A_21, %dma_start3A_57] : memref<10112x16xf32, #tpu.memory_space<vmem_shared>> -> memref<128x16xf32, #tpu.memory_space<vmem_shared>>
      %dma_start3A_59 = arith.constant 0 : i32
      %dma_start3A_60 = arith.constant 0 : i32
      %dma_start3A_61 = tpu.memref_slice %arg15[%dma_start3A_59, %dma_start3A_60] : memref<128x16xf32, #tpu.memory_space<vmem>> -> memref<128x16xf32, #tpu.memory_space<vmem>>
      tpu.enqueue_dma source(%dma_start3A_61 : memref<128x16xf32, #tpu.memory_space<vmem>>) target(%dma_start3A_58 : memref<128x16xf32, #tpu.memory_space<vmem_shared>>) target_semaphore(%run_scoped3A : memref<!tpu.dma_semaphore, #tpu.memory_space<semaphore_mem>>)
      %dma_wait3A = arith.constant 0 : i32
      %dma_wait3A_62 = arith.constant 0 : i32
      %dma_wait3A_63 = tpu.memref_slice %arg15[%dma_wait3A, %dma_wait3A_62] : memref<128x16xf32, #tpu.memory_space<vmem>> -> memref<128x16xf32, #tpu.memory_space<vmem>>
      %dma_wait3A_64 = arith.constant 0 : i32
      %dma_wait3A_65 = tpu.memref_slice %arg17[%add3A_21, %dma_wait3A_64] : memref<10112x16xf32, #tpu.memory_space<vmem_shared>> -> memref<128x16xf32, #tpu.memory_space<vmem_shared>>
      %dma_wait3A_66 = arith.constant 0 : i32
      %dma_wait3A_67 = tpu.memref_slice %arg17[%add3A_21, %dma_wait3A_66] : memref<10112x16xf32, #tpu.memory_space<vmem_shared>> -> memref<128x16xf32, #tpu.memory_space<vmem_shared>>
      %dma_wait3A_68 = arith.constant 0 : i32
      %dma_wait3A_69 = arith.constant 0 : i32
      %dma_wait3A_70 = tpu.memref_slice %arg15[%dma_wait3A_68, %dma_wait3A_69] : memref<128x16xf32, #tpu.memory_space<vmem>> -> memref<128x16xf32, #tpu.memory_space<vmem>>
      tpu.wait_dma2 semaphore(%run_scoped3A : memref<!tpu.dma_semaphore, #tpu.memory_space<semaphore_mem>>) src(%dma_wait3A_70 : memref<128x16xf32, #tpu.memory_space<vmem>>) dst(%dma_wait3A_67 : memref<128x16xf32, #tpu.memory_space<vmem_shared>>)
      tpu.yield
    }) : () -> ()
    %mul3A_22 = arith.constant 632 : i32
    %mul3A_23 = arith.muli %arg1, %mul3A_22 : i32
    %add3A_24 = arith.constant 512 : i32
    %add3A_25 = arith.addi %mul3A_23, %add3A_24 : i32
    "tpu.region"() ({
      %run_scoped3A = tpu.sem_alloc : memref<!tpu.dma_semaphore, #tpu.memory_space<semaphore_mem>>
      %dma_start3A = arith.constant 0 : i32
      %dma_start3A_53 = arith.constant 0 : i32
      %dma_start3A_54 = tpu.memref_slice %arg14[%dma_start3A, %dma_start3A_53] : memref<128x128xf32, #tpu.memory_space<vmem>> -> memref<120x128xf32, #tpu.memory_space<vmem>>
      %dma_start3A_55 = arith.constant 0 : i32
      %dma_start3A_56 = tpu.memref_slice %arg16[%add3A_25, %dma_start3A_55] : memref<10112x128xf32, #tpu.memory_space<vmem_shared>> -> memref<120x128xf32, #tpu.memory_space<vmem_shared>>
      %dma_start3A_57 = arith.constant 0 : i32
      %dma_start3A_58 = tpu.memref_slice %arg16[%add3A_25, %dma_start3A_57] : memref<10112x128xf32, #tpu.memory_space<vmem_shared>> -> memref<120x128xf32, #tpu.memory_space<vmem_shared>>
      %dma_start3A_59 = arith.constant 0 : i32
      %dma_start3A_60 = arith.constant 0 : i32
      %dma_start3A_61 = tpu.memref_slice %arg14[%dma_start3A_59, %dma_start3A_60] : memref<128x128xf32, #tpu.memory_space<vmem>> -> memref<120x128xf32, #tpu.memory_space<vmem>>
      tpu.enqueue_dma source(%dma_start3A_61 : memref<120x128xf32, #tpu.memory_space<vmem>>) target(%dma_start3A_58 : memref<120x128xf32, #tpu.memory_space<vmem_shared>>) target_semaphore(%run_scoped3A : memref<!tpu.dma_semaphore, #tpu.memory_space<semaphore_mem>>)
      %dma_wait3A = arith.constant 0 : i32
      %dma_wait3A_62 = arith.constant 0 : i32
      %dma_wait3A_63 = tpu.memref_slice %arg14[%dma_wait3A, %dma_wait3A_62] : memref<128x128xf32, #tpu.memory_space<vmem>> -> memref<120x128xf32, #tpu.memory_space<vmem>>
      %dma_wait3A_64 = arith.constant 0 : i32
      %dma_wait3A_65 = tpu.memref_slice %arg16[%add3A_25, %dma_wait3A_64] : memref<10112x128xf32, #tpu.memory_space<vmem_shared>> -> memref<120x128xf32, #tpu.memory_space<vmem_shared>>
      %dma_wait3A_66 = arith.constant 0 : i32
      %dma_wait3A_67 = tpu.memref_slice %arg16[%add3A_25, %dma_wait3A_66] : memref<10112x128xf32, #tpu.memory_space<vmem_shared>> -> memref<120x128xf32, #tpu.memory_space<vmem_shared>>
      %dma_wait3A_68 = arith.constant 0 : i32
      %dma_wait3A_69 = arith.constant 0 : i32
      %dma_wait3A_70 = tpu.memref_slice %arg14[%dma_wait3A_68, %dma_wait3A_69] : memref<128x128xf32, #tpu.memory_space<vmem>> -> memref<120x128xf32, #tpu.memory_space<vmem>>
      tpu.wait_dma2 semaphore(%run_scoped3A : memref<!tpu.dma_semaphore, #tpu.memory_space<semaphore_mem>>) src(%dma_wait3A_70 : memref<120x128xf32, #tpu.memory_space<vmem>>) dst(%dma_wait3A_67 : memref<120x128xf32, #tpu.memory_space<vmem_shared>>)
      tpu.yield
    }) : () -> ()
    "tpu.region"() ({
      %run_scoped3A = tpu.sem_alloc : memref<!tpu.dma_semaphore, #tpu.memory_space<semaphore_mem>>
      %dma_start3A = arith.constant 0 : i32
      %dma_start3A_53 = arith.constant 0 : i32
      %dma_start3A_54 = tpu.memref_slice %arg15[%dma_start3A, %dma_start3A_53] : memref<128x16xf32, #tpu.memory_space<vmem>> -> memref<120x16xf32, #tpu.memory_space<vmem>>
      %dma_start3A_55 = arith.constant 0 : i32
      %dma_start3A_56 = tpu.memref_slice %arg17[%add3A_25, %dma_start3A_55] : memref<10112x16xf32, #tpu.memory_space<vmem_shared>> -> memref<120x16xf32, #tpu.memory_space<vmem_shared>>
      %dma_start3A_57 = arith.constant 0 : i32
      %dma_start3A_58 = tpu.memref_slice %arg17[%add3A_25, %dma_start3A_57] : memref<10112x16xf32, #tpu.memory_space<vmem_shared>> -> memref<120x16xf32, #tpu.memory_space<vmem_shared>>
      %dma_start3A_59 = arith.constant 0 : i32
      %dma_start3A_60 = arith.constant 0 : i32
      %dma_start3A_61 = tpu.memref_slice %arg15[%dma_start3A_59, %dma_start3A_60] : memref<128x16xf32, #tpu.memory_space<vmem>> -> memref<120x16xf32, #tpu.memory_space<vmem>>
      tpu.enqueue_dma source(%dma_start3A_61 : memref<120x16xf32, #tpu.memory_space<vmem>>) target(%dma_start3A_58 : memref<120x16xf32, #tpu.memory_space<vmem_shared>>) target_semaphore(%run_scoped3A : memref<!tpu.dma_semaphore, #tpu.memory_space<semaphore_mem>>)
      %dma_wait3A = arith.constant 0 : i32
      %dma_wait3A_62 = arith.constant 0 : i32
      %dma_wait3A_63 = tpu.memref_slice %arg15[%dma_wait3A, %dma_wait3A_62] : memref<128x16xf32, #tpu.memory_space<vmem>> -> memref<120x16xf32, #tpu.memory_space<vmem>>
      %dma_wait3A_64 = arith.constant 0 : i32
      %dma_wait3A_65 = tpu.memref_slice %arg17[%add3A_25, %dma_wait3A_64] : memref<10112x16xf32, #tpu.memory_space<vmem_shared>> -> memref<120x16xf32, #tpu.memory_space<vmem_shared>>
      %dma_wait3A_66 = arith.constant 0 : i32
      %dma_wait3A_67 = tpu.memref_slice %arg17[%add3A_25, %dma_wait3A_66] : memref<10112x16xf32, #tpu.memory_space<vmem_shared>> -> memref<120x16xf32, #tpu.memory_space<vmem_shared>>
      %dma_wait3A_68 = arith.constant 0 : i32
      %dma_wait3A_69 = arith.constant 0 : i32
      %dma_wait3A_70 = tpu.memref_slice %arg15[%dma_wait3A_68, %dma_wait3A_69] : memref<128x16xf32, #tpu.memory_space<vmem>> -> memref<120x16xf32, #tpu.memory_space<vmem>>
      tpu.wait_dma2 semaphore(%run_scoped3A : memref<!tpu.dma_semaphore, #tpu.memory_space<semaphore_mem>>) src(%dma_wait3A_70 : memref<120x16xf32, #tpu.memory_space<vmem>>) dst(%dma_wait3A_67 : memref<120x16xf32, #tpu.memory_space<vmem_shared>>)
      tpu.yield
    }) : () -> ()
    %barrier3A = arith.constant 0 : index
    tpu.barrier barrier_id(%barrier3A)
    %scan3A_26 = arith.constant 0 : i32
    %scan3A_27 = arith.constant 0 : i32
    %scan3A_28 = arith.constant 81 : i32
    %scan3A_29 = arith.addi %scan3A_27, %scan3A_28 : i32
    %scan3A_30 = arith.constant 1 : i32
    scf.for %scan3A_53 = %scan3A_27 to %scan3A_29 step %scan3A_30  : i32 {
      %mul3A_54 = arith.constant 10368 : i32
      %mul3A_55 = arith.muli %add3A, %mul3A_54 : i32
      %mul3A_56 = arith.constant 128 : i32
      %mul3A_57 = arith.muli %scan3A_53, %mul3A_56 : i32
      %add3A_58 = arith.addi %mul3A_55, %mul3A_57 : i32
      "tpu.region"() ({
        %run_scoped3A = tpu.sem_alloc : memref<!tpu.dma_semaphore, #tpu.memory_space<semaphore_mem>>
        %dma_start3A_199 = tpu.memref_slice %arg5[%add3A_58] : memref<331776xi32, #tpu.memory_space<hbm>> -> memref<128xi32, #tpu.memory_space<hbm>>
        %dma_start3A_200 = tpu.memref_slice %arg5[%add3A_58] : memref<331776xi32, #tpu.memory_space<hbm>> -> memref<128xi32, #tpu.memory_space<hbm>>
        tpu.enqueue_dma source(%dma_start3A_200 : memref<128xi32, #tpu.memory_space<hbm>>) target(%arg11 : memref<128xi32, #tpu.memory_space<vmem>>) target_semaphore(%run_scoped3A : memref<!tpu.dma_semaphore, #tpu.memory_space<semaphore_mem>>)
        %dma_wait3A_201 = tpu.memref_slice %arg5[%add3A_58] : memref<331776xi32, #tpu.memory_space<hbm>> -> memref<128xi32, #tpu.memory_space<hbm>>
        %dma_wait3A_202 = tpu.memref_slice %arg5[%add3A_58] : memref<331776xi32, #tpu.memory_space<hbm>> -> memref<128xi32, #tpu.memory_space<hbm>>
        tpu.wait_dma2 semaphore(%run_scoped3A : memref<!tpu.dma_semaphore, #tpu.memory_space<semaphore_mem>>) src(%dma_wait3A_202 : memref<128xi32, #tpu.memory_space<hbm>>) dst(%arg11 : memref<128xi32, #tpu.memory_space<vmem>>)
        tpu.yield
      }) : () -> ()
      "tpu.region"() ({
        %run_scoped3A = tpu.sem_alloc : memref<!tpu.dma_semaphore, #tpu.memory_space<semaphore_mem>>
        %dma_start3A_199 = tpu.memref_slice %arg6[%add3A_58] : memref<331776xi32, #tpu.memory_space<hbm>> -> memref<128xi32, #tpu.memory_space<hbm>>
        %dma_start3A_200 = tpu.memref_slice %arg6[%add3A_58] : memref<331776xi32, #tpu.memory_space<hbm>> -> memref<128xi32, #tpu.memory_space<hbm>>
        tpu.enqueue_dma source(%dma_start3A_200 : memref<128xi32, #tpu.memory_space<hbm>>) target(%arg12 : memref<128xi32, #tpu.memory_space<vmem>>) target_semaphore(%run_scoped3A : memref<!tpu.dma_semaphore, #tpu.memory_space<semaphore_mem>>)
        %dma_wait3A_201 = tpu.memref_slice %arg6[%add3A_58] : memref<331776xi32, #tpu.memory_space<hbm>> -> memref<128xi32, #tpu.memory_space<hbm>>
        %dma_wait3A_202 = tpu.memref_slice %arg6[%add3A_58] : memref<331776xi32, #tpu.memory_space<hbm>> -> memref<128xi32, #tpu.memory_space<hbm>>
        tpu.wait_dma2 semaphore(%run_scoped3A : memref<!tpu.dma_semaphore, #tpu.memory_space<semaphore_mem>>) src(%dma_wait3A_202 : memref<128xi32, #tpu.memory_space<hbm>>) dst(%arg12 : memref<128xi32, #tpu.memory_space<vmem>>)
        tpu.yield
      }) : () -> ()
      %get3A = arith.constant 0 : index
      %get3A_59 = tpu.vector_load %arg11[%get3A] {strides = array<i32>} : memref<128xi32, #tpu.memory_space<vmem>>, vector<16xi32>,
      %get3A_60 = arith.constant 0 : index
      %get3A_61 = tpu.vector_load %arg12[%get3A_60] {strides = array<i32>} : memref<128xi32, #tpu.memory_space<vmem>>, vector<16xi32>,
      %gather3A = tpu.vector_load_idx %arg9[%get3A_59] : memref<10112xf32, #tpu.memory_space<vmem>>[vector<16xi32>], vector<16xf32>,
      %gather3A_62 = tpu.vector_load_idx %arg10[%get3A_61] : memref<10112xf32, #tpu.memory_space<vmem>>[vector<16xi32>], vector<16xf32>,
      %add3A_63 = arith.addf %gather3A, %gather3A_62 : vector<16xf32>
      %gt3A = arith.constant 0.000000e+00 : f32
      %gt3A_64 = vector.broadcast %gt3A : f32 to vector<16xf32>
      %gt3A_65 = arith.cmpf ogt, %add3A_63, %gt3A_64 : vector<16xf32>
      %mul3A_66 = arith.constant 2.000000e-01 : f32
      %mul3A_67 = vector.broadcast %mul3A_66 : f32 to vector<16xf32>
      %mul3A_68 = arith.mulf %mul3A_67, %add3A_63 : vector<16xf32>
      %select_n3A = arith.select %gt3A_65, %add3A_63, %mul3A_68 : vector<16xi1>, vector<16xf32>
      %exp3A = math.exp %select_n3A : vector<16xf32>
      %swap3A = arith.constant 0 : index
      %swap3A_69 = tpu.vector_load %arg13[%swap3A] {strides = array<i32>} : memref<128xf32, #tpu.memory_space<vmem>>, vector<16xf32>,
      tpu.vector_store %arg13[%swap3A], %exp3A {strides = array<i32>} : memref<128xf32, #tpu.memory_space<vmem>>, vector<16xf32>,
      %get3A_70 = arith.constant 16 : index
      %get3A_71 = tpu.vector_load %arg11[%get3A_70] {strides = array<i32>} : memref<128xi32, #tpu.memory_space<vmem>>, vector<16xi32>,
      %get3A_72 = arith.constant 16 : index
      %get3A_73 = tpu.vector_load %arg12[%get3A_72] {strides = array<i32>} : memref<128xi32, #tpu.memory_space<vmem>>, vector<16xi32>,
      %gather3A_74 = tpu.vector_load_idx %arg9[%get3A_71] : memref<10112xf32, #tpu.memory_space<vmem>>[vector<16xi32>], vector<16xf32>,
      %gather3A_75 = tpu.vector_load_idx %arg10[%get3A_73] : memref<10112xf32, #tpu.memory_space<vmem>>[vector<16xi32>], vector<16xf32>,
      %add3A_76 = arith.addf %gather3A_74, %gather3A_75 : vector<16xf32>
      %gt3A_77 = arith.constant 0.000000e+00 : f32
      %gt3A_78 = vector.broadcast %gt3A_77 : f32 to vector<16xf32>
      %gt3A_79 = arith.cmpf ogt, %add3A_76, %gt3A_78 : vector<16xf32>
      %mul3A_80 = arith.constant 2.000000e-01 : f32
      %mul3A_81 = vector.broadcast %mul3A_80 : f32 to vector<16xf32>
      %mul3A_82 = arith.mulf %mul3A_81, %add3A_76 : vector<16xf32>
      %select_n3A_83 = arith.select %gt3A_79, %add3A_76, %mul3A_82 : vector<16xi1>, vector<16xf32>
      %exp3A_84 = math.exp %select_n3A_83 : vector<16xf32>
      %swap3A_85 = arith.constant 16 : index
      %swap3A_86 = tpu.vector_load %arg13[%swap3A_85] {strides = array<i32>} : memref<128xf32, #tpu.memory_space<vmem>>, vector<16xf32>,
      tpu.vector_store %arg13[%swap3A_85], %exp3A_84 {strides = array<i32>} : memref<128xf32, #tpu.memory_space<vmem>>, vector<16xf32>,
      %get3A_87 = arith.constant 32 : index
      %get3A_88 = tpu.vector_load %arg11[%get3A_87] {strides = array<i32>} : memref<128xi32, #tpu.memory_space<vmem>>, vector<16xi32>,
      %get3A_89 = arith.constant 32 : index
      %get3A_90 = tpu.vector_load %arg12[%get3A_89] {strides = array<i32>} : memref<128xi32, #tpu.memory_space<vmem>>, vector<16xi32>,
      %gather3A_91 = tpu.vector_load_idx %arg9[%get3A_88] : memref<10112xf32, #tpu.memory_space<vmem>>[vector<16xi32>], vector<16xf32>,
      %gather3A_92 = tpu.vector_load_idx %arg10[%get3A_90] : memref<10112xf32, #tpu.memory_space<vmem>>[vector<16xi32>], vector<16xf32>,
      %add3A_93 = arith.addf %gather3A_91, %gather3A_92 : vector<16xf32>
      %gt3A_94 = arith.constant 0.000000e+00 : f32
      %gt3A_95 = vector.broadcast %gt3A_94 : f32 to vector<16xf32>
      %gt3A_96 = arith.cmpf ogt, %add3A_93, %gt3A_95 : vector<16xf32>
      %mul3A_97 = arith.constant 2.000000e-01 : f32
      %mul3A_98 = vector.broadcast %mul3A_97 : f32 to vector<16xf32>
      %mul3A_99 = arith.mulf %mul3A_98, %add3A_93 : vector<16xf32>
      %select_n3A_100 = arith.select %gt3A_96, %add3A_93, %mul3A_99 : vector<16xi1>, vector<16xf32>
      %exp3A_101 = math.exp %select_n3A_100 : vector<16xf32>
      %swap3A_102 = arith.constant 32 : index
      %swap3A_103 = tpu.vector_load %arg13[%swap3A_102] {strides = array<i32>} : memref<128xf32, #tpu.memory_space<vmem>>, vector<16xf32>,
      tpu.vector_store %arg13[%swap3A_102], %exp3A_101 {strides = array<i32>} : memref<128xf32, #tpu.memory_space<vmem>>, vector<16xf32>,
      %get3A_104 = arith.constant 48 : index
      %get3A_105 = tpu.vector_load %arg11[%get3A_104] {strides = array<i32>} : memref<128xi32, #tpu.memory_space<vmem>>, vector<16xi32>,
      %get3A_106 = arith.constant 48 : index
      %get3A_107 = tpu.vector_load %arg12[%get3A_106] {strides = array<i32>} : memref<128xi32, #tpu.memory_space<vmem>>, vector<16xi32>,
      %gather3A_108 = tpu.vector_load_idx %arg9[%get3A_105] : memref<10112xf32, #tpu.memory_space<vmem>>[vector<16xi32>], vector<16xf32>,
      %gather3A_109 = tpu.vector_load_idx %arg10[%get3A_107] : memref<10112xf32, #tpu.memory_space<vmem>>[vector<16xi32>], vector<16xf32>,
      %add3A_110 = arith.addf %gather3A_108, %gather3A_109 : vector<16xf32>
      %gt3A_111 = arith.constant 0.000000e+00 : f32
      %gt3A_112 = vector.broadcast %gt3A_111 : f32 to vector<16xf32>
      %gt3A_113 = arith.cmpf ogt, %add3A_110, %gt3A_112 : vector<16xf32>
      %mul3A_114 = arith.constant 2.000000e-01 : f32
      %mul3A_115 = vector.broadcast %mul3A_114 : f32 to vector<16xf32>
      %mul3A_116 = arith.mulf %mul3A_115, %add3A_110 : vector<16xf32>
      %select_n3A_117 = arith.select %gt3A_113, %add3A_110, %mul3A_116 : vector<16xi1>, vector<16xf32>
      %exp3A_118 = math.exp %select_n3A_117 : vector<16xf32>
      %swap3A_119 = arith.constant 48 : index
      %swap3A_120 = tpu.vector_load %arg13[%swap3A_119] {strides = array<i32>} : memref<128xf32, #tpu.memory_space<vmem>>, vector<16xf32>,
      tpu.vector_store %arg13[%swap3A_119], %exp3A_118 {strides = array<i32>} : memref<128xf32, #tpu.memory_space<vmem>>, vector<16xf32>,
      %get3A_121 = arith.constant 64 : index
      %get3A_122 = tpu.vector_load %arg11[%get3A_121] {strides = array<i32>} : memref<128xi32, #tpu.memory_space<vmem>>, vector<16xi32>,
      %get3A_123 = arith.constant 64 : index
      %get3A_124 = tpu.vector_load %arg12[%get3A_123] {strides = array<i32>} : memref<128xi32, #tpu.memory_space<vmem>>, vector<16xi32>,
      %gather3A_125 = tpu.vector_load_idx %arg9[%get3A_122] : memref<10112xf32, #tpu.memory_space<vmem>>[vector<16xi32>], vector<16xf32>,
      %gather3A_126 = tpu.vector_load_idx %arg10[%get3A_124] : memref<10112xf32, #tpu.memory_space<vmem>>[vector<16xi32>], vector<16xf32>,
      %add3A_127 = arith.addf %gather3A_125, %gather3A_126 : vector<16xf32>
      %gt3A_128 = arith.constant 0.000000e+00 : f32
      %gt3A_129 = vector.broadcast %gt3A_128 : f32 to vector<16xf32>
      %gt3A_130 = arith.cmpf ogt, %add3A_127, %gt3A_129 : vector<16xf32>
      %mul3A_131 = arith.constant 2.000000e-01 : f32
      %mul3A_132 = vector.broadcast %mul3A_131 : f32 to vector<16xf32>
      %mul3A_133 = arith.mulf %mul3A_132, %add3A_127 : vector<16xf32>
      %select_n3A_134 = arith.select %gt3A_130, %add3A_127, %mul3A_133 : vector<16xi1>, vector<16xf32>
      %exp3A_135 = math.exp %select_n3A_134 : vector<16xf32>
      %swap3A_136 = arith.constant 64 : index
      %swap3A_137 = tpu.vector_load %arg13[%swap3A_136] {strides = array<i32>} : memref<128xf32, #tpu.memory_space<vmem>>, vector<16xf32>,
      tpu.vector_store %arg13[%swap3A_136], %exp3A_135 {strides = array<i32>} : memref<128xf32, #tpu.memory_space<vmem>>, vector<16xf32>,
      %get3A_138 = arith.constant 80 : index
      %get3A_139 = tpu.vector_load %arg11[%get3A_138] {strides = array<i32>} : memref<128xi32, #tpu.memory_space<vmem>>, vector<16xi32>,
      %get3A_140 = arith.constant 80 : index
      %get3A_141 = tpu.vector_load %arg12[%get3A_140] {strides = array<i32>} : memref<128xi32, #tpu.memory_space<vmem>>, vector<16xi32>,
      %gather3A_142 = tpu.vector_load_idx %arg9[%get3A_139] : memref<10112xf32, #tpu.memory_space<vmem>>[vector<16xi32>], vector<16xf32>,
      %gather3A_143 = tpu.vector_load_idx %arg10[%get3A_141] : memref<10112xf32, #tpu.memory_space<vmem>>[vector<16xi32>], vector<16xf32>,
      %add3A_144 = arith.addf %gather3A_142, %gather3A_143 : vector<16xf32>
      %gt3A_145 = arith.constant 0.000000e+00 : f32
      %gt3A_146 = vector.broadcast %gt3A_145 : f32 to vector<16xf32>
      %gt3A_147 = arith.cmpf ogt, %add3A_144, %gt3A_146 : vector<16xf32>
      %mul3A_148 = arith.constant 2.000000e-01 : f32
      %mul3A_149 = vector.broadcast %mul3A_148 : f32 to vector<16xf32>
      %mul3A_150 = arith.mulf %mul3A_149, %add3A_144 : vector<16xf32>
      %select_n3A_151 = arith.select %gt3A_147, %add3A_144, %mul3A_150 : vector<16xi1>, vector<16xf32>
      %exp3A_152 = math.exp %select_n3A_151 : vector<16xf32>
      %swap3A_153 = arith.constant 80 : index
      %swap3A_154 = tpu.vector_load %arg13[%swap3A_153] {strides = array<i32>} : memref<128xf32, #tpu.memory_space<vmem>>, vector<16xf32>,
      tpu.vector_store %arg13[%swap3A_153], %exp3A_152 {strides = array<i32>} : memref<128xf32, #tpu.memory_space<vmem>>, vector<16xf32>,
      %get3A_155 = arith.constant 96 : index
      %get3A_156 = tpu.vector_load %arg11[%get3A_155] {strides = array<i32>} : memref<128xi32, #tpu.memory_space<vmem>>, vector<16xi32>,
      %get3A_157 = arith.constant 96 : index
      %get3A_158 = tpu.vector_load %arg12[%get3A_157] {strides = array<i32>} : memref<128xi32, #tpu.memory_space<vmem>>, vector<16xi32>,
      %gather3A_159 = tpu.vector_load_idx %arg9[%get3A_156] : memref<10112xf32, #tpu.memory_space<vmem>>[vector<16xi32>], vector<16xf32>,
      %gather3A_160 = tpu.vector_load_idx %arg10[%get3A_158] : memref<10112xf32, #tpu.memory_space<vmem>>[vector<16xi32>], vector<16xf32>,
      %add3A_161 = arith.addf %gather3A_159, %gather3A_160 : vector<16xf32>
      %gt3A_162 = arith.constant 0.000000e+00 : f32
      %gt3A_163 = vector.broadcast %gt3A_162 : f32 to vector<16xf32>
      %gt3A_164 = arith.cmpf ogt, %add3A_161, %gt3A_163 : vector<16xf32>
      %mul3A_165 = arith.constant 2.000000e-01 : f32
      %mul3A_166 = vector.broadcast %mul3A_165 : f32 to vector<16xf32>
      %mul3A_167 = arith.mulf %mul3A_166, %add3A_161 : vector<16xf32>
      %select_n3A_168 = arith.select %gt3A_164, %add3A_161, %mul3A_167 : vector<16xi1>, vector<16xf32>
      %exp3A_169 = math.exp %select_n3A_168 : vector<16xf32>
      %swap3A_170 = arith.constant 96 : index
      %swap3A_171 = tpu.vector_load %arg13[%swap3A_170] {strides = array<i32>} : memref<128xf32, #tpu.memory_space<vmem>>, vector<16xf32>,
      tpu.vector_store %arg13[%swap3A_170], %exp3A_169 {strides = array<i32>} : memref<128xf32, #tpu.memory_space<vmem>>, vector<16xf32>,
      %get3A_172 = arith.constant 112 : index
      %get3A_173 = tpu.vector_load %arg11[%get3A_172] {strides = array<i32>} : memref<128xi32, #tpu.memory_space<vmem>>, vector<16xi32>,
      %get3A_174 = arith.constant 112 : index
      %get3A_175 = tpu.vector_load %arg12[%get3A_174] {strides = array<i32>} : memref<128xi32, #tpu.memory_space<vmem>>, vector<16xi32>,
      %gather3A_176 = tpu.vector_load_idx %arg9[%get3A_173] : memref<10112xf32, #tpu.memory_space<vmem>>[vector<16xi32>], vector<16xf32>,
      %gather3A_177 = tpu.vector_load_idx %arg10[%get3A_175] : memref<10112xf32, #tpu.memory_space<vmem>>[vector<16xi32>], vector<16xf32>,
      %add3A_178 = arith.addf %gather3A_176, %gather3A_177 : vector<16xf32>
      %gt3A_179 = arith.constant 0.000000e+00 : f32
      %gt3A_180 = vector.broadcast %gt3A_179 : f32 to vector<16xf32>
      %gt3A_181 = arith.cmpf ogt, %add3A_178, %gt3A_180 : vector<16xf32>
      %mul3A_182 = arith.constant 2.000000e-01 : f32
      %mul3A_183 = vector.broadcast %mul3A_182 : f32 to vector<16xf32>
      %mul3A_184 = arith.mulf %mul3A_183, %add3A_178 : vector<16xf32>
      %select_n3A_185 = arith.select %gt3A_181, %add3A_178, %mul3A_184 : vector<16xi1>, vector<16xf32>
      %exp3A_186 = math.exp %select_n3A_185 : vector<16xf32>
      %swap3A_187 = arith.constant 112 : index
      %swap3A_188 = tpu.vector_load %arg13[%swap3A_187] {strides = array<i32>} : memref<128xf32, #tpu.memory_space<vmem>>, vector<16xf32>,
      tpu.vector_store %arg13[%swap3A_187], %exp3A_186 {strides = array<i32>} : memref<128xf32, #tpu.memory_space<vmem>>, vector<16xf32>,
      %dma_start3A = arith.constant 0 : i32
      %dma_start3A_189 = arith.constant 0 : i32
      %dma_start3A_190 = tpu.memref_slice %arg2[%dma_start3A, %dma_start3A_189] : memref<10112x128xf32, #tpu.memory_space<hbm>> -> memref<10112x128xf32, #tpu.memory_space<hbm>>
      tpu.enqueue_indirect_dma source(%dma_start3A_190 : memref<10112x128xf32, #tpu.memory_space<hbm>>) target(%arg14 : memref<128x128xf32, #tpu.memory_space<vmem>>) offsets(%arg11 : memref<128xi32, #tpu.memory_space<vmem>>) semaphore(%arg18 : memref<!tpu.dma_semaphore, #tpu.memory_space<semaphore_mem>>)
      %dma_wait3A = arith.constant 0 : i32
      %dma_wait3A_191 = arith.constant 0 : i32
      %dma_wait3A_192 = tpu.memref_slice %arg2[%dma_wait3A, %dma_wait3A_191] : memref<10112x128xf32, #tpu.memory_space<hbm>> -> memref<10112x128xf32, #tpu.memory_space<hbm>>
      tpu.wait_indirect_dma semaphore(%arg18 : memref<!tpu.dma_semaphore, #tpu.memory_space<semaphore_mem>>) src(%dma_wait3A_192 : memref<10112x128xf32, #tpu.memory_space<hbm>>) dst(%arg14 : memref<128x128xf32, #tpu.memory_space<vmem>>)
      %scan3A_193 = arith.constant 0 : i32
      %scan3A_194 = arith.constant 0 : i32
      %scan3A_195 = arith.constant 128 : i32
      %scan3A_196 = arith.addi %scan3A_194, %scan3A_195 : i32
      %scan3A_197 = arith.constant 1 : i32
      scf.for %scan3A_199 = %scan3A_194 to %scan3A_196 step %scan3A_197  : i32 {
        %broadcast_in_dim3A = vector.broadcast %scan3A_199 : i32 to vector<16xi32>
        %gather3A_200 = tpu.vector_load_idx %arg13[%broadcast_in_dim3A] : memref<128xf32, #tpu.memory_space<vmem>>[vector<16xi32>], vector<16xf32>,
        %get3A_201 = arith.index_cast %scan3A_199 : i32 to index
        %get3A_202 = arith.constant 0 : index
        %get3A_203 = tpu.vector_load %arg14[%get3A_201, %get3A_202] {strides = array<i32>} : memref<128x128xf32, #tpu.memory_space<vmem>>, vector<16xf32>,
        %mul3A_204 = arith.mulf %get3A_203, %gather3A_200 : vector<16xf32>
        %swap3A_205 = arith.index_cast %scan3A_199 : i32 to index
        %swap3A_206 = arith.constant 0 : index
        %swap3A_207 = tpu.vector_load %arg14[%swap3A_205, %swap3A_206] {strides = array<i32>} : memref<128x128xf32, #tpu.memory_space<vmem>>, vector<16xf32>,
        tpu.vector_store %arg14[%swap3A_205, %swap3A_206], %mul3A_204 {strides = array<i32>} : memref<128x128xf32, #tpu.memory_space<vmem>>, vector<16xf32>,
        %get3A_208 = arith.index_cast %scan3A_199 : i32 to index
        %get3A_209 = arith.constant 16 : index
        %get3A_210 = tpu.vector_load %arg14[%get3A_208, %get3A_209] {strides = array<i32>} : memref<128x128xf32, #tpu.memory_space<vmem>>, vector<16xf32>,
        %mul3A_211 = arith.mulf %get3A_210, %gather3A_200 : vector<16xf32>
        %swap3A_212 = arith.index_cast %scan3A_199 : i32 to index
        %swap3A_213 = arith.constant 16 : index
        %swap3A_214 = tpu.vector_load %arg14[%swap3A_212, %swap3A_213] {strides = array<i32>} : memref<128x128xf32, #tpu.memory_space<vmem>>, vector<16xf32>,
        tpu.vector_store %arg14[%swap3A_212, %swap3A_213], %mul3A_211 {strides = array<i32>} : memref<128x128xf32, #tpu.memory_space<vmem>>, vector<16xf32>,
        %get3A_215 = arith.index_cast %scan3A_199 : i32 to index
        %get3A_216 = arith.constant 32 : index
        %get3A_217 = tpu.vector_load %arg14[%get3A_215, %get3A_216] {strides = array<i32>} : memref<128x128xf32, #tpu.memory_space<vmem>>, vector<16xf32>,
        %mul3A_218 = arith.mulf %get3A_217, %gather3A_200 : vector<16xf32>
        %swap3A_219 = arith.index_cast %scan3A_199 : i32 to index
        %swap3A_220 = arith.constant 32 : index
        %swap3A_221 = tpu.vector_load %arg14[%swap3A_219, %swap3A_220] {strides = array<i32>} : memref<128x128xf32, #tpu.memory_space<vmem>>, vector<16xf32>,
        tpu.vector_store %arg14[%swap3A_219, %swap3A_220], %mul3A_218 {strides = array<i32>} : memref<128x128xf32, #tpu.memory_space<vmem>>, vector<16xf32>,
        %get3A_222 = arith.index_cast %scan3A_199 : i32 to index
        %get3A_223 = arith.constant 48 : index
        %get3A_224 = tpu.vector_load %arg14[%get3A_222, %get3A_223] {strides = array<i32>} : memref<128x128xf32, #tpu.memory_space<vmem>>, vector<16xf32>,
        %mul3A_225 = arith.mulf %get3A_224, %gather3A_200 : vector<16xf32>
        %swap3A_226 = arith.index_cast %scan3A_199 : i32 to index
        %swap3A_227 = arith.constant 48 : index
        %swap3A_228 = tpu.vector_load %arg14[%swap3A_226, %swap3A_227] {strides = array<i32>} : memref<128x128xf32, #tpu.memory_space<vmem>>, vector<16xf32>,
        tpu.vector_store %arg14[%swap3A_226, %swap3A_227], %mul3A_225 {strides = array<i32>} : memref<128x128xf32, #tpu.memory_space<vmem>>, vector<16xf32>,
        %get3A_229 = arith.index_cast %scan3A_199 : i32 to index
        %get3A_230 = arith.constant 64 : index
        %get3A_231 = tpu.vector_load %arg14[%get3A_229, %get3A_230] {strides = array<i32>} : memref<128x128xf32, #tpu.memory_space<vmem>>, vector<16xf32>,
        %mul3A_232 = arith.mulf %get3A_231, %gather3A_200 : vector<16xf32>
        %swap3A_233 = arith.index_cast %scan3A_199 : i32 to index
        %swap3A_234 = arith.constant 64 : index
        %swap3A_235 = tpu.vector_load %arg14[%swap3A_233, %swap3A_234] {strides = array<i32>} : memref<128x128xf32, #tpu.memory_space<vmem>>, vector<16xf32>,
        tpu.vector_store %arg14[%swap3A_233, %swap3A_234], %mul3A_232 {strides = array<i32>} : memref<128x128xf32, #tpu.memory_space<vmem>>, vector<16xf32>,
        %get3A_236 = arith.index_cast %scan3A_199 : i32 to index
        %get3A_237 = arith.constant 80 : index
        %get3A_238 = tpu.vector_load %arg14[%get3A_236, %get3A_237] {strides = array<i32>} : memref<128x128xf32, #tpu.memory_space<vmem>>, vector<16xf32>,
        %mul3A_239 = arith.mulf %get3A_238, %gather3A_200 : vector<16xf32>
        %swap3A_240 = arith.index_cast %scan3A_199 : i32 to index
        %swap3A_241 = arith.constant 80 : index
        %swap3A_242 = tpu.vector_load %arg14[%swap3A_240, %swap3A_241] {strides = array<i32>} : memref<128x128xf32, #tpu.memory_space<vmem>>, vector<16xf32>,
        tpu.vector_store %arg14[%swap3A_240, %swap3A_241], %mul3A_239 {strides = array<i32>} : memref<128x128xf32, #tpu.memory_space<vmem>>, vector<16xf32>,
        %get3A_243 = arith.index_cast %scan3A_199 : i32 to index
        %get3A_244 = arith.constant 96 : index
        %get3A_245 = tpu.vector_load %arg14[%get3A_243, %get3A_244] {strides = array<i32>} : memref<128x128xf32, #tpu.memory_space<vmem>>, vector<16xf32>,
        %mul3A_246 = arith.mulf %get3A_245, %gather3A_200 : vector<16xf32>
        %swap3A_247 = arith.index_cast %scan3A_199 : i32 to index
        %swap3A_248 = arith.constant 96 : index
        %swap3A_249 = tpu.vector_load %arg14[%swap3A_247, %swap3A_248] {strides = array<i32>} : memref<128x128xf32, #tpu.memory_space<vmem>>, vector<16xf32>,
        tpu.vector_store %arg14[%swap3A_247, %swap3A_248], %mul3A_246 {strides = array<i32>} : memref<128x128xf32, #tpu.memory_space<vmem>>, vector<16xf32>,
        %get3A_250 = arith.index_cast %scan3A_199 : i32 to index
        %get3A_251 = arith.constant 112 : index
        %get3A_252 = tpu.vector_load %arg14[%get3A_250, %get3A_251] {strides = array<i32>} : memref<128x128xf32, #tpu.memory_space<vmem>>, vector<16xf32>,
        %mul3A_253 = arith.mulf %get3A_252, %gather3A_200 : vector<16xf32>
        %swap3A_254 = arith.index_cast %scan3A_199 : i32 to index
        %swap3A_255 = arith.constant 112 : index
        %swap3A_256 = tpu.vector_load %arg14[%swap3A_254, %swap3A_255] {strides = array<i32>} : memref<128x128xf32, #tpu.memory_space<vmem>>, vector<16xf32>,
        tpu.vector_store %arg14[%swap3A_254, %swap3A_255], %mul3A_253 {strides = array<i32>} : memref<128x128xf32, #tpu.memory_space<vmem>>, vector<16xf32>,
        %swap3A_257 = arith.index_cast %scan3A_199 : i32 to index
        %swap3A_258 = arith.constant 0 : index
        %swap3A_259 = tpu.vector_load %arg15[%swap3A_257, %swap3A_258] {strides = array<i32>} : memref<128x16xf32, #tpu.memory_space<vmem>>, vector<16xf32>,
        tpu.vector_store %arg15[%swap3A_257, %swap3A_258], %gather3A_200 {strides = array<i32>} : memref<128x16xf32, #tpu.memory_space<vmem>>, vector<16xf32>,
      }
      %scan3A_198 = arith.constant 128 : i32
      "tpu.region"() ({
        %run_scoped3A = tpu.sem_alloc : memref<!tpu.dma_semaphore, #tpu.memory_space<semaphore_mem>>
        %dma_start3A_199 = arith.constant 0 : i32
        %dma_start3A_200 = arith.constant 0 : i32
        %dma_start3A_201 = tpu.memref_slice %arg16[%dma_start3A_199, %dma_start3A_200] : memref<10112x128xf32, #tpu.memory_space<vmem_shared>> -> memref<10112x128xf32, #tpu.memory_space<vmem_shared>>
        tpu.enqueue_indirect_dma source(%arg14 : memref<128x128xf32, #tpu.memory_space<vmem>>) target(%dma_start3A_201 : memref<10112x128xf32, #tpu.memory_space<vmem_shared>>) offsets(%arg12 : memref<128xi32, #tpu.memory_space<vmem>>) semaphore(%run_scoped3A : memref<!tpu.dma_semaphore, #tpu.memory_space<semaphore_mem>>) {add = true}
        %dma_wait3A_202 = arith.constant 0 : i32
        %dma_wait3A_203 = arith.constant 0 : i32
        %dma_wait3A_204 = tpu.memref_slice %arg16[%dma_wait3A_202, %dma_wait3A_203] : memref<10112x128xf32, #tpu.memory_space<vmem_shared>> -> memref<10112x128xf32, #tpu.memory_space<vmem_shared>>
        tpu.wait_indirect_dma semaphore(%run_scoped3A : memref<!tpu.dma_semaphore, #tpu.memory_space<semaphore_mem>>) src(%arg14 : memref<128x128xf32, #tpu.memory_space<vmem>>) dst(%dma_wait3A_204 : memref<10112x128xf32, #tpu.memory_space<vmem_shared>>)
        tpu.yield
      }) : () -> ()
      "tpu.region"() ({
        %run_scoped3A = tpu.sem_alloc : memref<!tpu.dma_semaphore, #tpu.memory_space<semaphore_mem>>
        %dma_start3A_199 = arith.constant 0 : i32
        %dma_start3A_200 = arith.constant 0 : i32
        %dma_start3A_201 = tpu.memref_slice %arg17[%dma_start3A_199, %dma_start3A_200] : memref<10112x16xf32, #tpu.memory_space<vmem_shared>> -> memref<10112x16xf32, #tpu.memory_space<vmem_shared>>
        tpu.enqueue_indirect_dma source(%arg15 : memref<128x16xf32, #tpu.memory_space<vmem>>) target(%dma_start3A_201 : memref<10112x16xf32, #tpu.memory_space<vmem_shared>>) offsets(%arg12 : memref<128xi32, #tpu.memory_space<vmem>>) semaphore(%run_scoped3A : memref<!tpu.dma_semaphore, #tpu.memory_space<semaphore_mem>>) {add = true}
        %dma_wait3A_202 = arith.constant 0 : i32
        %dma_wait3A_203 = arith.constant 0 : i32
        %dma_wait3A_204 = tpu.memref_slice %arg17[%dma_wait3A_202, %dma_wait3A_203] : memref<10112x16xf32, #tpu.memory_space<vmem_shared>> -> memref<10112x16xf32, #tpu.memory_space<vmem_shared>>
        tpu.wait_indirect_dma semaphore(%run_scoped3A : memref<!tpu.dma_semaphore, #tpu.memory_space<semaphore_mem>>) src(%arg15 : memref<128x16xf32, #tpu.memory_space<vmem>>) dst(%dma_wait3A_204 : memref<10112x16xf32, #tpu.memory_space<vmem_shared>>)
        tpu.yield
      }) : () -> ()
    }
    %scan3A_31 = arith.constant 81 : i32
    %barrier3A_32 = arith.constant 0 : index
    tpu.barrier barrier_id(%barrier3A_32)
    %mul3A_33 = arith.constant 632 : i32
    %mul3A_34 = arith.muli %arg1, %mul3A_33 : i32
    %add3A_35 = arith.constant 0 : i32
    %add3A_36 = arith.addi %mul3A_34, %add3A_35 : i32
    "tpu.region"() ({
      %run_scoped3A = tpu.sem_alloc : memref<!tpu.dma_semaphore, #tpu.memory_space<semaphore_mem>>
      %dma_start3A = arith.constant 0 : i32
      %dma_start3A_53 = tpu.memref_slice %arg7[%arg0, %add3A_36, %dma_start3A] : memref<2x10112x128xf32, #tpu.memory_space<hbm>> -> memref<1x128x128xf32, #tpu.memory_space<hbm>>
      %dma_start3A_54 = tpu.memref_squeeze %dma_start3A_53 : memref<1x128x128xf32, #tpu.memory_space<hbm>> -> memref<128x128xf32, #tpu.memory_space<hbm>>
      %dma_start3A_55 = arith.constant 0 : i32
      %dma_start3A_56 = tpu.memref_slice %arg16[%add3A_36, %dma_start3A_55] : memref<10112x128xf32, #tpu.memory_space<vmem_shared>> -> memref<128x128xf32, #tpu.memory_space<vmem_shared>>
      tpu.enqueue_dma source(%dma_start3A_56 : memref<128x128xf32, #tpu.memory_space<vmem_shared>>) target(%dma_start3A_54 : memref<128x128xf32, #tpu.memory_space<hbm>>) target_semaphore(%run_scoped3A : memref<!tpu.dma_semaphore, #tpu.memory_space<semaphore_mem>>)
      %dma_wait3A = arith.constant 0 : i32
      %dma_wait3A_57 = tpu.memref_slice %arg7[%arg0, %add3A_36, %dma_wait3A] : memref<2x10112x128xf32, #tpu.memory_space<hbm>> -> memref<1x128x128xf32, #tpu.memory_space<hbm>>
      %dma_wait3A_58 = tpu.memref_squeeze %dma_wait3A_57 : memref<1x128x128xf32, #tpu.memory_space<hbm>> -> memref<128x128xf32, #tpu.memory_space<hbm>>
      %dma_wait3A_59 = arith.constant 0 : i32
      %dma_wait3A_60 = tpu.memref_slice %arg16[%add3A_36, %dma_wait3A_59] : memref<10112x128xf32, #tpu.memory_space<vmem_shared>> -> memref<128x128xf32, #tpu.memory_space<vmem_shared>>
      tpu.wait_dma2 semaphore(%run_scoped3A : memref<!tpu.dma_semaphore, #tpu.memory_space<semaphore_mem>>) src(%dma_wait3A_60 : memref<128x128xf32, #tpu.memory_space<vmem_shared>>) dst(%dma_wait3A_58 : memref<128x128xf32, #tpu.memory_space<hbm>>)
      tpu.yield
    }) : () -> ()
    "tpu.region"() ({
      %run_scoped3A = tpu.sem_alloc : memref<!tpu.dma_semaphore, #tpu.memory_space<semaphore_mem>>
      %dma_start3A = arith.constant 0 : i32
      %dma_start3A_53 = tpu.memref_slice %arg8[%arg0, %add3A_36, %dma_start3A] : memref<2x10112x16xf32, #tpu.memory_space<hbm>> -> memref<1x128x16xf32, #tpu.memory_space<hbm>>
      %dma_start3A_54 = tpu.memref_squeeze %dma_start3A_53 : memref<1x128x16xf32, #tpu.memory_space<hbm>> -> memref<128x16xf32, #tpu.memory_space<hbm>>
      %dma_start3A_55 = arith.constant 0 : i32
      %dma_start3A_56 = tpu.memref_slice %arg17[%add3A_36, %dma_start3A_55] : memref<10112x16xf32, #tpu.memory_space<vmem_shared>> -> memref<128x16xf32, #tpu.memory_space<vmem_shared>>
      tpu.enqueue_dma source(%dma_start3A_56 : memref<128x16xf32, #tpu.memory_space<vmem_shared>>) target(%dma_start3A_54 : memref<128x16xf32, #tpu.memory_space<hbm>>) target_semaphore(%run_scoped3A : memref<!tpu.dma_semaphore, #tpu.memory_space<semaphore_mem>>)
      %dma_wait3A = arith.constant 0 : i32
      %dma_wait3A_57 = tpu.memref_slice %arg8[%arg0, %add3A_36, %dma_wait3A] : memref<2x10112x16xf32, #tpu.memory_space<hbm>> -> memref<1x128x16xf32, #tpu.memory_space<hbm>>
      %dma_wait3A_58 = tpu.memref_squeeze %dma_wait3A_57 : memref<1x128x16xf32, #tpu.memory_space<hbm>> -> memref<128x16xf32, #tpu.memory_space<hbm>>
      %dma_wait3A_59 = arith.constant 0 : i32
      %dma_wait3A_60 = tpu.memref_slice %arg17[%add3A_36, %dma_wait3A_59] : memref<10112x16xf32, #tpu.memory_space<vmem_shared>> -> memref<128x16xf32, #tpu.memory_space<vmem_shared>>
      tpu.wait_dma2 semaphore(%run_scoped3A : memref<!tpu.dma_semaphore, #tpu.memory_space<semaphore_mem>>) src(%dma_wait3A_60 : memref<128x16xf32, #tpu.memory_space<vmem_shared>>) dst(%dma_wait3A_58 : memref<128x16xf32, #tpu.memory_space<hbm>>)
      tpu.yield
    }) : () -> ()
    %mul3A_37 = arith.constant 632 : i32
    %mul3A_38 = arith.muli %arg1, %mul3A_37 : i32
    %add3A_39 = arith.constant 128 : i32
    %add3A_40 = arith.addi %mul3A_38, %add3A_39 : i32
    "tpu.region"() ({
      %run_scoped3A = tpu.sem_alloc : memref<!tpu.dma_semaphore, #tpu.memory_space<semaphore_mem>>
      %dma_start3A = arith.constant 0 : i32
      %dma_start3A_53 = tpu.memref_slice %arg7[%arg0, %add3A_40, %dma_start3A] : memref<2x10112x128xf32, #tpu.memory_space<hbm>> -> memref<1x128x128xf32, #tpu.memory_space<hbm>>
      %dma_start3A_54 = tpu.memref_squeeze %dma_start3A_53 : memref<1x128x128xf32, #tpu.memory_space<hbm>> -> memref<128x128xf32, #tpu.memory_space<hbm>>
      %dma_start3A_55 = arith.constant 0 : i32
      %dma_start3A_56 = tpu.memref_slice %arg16[%add3A_40, %dma_start3A_55] : memref<10112x128xf32, #tpu.memory_space<vmem_shared>> -> memref<128x128xf32, #tpu.memory_space<vmem_shared>>
      tpu.enqueue_dma source(%dma_start3A_56 : memref<128x128xf32, #tpu.memory_space<vmem_shared>>) target(%dma_start3A_54 : memref<128x128xf32, #tpu.memory_space<hbm>>) target_semaphore(%run_scoped3A : memref<!tpu.dma_semaphore, #tpu.memory_space<semaphore_mem>>)
      %dma_wait3A = arith.constant 0 : i32
      %dma_wait3A_57 = tpu.memref_slice %arg7[%arg0, %add3A_40, %dma_wait3A] : memref<2x10112x128xf32, #tpu.memory_space<hbm>> -> memref<1x128x128xf32, #tpu.memory_space<hbm>>
      %dma_wait3A_58 = tpu.memref_squeeze %dma_wait3A_57 : memref<1x128x128xf32, #tpu.memory_space<hbm>> -> memref<128x128xf32, #tpu.memory_space<hbm>>
      %dma_wait3A_59 = arith.constant 0 : i32
      %dma_wait3A_60 = tpu.memref_slice %arg16[%add3A_40, %dma_wait3A_59] : memref<10112x128xf32, #tpu.memory_space<vmem_shared>> -> memref<128x128xf32, #tpu.memory_space<vmem_shared>>
      tpu.wait_dma2 semaphore(%run_scoped3A : memref<!tpu.dma_semaphore, #tpu.memory_space<semaphore_mem>>) src(%dma_wait3A_60 : memref<128x128xf32, #tpu.memory_space<vmem_shared>>) dst(%dma_wait3A_58 : memref<128x128xf32, #tpu.memory_space<hbm>>)
      tpu.yield
    }) : () -> ()
    "tpu.region"() ({
      %run_scoped3A = tpu.sem_alloc : memref<!tpu.dma_semaphore, #tpu.memory_space<semaphore_mem>>
      %dma_start3A = arith.constant 0 : i32
      %dma_start3A_53 = tpu.memref_slice %arg8[%arg0, %add3A_40, %dma_start3A] : memref<2x10112x16xf32, #tpu.memory_space<hbm>> -> memref<1x128x16xf32, #tpu.memory_space<hbm>>
      %dma_start3A_54 = tpu.memref_squeeze %dma_start3A_53 : memref<1x128x16xf32, #tpu.memory_space<hbm>> -> memref<128x16xf32, #tpu.memory_space<hbm>>
      %dma_start3A_55 = arith.constant 0 : i32
      %dma_start3A_56 = tpu.memref_slice %arg17[%add3A_40, %dma_start3A_55] : memref<10112x16xf32, #tpu.memory_space<vmem_shared>> -> memref<128x16xf32, #tpu.memory_space<vmem_shared>>
      tpu.enqueue_dma source(%dma_start3A_56 : memref<128x16xf32, #tpu.memory_space<vmem_shared>>) target(%dma_start3A_54 : memref<128x16xf32, #tpu.memory_space<hbm>>) target_semaphore(%run_scoped3A : memref<!tpu.dma_semaphore, #tpu.memory_space<semaphore_mem>>)
      %dma_wait3A = arith.constant 0 : i32
      %dma_wait3A_57 = tpu.memref_slice %arg8[%arg0, %add3A_40, %dma_wait3A] : memref<2x10112x16xf32, #tpu.memory_space<hbm>> -> memref<1x128x16xf32, #tpu.memory_space<hbm>>
      %dma_wait3A_58 = tpu.memref_squeeze %dma_wait3A_57 : memref<1x128x16xf32, #tpu.memory_space<hbm>> -> memref<128x16xf32, #tpu.memory_space<hbm>>
      %dma_wait3A_59 = arith.constant 0 : i32
      %dma_wait3A_60 = tpu.memref_slice %arg17[%add3A_40, %dma_wait3A_59] : memref<10112x16xf32, #tpu.memory_space<vmem_shared>> -> memref<128x16xf32, #tpu.memory_space<vmem_shared>>
      tpu.wait_dma2 semaphore(%run_scoped3A : memref<!tpu.dma_semaphore, #tpu.memory_space<semaphore_mem>>) src(%dma_wait3A_60 : memref<128x16xf32, #tpu.memory_space<vmem_shared>>) dst(%dma_wait3A_58 : memref<128x16xf32, #tpu.memory_space<hbm>>)
      tpu.yield
    }) : () -> ()
    %mul3A_41 = arith.constant 632 : i32
    %mul3A_42 = arith.muli %arg1, %mul3A_41 : i32
    %add3A_43 = arith.constant 256 : i32
    %add3A_44 = arith.addi %mul3A_42, %add3A_43 : i32
    "tpu.region"() ({
      %run_scoped3A = tpu.sem_alloc : memref<!tpu.dma_semaphore, #tpu.memory_space<semaphore_mem>>
      %dma_start3A = arith.constant 0 : i32
      %dma_start3A_53 = tpu.memref_slice %arg7[%arg0, %add3A_44, %dma_start3A] : memref<2x10112x128xf32, #tpu.memory_space<hbm>> -> memref<1x128x128xf32, #tpu.memory_space<hbm>>
      %dma_start3A_54 = tpu.memref_squeeze %dma_start3A_53 : memref<1x128x128xf32, #tpu.memory_space<hbm>> -> memref<128x128xf32, #tpu.memory_space<hbm>>
      %dma_start3A_55 = arith.constant 0 : i32
      %dma_start3A_56 = tpu.memref_slice %arg16[%add3A_44, %dma_start3A_55] : memref<10112x128xf32, #tpu.memory_space<vmem_shared>> -> memref<128x128xf32, #tpu.memory_space<vmem_shared>>
      tpu.enqueue_dma source(%dma_start3A_56 : memref<128x128xf32, #tpu.memory_space<vmem_shared>>) target(%dma_start3A_54 : memref<128x128xf32, #tpu.memory_space<hbm>>) target_semaphore(%run_scoped3A : memref<!tpu.dma_semaphore, #tpu.memory_space<semaphore_mem>>)
      %dma_wait3A = arith.constant 0 : i32
      %dma_wait3A_57 = tpu.memref_slice %arg7[%arg0, %add3A_44, %dma_wait3A] : memref<2x10112x128xf32, #tpu.memory_space<hbm>> -> memref<1x128x128xf32, #tpu.memory_space<hbm>>
      %dma_wait3A_58 = tpu.memref_squeeze %dma_wait3A_57 : memref<1x128x128xf32, #tpu.memory_space<hbm>> -> memref<128x128xf32, #tpu.memory_space<hbm>>
      %dma_wait3A_59 = arith.constant 0 : i32
      %dma_wait3A_60 = tpu.memref_slice %arg16[%add3A_44, %dma_wait3A_59] : memref<10112x128xf32, #tpu.memory_space<vmem_shared>> -> memref<128x128xf32, #tpu.memory_space<vmem_shared>>
      tpu.wait_dma2 semaphore(%run_scoped3A : memref<!tpu.dma_semaphore, #tpu.memory_space<semaphore_mem>>) src(%dma_wait3A_60 : memref<128x128xf32, #tpu.memory_space<vmem_shared>>) dst(%dma_wait3A_58 : memref<128x128xf32, #tpu.memory_space<hbm>>)
      tpu.yield
    }) : () -> ()
    "tpu.region"() ({
      %run_scoped3A = tpu.sem_alloc : memref<!tpu.dma_semaphore, #tpu.memory_space<semaphore_mem>>
      %dma_start3A = arith.constant 0 : i32
      %dma_start3A_53 = tpu.memref_slice %arg8[%arg0, %add3A_44, %dma_start3A] : memref<2x10112x16xf32, #tpu.memory_space<hbm>> -> memref<1x128x16xf32, #tpu.memory_space<hbm>>
      %dma_start3A_54 = tpu.memref_squeeze %dma_start3A_53 : memref<1x128x16xf32, #tpu.memory_space<hbm>> -> memref<128x16xf32, #tpu.memory_space<hbm>>
      %dma_start3A_55 = arith.constant 0 : i32
      %dma_start3A_56 = tpu.memref_slice %arg17[%add3A_44, %dma_start3A_55] : memref<10112x16xf32, #tpu.memory_space<vmem_shared>> -> memref<128x16xf32, #tpu.memory_space<vmem_shared>>
      tpu.enqueue_dma source(%dma_start3A_56 : memref<128x16xf32, #tpu.memory_space<vmem_shared>>) target(%dma_start3A_54 : memref<128x16xf32, #tpu.memory_space<hbm>>) target_semaphore(%run_scoped3A : memref<!tpu.dma_semaphore, #tpu.memory_space<semaphore_mem>>)
      %dma_wait3A = arith.constant 0 : i32
      %dma_wait3A_57 = tpu.memref_slice %arg8[%arg0, %add3A_44, %dma_wait3A] : memref<2x10112x16xf32, #tpu.memory_space<hbm>> -> memref<1x128x16xf32, #tpu.memory_space<hbm>>
      %dma_wait3A_58 = tpu.memref_squeeze %dma_wait3A_57 : memref<1x128x16xf32, #tpu.memory_space<hbm>> -> memref<128x16xf32, #tpu.memory_space<hbm>>
      %dma_wait3A_59 = arith.constant 0 : i32
      %dma_wait3A_60 = tpu.memref_slice %arg17[%add3A_44, %dma_wait3A_59] : memref<10112x16xf32, #tpu.memory_space<vmem_shared>> -> memref<128x16xf32, #tpu.memory_space<vmem_shared>>
      tpu.wait_dma2 semaphore(%run_scoped3A : memref<!tpu.dma_semaphore, #tpu.memory_space<semaphore_mem>>) src(%dma_wait3A_60 : memref<128x16xf32, #tpu.memory_space<vmem_shared>>) dst(%dma_wait3A_58 : memref<128x16xf32, #tpu.memory_space<hbm>>)
      tpu.yield
    }) : () -> ()
    %mul3A_45 = arith.constant 632 : i32
    %mul3A_46 = arith.muli %arg1, %mul3A_45 : i32
    %add3A_47 = arith.constant 384 : i32
    %add3A_48 = arith.addi %mul3A_46, %add3A_47 : i32
    "tpu.region"() ({
      %run_scoped3A = tpu.sem_alloc : memref<!tpu.dma_semaphore, #tpu.memory_space<semaphore_mem>>
      %dma_start3A = arith.constant 0 : i32
      %dma_start3A_53 = tpu.memref_slice %arg7[%arg0, %add3A_48, %dma_start3A] : memref<2x10112x128xf32, #tpu.memory_space<hbm>> -> memref<1x128x128xf32, #tpu.memory_space<hbm>>
      %dma_start3A_54 = tpu.memref_squeeze %dma_start3A_53 : memref<1x128x128xf32, #tpu.memory_space<hbm>> -> memref<128x128xf32, #tpu.memory_space<hbm>>
      %dma_start3A_55 = arith.constant 0 : i32
      %dma_start3A_56 = tpu.memref_slice %arg16[%add3A_48, %dma_start3A_55] : memref<10112x128xf32, #tpu.memory_space<vmem_shared>> -> memref<128x128xf32, #tpu.memory_space<vmem_shared>>
      tpu.enqueue_dma source(%dma_start3A_56 : memref<128x128xf32, #tpu.memory_space<vmem_shared>>) target(%dma_start3A_54 : memref<128x128xf32, #tpu.memory_space<hbm>>) target_semaphore(%run_scoped3A : memref<!tpu.dma_semaphore, #tpu.memory_space<semaphore_mem>>)
      %dma_wait3A = arith.constant 0 : i32
      %dma_wait3A_57 = tpu.memref_slice %arg7[%arg0, %add3A_48, %dma_wait3A] : memref<2x10112x128xf32, #tpu.memory_space<hbm>> -> memref<1x128x128xf32, #tpu.memory_space<hbm>>
      %dma_wait3A_58 = tpu.memref_squeeze %dma_wait3A_57 : memref<1x128x128xf32, #tpu.memory_space<hbm>> -> memref<128x128xf32, #tpu.memory_space<hbm>>
      %dma_wait3A_59 = arith.constant 0 : i32
      %dma_wait3A_60 = tpu.memref_slice %arg16[%add3A_48, %dma_wait3A_59] : memref<10112x128xf32, #tpu.memory_space<vmem_shared>> -> memref<128x128xf32, #tpu.memory_space<vmem_shared>>
      tpu.wait_dma2 semaphore(%run_scoped3A : memref<!tpu.dma_semaphore, #tpu.memory_space<semaphore_mem>>) src(%dma_wait3A_60 : memref<128x128xf32, #tpu.memory_space<vmem_shared>>) dst(%dma_wait3A_58 : memref<128x128xf32, #tpu.memory_space<hbm>>)
      tpu.yield
    }) : () -> ()
    "tpu.region"() ({
      %run_scoped3A = tpu.sem_alloc : memref<!tpu.dma_semaphore, #tpu.memory_space<semaphore_mem>>
      %dma_start3A = arith.constant 0 : i32
      %dma_start3A_53 = tpu.memref_slice %arg8[%arg0, %add3A_48, %dma_start3A] : memref<2x10112x16xf32, #tpu.memory_space<hbm>> -> memref<1x128x16xf32, #tpu.memory_space<hbm>>
      %dma_start3A_54 = tpu.memref_squeeze %dma_start3A_53 : memref<1x128x16xf32, #tpu.memory_space<hbm>> -> memref<128x16xf32, #tpu.memory_space<hbm>>
      %dma_start3A_55 = arith.constant 0 : i32
      %dma_start3A_56 = tpu.memref_slice %arg17[%add3A_48, %dma_start3A_55] : memref<10112x16xf32, #tpu.memory_space<vmem_shared>> -> memref<128x16xf32, #tpu.memory_space<vmem_shared>>
      tpu.enqueue_dma source(%dma_start3A_56 : memref<128x16xf32, #tpu.memory_space<vmem_shared>>) target(%dma_start3A_54 : memref<128x16xf32, #tpu.memory_space<hbm>>) target_semaphore(%run_scoped3A : memref<!tpu.dma_semaphore, #tpu.memory_space<semaphore_mem>>)
      %dma_wait3A = arith.constant 0 : i32
      %dma_wait3A_57 = tpu.memref_slice %arg8[%arg0, %add3A_48, %dma_wait3A] : memref<2x10112x16xf32, #tpu.memory_space<hbm>> -> memref<1x128x16xf32, #tpu.memory_space<hbm>>
      %dma_wait3A_58 = tpu.memref_squeeze %dma_wait3A_57 : memref<1x128x16xf32, #tpu.memory_space<hbm>> -> memref<128x16xf32, #tpu.memory_space<hbm>>
      %dma_wait3A_59 = arith.constant 0 : i32
      %dma_wait3A_60 = tpu.memref_slice %arg17[%add3A_48, %dma_wait3A_59] : memref<10112x16xf32, #tpu.memory_space<vmem_shared>> -> memref<128x16xf32, #tpu.memory_space<vmem_shared>>
      tpu.wait_dma2 semaphore(%run_scoped3A : memref<!tpu.dma_semaphore, #tpu.memory_space<semaphore_mem>>) src(%dma_wait3A_60 : memref<128x16xf32, #tpu.memory_space<vmem_shared>>) dst(%dma_wait3A_58 : memref<128x16xf32, #tpu.memory_space<hbm>>)
      tpu.yield
    }) : () -> ()
    %mul3A_49 = arith.constant 632 : i32
    %mul3A_50 = arith.muli %arg1, %mul3A_49 : i32
    %add3A_51 = arith.constant 512 : i32
    %add3A_52 = arith.addi %mul3A_50, %add3A_51 : i32
    "tpu.region"() ({
      %run_scoped3A = tpu.sem_alloc : memref<!tpu.dma_semaphore, #tpu.memory_space<semaphore_mem>>
      %dma_start3A = arith.constant 0 : i32
      %dma_start3A_53 = tpu.memref_slice %arg7[%arg0, %add3A_52, %dma_start3A] : memref<2x10112x128xf32, #tpu.memory_space<hbm>> -> memref<1x120x128xf32, #tpu.memory_space<hbm>>
      %dma_start3A_54 = tpu.memref_squeeze %dma_start3A_53 : memref<1x120x128xf32, #tpu.memory_space<hbm>> -> memref<120x128xf32, #tpu.memory_space<hbm>>
      %dma_start3A_55 = arith.constant 0 : i32
      %dma_start3A_56 = tpu.memref_slice %arg16[%add3A_52, %dma_start3A_55] : memref<10112x128xf32, #tpu.memory_space<vmem_shared>> -> memref<120x128xf32, #tpu.memory_space<vmem_shared>>
      tpu.enqueue_dma source(%dma_start3A_56 : memref<120x128xf32, #tpu.memory_space<vmem_shared>>) target(%dma_start3A_54 : memref<120x128xf32, #tpu.memory_space<hbm>>) target_semaphore(%run_scoped3A : memref<!tpu.dma_semaphore, #tpu.memory_space<semaphore_mem>>)
      %dma_wait3A = arith.constant 0 : i32
      %dma_wait3A_57 = tpu.memref_slice %arg7[%arg0, %add3A_52, %dma_wait3A] : memref<2x10112x128xf32, #tpu.memory_space<hbm>> -> memref<1x120x128xf32, #tpu.memory_space<hbm>>
      %dma_wait3A_58 = tpu.memref_squeeze %dma_wait3A_57 : memref<1x120x128xf32, #tpu.memory_space<hbm>> -> memref<120x128xf32, #tpu.memory_space<hbm>>
      %dma_wait3A_59 = arith.constant 0 : i32
      %dma_wait3A_60 = tpu.memref_slice %arg16[%add3A_52, %dma_wait3A_59] : memref<10112x128xf32, #tpu.memory_space<vmem_shared>> -> memref<120x128xf32, #tpu.memory_space<vmem_shared>>
      tpu.wait_dma2 semaphore(%run_scoped3A : memref<!tpu.dma_semaphore, #tpu.memory_space<semaphore_mem>>) src(%dma_wait3A_60 : memref<120x128xf32, #tpu.memory_space<vmem_shared>>) dst(%dma_wait3A_58 : memref<120x128xf32, #tpu.memory_space<hbm>>)
      tpu.yield
    }) : () -> ()
    "tpu.region"() ({
      %run_scoped3A = tpu.sem_alloc : memref<!tpu.dma_semaphore, #tpu.memory_space<semaphore_mem>>
      %dma_start3A = arith.constant 0 : i32
      %dma_start3A_53 = tpu.memref_slice %arg8[%arg0, %add3A_52, %dma_start3A] : memref<2x10112x16xf32, #tpu.memory_space<hbm>> -> memref<1x120x16xf32, #tpu.memory_space<hbm>>
      %dma_start3A_54 = tpu.memref_squeeze %dma_start3A_53 : memref<1x120x16xf32, #tpu.memory_space<hbm>> -> memref<120x16xf32, #tpu.memory_space<hbm>>
      %dma_start3A_55 = arith.constant 0 : i32
      %dma_start3A_56 = tpu.memref_slice %arg17[%add3A_52, %dma_start3A_55] : memref<10112x16xf32, #tpu.memory_space<vmem_shared>> -> memref<120x16xf32, #tpu.memory_space<vmem_shared>>
      tpu.enqueue_dma source(%dma_start3A_56 : memref<120x16xf32, #tpu.memory_space<vmem_shared>>) target(%dma_start3A_54 : memref<120x16xf32, #tpu.memory_space<hbm>>) target_semaphore(%run_scoped3A : memref<!tpu.dma_semaphore, #tpu.memory_space<semaphore_mem>>)
      %dma_wait3A = arith.constant 0 : i32
      %dma_wait3A_57 = tpu.memref_slice %arg8[%arg0, %add3A_52, %dma_wait3A] : memref<2x10112x16xf32, #tpu.memory_space<hbm>> -> memref<1x120x16xf32, #tpu.memory_space<hbm>>
      %dma_wait3A_58 = tpu.memref_squeeze %dma_wait3A_57 : memref<1x120x16xf32, #tpu.memory_space<hbm>> -> memref<120x16xf32, #tpu.memory_space<hbm>>
      %dma_wait3A_59 = arith.constant 0 : i32
      %dma_wait3A_60 = tpu.memref_slice %arg17[%add3A_52, %dma_wait3A_59] : memref<10112x16xf32, #tpu.memory_space<vmem_shared>> -> memref<120x16xf32, #tpu.memory_space<vmem_shared>>
      tpu.wait_dma2 semaphore(%run_scoped3A : memref<!tpu.dma_semaphore, #tpu.memory_space<semaphore_mem>>) src(%dma_wait3A_60 : memref<120x16xf32, #tpu.memory_space<vmem_shared>>) dst(%dma_wait3A_58 : memref<120x16xf32, #tpu.memory_space<hbm>>)
      tpu.yield
    }) : () -> ()
    return
  }
}

#map = affine_map<(d0, d1) -> (0, 0)>
#map1 = affine_map<(d0, d1) -> (0)>
#map2 = affine_map<(d0, d1) -> (0, 0, 0)>
module attributes {stable_mosaic.version = 14 : i64} {
  func.func @_sc_edge_body(%arg0: i32, %arg1: i32, %arg2: memref<10112x128xf32, #tpu.memory_space<hbm>>, %arg3: memref<10112xf32, #tpu.memory_space<hbm>>, %arg4: memref<10112xf32, #tpu.memory_space<hbm>>, %arg5: memref<331776xi32, #tpu.memory_space<hbm>>, %arg6: memref<331776xi32, #tpu.memory_space<hbm>>, %arg7: memref<2x10112x128xf32, #tpu.memory_space<hbm>>, %arg8: memref<2x10112x16xf32, #tpu.memory_space<hbm>>, %arg9: memref<10112xf32, #tpu.memory_space<vmem>>, %arg10: memref<10112xf32, #tpu.memory_space<vmem>>, %arg11: memref<128xi32, #tpu.memory_space<vmem>>, %arg12: memref<128xi32, #tpu.memory_space<vmem>>, %arg13: memref<128xf32, #tpu.memory_space<vmem>>, %arg14: memref<128x128xf32, #tpu.memory_space<vmem>>, %arg15: memref<128x16xf32, #tpu.memory_space<vmem>>, %arg16: memref<10112x128xf32, #tpu.memory_space<vmem_shared>>, %arg17: memref<10112x16xf32, #tpu.memory_space<vmem_shared>>, %arg18: memref<!tpu.dma_semaphore, #tpu.memory_space<semaphore_mem>>) attributes {dimension_semantics = [#tpu.dimension_semantics<core_parallel>, #tpu.dimension_semantics<subcore_parallel>], iteration_bounds = array<i64: 2, 16>, scalar_prefetch = 0 : i64, scratch_operands = 10 : i64, tpu.core_type = #tpu.core_type<sc_vector_subcore>, window_params = [{transform_indices = #map}, {transform_indices = #map1}, {transform_indices = #map1}, {transform_indices = #map1}, {transform_indices = #map1}, {transform_indices = #map2}, {transform_indices = #map2}]} {
    %mul3A = arith.constant 2 : i32
    %mul3A_0 = arith.muli %arg1, %mul3A : i32
    %add3A = arith.addi %mul3A_0, %arg0 : i32
    "tpu.region"() ({
      %run_scoped3A = tpu.sem_alloc : memref<!tpu.dma_semaphore, #tpu.memory_space<semaphore_mem>>
      tpu.enqueue_dma source(%arg3 : memref<10112xf32, #tpu.memory_space<hbm>>) target(%arg9 : memref<10112xf32, #tpu.memory_space<vmem>>) target_semaphore(%run_scoped3A : memref<!tpu.dma_semaphore, #tpu.memory_space<semaphore_mem>>)
      tpu.wait_dma2 semaphore(%run_scoped3A : memref<!tpu.dma_semaphore, #tpu.memory_space<semaphore_mem>>) src(%arg3 : memref<10112xf32, #tpu.memory_space<hbm>>) dst(%arg9 : memref<10112xf32, #tpu.memory_space<vmem>>)
      tpu.yield
    }) : () -> ()
    "tpu.region"() ({
      %run_scoped3A = tpu.sem_alloc : memref<!tpu.dma_semaphore, #tpu.memory_space<semaphore_mem>>
      tpu.enqueue_dma source(%arg4 : memref<10112xf32, #tpu.memory_space<hbm>>) target(%arg10 : memref<10112xf32, #tpu.memory_space<vmem>>) target_semaphore(%run_scoped3A : memref<!tpu.dma_semaphore, #tpu.memory_space<semaphore_mem>>)
      tpu.wait_dma2 semaphore(%run_scoped3A : memref<!tpu.dma_semaphore, #tpu.memory_space<semaphore_mem>>) src(%arg4 : memref<10112xf32, #tpu.memory_space<hbm>>) dst(%arg10 : memref<10112xf32, #tpu.memory_space<vmem>>)
      tpu.yield
    }) : () -> ()
    %scan3A = arith.constant 0 : i32
    %scan3A_1 = arith.constant 0 : i32
    %scan3A_2 = arith.constant 128 : i32
    %scan3A_3 = arith.addi %scan3A_1, %scan3A_2 : i32
    %scan3A_4 = arith.constant 1 : i32
    scf.for %scan3A_53 = %scan3A_1 to %scan3A_3 step %scan3A_4  : i32 {
      %broadcast_in_dim3A = arith.constant 0.000000e+00 : f32
      %broadcast_in_dim3A_54 = vector.broadcast %broadcast_in_dim3A : f32 to vector<16xf32>
      %swap3A = arith.index_cast %scan3A_53 : i32 to index
      %swap3A_55 = arith.constant 0 : index
      %swap3A_56 = tpu.vector_load %arg14[%swap3A, %swap3A_55] {strides = array<i32>} : memref<128x128xf32, #tpu.memory_space<vmem>>, vector<16xf32>,
      tpu.vector_store %arg14[%swap3A, %swap3A_55], %broadcast_in_dim3A_54 {strides = array<i32>} : memref<128x128xf32, #tpu.memory_space<vmem>>, vector<16xf32>,
      %broadcast_in_dim3A_57 = arith.constant 0.000000e+00 : f32
      %broadcast_in_dim3A_58 = vector.broadcast %broadcast_in_dim3A_57 : f32 to vector<16xf32>
      %swap3A_59 = arith.index_cast %scan3A_53 : i32 to index
      %swap3A_60 = arith.constant 16 : index
      %swap3A_61 = tpu.vector_load %arg14[%swap3A_59, %swap3A_60] {strides = array<i32>} : memref<128x128xf32, #tpu.memory_space<vmem>>, vector<16xf32>,
      tpu.vector_store %arg14[%swap3A_59, %swap3A_60], %broadcast_in_dim3A_58 {strides = array<i32>} : memref<128x128xf32, #tpu.memory_space<vmem>>, vector<16xf32>,
      %broadcast_in_dim3A_62 = arith.constant 0.000000e+00 : f32
      %broadcast_in_dim3A_63 = vector.broadcast %broadcast_in_dim3A_62 : f32 to vector<16xf32>
      %swap3A_64 = arith.index_cast %scan3A_53 : i32 to index
      %swap3A_65 = arith.constant 32 : index
      %swap3A_66 = tpu.vector_load %arg14[%swap3A_64, %swap3A_65] {strides = array<i32>} : memref<128x128xf32, #tpu.memory_space<vmem>>, vector<16xf32>,
      tpu.vector_store %arg14[%swap3A_64, %swap3A_65], %broadcast_in_dim3A_63 {strides = array<i32>} : memref<128x128xf32, #tpu.memory_space<vmem>>, vector<16xf32>,
      %broadcast_in_dim3A_67 = arith.constant 0.000000e+00 : f32
      %broadcast_in_dim3A_68 = vector.broadcast %broadcast_in_dim3A_67 : f32 to vector<16xf32>
      %swap3A_69 = arith.index_cast %scan3A_53 : i32 to index
      %swap3A_70 = arith.constant 48 : index
      %swap3A_71 = tpu.vector_load %arg14[%swap3A_69, %swap3A_70] {strides = array<i32>} : memref<128x128xf32, #tpu.memory_space<vmem>>, vector<16xf32>,
      tpu.vector_store %arg14[%swap3A_69, %swap3A_70], %broadcast_in_dim3A_68 {strides = array<i32>} : memref<128x128xf32, #tpu.memory_space<vmem>>, vector<16xf32>,
      %broadcast_in_dim3A_72 = arith.constant 0.000000e+00 : f32
      %broadcast_in_dim3A_73 = vector.broadcast %broadcast_in_dim3A_72 : f32 to vector<16xf32>
      %swap3A_74 = arith.index_cast %scan3A_53 : i32 to index
      %swap3A_75 = arith.constant 64 : index
      %swap3A_76 = tpu.vector_load %arg14[%swap3A_74, %swap3A_75] {strides = array<i32>} : memref<128x128xf32, #tpu.memory_space<vmem>>, vector<16xf32>,
      tpu.vector_store %arg14[%swap3A_74, %swap3A_75], %broadcast_in_dim3A_73 {strides = array<i32>} : memref<128x128xf32, #tpu.memory_space<vmem>>, vector<16xf32>,
      %broadcast_in_dim3A_77 = arith.constant 0.000000e+00 : f32
      %broadcast_in_dim3A_78 = vector.broadcast %broadcast_in_dim3A_77 : f32 to vector<16xf32>
      %swap3A_79 = arith.index_cast %scan3A_53 : i32 to index
      %swap3A_80 = arith.constant 80 : index
      %swap3A_81 = tpu.vector_load %arg14[%swap3A_79, %swap3A_80] {strides = array<i32>} : memref<128x128xf32, #tpu.memory_space<vmem>>, vector<16xf32>,
      tpu.vector_store %arg14[%swap3A_79, %swap3A_80], %broadcast_in_dim3A_78 {strides = array<i32>} : memref<128x128xf32, #tpu.memory_space<vmem>>, vector<16xf32>,
      %broadcast_in_dim3A_82 = arith.constant 0.000000e+00 : f32
      %broadcast_in_dim3A_83 = vector.broadcast %broadcast_in_dim3A_82 : f32 to vector<16xf32>
      %swap3A_84 = arith.index_cast %scan3A_53 : i32 to index
      %swap3A_85 = arith.constant 96 : index
      %swap3A_86 = tpu.vector_load %arg14[%swap3A_84, %swap3A_85] {strides = array<i32>} : memref<128x128xf32, #tpu.memory_space<vmem>>, vector<16xf32>,
      tpu.vector_store %arg14[%swap3A_84, %swap3A_85], %broadcast_in_dim3A_83 {strides = array<i32>} : memref<128x128xf32, #tpu.memory_space<vmem>>, vector<16xf32>,
      %broadcast_in_dim3A_87 = arith.constant 0.000000e+00 : f32
      %broadcast_in_dim3A_88 = vector.broadcast %broadcast_in_dim3A_87 : f32 to vector<16xf32>
      %swap3A_89 = arith.index_cast %scan3A_53 : i32 to index
      %swap3A_90 = arith.constant 112 : index
      %swap3A_91 = tpu.vector_load %arg14[%swap3A_89, %swap3A_90] {strides = array<i32>} : memref<128x128xf32, #tpu.memory_space<vmem>>, vector<16xf32>,
      tpu.vector_store %arg14[%swap3A_89, %swap3A_90], %broadcast_in_dim3A_88 {strides = array<i32>} : memref<128x128xf32, #tpu.memory_space<vmem>>, vector<16xf32>,
      %broadcast_in_dim3A_92 = arith.constant 0.000000e+00 : f32
      %broadcast_in_dim3A_93 = vector.broadcast %broadcast_in_dim3A_92 : f32 to vector<16xf32>
      %swap3A_94 = arith.index_cast %scan3A_53 : i32 to index
      %swap3A_95 = arith.constant 0 : index
      %swap3A_96 = tpu.vector_load %arg15[%swap3A_94, %swap3A_95] {strides = array<i32>} : memref<128x16xf32, #tpu.memory_space<vmem>>, vector<16xf32>,
      tpu.vector_store %arg15[%swap3A_94, %swap3A_95], %broadcast_in_dim3A_93 {strides = array<i32>} : memref<128x16xf32, #tpu.memory_space<vmem>>, vector<16xf32>,
    }
    %scan3A_5 = arith.constant 128 : i32
    %mul3A_6 = arith.constant 632 : i32
    %mul3A_7 = arith.muli %arg1, %mul3A_6 : i32
    %add3A_8 = arith.constant 0 : i32
    %add3A_9 = arith.addi %mul3A_7, %add3A_8 : i32
    "tpu.region"() ({
      %run_scoped3A = tpu.sem_alloc : memref<!tpu.dma_semaphore, #tpu.memory_space<semaphore_mem>>
      %dma_start3A = arith.constant 0 : i32
      %dma_start3A_53 = arith.constant 0 : i32
      %dma_start3A_54 = tpu.memref_slice %arg14[%dma_start3A, %dma_start3A_53] : memref<128x128xf32, #tpu.memory_space<vmem>> -> memref<128x128xf32, #tpu.memory_space<vmem>>
      %dma_start3A_55 = arith.constant 0 : i32
      %dma_start3A_56 = tpu.memref_slice %arg16[%add3A_9, %dma_start3A_55] : memref<10112x128xf32, #tpu.memory_space<vmem_shared>> -> memref<128x128xf32, #tpu.memory_space<vmem_shared>>
      %dma_start3A_57 = arith.constant 0 : i32
      %dma_start3A_58 = tpu.memref_slice %arg16[%add3A_9, %dma_start3A_57] : memref<10112x128xf32, #tpu.memory_space<vmem_shared>> -> memref<128x128xf32, #tpu.memory_space<vmem_shared>>
      %dma_start3A_59 = arith.constant 0 : i32
      %dma_start3A_60 = arith.constant 0 : i32
      %dma_start3A_61 = tpu.memref_slice %arg14[%dma_start3A_59, %dma_start3A_60] : memref<128x128xf32, #tpu.memory_space<vmem>> -> memref<128x128xf32, #tpu.memory_space<vmem>>
      tpu.enqueue_dma source(%dma_start3A_61 : memref<128x128xf32, #tpu.memory_space<vmem>>) target(%dma_start3A_58 : memref<128x128xf32, #tpu.memory_space<vmem_shared>>) target_semaphore(%run_scoped3A : memref<!tpu.dma_semaphore, #tpu.memory_space<semaphore_mem>>)
      %dma_wait3A = arith.constant 0 : i32
      %dma_wait3A_62 = arith.constant 0 : i32
      %dma_wait3A_63 = tpu.memref_slice %arg14[%dma_wait3A, %dma_wait3A_62] : memref<128x128xf32, #tpu.memory_space<vmem>> -> memref<128x128xf32, #tpu.memory_space<vmem>>
      %dma_wait3A_64 = arith.constant 0 : i32
      %dma_wait3A_65 = tpu.memref_slice %arg16[%add3A_9, %dma_wait3A_64] : memref<10112x128xf32, #tpu.memory_space<vmem_shared>> -> memref<128x128xf32, #tpu.memory_space<vmem_shared>>
      %dma_wait3A_66 = arith.constant 0 : i32
      %dma_wait3A_67 = tpu.memref_slice %arg16[%add3A_9, %dma_wait3A_66] : memref<10112x128xf32, #tpu.memory_space<vmem_shared>> -> memref<128x128xf32, #tpu.memory_space<vmem_shared>>
      %dma_wait3A_68 = arith.constant 0 : i32
      %dma_wait3A_69 = arith.constant 0 : i32
      %dma_wait3A_70 = tpu.memref_slice %arg14[%dma_wait3A_68, %dma_wait3A_69] : memref<128x128xf32, #tpu.memory_space<vmem>> -> memref<128x128xf32, #tpu.memory_space<vmem>>
      tpu.wait_dma2 semaphore(%run_scoped3A : memref<!tpu.dma_semaphore, #tpu.memory_space<semaphore_mem>>) src(%dma_wait3A_70 : memref<128x128xf32, #tpu.memory_space<vmem>>) dst(%dma_wait3A_67 : memref<128x128xf32, #tpu.memory_space<vmem_shared>>)
      tpu.yield
    }) : () -> ()
    "tpu.region"() ({
      %run_scoped3A = tpu.sem_alloc : memref<!tpu.dma_semaphore, #tpu.memory_space<semaphore_mem>>
      %dma_start3A = arith.constant 0 : i32
      %dma_start3A_53 = arith.constant 0 : i32
      %dma_start3A_54 = tpu.memref_slice %arg15[%dma_start3A, %dma_start3A_53] : memref<128x16xf32, #tpu.memory_space<vmem>> -> memref<128x16xf32, #tpu.memory_space<vmem>>
      %dma_start3A_55 = arith.constant 0 : i32
      %dma_start3A_56 = tpu.memref_slice %arg17[%add3A_9, %dma_start3A_55] : memref<10112x16xf32, #tpu.memory_space<vmem_shared>> -> memref<128x16xf32, #tpu.memory_space<vmem_shared>>
      %dma_start3A_57 = arith.constant 0 : i32
      %dma_start3A_58 = tpu.memref_slice %arg17[%add3A_9, %dma_start3A_57] : memref<10112x16xf32, #tpu.memory_space<vmem_shared>> -> memref<128x16xf32, #tpu.memory_space<vmem_shared>>
      %dma_start3A_59 = arith.constant 0 : i32
      %dma_start3A_60 = arith.constant 0 : i32
      %dma_start3A_61 = tpu.memref_slice %arg15[%dma_start3A_59, %dma_start3A_60] : memref<128x16xf32, #tpu.memory_space<vmem>> -> memref<128x16xf32, #tpu.memory_space<vmem>>
      tpu.enqueue_dma source(%dma_start3A_61 : memref<128x16xf32, #tpu.memory_space<vmem>>) target(%dma_start3A_58 : memref<128x16xf32, #tpu.memory_space<vmem_shared>>) target_semaphore(%run_scoped3A : memref<!tpu.dma_semaphore, #tpu.memory_space<semaphore_mem>>)
      %dma_wait3A = arith.constant 0 : i32
      %dma_wait3A_62 = arith.constant 0 : i32
      %dma_wait3A_63 = tpu.memref_slice %arg15[%dma_wait3A, %dma_wait3A_62] : memref<128x16xf32, #tpu.memory_space<vmem>> -> memref<128x16xf32, #tpu.memory_space<vmem>>
      %dma_wait3A_64 = arith.constant 0 : i32
      %dma_wait3A_65 = tpu.memref_slice %arg17[%add3A_9, %dma_wait3A_64] : memref<10112x16xf32, #tpu.memory_space<vmem_shared>> -> memref<128x16xf32, #tpu.memory_space<vmem_shared>>
      %dma_wait3A_66 = arith.constant 0 : i32
      %dma_wait3A_67 = tpu.memref_slice %arg17[%add3A_9, %dma_wait3A_66] : memref<10112x16xf32, #tpu.memory_space<vmem_shared>> -> memref<128x16xf32, #tpu.memory_space<vmem_shared>>
      %dma_wait3A_68 = arith.constant 0 : i32
      %dma_wait3A_69 = arith.constant 0 : i32
      %dma_wait3A_70 = tpu.memref_slice %arg15[%dma_wait3A_68, %dma_wait3A_69] : memref<128x16xf32, #tpu.memory_space<vmem>> -> memref<128x16xf32, #tpu.memory_space<vmem>>
      tpu.wait_dma2 semaphore(%run_scoped3A : memref<!tpu.dma_semaphore, #tpu.memory_space<semaphore_mem>>) src(%dma_wait3A_70 : memref<128x16xf32, #tpu.memory_space<vmem>>) dst(%dma_wait3A_67 : memref<128x16xf32, #tpu.memory_space<vmem_shared>>)
      tpu.yield
    }) : () -> ()
    %mul3A_10 = arith.constant 632 : i32
    %mul3A_11 = arith.muli %arg1, %mul3A_10 : i32
    %add3A_12 = arith.constant 128 : i32
    %add3A_13 = arith.addi %mul3A_11, %add3A_12 : i32
    "tpu.region"() ({
      %run_scoped3A = tpu.sem_alloc : memref<!tpu.dma_semaphore, #tpu.memory_space<semaphore_mem>>
      %dma_start3A = arith.constant 0 : i32
      %dma_start3A_53 = arith.constant 0 : i32
      %dma_start3A_54 = tpu.memref_slice %arg14[%dma_start3A, %dma_start3A_53] : memref<128x128xf32, #tpu.memory_space<vmem>> -> memref<128x128xf32, #tpu.memory_space<vmem>>
      %dma_start3A_55 = arith.constant 0 : i32
      %dma_start3A_56 = tpu.memref_slice %arg16[%add3A_13, %dma_start3A_55] : memref<10112x128xf32, #tpu.memory_space<vmem_shared>> -> memref<128x128xf32, #tpu.memory_space<vmem_shared>>
      %dma_start3A_57 = arith.constant 0 : i32
      %dma_start3A_58 = tpu.memref_slice %arg16[%add3A_13, %dma_start3A_57] : memref<10112x128xf32, #tpu.memory_space<vmem_shared>> -> memref<128x128xf32, #tpu.memory_space<vmem_shared>>
      %dma_start3A_59 = arith.constant 0 : i32
      %dma_start3A_60 = arith.constant 0 : i32
      %dma_start3A_61 = tpu.memref_slice %arg14[%dma_start3A_59, %dma_start3A_60] : memref<128x128xf32, #tpu.memory_space<vmem>> -> memref<128x128xf32, #tpu.memory_space<vmem>>
      tpu.enqueue_dma source(%dma_start3A_61 : memref<128x128xf32, #tpu.memory_space<vmem>>) target(%dma_start3A_58 : memref<128x128xf32, #tpu.memory_space<vmem_shared>>) target_semaphore(%run_scoped3A : memref<!tpu.dma_semaphore, #tpu.memory_space<semaphore_mem>>)
      %dma_wait3A = arith.constant 0 : i32
      %dma_wait3A_62 = arith.constant 0 : i32
      %dma_wait3A_63 = tpu.memref_slice %arg14[%dma_wait3A, %dma_wait3A_62] : memref<128x128xf32, #tpu.memory_space<vmem>> -> memref<128x128xf32, #tpu.memory_space<vmem>>
      %dma_wait3A_64 = arith.constant 0 : i32
      %dma_wait3A_65 = tpu.memref_slice %arg16[%add3A_13, %dma_wait3A_64] : memref<10112x128xf32, #tpu.memory_space<vmem_shared>> -> memref<128x128xf32, #tpu.memory_space<vmem_shared>>
      %dma_wait3A_66 = arith.constant 0 : i32
      %dma_wait3A_67 = tpu.memref_slice %arg16[%add3A_13, %dma_wait3A_66] : memref<10112x128xf32, #tpu.memory_space<vmem_shared>> -> memref<128x128xf32, #tpu.memory_space<vmem_shared>>
      %dma_wait3A_68 = arith.constant 0 : i32
      %dma_wait3A_69 = arith.constant 0 : i32
      %dma_wait3A_70 = tpu.memref_slice %arg14[%dma_wait3A_68, %dma_wait3A_69] : memref<128x128xf32, #tpu.memory_space<vmem>> -> memref<128x128xf32, #tpu.memory_space<vmem>>
      tpu.wait_dma2 semaphore(%run_scoped3A : memref<!tpu.dma_semaphore, #tpu.memory_space<semaphore_mem>>) src(%dma_wait3A_70 : memref<128x128xf32, #tpu.memory_space<vmem>>) dst(%dma_wait3A_67 : memref<128x128xf32, #tpu.memory_space<vmem_shared>>)
      tpu.yield
    }) : () -> ()
    "tpu.region"() ({
      %run_scoped3A = tpu.sem_alloc : memref<!tpu.dma_semaphore, #tpu.memory_space<semaphore_mem>>
      %dma_start3A = arith.constant 0 : i32
      %dma_start3A_53 = arith.constant 0 : i32
      %dma_start3A_54 = tpu.memref_slice %arg15[%dma_start3A, %dma_start3A_53] : memref<128x16xf32, #tpu.memory_space<vmem>> -> memref<128x16xf32, #tpu.memory_space<vmem>>
      %dma_start3A_55 = arith.constant 0 : i32
      %dma_start3A_56 = tpu.memref_slice %arg17[%add3A_13, %dma_start3A_55] : memref<10112x16xf32, #tpu.memory_space<vmem_shared>> -> memref<128x16xf32, #tpu.memory_space<vmem_shared>>
      %dma_start3A_57 = arith.constant 0 : i32
      %dma_start3A_58 = tpu.memref_slice %arg17[%add3A_13, %dma_start3A_57] : memref<10112x16xf32, #tpu.memory_space<vmem_shared>> -> memref<128x16xf32, #tpu.memory_space<vmem_shared>>
      %dma_start3A_59 = arith.constant 0 : i32
      %dma_start3A_60 = arith.constant 0 : i32
      %dma_start3A_61 = tpu.memref_slice %arg15[%dma_start3A_59, %dma_start3A_60] : memref<128x16xf32, #tpu.memory_space<vmem>> -> memref<128x16xf32, #tpu.memory_space<vmem>>
      tpu.enqueue_dma source(%dma_start3A_61 : memref<128x16xf32, #tpu.memory_space<vmem>>) target(%dma_start3A_58 : memref<128x16xf32, #tpu.memory_space<vmem_shared>>) target_semaphore(%run_scoped3A : memref<!tpu.dma_semaphore, #tpu.memory_space<semaphore_mem>>)
      %dma_wait3A = arith.constant 0 : i32
      %dma_wait3A_62 = arith.constant 0 : i32
      %dma_wait3A_63 = tpu.memref_slice %arg15[%dma_wait3A, %dma_wait3A_62] : memref<128x16xf32, #tpu.memory_space<vmem>> -> memref<128x16xf32, #tpu.memory_space<vmem>>
      %dma_wait3A_64 = arith.constant 0 : i32
      %dma_wait3A_65 = tpu.memref_slice %arg17[%add3A_13, %dma_wait3A_64] : memref<10112x16xf32, #tpu.memory_space<vmem_shared>> -> memref<128x16xf32, #tpu.memory_space<vmem_shared>>
      %dma_wait3A_66 = arith.constant 0 : i32
      %dma_wait3A_67 = tpu.memref_slice %arg17[%add3A_13, %dma_wait3A_66] : memref<10112x16xf32, #tpu.memory_space<vmem_shared>> -> memref<128x16xf32, #tpu.memory_space<vmem_shared>>
      %dma_wait3A_68 = arith.constant 0 : i32
      %dma_wait3A_69 = arith.constant 0 : i32
      %dma_wait3A_70 = tpu.memref_slice %arg15[%dma_wait3A_68, %dma_wait3A_69] : memref<128x16xf32, #tpu.memory_space<vmem>> -> memref<128x16xf32, #tpu.memory_space<vmem>>
      tpu.wait_dma2 semaphore(%run_scoped3A : memref<!tpu.dma_semaphore, #tpu.memory_space<semaphore_mem>>) src(%dma_wait3A_70 : memref<128x16xf32, #tpu.memory_space<vmem>>) dst(%dma_wait3A_67 : memref<128x16xf32, #tpu.memory_space<vmem_shared>>)
      tpu.yield
    }) : () -> ()
    %mul3A_14 = arith.constant 632 : i32
    %mul3A_15 = arith.muli %arg1, %mul3A_14 : i32
    %add3A_16 = arith.constant 256 : i32
    %add3A_17 = arith.addi %mul3A_15, %add3A_16 : i32
    "tpu.region"() ({
      %run_scoped3A = tpu.sem_alloc : memref<!tpu.dma_semaphore, #tpu.memory_space<semaphore_mem>>
      %dma_start3A = arith.constant 0 : i32
      %dma_start3A_53 = arith.constant 0 : i32
      %dma_start3A_54 = tpu.memref_slice %arg14[%dma_start3A, %dma_start3A_53] : memref<128x128xf32, #tpu.memory_space<vmem>> -> memref<128x128xf32, #tpu.memory_space<vmem>>
      %dma_start3A_55 = arith.constant 0 : i32
      %dma_start3A_56 = tpu.memref_slice %arg16[%add3A_17, %dma_start3A_55] : memref<10112x128xf32, #tpu.memory_space<vmem_shared>> -> memref<128x128xf32, #tpu.memory_space<vmem_shared>>
      %dma_start3A_57 = arith.constant 0 : i32
      %dma_start3A_58 = tpu.memref_slice %arg16[%add3A_17, %dma_start3A_57] : memref<10112x128xf32, #tpu.memory_space<vmem_shared>> -> memref<128x128xf32, #tpu.memory_space<vmem_shared>>
      %dma_start3A_59 = arith.constant 0 : i32
      %dma_start3A_60 = arith.constant 0 : i32
      %dma_start3A_61 = tpu.memref_slice %arg14[%dma_start3A_59, %dma_start3A_60] : memref<128x128xf32, #tpu.memory_space<vmem>> -> memref<128x128xf32, #tpu.memory_space<vmem>>
      tpu.enqueue_dma source(%dma_start3A_61 : memref<128x128xf32, #tpu.memory_space<vmem>>) target(%dma_start3A_58 : memref<128x128xf32, #tpu.memory_space<vmem_shared>>) target_semaphore(%run_scoped3A : memref<!tpu.dma_semaphore, #tpu.memory_space<semaphore_mem>>)
      %dma_wait3A = arith.constant 0 : i32
      %dma_wait3A_62 = arith.constant 0 : i32
      %dma_wait3A_63 = tpu.memref_slice %arg14[%dma_wait3A, %dma_wait3A_62] : memref<128x128xf32, #tpu.memory_space<vmem>> -> memref<128x128xf32, #tpu.memory_space<vmem>>
      %dma_wait3A_64 = arith.constant 0 : i32
      %dma_wait3A_65 = tpu.memref_slice %arg16[%add3A_17, %dma_wait3A_64] : memref<10112x128xf32, #tpu.memory_space<vmem_shared>> -> memref<128x128xf32, #tpu.memory_space<vmem_shared>>
      %dma_wait3A_66 = arith.constant 0 : i32
      %dma_wait3A_67 = tpu.memref_slice %arg16[%add3A_17, %dma_wait3A_66] : memref<10112x128xf32, #tpu.memory_space<vmem_shared>> -> memref<128x128xf32, #tpu.memory_space<vmem_shared>>
      %dma_wait3A_68 = arith.constant 0 : i32
      %dma_wait3A_69 = arith.constant 0 : i32
      %dma_wait3A_70 = tpu.memref_slice %arg14[%dma_wait3A_68, %dma_wait3A_69] : memref<128x128xf32, #tpu.memory_space<vmem>> -> memref<128x128xf32, #tpu.memory_space<vmem>>
      tpu.wait_dma2 semaphore(%run_scoped3A : memref<!tpu.dma_semaphore, #tpu.memory_space<semaphore_mem>>) src(%dma_wait3A_70 : memref<128x128xf32, #tpu.memory_space<vmem>>) dst(%dma_wait3A_67 : memref<128x128xf32, #tpu.memory_space<vmem_shared>>)
      tpu.yield
    }) : () -> ()
    "tpu.region"() ({
      %run_scoped3A = tpu.sem_alloc : memref<!tpu.dma_semaphore, #tpu.memory_space<semaphore_mem>>
      %dma_start3A = arith.constant 0 : i32
      %dma_start3A_53 = arith.constant 0 : i32
      %dma_start3A_54 = tpu.memref_slice %arg15[%dma_start3A, %dma_start3A_53] : memref<128x16xf32, #tpu.memory_space<vmem>> -> memref<128x16xf32, #tpu.memory_space<vmem>>
      %dma_start3A_55 = arith.constant 0 : i32
      %dma_start3A_56 = tpu.memref_slice %arg17[%add3A_17, %dma_start3A_55] : memref<10112x16xf32, #tpu.memory_space<vmem_shared>> -> memref<128x16xf32, #tpu.memory_space<vmem_shared>>
      %dma_start3A_57 = arith.constant 0 : i32
      %dma_start3A_58 = tpu.memref_slice %arg17[%add3A_17, %dma_start3A_57] : memref<10112x16xf32, #tpu.memory_space<vmem_shared>> -> memref<128x16xf32, #tpu.memory_space<vmem_shared>>
      %dma_start3A_59 = arith.constant 0 : i32
      %dma_start3A_60 = arith.constant 0 : i32
      %dma_start3A_61 = tpu.memref_slice %arg15[%dma_start3A_59, %dma_start3A_60] : memref<128x16xf32, #tpu.memory_space<vmem>> -> memref<128x16xf32, #tpu.memory_space<vmem>>
      tpu.enqueue_dma source(%dma_start3A_61 : memref<128x16xf32, #tpu.memory_space<vmem>>) target(%dma_start3A_58 : memref<128x16xf32, #tpu.memory_space<vmem_shared>>) target_semaphore(%run_scoped3A : memref<!tpu.dma_semaphore, #tpu.memory_space<semaphore_mem>>)
      %dma_wait3A = arith.constant 0 : i32
      %dma_wait3A_62 = arith.constant 0 : i32
      %dma_wait3A_63 = tpu.memref_slice %arg15[%dma_wait3A, %dma_wait3A_62] : memref<128x16xf32, #tpu.memory_space<vmem>> -> memref<128x16xf32, #tpu.memory_space<vmem>>
      %dma_wait3A_64 = arith.constant 0 : i32
      %dma_wait3A_65 = tpu.memref_slice %arg17[%add3A_17, %dma_wait3A_64] : memref<10112x16xf32, #tpu.memory_space<vmem_shared>> -> memref<128x16xf32, #tpu.memory_space<vmem_shared>>
      %dma_wait3A_66 = arith.constant 0 : i32
      %dma_wait3A_67 = tpu.memref_slice %arg17[%add3A_17, %dma_wait3A_66] : memref<10112x16xf32, #tpu.memory_space<vmem_shared>> -> memref<128x16xf32, #tpu.memory_space<vmem_shared>>
      %dma_wait3A_68 = arith.constant 0 : i32
      %dma_wait3A_69 = arith.constant 0 : i32
      %dma_wait3A_70 = tpu.memref_slice %arg15[%dma_wait3A_68, %dma_wait3A_69] : memref<128x16xf32, #tpu.memory_space<vmem>> -> memref<128x16xf32, #tpu.memory_space<vmem>>
      tpu.wait_dma2 semaphore(%run_scoped3A : memref<!tpu.dma_semaphore, #tpu.memory_space<semaphore_mem>>) src(%dma_wait3A_70 : memref<128x16xf32, #tpu.memory_space<vmem>>) dst(%dma_wait3A_67 : memref<128x16xf32, #tpu.memory_space<vmem_shared>>)
      tpu.yield
    }) : () -> ()
    %mul3A_18 = arith.constant 632 : i32
    %mul3A_19 = arith.muli %arg1, %mul3A_18 : i32
    %add3A_20 = arith.constant 384 : i32
    %add3A_21 = arith.addi %mul3A_19, %add3A_20 : i32
    "tpu.region"() ({
      %run_scoped3A = tpu.sem_alloc : memref<!tpu.dma_semaphore, #tpu.memory_space<semaphore_mem>>
      %dma_start3A = arith.constant 0 : i32
      %dma_start3A_53 = arith.constant 0 : i32
      %dma_start3A_54 = tpu.memref_slice %arg14[%dma_start3A, %dma_start3A_53] : memref<128x128xf32, #tpu.memory_space<vmem>> -> memref<128x128xf32, #tpu.memory_space<vmem>>
      %dma_start3A_55 = arith.constant 0 : i32
      %dma_start3A_56 = tpu.memref_slice %arg16[%add3A_21, %dma_start3A_55] : memref<10112x128xf32, #tpu.memory_space<vmem_shared>> -> memref<128x128xf32, #tpu.memory_space<vmem_shared>>
      %dma_start3A_57 = arith.constant 0 : i32
      %dma_start3A_58 = tpu.memref_slice %arg16[%add3A_21, %dma_start3A_57] : memref<10112x128xf32, #tpu.memory_space<vmem_shared>> -> memref<128x128xf32, #tpu.memory_space<vmem_shared>>
      %dma_start3A_59 = arith.constant 0 : i32
      %dma_start3A_60 = arith.constant 0 : i32
      %dma_start3A_61 = tpu.memref_slice %arg14[%dma_start3A_59, %dma_start3A_60] : memref<128x128xf32, #tpu.memory_space<vmem>> -> memref<128x128xf32, #tpu.memory_space<vmem>>
      tpu.enqueue_dma source(%dma_start3A_61 : memref<128x128xf32, #tpu.memory_space<vmem>>) target(%dma_start3A_58 : memref<128x128xf32, #tpu.memory_space<vmem_shared>>) target_semaphore(%run_scoped3A : memref<!tpu.dma_semaphore, #tpu.memory_space<semaphore_mem>>)
      %dma_wait3A = arith.constant 0 : i32
      %dma_wait3A_62 = arith.constant 0 : i32
      %dma_wait3A_63 = tpu.memref_slice %arg14[%dma_wait3A, %dma_wait3A_62] : memref<128x128xf32, #tpu.memory_space<vmem>> -> memref<128x128xf32, #tpu.memory_space<vmem>>
      %dma_wait3A_64 = arith.constant 0 : i32
      %dma_wait3A_65 = tpu.memref_slice %arg16[%add3A_21, %dma_wait3A_64] : memref<10112x128xf32, #tpu.memory_space<vmem_shared>> -> memref<128x128xf32, #tpu.memory_space<vmem_shared>>
      %dma_wait3A_66 = arith.constant 0 : i32
      %dma_wait3A_67 = tpu.memref_slice %arg16[%add3A_21, %dma_wait3A_66] : memref<10112x128xf32, #tpu.memory_space<vmem_shared>> -> memref<128x128xf32, #tpu.memory_space<vmem_shared>>
      %dma_wait3A_68 = arith.constant 0 : i32
      %dma_wait3A_69 = arith.constant 0 : i32
      %dma_wait3A_70 = tpu.memref_slice %arg14[%dma_wait3A_68, %dma_wait3A_69] : memref<128x128xf32, #tpu.memory_space<vmem>> -> memref<128x128xf32, #tpu.memory_space<vmem>>
      tpu.wait_dma2 semaphore(%run_scoped3A : memref<!tpu.dma_semaphore, #tpu.memory_space<semaphore_mem>>) src(%dma_wait3A_70 : memref<128x128xf32, #tpu.memory_space<vmem>>) dst(%dma_wait3A_67 : memref<128x128xf32, #tpu.memory_space<vmem_shared>>)
      tpu.yield
    }) : () -> ()
    "tpu.region"() ({
      %run_scoped3A = tpu.sem_alloc : memref<!tpu.dma_semaphore, #tpu.memory_space<semaphore_mem>>
      %dma_start3A = arith.constant 0 : i32
      %dma_start3A_53 = arith.constant 0 : i32
      %dma_start3A_54 = tpu.memref_slice %arg15[%dma_start3A, %dma_start3A_53] : memref<128x16xf32, #tpu.memory_space<vmem>> -> memref<128x16xf32, #tpu.memory_space<vmem>>
      %dma_start3A_55 = arith.constant 0 : i32
      %dma_start3A_56 = tpu.memref_slice %arg17[%add3A_21, %dma_start3A_55] : memref<10112x16xf32, #tpu.memory_space<vmem_shared>> -> memref<128x16xf32, #tpu.memory_space<vmem_shared>>
      %dma_start3A_57 = arith.constant 0 : i32
      %dma_start3A_58 = tpu.memref_slice %arg17[%add3A_21, %dma_start3A_57] : memref<10112x16xf32, #tpu.memory_space<vmem_shared>> -> memref<128x16xf32, #tpu.memory_space<vmem_shared>>
      %dma_start3A_59 = arith.constant 0 : i32
      %dma_start3A_60 = arith.constant 0 : i32
      %dma_start3A_61 = tpu.memref_slice %arg15[%dma_start3A_59, %dma_start3A_60] : memref<128x16xf32, #tpu.memory_space<vmem>> -> memref<128x16xf32, #tpu.memory_space<vmem>>
      tpu.enqueue_dma source(%dma_start3A_61 : memref<128x16xf32, #tpu.memory_space<vmem>>) target(%dma_start3A_58 : memref<128x16xf32, #tpu.memory_space<vmem_shared>>) target_semaphore(%run_scoped3A : memref<!tpu.dma_semaphore, #tpu.memory_space<semaphore_mem>>)
      %dma_wait3A = arith.constant 0 : i32
      %dma_wait3A_62 = arith.constant 0 : i32
      %dma_wait3A_63 = tpu.memref_slice %arg15[%dma_wait3A, %dma_wait3A_62] : memref<128x16xf32, #tpu.memory_space<vmem>> -> memref<128x16xf32, #tpu.memory_space<vmem>>
      %dma_wait3A_64 = arith.constant 0 : i32
      %dma_wait3A_65 = tpu.memref_slice %arg17[%add3A_21, %dma_wait3A_64] : memref<10112x16xf32, #tpu.memory_space<vmem_shared>> -> memref<128x16xf32, #tpu.memory_space<vmem_shared>>
      %dma_wait3A_66 = arith.constant 0 : i32
      %dma_wait3A_67 = tpu.memref_slice %arg17[%add3A_21, %dma_wait3A_66] : memref<10112x16xf32, #tpu.memory_space<vmem_shared>> -> memref<128x16xf32, #tpu.memory_space<vmem_shared>>
      %dma_wait3A_68 = arith.constant 0 : i32
      %dma_wait3A_69 = arith.constant 0 : i32
      %dma_wait3A_70 = tpu.memref_slice %arg15[%dma_wait3A_68, %dma_wait3A_69] : memref<128x16xf32, #tpu.memory_space<vmem>> -> memref<128x16xf32, #tpu.memory_space<vmem>>
      tpu.wait_dma2 semaphore(%run_scoped3A : memref<!tpu.dma_semaphore, #tpu.memory_space<semaphore_mem>>) src(%dma_wait3A_70 : memref<128x16xf32, #tpu.memory_space<vmem>>) dst(%dma_wait3A_67 : memref<128x16xf32, #tpu.memory_space<vmem_shared>>)
      tpu.yield
    }) : () -> ()
    %mul3A_22 = arith.constant 632 : i32
    %mul3A_23 = arith.muli %arg1, %mul3A_22 : i32
    %add3A_24 = arith.constant 512 : i32
    %add3A_25 = arith.addi %mul3A_23, %add3A_24 : i32
    "tpu.region"() ({
      %run_scoped3A = tpu.sem_alloc : memref<!tpu.dma_semaphore, #tpu.memory_space<semaphore_mem>>
      %dma_start3A = arith.constant 0 : i32
      %dma_start3A_53 = arith.constant 0 : i32
      %dma_start3A_54 = tpu.memref_slice %arg14[%dma_start3A, %dma_start3A_53] : memref<128x128xf32, #tpu.memory_space<vmem>> -> memref<120x128xf32, #tpu.memory_space<vmem>>
      %dma_start3A_55 = arith.constant 0 : i32
      %dma_start3A_56 = tpu.memref_slice %arg16[%add3A_25, %dma_start3A_55] : memref<10112x128xf32, #tpu.memory_space<vmem_shared>> -> memref<120x128xf32, #tpu.memory_space<vmem_shared>>
      %dma_start3A_57 = arith.constant 0 : i32
      %dma_start3A_58 = tpu.memref_slice %arg16[%add3A_25, %dma_start3A_57] : memref<10112x128xf32, #tpu.memory_space<vmem_shared>> -> memref<120x128xf32, #tpu.memory_space<vmem_shared>>
      %dma_start3A_59 = arith.constant 0 : i32
      %dma_start3A_60 = arith.constant 0 : i32
      %dma_start3A_61 = tpu.memref_slice %arg14[%dma_start3A_59, %dma_start3A_60] : memref<128x128xf32, #tpu.memory_space<vmem>> -> memref<120x128xf32, #tpu.memory_space<vmem>>
      tpu.enqueue_dma source(%dma_start3A_61 : memref<120x128xf32, #tpu.memory_space<vmem>>) target(%dma_start3A_58 : memref<120x128xf32, #tpu.memory_space<vmem_shared>>) target_semaphore(%run_scoped3A : memref<!tpu.dma_semaphore, #tpu.memory_space<semaphore_mem>>)
      %dma_wait3A = arith.constant 0 : i32
      %dma_wait3A_62 = arith.constant 0 : i32
      %dma_wait3A_63 = tpu.memref_slice %arg14[%dma_wait3A, %dma_wait3A_62] : memref<128x128xf32, #tpu.memory_space<vmem>> -> memref<120x128xf32, #tpu.memory_space<vmem>>
      %dma_wait3A_64 = arith.constant 0 : i32
      %dma_wait3A_65 = tpu.memref_slice %arg16[%add3A_25, %dma_wait3A_64] : memref<10112x128xf32, #tpu.memory_space<vmem_shared>> -> memref<120x128xf32, #tpu.memory_space<vmem_shared>>
      %dma_wait3A_66 = arith.constant 0 : i32
      %dma_wait3A_67 = tpu.memref_slice %arg16[%add3A_25, %dma_wait3A_66] : memref<10112x128xf32, #tpu.memory_space<vmem_shared>> -> memref<120x128xf32, #tpu.memory_space<vmem_shared>>
      %dma_wait3A_68 = arith.constant 0 : i32
      %dma_wait3A_69 = arith.constant 0 : i32
      %dma_wait3A_70 = tpu.memref_slice %arg14[%dma_wait3A_68, %dma_wait3A_69] : memref<128x128xf32, #tpu.memory_space<vmem>> -> memref<120x128xf32, #tpu.memory_space<vmem>>
      tpu.wait_dma2 semaphore(%run_scoped3A : memref<!tpu.dma_semaphore, #tpu.memory_space<semaphore_mem>>) src(%dma_wait3A_70 : memref<120x128xf32, #tpu.memory_space<vmem>>) dst(%dma_wait3A_67 : memref<120x128xf32, #tpu.memory_space<vmem_shared>>)
      tpu.yield
    }) : () -> ()
    "tpu.region"() ({
      %run_scoped3A = tpu.sem_alloc : memref<!tpu.dma_semaphore, #tpu.memory_space<semaphore_mem>>
      %dma_start3A = arith.constant 0 : i32
      %dma_start3A_53 = arith.constant 0 : i32
      %dma_start3A_54 = tpu.memref_slice %arg15[%dma_start3A, %dma_start3A_53] : memref<128x16xf32, #tpu.memory_space<vmem>> -> memref<120x16xf32, #tpu.memory_space<vmem>>
      %dma_start3A_55 = arith.constant 0 : i32
      %dma_start3A_56 = tpu.memref_slice %arg17[%add3A_25, %dma_start3A_55] : memref<10112x16xf32, #tpu.memory_space<vmem_shared>> -> memref<120x16xf32, #tpu.memory_space<vmem_shared>>
      %dma_start3A_57 = arith.constant 0 : i32
      %dma_start3A_58 = tpu.memref_slice %arg17[%add3A_25, %dma_start3A_57] : memref<10112x16xf32, #tpu.memory_space<vmem_shared>> -> memref<120x16xf32, #tpu.memory_space<vmem_shared>>
      %dma_start3A_59 = arith.constant 0 : i32
      %dma_start3A_60 = arith.constant 0 : i32
      %dma_start3A_61 = tpu.memref_slice %arg15[%dma_start3A_59, %dma_start3A_60] : memref<128x16xf32, #tpu.memory_space<vmem>> -> memref<120x16xf32, #tpu.memory_space<vmem>>
      tpu.enqueue_dma source(%dma_start3A_61 : memref<120x16xf32, #tpu.memory_space<vmem>>) target(%dma_start3A_58 : memref<120x16xf32, #tpu.memory_space<vmem_shared>>) target_semaphore(%run_scoped3A : memref<!tpu.dma_semaphore, #tpu.memory_space<semaphore_mem>>)
      %dma_wait3A = arith.constant 0 : i32
      %dma_wait3A_62 = arith.constant 0 : i32
      %dma_wait3A_63 = tpu.memref_slice %arg15[%dma_wait3A, %dma_wait3A_62] : memref<128x16xf32, #tpu.memory_space<vmem>> -> memref<120x16xf32, #tpu.memory_space<vmem>>
      %dma_wait3A_64 = arith.constant 0 : i32
      %dma_wait3A_65 = tpu.memref_slice %arg17[%add3A_25, %dma_wait3A_64] : memref<10112x16xf32, #tpu.memory_space<vmem_shared>> -> memref<120x16xf32, #tpu.memory_space<vmem_shared>>
      %dma_wait3A_66 = arith.constant 0 : i32
      %dma_wait3A_67 = tpu.memref_slice %arg17[%add3A_25, %dma_wait3A_66] : memref<10112x16xf32, #tpu.memory_space<vmem_shared>> -> memref<120x16xf32, #tpu.memory_space<vmem_shared>>
      %dma_wait3A_68 = arith.constant 0 : i32
      %dma_wait3A_69 = arith.constant 0 : i32
      %dma_wait3A_70 = tpu.memref_slice %arg15[%dma_wait3A_68, %dma_wait3A_69] : memref<128x16xf32, #tpu.memory_space<vmem>> -> memref<120x16xf32, #tpu.memory_space<vmem>>
      tpu.wait_dma2 semaphore(%run_scoped3A : memref<!tpu.dma_semaphore, #tpu.memory_space<semaphore_mem>>) src(%dma_wait3A_70 : memref<120x16xf32, #tpu.memory_space<vmem>>) dst(%dma_wait3A_67 : memref<120x16xf32, #tpu.memory_space<vmem_shared>>)
      tpu.yield
    }) : () -> ()
    %barrier3A = arith.constant 0 : index
    tpu.barrier barrier_id(%barrier3A)
    %scan3A_26 = arith.constant 0 : i32
    %scan3A_27 = arith.constant 0 : i32
    %scan3A_28 = arith.constant 81 : i32
    %scan3A_29 = arith.addi %scan3A_27, %scan3A_28 : i32
    %scan3A_30 = arith.constant 1 : i32
    scf.for %scan3A_53 = %scan3A_27 to %scan3A_29 step %scan3A_30  : i32 {
      %mul3A_54 = arith.constant 10368 : i32
      %mul3A_55 = arith.muli %add3A, %mul3A_54 : i32
      %mul3A_56 = arith.constant 128 : i32
      %mul3A_57 = arith.muli %scan3A_53, %mul3A_56 : i32
      %add3A_58 = arith.addi %mul3A_55, %mul3A_57 : i32
      "tpu.region"() ({
        %run_scoped3A = tpu.sem_alloc : memref<!tpu.dma_semaphore, #tpu.memory_space<semaphore_mem>>
        %dma_start3A_199 = tpu.memref_slice %arg5[%add3A_58] : memref<331776xi32, #tpu.memory_space<hbm>> -> memref<128xi32, #tpu.memory_space<hbm>>
        %dma_start3A_200 = tpu.memref_slice %arg5[%add3A_58] : memref<331776xi32, #tpu.memory_space<hbm>> -> memref<128xi32, #tpu.memory_space<hbm>>
        tpu.enqueue_dma source(%dma_start3A_200 : memref<128xi32, #tpu.memory_space<hbm>>) target(%arg11 : memref<128xi32, #tpu.memory_space<vmem>>) target_semaphore(%run_scoped3A : memref<!tpu.dma_semaphore, #tpu.memory_space<semaphore_mem>>)
        %dma_wait3A_201 = tpu.memref_slice %arg5[%add3A_58] : memref<331776xi32, #tpu.memory_space<hbm>> -> memref<128xi32, #tpu.memory_space<hbm>>
        %dma_wait3A_202 = tpu.memref_slice %arg5[%add3A_58] : memref<331776xi32, #tpu.memory_space<hbm>> -> memref<128xi32, #tpu.memory_space<hbm>>
        tpu.wait_dma2 semaphore(%run_scoped3A : memref<!tpu.dma_semaphore, #tpu.memory_space<semaphore_mem>>) src(%dma_wait3A_202 : memref<128xi32, #tpu.memory_space<hbm>>) dst(%arg11 : memref<128xi32, #tpu.memory_space<vmem>>)
        tpu.yield
      }) : () -> ()
      "tpu.region"() ({
        %run_scoped3A = tpu.sem_alloc : memref<!tpu.dma_semaphore, #tpu.memory_space<semaphore_mem>>
        %dma_start3A_199 = tpu.memref_slice %arg6[%add3A_58] : memref<331776xi32, #tpu.memory_space<hbm>> -> memref<128xi32, #tpu.memory_space<hbm>>
        %dma_start3A_200 = tpu.memref_slice %arg6[%add3A_58] : memref<331776xi32, #tpu.memory_space<hbm>> -> memref<128xi32, #tpu.memory_space<hbm>>
        tpu.enqueue_dma source(%dma_start3A_200 : memref<128xi32, #tpu.memory_space<hbm>>) target(%arg12 : memref<128xi32, #tpu.memory_space<vmem>>) target_semaphore(%run_scoped3A : memref<!tpu.dma_semaphore, #tpu.memory_space<semaphore_mem>>)
        %dma_wait3A_201 = tpu.memref_slice %arg6[%add3A_58] : memref<331776xi32, #tpu.memory_space<hbm>> -> memref<128xi32, #tpu.memory_space<hbm>>
        %dma_wait3A_202 = tpu.memref_slice %arg6[%add3A_58] : memref<331776xi32, #tpu.memory_space<hbm>> -> memref<128xi32, #tpu.memory_space<hbm>>
        tpu.wait_dma2 semaphore(%run_scoped3A : memref<!tpu.dma_semaphore, #tpu.memory_space<semaphore_mem>>) src(%dma_wait3A_202 : memref<128xi32, #tpu.memory_space<hbm>>) dst(%arg12 : memref<128xi32, #tpu.memory_space<vmem>>)
        tpu.yield
      }) : () -> ()
      %get3A = arith.constant 0 : index
      %get3A_59 = tpu.vector_load %arg11[%get3A] {strides = array<i32>} : memref<128xi32, #tpu.memory_space<vmem>>, vector<16xi32>,
      %get3A_60 = arith.constant 0 : index
      %get3A_61 = tpu.vector_load %arg12[%get3A_60] {strides = array<i32>} : memref<128xi32, #tpu.memory_space<vmem>>, vector<16xi32>,
      %gather3A = tpu.vector_load_idx %arg9[%get3A_59] : memref<10112xf32, #tpu.memory_space<vmem>>[vector<16xi32>], vector<16xf32>,
      %gather3A_62 = tpu.vector_load_idx %arg10[%get3A_61] : memref<10112xf32, #tpu.memory_space<vmem>>[vector<16xi32>], vector<16xf32>,
      %add3A_63 = arith.addf %gather3A, %gather3A_62 : vector<16xf32>
      %gt3A = arith.constant 0.000000e+00 : f32
      %gt3A_64 = vector.broadcast %gt3A : f32 to vector<16xf32>
      %gt3A_65 = arith.cmpf ogt, %add3A_63, %gt3A_64 : vector<16xf32>
      %mul3A_66 = arith.constant 2.000000e-01 : f32
      %mul3A_67 = vector.broadcast %mul3A_66 : f32 to vector<16xf32>
      %mul3A_68 = arith.mulf %mul3A_67, %add3A_63 : vector<16xf32>
      %select_n3A = arith.select %gt3A_65, %add3A_63, %mul3A_68 : vector<16xi1>, vector<16xf32>
      %exp3A = math.exp %select_n3A : vector<16xf32>
      %swap3A = arith.constant 0 : index
      %swap3A_69 = tpu.vector_load %arg13[%swap3A] {strides = array<i32>} : memref<128xf32, #tpu.memory_space<vmem>>, vector<16xf32>,
      tpu.vector_store %arg13[%swap3A], %exp3A {strides = array<i32>} : memref<128xf32, #tpu.memory_space<vmem>>, vector<16xf32>,
      %get3A_70 = arith.constant 16 : index
      %get3A_71 = tpu.vector_load %arg11[%get3A_70] {strides = array<i32>} : memref<128xi32, #tpu.memory_space<vmem>>, vector<16xi32>,
      %get3A_72 = arith.constant 16 : index
      %get3A_73 = tpu.vector_load %arg12[%get3A_72] {strides = array<i32>} : memref<128xi32, #tpu.memory_space<vmem>>, vector<16xi32>,
      %gather3A_74 = tpu.vector_load_idx %arg9[%get3A_71] : memref<10112xf32, #tpu.memory_space<vmem>>[vector<16xi32>], vector<16xf32>,
      %gather3A_75 = tpu.vector_load_idx %arg10[%get3A_73] : memref<10112xf32, #tpu.memory_space<vmem>>[vector<16xi32>], vector<16xf32>,
      %add3A_76 = arith.addf %gather3A_74, %gather3A_75 : vector<16xf32>
      %gt3A_77 = arith.constant 0.000000e+00 : f32
      %gt3A_78 = vector.broadcast %gt3A_77 : f32 to vector<16xf32>
      %gt3A_79 = arith.cmpf ogt, %add3A_76, %gt3A_78 : vector<16xf32>
      %mul3A_80 = arith.constant 2.000000e-01 : f32
      %mul3A_81 = vector.broadcast %mul3A_80 : f32 to vector<16xf32>
      %mul3A_82 = arith.mulf %mul3A_81, %add3A_76 : vector<16xf32>
      %select_n3A_83 = arith.select %gt3A_79, %add3A_76, %mul3A_82 : vector<16xi1>, vector<16xf32>
      %exp3A_84 = math.exp %select_n3A_83 : vector<16xf32>
      %swap3A_85 = arith.constant 16 : index
      %swap3A_86 = tpu.vector_load %arg13[%swap3A_85] {strides = array<i32>} : memref<128xf32, #tpu.memory_space<vmem>>, vector<16xf32>,
      tpu.vector_store %arg13[%swap3A_85], %exp3A_84 {strides = array<i32>} : memref<128xf32, #tpu.memory_space<vmem>>, vector<16xf32>,
      %get3A_87 = arith.constant 32 : index
      %get3A_88 = tpu.vector_load %arg11[%get3A_87] {strides = array<i32>} : memref<128xi32, #tpu.memory_space<vmem>>, vector<16xi32>,
      %get3A_89 = arith.constant 32 : index
      %get3A_90 = tpu.vector_load %arg12[%get3A_89] {strides = array<i32>} : memref<128xi32, #tpu.memory_space<vmem>>, vector<16xi32>,
      %gather3A_91 = tpu.vector_load_idx %arg9[%get3A_88] : memref<10112xf32, #tpu.memory_space<vmem>>[vector<16xi32>], vector<16xf32>,
      %gather3A_92 = tpu.vector_load_idx %arg10[%get3A_90] : memref<10112xf32, #tpu.memory_space<vmem>>[vector<16xi32>], vector<16xf32>,
      %add3A_93 = arith.addf %gather3A_91, %gather3A_92 : vector<16xf32>
      %gt3A_94 = arith.constant 0.000000e+00 : f32
      %gt3A_95 = vector.broadcast %gt3A_94 : f32 to vector<16xf32>
      %gt3A_96 = arith.cmpf ogt, %add3A_93, %gt3A_95 : vector<16xf32>
      %mul3A_97 = arith.constant 2.000000e-01 : f32
      %mul3A_98 = vector.broadcast %mul3A_97 : f32 to vector<16xf32>
      %mul3A_99 = arith.mulf %mul3A_98, %add3A_93 : vector<16xf32>
      %select_n3A_100 = arith.select %gt3A_96, %add3A_93, %mul3A_99 : vector<16xi1>, vector<16xf32>
      %exp3A_101 = math.exp %select_n3A_100 : vector<16xf32>
      %swap3A_102 = arith.constant 32 : index
      %swap3A_103 = tpu.vector_load %arg13[%swap3A_102] {strides = array<i32>} : memref<128xf32, #tpu.memory_space<vmem>>, vector<16xf32>,
      tpu.vector_store %arg13[%swap3A_102], %exp3A_101 {strides = array<i32>} : memref<128xf32, #tpu.memory_space<vmem>>, vector<16xf32>,
      %get3A_104 = arith.constant 48 : index
      %get3A_105 = tpu.vector_load %arg11[%get3A_104] {strides = array<i32>} : memref<128xi32, #tpu.memory_space<vmem>>, vector<16xi32>,
      %get3A_106 = arith.constant 48 : index
      %get3A_107 = tpu.vector_load %arg12[%get3A_106] {strides = array<i32>} : memref<128xi32, #tpu.memory_space<vmem>>, vector<16xi32>,
      %gather3A_108 = tpu.vector_load_idx %arg9[%get3A_105] : memref<10112xf32, #tpu.memory_space<vmem>>[vector<16xi32>], vector<16xf32>,
      %gather3A_109 = tpu.vector_load_idx %arg10[%get3A_107] : memref<10112xf32, #tpu.memory_space<vmem>>[vector<16xi32>], vector<16xf32>,
      %add3A_110 = arith.addf %gather3A_108, %gather3A_109 : vector<16xf32>
      %gt3A_111 = arith.constant 0.000000e+00 : f32
      %gt3A_112 = vector.broadcast %gt3A_111 : f32 to vector<16xf32>
      %gt3A_113 = arith.cmpf ogt, %add3A_110, %gt3A_112 : vector<16xf32>
      %mul3A_114 = arith.constant 2.000000e-01 : f32
      %mul3A_115 = vector.broadcast %mul3A_114 : f32 to vector<16xf32>
      %mul3A_116 = arith.mulf %mul3A_115, %add3A_110 : vector<16xf32>
      %select_n3A_117 = arith.select %gt3A_113, %add3A_110, %mul3A_116 : vector<16xi1>, vector<16xf32>
      %exp3A_118 = math.exp %select_n3A_117 : vector<16xf32>
      %swap3A_119 = arith.constant 48 : index
      %swap3A_120 = tpu.vector_load %arg13[%swap3A_119] {strides = array<i32>} : memref<128xf32, #tpu.memory_space<vmem>>, vector<16xf32>,
      tpu.vector_store %arg13[%swap3A_119], %exp3A_118 {strides = array<i32>} : memref<128xf32, #tpu.memory_space<vmem>>, vector<16xf32>,
      %get3A_121 = arith.constant 64 : index
      %get3A_122 = tpu.vector_load %arg11[%get3A_121] {strides = array<i32>} : memref<128xi32, #tpu.memory_space<vmem>>, vector<16xi32>,
      %get3A_123 = arith.constant 64 : index
      %get3A_124 = tpu.vector_load %arg12[%get3A_123] {strides = array<i32>} : memref<128xi32, #tpu.memory_space<vmem>>, vector<16xi32>,
      %gather3A_125 = tpu.vector_load_idx %arg9[%get3A_122] : memref<10112xf32, #tpu.memory_space<vmem>>[vector<16xi32>], vector<16xf32>,
      %gather3A_126 = tpu.vector_load_idx %arg10[%get3A_124] : memref<10112xf32, #tpu.memory_space<vmem>>[vector<16xi32>], vector<16xf32>,
      %add3A_127 = arith.addf %gather3A_125, %gather3A_126 : vector<16xf32>
      %gt3A_128 = arith.constant 0.000000e+00 : f32
      %gt3A_129 = vector.broadcast %gt3A_128 : f32 to vector<16xf32>
      %gt3A_130 = arith.cmpf ogt, %add3A_127, %gt3A_129 : vector<16xf32>
      %mul3A_131 = arith.constant 2.000000e-01 : f32
      %mul3A_132 = vector.broadcast %mul3A_131 : f32 to vector<16xf32>
      %mul3A_133 = arith.mulf %mul3A_132, %add3A_127 : vector<16xf32>
      %select_n3A_134 = arith.select %gt3A_130, %add3A_127, %mul3A_133 : vector<16xi1>, vector<16xf32>
      %exp3A_135 = math.exp %select_n3A_134 : vector<16xf32>
      %swap3A_136 = arith.constant 64 : index
      %swap3A_137 = tpu.vector_load %arg13[%swap3A_136] {strides = array<i32>} : memref<128xf32, #tpu.memory_space<vmem>>, vector<16xf32>,
      tpu.vector_store %arg13[%swap3A_136], %exp3A_135 {strides = array<i32>} : memref<128xf32, #tpu.memory_space<vmem>>, vector<16xf32>,
      %get3A_138 = arith.constant 80 : index
      %get3A_139 = tpu.vector_load %arg11[%get3A_138] {strides = array<i32>} : memref<128xi32, #tpu.memory_space<vmem>>, vector<16xi32>,
      %get3A_140 = arith.constant 80 : index
      %get3A_141 = tpu.vector_load %arg12[%get3A_140] {strides = array<i32>} : memref<128xi32, #tpu.memory_space<vmem>>, vector<16xi32>,
      %gather3A_142 = tpu.vector_load_idx %arg9[%get3A_139] : memref<10112xf32, #tpu.memory_space<vmem>>[vector<16xi32>], vector<16xf32>,
      %gather3A_143 = tpu.vector_load_idx %arg10[%get3A_141] : memref<10112xf32, #tpu.memory_space<vmem>>[vector<16xi32>], vector<16xf32>,
      %add3A_144 = arith.addf %gather3A_142, %gather3A_143 : vector<16xf32>
      %gt3A_145 = arith.constant 0.000000e+00 : f32
      %gt3A_146 = vector.broadcast %gt3A_145 : f32 to vector<16xf32>
      %gt3A_147 = arith.cmpf ogt, %add3A_144, %gt3A_146 : vector<16xf32>
      %mul3A_148 = arith.constant 2.000000e-01 : f32
      %mul3A_149 = vector.broadcast %mul3A_148 : f32 to vector<16xf32>
      %mul3A_150 = arith.mulf %mul3A_149, %add3A_144 : vector<16xf32>
      %select_n3A_151 = arith.select %gt3A_147, %add3A_144, %mul3A_150 : vector<16xi1>, vector<16xf32>
      %exp3A_152 = math.exp %select_n3A_151 : vector<16xf32>
      %swap3A_153 = arith.constant 80 : index
      %swap3A_154 = tpu.vector_load %arg13[%swap3A_153] {strides = array<i32>} : memref<128xf32, #tpu.memory_space<vmem>>, vector<16xf32>,
      tpu.vector_store %arg13[%swap3A_153], %exp3A_152 {strides = array<i32>} : memref<128xf32, #tpu.memory_space<vmem>>, vector<16xf32>,
      %get3A_155 = arith.constant 96 : index
      %get3A_156 = tpu.vector_load %arg11[%get3A_155] {strides = array<i32>} : memref<128xi32, #tpu.memory_space<vmem>>, vector<16xi32>,
      %get3A_157 = arith.constant 96 : index
      %get3A_158 = tpu.vector_load %arg12[%get3A_157] {strides = array<i32>} : memref<128xi32, #tpu.memory_space<vmem>>, vector<16xi32>,
      %gather3A_159 = tpu.vector_load_idx %arg9[%get3A_156] : memref<10112xf32, #tpu.memory_space<vmem>>[vector<16xi32>], vector<16xf32>,
      %gather3A_160 = tpu.vector_load_idx %arg10[%get3A_158] : memref<10112xf32, #tpu.memory_space<vmem>>[vector<16xi32>], vector<16xf32>,
      %add3A_161 = arith.addf %gather3A_159, %gather3A_160 : vector<16xf32>
      %gt3A_162 = arith.constant 0.000000e+00 : f32
      %gt3A_163 = vector.broadcast %gt3A_162 : f32 to vector<16xf32>
      %gt3A_164 = arith.cmpf ogt, %add3A_161, %gt3A_163 : vector<16xf32>
      %mul3A_165 = arith.constant 2.000000e-01 : f32
      %mul3A_166 = vector.broadcast %mul3A_165 : f32 to vector<16xf32>
      %mul3A_167 = arith.mulf %mul3A_166, %add3A_161 : vector<16xf32>
      %select_n3A_168 = arith.select %gt3A_164, %add3A_161, %mul3A_167 : vector<16xi1>, vector<16xf32>
      %exp3A_169 = math.exp %select_n3A_168 : vector<16xf32>
      %swap3A_170 = arith.constant 96 : index
      %swap3A_171 = tpu.vector_load %arg13[%swap3A_170] {strides = array<i32>} : memref<128xf32, #tpu.memory_space<vmem>>, vector<16xf32>,
      tpu.vector_store %arg13[%swap3A_170], %exp3A_169 {strides = array<i32>} : memref<128xf32, #tpu.memory_space<vmem>>, vector<16xf32>,
      %get3A_172 = arith.constant 112 : index
      %get3A_173 = tpu.vector_load %arg11[%get3A_172] {strides = array<i32>} : memref<128xi32, #tpu.memory_space<vmem>>, vector<16xi32>,
      %get3A_174 = arith.constant 112 : index
      %get3A_175 = tpu.vector_load %arg12[%get3A_174] {strides = array<i32>} : memref<128xi32, #tpu.memory_space<vmem>>, vector<16xi32>,
      %gather3A_176 = tpu.vector_load_idx %arg9[%get3A_173] : memref<10112xf32, #tpu.memory_space<vmem>>[vector<16xi32>], vector<16xf32>,
      %gather3A_177 = tpu.vector_load_idx %arg10[%get3A_175] : memref<10112xf32, #tpu.memory_space<vmem>>[vector<16xi32>], vector<16xf32>,
      %add3A_178 = arith.addf %gather3A_176, %gather3A_177 : vector<16xf32>
      %gt3A_179 = arith.constant 0.000000e+00 : f32
      %gt3A_180 = vector.broadcast %gt3A_179 : f32 to vector<16xf32>
      %gt3A_181 = arith.cmpf ogt, %add3A_178, %gt3A_180 : vector<16xf32>
      %mul3A_182 = arith.constant 2.000000e-01 : f32
      %mul3A_183 = vector.broadcast %mul3A_182 : f32 to vector<16xf32>
      %mul3A_184 = arith.mulf %mul3A_183, %add3A_178 : vector<16xf32>
      %select_n3A_185 = arith.select %gt3A_181, %add3A_178, %mul3A_184 : vector<16xi1>, vector<16xf32>
      %exp3A_186 = math.exp %select_n3A_185 : vector<16xf32>
      %swap3A_187 = arith.constant 112 : index
      %swap3A_188 = tpu.vector_load %arg13[%swap3A_187] {strides = array<i32>} : memref<128xf32, #tpu.memory_space<vmem>>, vector<16xf32>,
      tpu.vector_store %arg13[%swap3A_187], %exp3A_186 {strides = array<i32>} : memref<128xf32, #tpu.memory_space<vmem>>, vector<16xf32>,
      %dma_start3A = arith.constant 0 : i32
      %dma_start3A_189 = arith.constant 0 : i32
      %dma_start3A_190 = tpu.memref_slice %arg2[%dma_start3A, %dma_start3A_189] : memref<10112x128xf32, #tpu.memory_space<hbm>> -> memref<10112x128xf32, #tpu.memory_space<hbm>>
      tpu.enqueue_indirect_dma source(%dma_start3A_190 : memref<10112x128xf32, #tpu.memory_space<hbm>>) target(%arg14 : memref<128x128xf32, #tpu.memory_space<vmem>>) offsets(%arg11 : memref<128xi32, #tpu.memory_space<vmem>>) semaphore(%arg18 : memref<!tpu.dma_semaphore, #tpu.memory_space<semaphore_mem>>)
      %dma_wait3A = arith.constant 0 : i32
      %dma_wait3A_191 = arith.constant 0 : i32
      %dma_wait3A_192 = tpu.memref_slice %arg2[%dma_wait3A, %dma_wait3A_191] : memref<10112x128xf32, #tpu.memory_space<hbm>> -> memref<10112x128xf32, #tpu.memory_space<hbm>>
      tpu.wait_indirect_dma semaphore(%arg18 : memref<!tpu.dma_semaphore, #tpu.memory_space<semaphore_mem>>) src(%dma_wait3A_192 : memref<10112x128xf32, #tpu.memory_space<hbm>>) dst(%arg14 : memref<128x128xf32, #tpu.memory_space<vmem>>)
      %scan3A_193 = arith.constant 0 : i32
      %scan3A_194 = arith.constant 0 : i32
      %scan3A_195 = arith.constant 128 : i32
      %scan3A_196 = arith.addi %scan3A_194, %scan3A_195 : i32
      %scan3A_197 = arith.constant 1 : i32
      scf.for %scan3A_199 = %scan3A_194 to %scan3A_196 step %scan3A_197  : i32 {
        %broadcast_in_dim3A = vector.broadcast %scan3A_199 : i32 to vector<16xi32>
        %gather3A_200 = tpu.vector_load_idx %arg13[%broadcast_in_dim3A] : memref<128xf32, #tpu.memory_space<vmem>>[vector<16xi32>], vector<16xf32>,
        %get3A_201 = arith.index_cast %scan3A_199 : i32 to index
        %get3A_202 = arith.constant 0 : index
        %get3A_203 = tpu.vector_load %arg14[%get3A_201, %get3A_202] {strides = array<i32>} : memref<128x128xf32, #tpu.memory_space<vmem>>, vector<16xf32>,
        %mul3A_204 = arith.mulf %get3A_203, %gather3A_200 : vector<16xf32>
        %swap3A_205 = arith.index_cast %scan3A_199 : i32 to index
        %swap3A_206 = arith.constant 0 : index
        %swap3A_207 = tpu.vector_load %arg14[%swap3A_205, %swap3A_206] {strides = array<i32>} : memref<128x128xf32, #tpu.memory_space<vmem>>, vector<16xf32>,
        tpu.vector_store %arg14[%swap3A_205, %swap3A_206], %mul3A_204 {strides = array<i32>} : memref<128x128xf32, #tpu.memory_space<vmem>>, vector<16xf32>,
        %get3A_208 = arith.index_cast %scan3A_199 : i32 to index
        %get3A_209 = arith.constant 16 : index
        %get3A_210 = tpu.vector_load %arg14[%get3A_208, %get3A_209] {strides = array<i32>} : memref<128x128xf32, #tpu.memory_space<vmem>>, vector<16xf32>,
        %mul3A_211 = arith.mulf %get3A_210, %gather3A_200 : vector<16xf32>
        %swap3A_212 = arith.index_cast %scan3A_199 : i32 to index
        %swap3A_213 = arith.constant 16 : index
        %swap3A_214 = tpu.vector_load %arg14[%swap3A_212, %swap3A_213] {strides = array<i32>} : memref<128x128xf32, #tpu.memory_space<vmem>>, vector<16xf32>,
        tpu.vector_store %arg14[%swap3A_212, %swap3A_213], %mul3A_211 {strides = array<i32>} : memref<128x128xf32, #tpu.memory_space<vmem>>, vector<16xf32>,
        %get3A_215 = arith.index_cast %scan3A_199 : i32 to index
        %get3A_216 = arith.constant 32 : index
        %get3A_217 = tpu.vector_load %arg14[%get3A_215, %get3A_216] {strides = array<i32>} : memref<128x128xf32, #tpu.memory_space<vmem>>, vector<16xf32>,
        %mul3A_218 = arith.mulf %get3A_217, %gather3A_200 : vector<16xf32>
        %swap3A_219 = arith.index_cast %scan3A_199 : i32 to index
        %swap3A_220 = arith.constant 32 : index
        %swap3A_221 = tpu.vector_load %arg14[%swap3A_219, %swap3A_220] {strides = array<i32>} : memref<128x128xf32, #tpu.memory_space<vmem>>, vector<16xf32>,
        tpu.vector_store %arg14[%swap3A_219, %swap3A_220], %mul3A_218 {strides = array<i32>} : memref<128x128xf32, #tpu.memory_space<vmem>>, vector<16xf32>,
        %get3A_222 = arith.index_cast %scan3A_199 : i32 to index
        %get3A_223 = arith.constant 48 : index
        %get3A_224 = tpu.vector_load %arg14[%get3A_222, %get3A_223] {strides = array<i32>} : memref<128x128xf32, #tpu.memory_space<vmem>>, vector<16xf32>,
        %mul3A_225 = arith.mulf %get3A_224, %gather3A_200 : vector<16xf32>
        %swap3A_226 = arith.index_cast %scan3A_199 : i32 to index
        %swap3A_227 = arith.constant 48 : index
        %swap3A_228 = tpu.vector_load %arg14[%swap3A_226, %swap3A_227] {strides = array<i32>} : memref<128x128xf32, #tpu.memory_space<vmem>>, vector<16xf32>,
        tpu.vector_store %arg14[%swap3A_226, %swap3A_227], %mul3A_225 {strides = array<i32>} : memref<128x128xf32, #tpu.memory_space<vmem>>, vector<16xf32>,
        %get3A_229 = arith.index_cast %scan3A_199 : i32 to index
        %get3A_230 = arith.constant 64 : index
        %get3A_231 = tpu.vector_load %arg14[%get3A_229, %get3A_230] {strides = array<i32>} : memref<128x128xf32, #tpu.memory_space<vmem>>, vector<16xf32>,
        %mul3A_232 = arith.mulf %get3A_231, %gather3A_200 : vector<16xf32>
        %swap3A_233 = arith.index_cast %scan3A_199 : i32 to index
        %swap3A_234 = arith.constant 64 : index
        %swap3A_235 = tpu.vector_load %arg14[%swap3A_233, %swap3A_234] {strides = array<i32>} : memref<128x128xf32, #tpu.memory_space<vmem>>, vector<16xf32>,
        tpu.vector_store %arg14[%swap3A_233, %swap3A_234], %mul3A_232 {strides = array<i32>} : memref<128x128xf32, #tpu.memory_space<vmem>>, vector<16xf32>,
        %get3A_236 = arith.index_cast %scan3A_199 : i32 to index
        %get3A_237 = arith.constant 80 : index
        %get3A_238 = tpu.vector_load %arg14[%get3A_236, %get3A_237] {strides = array<i32>} : memref<128x128xf32, #tpu.memory_space<vmem>>, vector<16xf32>,
        %mul3A_239 = arith.mulf %get3A_238, %gather3A_200 : vector<16xf32>
        %swap3A_240 = arith.index_cast %scan3A_199 : i32 to index
        %swap3A_241 = arith.constant 80 : index
        %swap3A_242 = tpu.vector_load %arg14[%swap3A_240, %swap3A_241] {strides = array<i32>} : memref<128x128xf32, #tpu.memory_space<vmem>>, vector<16xf32>,
        tpu.vector_store %arg14[%swap3A_240, %swap3A_241], %mul3A_239 {strides = array<i32>} : memref<128x128xf32, #tpu.memory_space<vmem>>, vector<16xf32>,
        %get3A_243 = arith.index_cast %scan3A_199 : i32 to index
        %get3A_244 = arith.constant 96 : index
        %get3A_245 = tpu.vector_load %arg14[%get3A_243, %get3A_244] {strides = array<i32>} : memref<128x128xf32, #tpu.memory_space<vmem>>, vector<16xf32>,
        %mul3A_246 = arith.mulf %get3A_245, %gather3A_200 : vector<16xf32>
        %swap3A_247 = arith.index_cast %scan3A_199 : i32 to index
        %swap3A_248 = arith.constant 96 : index
        %swap3A_249 = tpu.vector_load %arg14[%swap3A_247, %swap3A_248] {strides = array<i32>} : memref<128x128xf32, #tpu.memory_space<vmem>>, vector<16xf32>,
        tpu.vector_store %arg14[%swap3A_247, %swap3A_248], %mul3A_246 {strides = array<i32>} : memref<128x128xf32, #tpu.memory_space<vmem>>, vector<16xf32>,
        %get3A_250 = arith.index_cast %scan3A_199 : i32 to index
        %get3A_251 = arith.constant 112 : index
        %get3A_252 = tpu.vector_load %arg14[%get3A_250, %get3A_251] {strides = array<i32>} : memref<128x128xf32, #tpu.memory_space<vmem>>, vector<16xf32>,
        %mul3A_253 = arith.mulf %get3A_252, %gather3A_200 : vector<16xf32>
        %swap3A_254 = arith.index_cast %scan3A_199 : i32 to index
        %swap3A_255 = arith.constant 112 : index
        %swap3A_256 = tpu.vector_load %arg14[%swap3A_254, %swap3A_255] {strides = array<i32>} : memref<128x128xf32, #tpu.memory_space<vmem>>, vector<16xf32>,
        tpu.vector_store %arg14[%swap3A_254, %swap3A_255], %mul3A_253 {strides = array<i32>} : memref<128x128xf32, #tpu.memory_space<vmem>>, vector<16xf32>,
        %swap3A_257 = arith.index_cast %scan3A_199 : i32 to index
        %swap3A_258 = arith.constant 0 : index
        %swap3A_259 = tpu.vector_load %arg15[%swap3A_257, %swap3A_258] {strides = array<i32>} : memref<128x16xf32, #tpu.memory_space<vmem>>, vector<16xf32>,
        tpu.vector_store %arg15[%swap3A_257, %swap3A_258], %gather3A_200 {strides = array<i32>} : memref<128x16xf32, #tpu.memory_space<vmem>>, vector<16xf32>,
      }
      %scan3A_198 = arith.constant 128 : i32
      "tpu.region"() ({
        %run_scoped3A = tpu.sem_alloc : memref<!tpu.dma_semaphore, #tpu.memory_space<semaphore_mem>>
        %dma_start3A_199 = arith.constant 0 : i32
        %dma_start3A_200 = arith.constant 0 : i32
        %dma_start3A_201 = tpu.memref_slice %arg16[%dma_start3A_199, %dma_start3A_200] : memref<10112x128xf32, #tpu.memory_space<vmem_shared>> -> memref<10112x128xf32, #tpu.memory_space<vmem_shared>>
        tpu.enqueue_indirect_dma source(%arg14 : memref<128x128xf32, #tpu.memory_space<vmem>>) target(%dma_start3A_201 : memref<10112x128xf32, #tpu.memory_space<vmem_shared>>) offsets(%arg12 : memref<128xi32, #tpu.memory_space<vmem>>) semaphore(%run_scoped3A : memref<!tpu.dma_semaphore, #tpu.memory_space<semaphore_mem>>) {add = true}
        %dma_wait3A_202 = arith.constant 0 : i32
        %dma_wait3A_203 = arith.constant 0 : i32
        %dma_wait3A_204 = tpu.memref_slice %arg16[%dma_wait3A_202, %dma_wait3A_203] : memref<10112x128xf32, #tpu.memory_space<vmem_shared>> -> memref<10112x128xf32, #tpu.memory_space<vmem_shared>>
        tpu.wait_indirect_dma semaphore(%run_scoped3A : memref<!tpu.dma_semaphore, #tpu.memory_space<semaphore_mem>>) src(%arg14 : memref<128x128xf32, #tpu.memory_space<vmem>>) dst(%dma_wait3A_204 : memref<10112x128xf32, #tpu.memory_space<vmem_shared>>)
        tpu.yield
      }) : () -> ()
      "tpu.region"() ({
        %run_scoped3A = tpu.sem_alloc : memref<!tpu.dma_semaphore, #tpu.memory_space<semaphore_mem>>
        %dma_start3A_199 = arith.constant 0 : i32
        %dma_start3A_200 = arith.constant 0 : i32
        %dma_start3A_201 = tpu.memref_slice %arg17[%dma_start3A_199, %dma_start3A_200] : memref<10112x16xf32, #tpu.memory_space<vmem_shared>> -> memref<10112x16xf32, #tpu.memory_space<vmem_shared>>
        tpu.enqueue_indirect_dma source(%arg15 : memref<128x16xf32, #tpu.memory_space<vmem>>) target(%dma_start3A_201 : memref<10112x16xf32, #tpu.memory_space<vmem_shared>>) offsets(%arg12 : memref<128xi32, #tpu.memory_space<vmem>>) semaphore(%run_scoped3A : memref<!tpu.dma_semaphore, #tpu.memory_space<semaphore_mem>>) {add = true}
        %dma_wait3A_202 = arith.constant 0 : i32
        %dma_wait3A_203 = arith.constant 0 : i32
        %dma_wait3A_204 = tpu.memref_slice %arg17[%dma_wait3A_202, %dma_wait3A_203] : memref<10112x16xf32, #tpu.memory_space<vmem_shared>> -> memref<10112x16xf32, #tpu.memory_space<vmem_shared>>
        tpu.wait_indirect_dma semaphore(%run_scoped3A : memref<!tpu.dma_semaphore, #tpu.memory_space<semaphore_mem>>) src(%arg15 : memref<128x16xf32, #tpu.memory_space<vmem>>) dst(%dma_wait3A_204 : memref<10112x16xf32, #tpu.memory_space<vmem_shared>>)
        tpu.yield
      }) : () -> ()
    }
    %scan3A_31 = arith.constant 81 : i32
    %barrier3A_32 = arith.constant 0 : index
    tpu.barrier barrier_id(%barrier3A_32)
    %mul3A_33 = arith.constant 632 : i32
    %mul3A_34 = arith.muli %arg1, %mul3A_33 : i32
    %add3A_35 = arith.constant 0 : i32
    %add3A_36 = arith.addi %mul3A_34, %add3A_35 : i32
    "tpu.region"() ({
      %run_scoped3A = tpu.sem_alloc : memref<!tpu.dma_semaphore, #tpu.memory_space<semaphore_mem>>
      %dma_start3A = arith.constant 0 : i32
      %dma_start3A_53 = tpu.memref_slice %arg7[%arg0, %add3A_36, %dma_start3A] : memref<2x10112x128xf32, #tpu.memory_space<hbm>> -> memref<1x128x128xf32, #tpu.memory_space<hbm>>
      %dma_start3A_54 = tpu.memref_squeeze %dma_start3A_53 : memref<1x128x128xf32, #tpu.memory_space<hbm>> -> memref<128x128xf32, #tpu.memory_space<hbm>>
      %dma_start3A_55 = arith.constant 0 : i32
      %dma_start3A_56 = tpu.memref_slice %arg16[%add3A_36, %dma_start3A_55] : memref<10112x128xf32, #tpu.memory_space<vmem_shared>> -> memref<128x128xf32, #tpu.memory_space<vmem_shared>>
      tpu.enqueue_dma source(%dma_start3A_56 : memref<128x128xf32, #tpu.memory_space<vmem_shared>>) target(%dma_start3A_54 : memref<128x128xf32, #tpu.memory_space<hbm>>) target_semaphore(%run_scoped3A : memref<!tpu.dma_semaphore, #tpu.memory_space<semaphore_mem>>)
      %dma_wait3A = arith.constant 0 : i32
      %dma_wait3A_57 = tpu.memref_slice %arg7[%arg0, %add3A_36, %dma_wait3A] : memref<2x10112x128xf32, #tpu.memory_space<hbm>> -> memref<1x128x128xf32, #tpu.memory_space<hbm>>
      %dma_wait3A_58 = tpu.memref_squeeze %dma_wait3A_57 : memref<1x128x128xf32, #tpu.memory_space<hbm>> -> memref<128x128xf32, #tpu.memory_space<hbm>>
      %dma_wait3A_59 = arith.constant 0 : i32
      %dma_wait3A_60 = tpu.memref_slice %arg16[%add3A_36, %dma_wait3A_59] : memref<10112x128xf32, #tpu.memory_space<vmem_shared>> -> memref<128x128xf32, #tpu.memory_space<vmem_shared>>
      tpu.wait_dma2 semaphore(%run_scoped3A : memref<!tpu.dma_semaphore, #tpu.memory_space<semaphore_mem>>) src(%dma_wait3A_60 : memref<128x128xf32, #tpu.memory_space<vmem_shared>>) dst(%dma_wait3A_58 : memref<128x128xf32, #tpu.memory_space<hbm>>)
      tpu.yield
    }) : () -> ()
    "tpu.region"() ({
      %run_scoped3A = tpu.sem_alloc : memref<!tpu.dma_semaphore, #tpu.memory_space<semaphore_mem>>
      %dma_start3A = arith.constant 0 : i32
      %dma_start3A_53 = tpu.memref_slice %arg8[%arg0, %add3A_36, %dma_start3A] : memref<2x10112x16xf32, #tpu.memory_space<hbm>> -> memref<1x128x16xf32, #tpu.memory_space<hbm>>
      %dma_start3A_54 = tpu.memref_squeeze %dma_start3A_53 : memref<1x128x16xf32, #tpu.memory_space<hbm>> -> memref<128x16xf32, #tpu.memory_space<hbm>>
      %dma_start3A_55 = arith.constant 0 : i32
      %dma_start3A_56 = tpu.memref_slice %arg17[%add3A_36, %dma_start3A_55] : memref<10112x16xf32, #tpu.memory_space<vmem_shared>> -> memref<128x16xf32, #tpu.memory_space<vmem_shared>>
      tpu.enqueue_dma source(%dma_start3A_56 : memref<128x16xf32, #tpu.memory_space<vmem_shared>>) target(%dma_start3A_54 : memref<128x16xf32, #tpu.memory_space<hbm>>) target_semaphore(%run_scoped3A : memref<!tpu.dma_semaphore, #tpu.memory_space<semaphore_mem>>)
      %dma_wait3A = arith.constant 0 : i32
      %dma_wait3A_57 = tpu.memref_slice %arg8[%arg0, %add3A_36, %dma_wait3A] : memref<2x10112x16xf32, #tpu.memory_space<hbm>> -> memref<1x128x16xf32, #tpu.memory_space<hbm>>
      %dma_wait3A_58 = tpu.memref_squeeze %dma_wait3A_57 : memref<1x128x16xf32, #tpu.memory_space<hbm>> -> memref<128x16xf32, #tpu.memory_space<hbm>>
      %dma_wait3A_59 = arith.constant 0 : i32
      %dma_wait3A_60 = tpu.memref_slice %arg17[%add3A_36, %dma_wait3A_59] : memref<10112x16xf32, #tpu.memory_space<vmem_shared>> -> memref<128x16xf32, #tpu.memory_space<vmem_shared>>
      tpu.wait_dma2 semaphore(%run_scoped3A : memref<!tpu.dma_semaphore, #tpu.memory_space<semaphore_mem>>) src(%dma_wait3A_60 : memref<128x16xf32, #tpu.memory_space<vmem_shared>>) dst(%dma_wait3A_58 : memref<128x16xf32, #tpu.memory_space<hbm>>)
      tpu.yield
    }) : () -> ()
    %mul3A_37 = arith.constant 632 : i32
    %mul3A_38 = arith.muli %arg1, %mul3A_37 : i32
    %add3A_39 = arith.constant 128 : i32
    %add3A_40 = arith.addi %mul3A_38, %add3A_39 : i32
    "tpu.region"() ({
      %run_scoped3A = tpu.sem_alloc : memref<!tpu.dma_semaphore, #tpu.memory_space<semaphore_mem>>
      %dma_start3A = arith.constant 0 : i32
      %dma_start3A_53 = tpu.memref_slice %arg7[%arg0, %add3A_40, %dma_start3A] : memref<2x10112x128xf32, #tpu.memory_space<hbm>> -> memref<1x128x128xf32, #tpu.memory_space<hbm>>
      %dma_start3A_54 = tpu.memref_squeeze %dma_start3A_53 : memref<1x128x128xf32, #tpu.memory_space<hbm>> -> memref<128x128xf32, #tpu.memory_space<hbm>>
      %dma_start3A_55 = arith.constant 0 : i32
      %dma_start3A_56 = tpu.memref_slice %arg16[%add3A_40, %dma_start3A_55] : memref<10112x128xf32, #tpu.memory_space<vmem_shared>> -> memref<128x128xf32, #tpu.memory_space<vmem_shared>>
      tpu.enqueue_dma source(%dma_start3A_56 : memref<128x128xf32, #tpu.memory_space<vmem_shared>>) target(%dma_start3A_54 : memref<128x128xf32, #tpu.memory_space<hbm>>) target_semaphore(%run_scoped3A : memref<!tpu.dma_semaphore, #tpu.memory_space<semaphore_mem>>)
      %dma_wait3A = arith.constant 0 : i32
      %dma_wait3A_57 = tpu.memref_slice %arg7[%arg0, %add3A_40, %dma_wait3A] : memref<2x10112x128xf32, #tpu.memory_space<hbm>> -> memref<1x128x128xf32, #tpu.memory_space<hbm>>
      %dma_wait3A_58 = tpu.memref_squeeze %dma_wait3A_57 : memref<1x128x128xf32, #tpu.memory_space<hbm>> -> memref<128x128xf32, #tpu.memory_space<hbm>>
      %dma_wait3A_59 = arith.constant 0 : i32
      %dma_wait3A_60 = tpu.memref_slice %arg16[%add3A_40, %dma_wait3A_59] : memref<10112x128xf32, #tpu.memory_space<vmem_shared>> -> memref<128x128xf32, #tpu.memory_space<vmem_shared>>
      tpu.wait_dma2 semaphore(%run_scoped3A : memref<!tpu.dma_semaphore, #tpu.memory_space<semaphore_mem>>) src(%dma_wait3A_60 : memref<128x128xf32, #tpu.memory_space<vmem_shared>>) dst(%dma_wait3A_58 : memref<128x128xf32, #tpu.memory_space<hbm>>)
      tpu.yield
    }) : () -> ()
    "tpu.region"() ({
      %run_scoped3A = tpu.sem_alloc : memref<!tpu.dma_semaphore, #tpu.memory_space<semaphore_mem>>
      %dma_start3A = arith.constant 0 : i32
      %dma_start3A_53 = tpu.memref_slice %arg8[%arg0, %add3A_40, %dma_start3A] : memref<2x10112x16xf32, #tpu.memory_space<hbm>> -> memref<1x128x16xf32, #tpu.memory_space<hbm>>
      %dma_start3A_54 = tpu.memref_squeeze %dma_start3A_53 : memref<1x128x16xf32, #tpu.memory_space<hbm>> -> memref<128x16xf32, #tpu.memory_space<hbm>>
      %dma_start3A_55 = arith.constant 0 : i32
      %dma_start3A_56 = tpu.memref_slice %arg17[%add3A_40, %dma_start3A_55] : memref<10112x16xf32, #tpu.memory_space<vmem_shared>> -> memref<128x16xf32, #tpu.memory_space<vmem_shared>>
      tpu.enqueue_dma source(%dma_start3A_56 : memref<128x16xf32, #tpu.memory_space<vmem_shared>>) target(%dma_start3A_54 : memref<128x16xf32, #tpu.memory_space<hbm>>) target_semaphore(%run_scoped3A : memref<!tpu.dma_semaphore, #tpu.memory_space<semaphore_mem>>)
      %dma_wait3A = arith.constant 0 : i32
      %dma_wait3A_57 = tpu.memref_slice %arg8[%arg0, %add3A_40, %dma_wait3A] : memref<2x10112x16xf32, #tpu.memory_space<hbm>> -> memref<1x128x16xf32, #tpu.memory_space<hbm>>
      %dma_wait3A_58 = tpu.memref_squeeze %dma_wait3A_57 : memref<1x128x16xf32, #tpu.memory_space<hbm>> -> memref<128x16xf32, #tpu.memory_space<hbm>>
      %dma_wait3A_59 = arith.constant 0 : i32
      %dma_wait3A_60 = tpu.memref_slice %arg17[%add3A_40, %dma_wait3A_59] : memref<10112x16xf32, #tpu.memory_space<vmem_shared>> -> memref<128x16xf32, #tpu.memory_space<vmem_shared>>
      tpu.wait_dma2 semaphore(%run_scoped3A : memref<!tpu.dma_semaphore, #tpu.memory_space<semaphore_mem>>) src(%dma_wait3A_60 : memref<128x16xf32, #tpu.memory_space<vmem_shared>>) dst(%dma_wait3A_58 : memref<128x16xf32, #tpu.memory_space<hbm>>)
      tpu.yield
    }) : () -> ()
    %mul3A_41 = arith.constant 632 : i32
    %mul3A_42 = arith.muli %arg1, %mul3A_41 : i32
    %add3A_43 = arith.constant 256 : i32
    %add3A_44 = arith.addi %mul3A_42, %add3A_43 : i32
    "tpu.region"() ({
      %run_scoped3A = tpu.sem_alloc : memref<!tpu.dma_semaphore, #tpu.memory_space<semaphore_mem>>
      %dma_start3A = arith.constant 0 : i32
      %dma_start3A_53 = tpu.memref_slice %arg7[%arg0, %add3A_44, %dma_start3A] : memref<2x10112x128xf32, #tpu.memory_space<hbm>> -> memref<1x128x128xf32, #tpu.memory_space<hbm>>
      %dma_start3A_54 = tpu.memref_squeeze %dma_start3A_53 : memref<1x128x128xf32, #tpu.memory_space<hbm>> -> memref<128x128xf32, #tpu.memory_space<hbm>>
      %dma_start3A_55 = arith.constant 0 : i32
      %dma_start3A_56 = tpu.memref_slice %arg16[%add3A_44, %dma_start3A_55] : memref<10112x128xf32, #tpu.memory_space<vmem_shared>> -> memref<128x128xf32, #tpu.memory_space<vmem_shared>>
      tpu.enqueue_dma source(%dma_start3A_56 : memref<128x128xf32, #tpu.memory_space<vmem_shared>>) target(%dma_start3A_54 : memref<128x128xf32, #tpu.memory_space<hbm>>) target_semaphore(%run_scoped3A : memref<!tpu.dma_semaphore, #tpu.memory_space<semaphore_mem>>)
      %dma_wait3A = arith.constant 0 : i32
      %dma_wait3A_57 = tpu.memref_slice %arg7[%arg0, %add3A_44, %dma_wait3A] : memref<2x10112x128xf32, #tpu.memory_space<hbm>> -> memref<1x128x128xf32, #tpu.memory_space<hbm>>
      %dma_wait3A_58 = tpu.memref_squeeze %dma_wait3A_57 : memref<1x128x128xf32, #tpu.memory_space<hbm>> -> memref<128x128xf32, #tpu.memory_space<hbm>>
      %dma_wait3A_59 = arith.constant 0 : i32
      %dma_wait3A_60 = tpu.memref_slice %arg16[%add3A_44, %dma_wait3A_59] : memref<10112x128xf32, #tpu.memory_space<vmem_shared>> -> memref<128x128xf32, #tpu.memory_space<vmem_shared>>
      tpu.wait_dma2 semaphore(%run_scoped3A : memref<!tpu.dma_semaphore, #tpu.memory_space<semaphore_mem>>) src(%dma_wait3A_60 : memref<128x128xf32, #tpu.memory_space<vmem_shared>>) dst(%dma_wait3A_58 : memref<128x128xf32, #tpu.memory_space<hbm>>)
      tpu.yield
    }) : () -> ()
    "tpu.region"() ({
      %run_scoped3A = tpu.sem_alloc : memref<!tpu.dma_semaphore, #tpu.memory_space<semaphore_mem>>
      %dma_start3A = arith.constant 0 : i32
      %dma_start3A_53 = tpu.memref_slice %arg8[%arg0, %add3A_44, %dma_start3A] : memref<2x10112x16xf32, #tpu.memory_space<hbm>> -> memref<1x128x16xf32, #tpu.memory_space<hbm>>
      %dma_start3A_54 = tpu.memref_squeeze %dma_start3A_53 : memref<1x128x16xf32, #tpu.memory_space<hbm>> -> memref<128x16xf32, #tpu.memory_space<hbm>>
      %dma_start3A_55 = arith.constant 0 : i32
      %dma_start3A_56 = tpu.memref_slice %arg17[%add3A_44, %dma_start3A_55] : memref<10112x16xf32, #tpu.memory_space<vmem_shared>> -> memref<128x16xf32, #tpu.memory_space<vmem_shared>>
      tpu.enqueue_dma source(%dma_start3A_56 : memref<128x16xf32, #tpu.memory_space<vmem_shared>>) target(%dma_start3A_54 : memref<128x16xf32, #tpu.memory_space<hbm>>) target_semaphore(%run_scoped3A : memref<!tpu.dma_semaphore, #tpu.memory_space<semaphore_mem>>)
      %dma_wait3A = arith.constant 0 : i32
      %dma_wait3A_57 = tpu.memref_slice %arg8[%arg0, %add3A_44, %dma_wait3A] : memref<2x10112x16xf32, #tpu.memory_space<hbm>> -> memref<1x128x16xf32, #tpu.memory_space<hbm>>
      %dma_wait3A_58 = tpu.memref_squeeze %dma_wait3A_57 : memref<1x128x16xf32, #tpu.memory_space<hbm>> -> memref<128x16xf32, #tpu.memory_space<hbm>>
      %dma_wait3A_59 = arith.constant 0 : i32
      %dma_wait3A_60 = tpu.memref_slice %arg17[%add3A_44, %dma_wait3A_59] : memref<10112x16xf32, #tpu.memory_space<vmem_shared>> -> memref<128x16xf32, #tpu.memory_space<vmem_shared>>
      tpu.wait_dma2 semaphore(%run_scoped3A : memref<!tpu.dma_semaphore, #tpu.memory_space<semaphore_mem>>) src(%dma_wait3A_60 : memref<128x16xf32, #tpu.memory_space<vmem_shared>>) dst(%dma_wait3A_58 : memref<128x16xf32, #tpu.memory_space<hbm>>)
      tpu.yield
    }) : () -> ()
    %mul3A_45 = arith.constant 632 : i32
    %mul3A_46 = arith.muli %arg1, %mul3A_45 : i32
    %add3A_47 = arith.constant 384 : i32
    %add3A_48 = arith.addi %mul3A_46, %add3A_47 : i32
    "tpu.region"() ({
      %run_scoped3A = tpu.sem_alloc : memref<!tpu.dma_semaphore, #tpu.memory_space<semaphore_mem>>
      %dma_start3A = arith.constant 0 : i32
      %dma_start3A_53 = tpu.memref_slice %arg7[%arg0, %add3A_48, %dma_start3A] : memref<2x10112x128xf32, #tpu.memory_space<hbm>> -> memref<1x128x128xf32, #tpu.memory_space<hbm>>
      %dma_start3A_54 = tpu.memref_squeeze %dma_start3A_53 : memref<1x128x128xf32, #tpu.memory_space<hbm>> -> memref<128x128xf32, #tpu.memory_space<hbm>>
      %dma_start3A_55 = arith.constant 0 : i32
      %dma_start3A_56 = tpu.memref_slice %arg16[%add3A_48, %dma_start3A_55] : memref<10112x128xf32, #tpu.memory_space<vmem_shared>> -> memref<128x128xf32, #tpu.memory_space<vmem_shared>>
      tpu.enqueue_dma source(%dma_start3A_56 : memref<128x128xf32, #tpu.memory_space<vmem_shared>>) target(%dma_start3A_54 : memref<128x128xf32, #tpu.memory_space<hbm>>) target_semaphore(%run_scoped3A : memref<!tpu.dma_semaphore, #tpu.memory_space<semaphore_mem>>)
      %dma_wait3A = arith.constant 0 : i32
      %dma_wait3A_57 = tpu.memref_slice %arg7[%arg0, %add3A_48, %dma_wait3A] : memref<2x10112x128xf32, #tpu.memory_space<hbm>> -> memref<1x128x128xf32, #tpu.memory_space<hbm>>
      %dma_wait3A_58 = tpu.memref_squeeze %dma_wait3A_57 : memref<1x128x128xf32, #tpu.memory_space<hbm>> -> memref<128x128xf32, #tpu.memory_space<hbm>>
      %dma_wait3A_59 = arith.constant 0 : i32
      %dma_wait3A_60 = tpu.memref_slice %arg16[%add3A_48, %dma_wait3A_59] : memref<10112x128xf32, #tpu.memory_space<vmem_shared>> -> memref<128x128xf32, #tpu.memory_space<vmem_shared>>
      tpu.wait_dma2 semaphore(%run_scoped3A : memref<!tpu.dma_semaphore, #tpu.memory_space<semaphore_mem>>) src(%dma_wait3A_60 : memref<128x128xf32, #tpu.memory_space<vmem_shared>>) dst(%dma_wait3A_58 : memref<128x128xf32, #tpu.memory_space<hbm>>)
      tpu.yield
    }) : () -> ()
    "tpu.region"() ({
      %run_scoped3A = tpu.sem_alloc : memref<!tpu.dma_semaphore, #tpu.memory_space<semaphore_mem>>
      %dma_start3A = arith.constant 0 : i32
      %dma_start3A_53 = tpu.memref_slice %arg8[%arg0, %add3A_48, %dma_start3A] : memref<2x10112x16xf32, #tpu.memory_space<hbm>> -> memref<1x128x16xf32, #tpu.memory_space<hbm>>
      %dma_start3A_54 = tpu.memref_squeeze %dma_start3A_53 : memref<1x128x16xf32, #tpu.memory_space<hbm>> -> memref<128x16xf32, #tpu.memory_space<hbm>>
      %dma_start3A_55 = arith.constant 0 : i32
      %dma_start3A_56 = tpu.memref_slice %arg17[%add3A_48, %dma_start3A_55] : memref<10112x16xf32, #tpu.memory_space<vmem_shared>> -> memref<128x16xf32, #tpu.memory_space<vmem_shared>>
      tpu.enqueue_dma source(%dma_start3A_56 : memref<128x16xf32, #tpu.memory_space<vmem_shared>>) target(%dma_start3A_54 : memref<128x16xf32, #tpu.memory_space<hbm>>) target_semaphore(%run_scoped3A : memref<!tpu.dma_semaphore, #tpu.memory_space<semaphore_mem>>)
      %dma_wait3A = arith.constant 0 : i32
      %dma_wait3A_57 = tpu.memref_slice %arg8[%arg0, %add3A_48, %dma_wait3A] : memref<2x10112x16xf32, #tpu.memory_space<hbm>> -> memref<1x128x16xf32, #tpu.memory_space<hbm>>
      %dma_wait3A_58 = tpu.memref_squeeze %dma_wait3A_57 : memref<1x128x16xf32, #tpu.memory_space<hbm>> -> memref<128x16xf32, #tpu.memory_space<hbm>>
      %dma_wait3A_59 = arith.constant 0 : i32
      %dma_wait3A_60 = tpu.memref_slice %arg17[%add3A_48, %dma_wait3A_59] : memref<10112x16xf32, #tpu.memory_space<vmem_shared>> -> memref<128x16xf32, #tpu.memory_space<vmem_shared>>
      tpu.wait_dma2 semaphore(%run_scoped3A : memref<!tpu.dma_semaphore, #tpu.memory_space<semaphore_mem>>) src(%dma_wait3A_60 : memref<128x16xf32, #tpu.memory_space<vmem_shared>>) dst(%dma_wait3A_58 : memref<128x16xf32, #tpu.memory_space<hbm>>)
      tpu.yield
    }) : () -> ()
    %mul3A_49 = arith.constant 632 : i32
    %mul3A_50 = arith.muli %arg1, %mul3A_49 : i32
    %add3A_51 = arith.constant 512 : i32
    %add3A_52 = arith.addi %mul3A_50, %add3A_51 : i32
    "tpu.region"() ({
      %run_scoped3A = tpu.sem_alloc : memref<!tpu.dma_semaphore, #tpu.memory_space<semaphore_mem>>
      %dma_start3A = arith.constant 0 : i32
      %dma_start3A_53 = tpu.memref_slice %arg7[%arg0, %add3A_52, %dma_start3A] : memref<2x10112x128xf32, #tpu.memory_space<hbm>> -> memref<1x120x128xf32, #tpu.memory_space<hbm>>
      %dma_start3A_54 = tpu.memref_squeeze %dma_start3A_53 : memref<1x120x128xf32, #tpu.memory_space<hbm>> -> memref<120x128xf32, #tpu.memory_space<hbm>>
      %dma_start3A_55 = arith.constant 0 : i32
      %dma_start3A_56 = tpu.memref_slice %arg16[%add3A_52, %dma_start3A_55] : memref<10112x128xf32, #tpu.memory_space<vmem_shared>> -> memref<120x128xf32, #tpu.memory_space<vmem_shared>>
      tpu.enqueue_dma source(%dma_start3A_56 : memref<120x128xf32, #tpu.memory_space<vmem_shared>>) target(%dma_start3A_54 : memref<120x128xf32, #tpu.memory_space<hbm>>) target_semaphore(%run_scoped3A : memref<!tpu.dma_semaphore, #tpu.memory_space<semaphore_mem>>)
      %dma_wait3A = arith.constant 0 : i32
      %dma_wait3A_57 = tpu.memref_slice %arg7[%arg0, %add3A_52, %dma_wait3A] : memref<2x10112x128xf32, #tpu.memory_space<hbm>> -> memref<1x120x128xf32, #tpu.memory_space<hbm>>
      %dma_wait3A_58 = tpu.memref_squeeze %dma_wait3A_57 : memref<1x120x128xf32, #tpu.memory_space<hbm>> -> memref<120x128xf32, #tpu.memory_space<hbm>>
      %dma_wait3A_59 = arith.constant 0 : i32
      %dma_wait3A_60 = tpu.memref_slice %arg16[%add3A_52, %dma_wait3A_59] : memref<10112x128xf32, #tpu.memory_space<vmem_shared>> -> memref<120x128xf32, #tpu.memory_space<vmem_shared>>
      tpu.wait_dma2 semaphore(%run_scoped3A : memref<!tpu.dma_semaphore, #tpu.memory_space<semaphore_mem>>) src(%dma_wait3A_60 : memref<120x128xf32, #tpu.memory_space<vmem_shared>>) dst(%dma_wait3A_58 : memref<120x128xf32, #tpu.memory_space<hbm>>)
      tpu.yield
    }) : () -> ()
    "tpu.region"() ({
      %run_scoped3A = tpu.sem_alloc : memref<!tpu.dma_semaphore, #tpu.memory_space<semaphore_mem>>
      %dma_start3A = arith.constant 0 : i32
      %dma_start3A_53 = tpu.memref_slice %arg8[%arg0, %add3A_52, %dma_start3A] : memref<2x10112x16xf32, #tpu.memory_space<hbm>> -> memref<1x120x16xf32, #tpu.memory_space<hbm>>
      %dma_start3A_54 = tpu.memref_squeeze %dma_start3A_53 : memref<1x120x16xf32, #tpu.memory_space<hbm>> -> memref<120x16xf32, #tpu.memory_space<hbm>>
      %dma_start3A_55 = arith.constant 0 : i32
      %dma_start3A_56 = tpu.memref_slice %arg17[%add3A_52, %dma_start3A_55] : memref<10112x16xf32, #tpu.memory_space<vmem_shared>> -> memref<120x16xf32, #tpu.memory_space<vmem_shared>>
      tpu.enqueue_dma source(%dma_start3A_56 : memref<120x16xf32, #tpu.memory_space<vmem_shared>>) target(%dma_start3A_54 : memref<120x16xf32, #tpu.memory_space<hbm>>) target_semaphore(%run_scoped3A : memref<!tpu.dma_semaphore, #tpu.memory_space<semaphore_mem>>)
      %dma_wait3A = arith.constant 0 : i32
      %dma_wait3A_57 = tpu.memref_slice %arg8[%arg0, %add3A_52, %dma_wait3A] : memref<2x10112x16xf32, #tpu.memory_space<hbm>> -> memref<1x120x16xf32, #tpu.memory_space<hbm>>
      %dma_wait3A_58 = tpu.memref_squeeze %dma_wait3A_57 : memref<1x120x16xf32, #tpu.memory_space<hbm>> -> memref<120x16xf32, #tpu.memory_space<hbm>>
      %dma_wait3A_59 = arith.constant 0 : i32
      %dma_wait3A_60 = tpu.memref_slice %arg17[%add3A_52, %dma_wait3A_59] : memref<10112x16xf32, #tpu.memory_space<vmem_shared>> -> memref<120x16xf32, #tpu.memory_space<vmem_shared>>
      tpu.wait_dma2 semaphore(%run_scoped3A : memref<!tpu.dma_semaphore, #tpu.memory_space<semaphore_mem>>) src(%dma_wait3A_60 : memref<120x16xf32, #tpu.memory_space<vmem_shared>>) dst(%dma_wait3A_58 : memref<120x16xf32, #tpu.memory_space<hbm>>)
      tpu.yield
    }) : () -> ()
    return
  }
}

module attributes {stable_mosaic.version = 14 : i64} {
  func.func @_tc_first_body(%arg0: i32, %arg1: memref<632x128xf32, #tpu.memory_space<vmem>>, %arg2: memref<128x128xf32, #tpu.memory_space<vmem>>, %arg3: memref<1x128xf32, #tpu.memory_space<vmem>>, %arg4: memref<1x128xf32, #tpu.memory_space<vmem>>, %arg5: memref<632x128xf32, #tpu.memory_space<vmem>>, %arg6: memref<632x1xf32, #tpu.memory_space<vmem>>, %arg7: memref<632x1xf32, #tpu.memory_space<vmem>>) attributes {dimension_semantics = [#tpu.dimension_semantics<arbitrary>], iteration_bounds = array<i64: 16>, scalar_prefetch = 0 : i64, scratch_operands = 0 : i64, tpu.core_type = #tpu.core_type<tc>, window_params = [{transform_indices = @transform_0, window_bounds = array<i64: 632, 128>}, {pipeline_mode = #tpu.pipeline_mode<synchronous>, transform_indices = @transform_1, window_bounds = array<i64: 128, 128>}, {pipeline_mode = #tpu.pipeline_mode<synchronous>, transform_indices = @transform_2, window_bounds = array<i64: 1, 128>}, {pipeline_mode = #tpu.pipeline_mode<synchronous>, transform_indices = @transform_3, window_bounds = array<i64: 1, 128>}, {transform_indices = @transform_4, window_bounds = array<i64: 632, 128>}, {transform_indices = @transform_5, window_bounds = array<i64: 632, 1>}, {transform_indices = @transform_6, window_bounds = array<i64: 632, 1>}]} {
    %get3A = arith.constant 0 : index
    %get3A_0 = arith.constant 0 : index
    %get3A_1 = vector.load %arg1[%get3A, %get3A_0] : memref<632x128xf32, #tpu.memory_space<vmem>>, vector<632x128xf32>
    %get3A_2 = arith.constant 0 : index
    %get3A_3 = arith.constant 0 : index
    %get3A_4 = vector.load %arg2[%get3A_2, %get3A_3] : memref<128x128xf32, #tpu.memory_space<vmem>>, vector<128x128xf32>
    %dot_general3A = arith.constant dense<0.000000e+00> : vector<632x128xf32>
    %dot_general3A_5 = tpu.matmul %get3A_1, %get3A_4, %dot_general3A {dimension_numbers = #tpu.dot_dimension_numbers<[1], [0], [0], [1], [0, 0, 1, 1], [], []>, transpose_lhs_hint = false} : vector<632x128xf32>, vector<128x128xf32>, vector<632x128xf32> -> vector<632x128xf32>
    %swap3A = arith.constant 0 : index
    %swap3A_6 = arith.constant 0 : index
    %swap3A_7 = vector.load %arg5[%swap3A, %swap3A_6] : memref<632x128xf32, #tpu.memory_space<vmem>>, vector<632x128xf32>
    tpu.vector_store %arg5[%swap3A, %swap3A_6], %dot_general3A_5 {strides = array<i32>} : memref<632x128xf32, #tpu.memory_space<vmem>>, vector<632x128xf32>,
    %get3A_8 = arith.constant 0 : index
    %get3A_9 = arith.constant 0 : index
    %get3A_10 = vector.load %arg3[%get3A_8, %get3A_9] : memref<1x128xf32, #tpu.memory_space<vmem>>, vector<1x128xf32>
    %mul3A = vector.broadcast %get3A_10 : vector<1x128xf32> to vector<632x128xf32>
    %mul3A_11 = arith.mulf %dot_general3A_5, %mul3A : vector<632x128xf32>
    %reduce_sum3A = arith.constant dense<0.000000e+00> : vector<632xf32>
    %reduce_sum3A_12 = vector.multi_reduction <add>, %mul3A_11, %reduce_sum3A [1] : vector<632x128xf32> to vector<632xf32>
    %broadcast_in_dim3A = vector.shape_cast %reduce_sum3A_12 : vector<632xf32> to vector<632x1xf32>
    %swap3A_13 = arith.constant 0 : index
    %swap3A_14 = arith.constant 0 : index
    %swap3A_15 = vector.load %arg6[%swap3A_13, %swap3A_14] : memref<632x1xf32, #tpu.memory_space<vmem>>, vector<632x1xf32>
    tpu.vector_store %arg6[%swap3A_13, %swap3A_14], %broadcast_in_dim3A {strides = array<i32>} : memref<632x1xf32, #tpu.memory_space<vmem>>, vector<632x1xf32>,
    %get3A_16 = arith.constant 0 : index
    %get3A_17 = arith.constant 0 : index
    %get3A_18 = vector.load %arg4[%get3A_16, %get3A_17] : memref<1x128xf32, #tpu.memory_space<vmem>>, vector<1x128xf32>
    %mul3A_19 = vector.broadcast %get3A_18 : vector<1x128xf32> to vector<632x128xf32>
    %mul3A_20 = arith.mulf %dot_general3A_5, %mul3A_19 : vector<632x128xf32>
    %reduce_sum3A_21 = arith.constant dense<0.000000e+00> : vector<632xf32>
    %reduce_sum3A_22 = vector.multi_reduction <add>, %mul3A_20, %reduce_sum3A_21 [1] : vector<632x128xf32> to vector<632xf32>
    %broadcast_in_dim3A_23 = vector.shape_cast %reduce_sum3A_22 : vector<632xf32> to vector<632x1xf32>
    %swap3A_24 = arith.constant 0 : index
    %swap3A_25 = arith.constant 0 : index
    %swap3A_26 = vector.load %arg7[%swap3A_24, %swap3A_25] : memref<632x1xf32, #tpu.memory_space<vmem>>, vector<632x1xf32>
    tpu.vector_store %arg7[%swap3A_24, %swap3A_25], %broadcast_in_dim3A_23 {strides = array<i32>} : memref<632x1xf32, #tpu.memory_space<vmem>>, vector<632x1xf32>,
    return
  }
  func.func @transform_0(%arg0: i32) -> (i32, i32) {
    %c0_i32 = arith.constant 0 : i32
    %c0_i32_0 = arith.constant 0 : i32
    return %arg0, %c0_i32 : i32, i32
  }
  func.func @transform_1(%arg0: i32) -> (i32, i32) {
    %c0_i32 = arith.constant 0 : i32
    %c0_i32_0 = arith.constant 0 : i32
    %c0_i32_1 = arith.constant 0 : i32
    return %c0_i32, %c0_i32_0 : i32, i32
  }
  func.func @transform_2(%arg0: i32) -> (i32, i32) {
    %c0_i32 = arith.constant 0 : i32
    %c0_i32_0 = arith.constant 0 : i32
    %c0_i32_1 = arith.constant 0 : i32
    return %c0_i32, %c0_i32_0 : i32, i32
  }
  func.func @transform_3(%arg0: i32) -> (i32, i32) {
    %c0_i32 = arith.constant 0 : i32
    %c0_i32_0 = arith.constant 0 : i32
    %c0_i32_1 = arith.constant 0 : i32
    return %c0_i32, %c0_i32_0 : i32, i32
  }
  func.func @transform_4(%arg0: i32) -> (i32, i32) {
    %c0_i32 = arith.constant 0 : i32
    %c0_i32_0 = arith.constant 0 : i32
    return %arg0, %c0_i32 : i32, i32
  }
  func.func @transform_5(%arg0: i32) -> (i32, i32) {
    %c0_i32 = arith.constant 0 : i32
    %c0_i32_0 = arith.constant 0 : i32
    return %arg0, %c0_i32 : i32, i32
  }
  func.func @transform_6(%arg0: i32) -> (i32, i32) {
    %c0_i32 = arith.constant 0 : i32
    %c0_i32_0 = arith.constant 0 : i32
    return %arg0, %c0_i32 : i32, i32
  }
}

module attributes {stable_mosaic.version = 14 : i64} {
  func.func @_tc_mid_body(%arg0: i32, %arg1: memref<2x632x128xf32, #tpu.memory_space<vmem>>, %arg2: memref<2x632x16xf32, #tpu.memory_space<vmem>>, %arg3: memref<1x128xf32, #tpu.memory_space<vmem>>, %arg4: memref<128x128xf32, #tpu.memory_space<vmem>>, %arg5: memref<1x128xf32, #tpu.memory_space<vmem>>, %arg6: memref<1x128xf32, #tpu.memory_space<vmem>>, %arg7: memref<632x128xf32, #tpu.memory_space<vmem>>, %arg8: memref<632x1xf32, #tpu.memory_space<vmem>>, %arg9: memref<632x1xf32, #tpu.memory_space<vmem>>) attributes {dimension_semantics = [#tpu.dimension_semantics<arbitrary>], iteration_bounds = array<i64: 16>, scalar_prefetch = 0 : i64, scratch_operands = 0 : i64, tpu.core_type = #tpu.core_type<tc>, window_params = [{transform_indices = @transform_0, window_bounds = array<i64: 2, 632, 128>}, {transform_indices = @transform_1, window_bounds = array<i64: 2, 632, 16>}, {pipeline_mode = #tpu.pipeline_mode<synchronous>, transform_indices = @transform_2, window_bounds = array<i64: 1, 128>}, {pipeline_mode = #tpu.pipeline_mode<synchronous>, transform_indices = @transform_3, window_bounds = array<i64: 128, 128>}, {pipeline_mode = #tpu.pipeline_mode<synchronous>, transform_indices = @transform_4, window_bounds = array<i64: 1, 128>}, {pipeline_mode = #tpu.pipeline_mode<synchronous>, transform_indices = @transform_5, window_bounds = array<i64: 1, 128>}, {transform_indices = @transform_6, window_bounds = array<i64: 632, 128>}, {transform_indices = @transform_7, window_bounds = array<i64: 632, 1>}, {transform_indices = @transform_8, window_bounds = array<i64: 632, 1>}]} {
    %get3A = arith.constant 0 : index
    %get3A_0 = arith.constant 0 : index
    %get3A_1 = arith.constant 0 : index
    %get3A_2 = vector.load %arg1[%get3A, %get3A_0, %get3A_1] : memref<2x632x128xf32, #tpu.memory_space<vmem>>, vector<1x632x128xf32>
    %get3A_3 = vector.shape_cast %get3A_2 : vector<1x632x128xf32> to vector<632x128xf32>
    %get3A_4 = arith.constant 1 : index
    %get3A_5 = arith.constant 0 : index
    %get3A_6 = arith.constant 0 : index
    %get3A_7 = vector.load %arg1[%get3A_4, %get3A_5, %get3A_6] : memref<2x632x128xf32, #tpu.memory_space<vmem>>, vector<1x632x128xf32>
    %get3A_8 = vector.shape_cast %get3A_7 : vector<1x632x128xf32> to vector<632x128xf32>
    %add3A = arith.addf %get3A_3, %get3A_8 : vector<632x128xf32>
    %get3A_9 = arith.constant 0 : index
    %get3A_10 = arith.constant 0 : index
    %get3A_11 = arith.constant 0 : index
    %get3A_12 = vector.load %arg2[%get3A_9, %get3A_10, %get3A_11] : memref<2x632x16xf32, #tpu.memory_space<vmem>>, vector<1x632x1xf32>
    %get3A_13 = vector.shape_cast %get3A_12 : vector<1x632x1xf32> to vector<632x1xf32>
    %get3A_14 = arith.constant 1 : index
    %get3A_15 = arith.constant 0 : index
    %get3A_16 = arith.constant 0 : index
    %get3A_17 = vector.load %arg2[%get3A_14, %get3A_15, %get3A_16] : memref<2x632x16xf32, #tpu.memory_space<vmem>>, vector<1x632x1xf32>
    %get3A_18 = vector.shape_cast %get3A_17 : vector<1x632x1xf32> to vector<632x1xf32>
    %add3A_19 = arith.addf %get3A_13, %get3A_18 : vector<632x1xf32>
    %add3A_20 = arith.constant 1.000000e-16 : f32
    %add3A_21 = vector.broadcast %add3A_20 : f32 to vector<632x1xf32>
    %add3A_22 = arith.addf %add3A_19, %add3A_21 : vector<632x1xf32>
    %div3A = vector.broadcast %add3A_22 : vector<632x1xf32> to vector<632x128xf32>
    %div3A_23 = arith.divf %add3A, %div3A : vector<632x128xf32>
    %get3A_24 = arith.constant 0 : index
    %get3A_25 = arith.constant 0 : index
    %get3A_26 = vector.load %arg3[%get3A_24, %get3A_25] : memref<1x128xf32, #tpu.memory_space<vmem>>, vector<1x128xf32>
    %add3A_27 = vector.broadcast %get3A_26 : vector<1x128xf32> to vector<632x128xf32>
    %add3A_28 = arith.addf %div3A_23, %add3A_27 : vector<632x128xf32>
    %gt3A = arith.constant 0.000000e+00 : f32
    %gt3A_29 = vector.broadcast %gt3A : f32 to vector<632x128xf32>
    %gt3A_30 = arith.cmpf ogt, %add3A_28, %gt3A_29 : vector<632x128xf32>
    %min3A = arith.constant 0.000000e+00 : f32
    %min3A_31 = vector.broadcast %min3A : f32 to vector<632x128xf32>
    %min3A_32 = arith.minimumf %add3A_28, %min3A_31 : vector<632x128xf32>
    %exp3A = math.exp %min3A_32 : vector<632x128xf32>
    %sub3A = arith.constant 1.000000e+00 : f32
    %sub3A_33 = vector.broadcast %sub3A : f32 to vector<632x128xf32>
    %sub3A_34 = arith.subf %exp3A, %sub3A_33 : vector<632x128xf32>
    %select_n3A = arith.select %gt3A_30, %add3A_28, %sub3A_34 : vector<632x128xi1>, vector<632x128xf32>
    %get3A_35 = arith.constant 0 : index
    %get3A_36 = arith.constant 0 : index
    %get3A_37 = vector.load %arg4[%get3A_35, %get3A_36] : memref<128x128xf32, #tpu.memory_space<vmem>>, vector<128x128xf32>
    %dot_general3A = arith.constant dense<0.000000e+00> : vector<632x128xf32>
    %dot_general3A_38 = tpu.matmul %select_n3A, %get3A_37, %dot_general3A {dimension_numbers = #tpu.dot_dimension_numbers<[1], [0], [0], [1], [0, 0, 1, 1], [], []>, transpose_lhs_hint = false} : vector<632x128xf32>, vector<128x128xf32>, vector<632x128xf32> -> vector<632x128xf32>
    %swap3A = arith.constant 0 : index
    %swap3A_39 = arith.constant 0 : index
    %swap3A_40 = vector.load %arg7[%swap3A, %swap3A_39] : memref<632x128xf32, #tpu.memory_space<vmem>>, vector<632x128xf32>
    tpu.vector_store %arg7[%swap3A, %swap3A_39], %dot_general3A_38 {strides = array<i32>} : memref<632x128xf32, #tpu.memory_space<vmem>>, vector<632x128xf32>,
    %get3A_41 = arith.constant 0 : index
    %get3A_42 = arith.constant 0 : index
    %get3A_43 = vector.load %arg5[%get3A_41, %get3A_42] : memref<1x128xf32, #tpu.memory_space<vmem>>, vector<1x128xf32>
    %mul3A = vector.broadcast %get3A_43 : vector<1x128xf32> to vector<632x128xf32>
    %mul3A_44 = arith.mulf %dot_general3A_38, %mul3A : vector<632x128xf32>
    %reduce_sum3A = arith.constant dense<0.000000e+00> : vector<632xf32>
    %reduce_sum3A_45 = vector.multi_reduction <add>, %mul3A_44, %reduce_sum3A [1] : vector<632x128xf32> to vector<632xf32>
    %broadcast_in_dim3A = vector.shape_cast %reduce_sum3A_45 : vector<632xf32> to vector<632x1xf32>
    %swap3A_46 = arith.constant 0 : index
    %swap3A_47 = arith.constant 0 : index
    %swap3A_48 = vector.load %arg8[%swap3A_46, %swap3A_47] : memref<632x1xf32, #tpu.memory_space<vmem>>, vector<632x1xf32>
    tpu.vector_store %arg8[%swap3A_46, %swap3A_47], %broadcast_in_dim3A {strides = array<i32>} : memref<632x1xf32, #tpu.memory_space<vmem>>, vector<632x1xf32>,
    %get3A_49 = arith.constant 0 : index
    %get3A_50 = arith.constant 0 : index
    %get3A_51 = vector.load %arg6[%get3A_49, %get3A_50] : memref<1x128xf32, #tpu.memory_space<vmem>>, vector<1x128xf32>
    %mul3A_52 = vector.broadcast %get3A_51 : vector<1x128xf32> to vector<632x128xf32>
    %mul3A_53 = arith.mulf %dot_general3A_38, %mul3A_52 : vector<632x128xf32>
    %reduce_sum3A_54 = arith.constant dense<0.000000e+00> : vector<632xf32>
    %reduce_sum3A_55 = vector.multi_reduction <add>, %mul3A_53, %reduce_sum3A_54 [1] : vector<632x128xf32> to vector<632xf32>
    %broadcast_in_dim3A_56 = vector.shape_cast %reduce_sum3A_55 : vector<632xf32> to vector<632x1xf32>
    %swap3A_57 = arith.constant 0 : index
    %swap3A_58 = arith.constant 0 : index
    %swap3A_59 = vector.load %arg9[%swap3A_57, %swap3A_58] : memref<632x1xf32, #tpu.memory_space<vmem>>, vector<632x1xf32>
    tpu.vector_store %arg9[%swap3A_57, %swap3A_58], %broadcast_in_dim3A_56 {strides = array<i32>} : memref<632x1xf32, #tpu.memory_space<vmem>>, vector<632x1xf32>,
    return
  }
  func.func @transform_0(%arg0: i32) -> (i32, i32, i32) {
    %c0_i32 = arith.constant 0 : i32
    %c0_i32_0 = arith.constant 0 : i32
    %c0_i32_1 = arith.constant 0 : i32
    return %c0_i32, %arg0, %c0_i32_0 : i32, i32, i32
  }
  func.func @transform_1(%arg0: i32) -> (i32, i32, i32) {
    %c0_i32 = arith.constant 0 : i32
    %c0_i32_0 = arith.constant 0 : i32
    %c0_i32_1 = arith.constant 0 : i32
    return %c0_i32, %arg0, %c0_i32_0 : i32, i32, i32
  }
  func.func @transform_2(%arg0: i32) -> (i32, i32) {
    %c0_i32 = arith.constant 0 : i32
    %c0_i32_0 = arith.constant 0 : i32
    %c0_i32_1 = arith.constant 0 : i32
    return %c0_i32, %c0_i32_0 : i32, i32
  }
  func.func @transform_3(%arg0: i32) -> (i32, i32) {
    %c0_i32 = arith.constant 0 : i32
    %c0_i32_0 = arith.constant 0 : i32
    %c0_i32_1 = arith.constant 0 : i32
    return %c0_i32, %c0_i32_0 : i32, i32
  }
  func.func @transform_4(%arg0: i32) -> (i32, i32) {
    %c0_i32 = arith.constant 0 : i32
    %c0_i32_0 = arith.constant 0 : i32
    %c0_i32_1 = arith.constant 0 : i32
    return %c0_i32, %c0_i32_0 : i32, i32
  }
  func.func @transform_5(%arg0: i32) -> (i32, i32) {
    %c0_i32 = arith.constant 0 : i32
    %c0_i32_0 = arith.constant 0 : i32
    %c0_i32_1 = arith.constant 0 : i32
    return %c0_i32, %c0_i32_0 : i32, i32
  }
  func.func @transform_6(%arg0: i32) -> (i32, i32) {
    %c0_i32 = arith.constant 0 : i32
    %c0_i32_0 = arith.constant 0 : i32
    return %arg0, %c0_i32 : i32, i32
  }
  func.func @transform_7(%arg0: i32) -> (i32, i32) {
    %c0_i32 = arith.constant 0 : i32
    %c0_i32_0 = arith.constant 0 : i32
    return %arg0, %c0_i32 : i32, i32
  }
  func.func @transform_8(%arg0: i32) -> (i32, i32) {
    %c0_i32 = arith.constant 0 : i32
    %c0_i32_0 = arith.constant 0 : i32
    return %arg0, %c0_i32 : i32, i32
  }
}

module attributes {stable_mosaic.version = 14 : i64} {
  func.func @_tc_final_body(%arg0: i32, %arg1: memref<2x632x128xf32, #tpu.memory_space<vmem>>, %arg2: memref<2x632x16xf32, #tpu.memory_space<vmem>>, %arg3: memref<1x128xf32, #tpu.memory_space<vmem>>, %arg4: memref<632x128xf32, #tpu.memory_space<vmem>>) attributes {dimension_semantics = [#tpu.dimension_semantics<arbitrary>], iteration_bounds = array<i64: 16>, scalar_prefetch = 0 : i64, scratch_operands = 0 : i64, tpu.core_type = #tpu.core_type<tc>, window_params = [{transform_indices = @transform_0, window_bounds = array<i64: 2, 632, 128>}, {transform_indices = @transform_1, window_bounds = array<i64: 2, 632, 16>}, {pipeline_mode = #tpu.pipeline_mode<synchronous>, transform_indices = @transform_2, window_bounds = array<i64: 1, 128>}, {transform_indices = @transform_3, window_bounds = array<i64: 632, 128>}]} {
    %get3A = arith.constant 0 : index
    %get3A_0 = arith.constant 0 : index
    %get3A_1 = arith.constant 0 : index
    %get3A_2 = vector.load %arg1[%get3A, %get3A_0, %get3A_1] : memref<2x632x128xf32, #tpu.memory_space<vmem>>, vector<1x632x128xf32>
    %get3A_3 = vector.shape_cast %get3A_2 : vector<1x632x128xf32> to vector<632x128xf32>
    %get3A_4 = arith.constant 1 : index
    %get3A_5 = arith.constant 0 : index
    %get3A_6 = arith.constant 0 : index
    %get3A_7 = vector.load %arg1[%get3A_4, %get3A_5, %get3A_6] : memref<2x632x128xf32, #tpu.memory_space<vmem>>, vector<1x632x128xf32>
    %get3A_8 = vector.shape_cast %get3A_7 : vector<1x632x128xf32> to vector<632x128xf32>
    %add3A = arith.addf %get3A_3, %get3A_8 : vector<632x128xf32>
    %get3A_9 = arith.constant 0 : index
    %get3A_10 = arith.constant 0 : index
    %get3A_11 = arith.constant 0 : index
    %get3A_12 = vector.load %arg2[%get3A_9, %get3A_10, %get3A_11] : memref<2x632x16xf32, #tpu.memory_space<vmem>>, vector<1x632x1xf32>
    %get3A_13 = vector.shape_cast %get3A_12 : vector<1x632x1xf32> to vector<632x1xf32>
    %get3A_14 = arith.constant 1 : index
    %get3A_15 = arith.constant 0 : index
    %get3A_16 = arith.constant 0 : index
    %get3A_17 = vector.load %arg2[%get3A_14, %get3A_15, %get3A_16] : memref<2x632x16xf32, #tpu.memory_space<vmem>>, vector<1x632x1xf32>
    %get3A_18 = vector.shape_cast %get3A_17 : vector<1x632x1xf32> to vector<632x1xf32>
    %add3A_19 = arith.addf %get3A_13, %get3A_18 : vector<632x1xf32>
    %add3A_20 = arith.constant 1.000000e-16 : f32
    %add3A_21 = vector.broadcast %add3A_20 : f32 to vector<632x1xf32>
    %add3A_22 = arith.addf %add3A_19, %add3A_21 : vector<632x1xf32>
    %div3A = vector.broadcast %add3A_22 : vector<632x1xf32> to vector<632x128xf32>
    %div3A_23 = arith.divf %add3A, %div3A : vector<632x128xf32>
    %get3A_24 = arith.constant 0 : index
    %get3A_25 = arith.constant 0 : index
    %get3A_26 = vector.load %arg3[%get3A_24, %get3A_25] : memref<1x128xf32, #tpu.memory_space<vmem>>, vector<1x128xf32>
    %add3A_27 = vector.broadcast %get3A_26 : vector<1x128xf32> to vector<632x128xf32>
    %add3A_28 = arith.addf %div3A_23, %add3A_27 : vector<632x128xf32>
    %swap3A = arith.constant 0 : index
    %swap3A_29 = arith.constant 0 : index
    %swap3A_30 = vector.load %arg4[%swap3A, %swap3A_29] : memref<632x128xf32, #tpu.memory_space<vmem>>, vector<632x128xf32>
    tpu.vector_store %arg4[%swap3A, %swap3A_29], %add3A_28 {strides = array<i32>} : memref<632x128xf32, #tpu.memory_space<vmem>>, vector<632x128xf32>,
    return
  }
  func.func @transform_0(%arg0: i32) -> (i32, i32, i32) {
    %c0_i32 = arith.constant 0 : i32
    %c0_i32_0 = arith.constant 0 : i32
    %c0_i32_1 = arith.constant 0 : i32
    return %c0_i32, %arg0, %c0_i32_0 : i32, i32, i32
  }
  func.func @transform_1(%arg0: i32) -> (i32, i32, i32) {
    %c0_i32 = arith.constant 0 : i32
    %c0_i32_0 = arith.constant 0 : i32
    %c0_i32_1 = arith.constant 0 : i32
    return %c0_i32, %arg0, %c0_i32_0 : i32, i32, i32
  }
  func.func @transform_2(%arg0: i32) -> (i32, i32) {
    %c0_i32 = arith.constant 0 : i32
    %c0_i32_0 = arith.constant 0 : i32
    %c0_i32_1 = arith.constant 0 : i32
    return %c0_i32, %c0_i32_0 : i32, i32
  }
  func.func @transform_3(%arg0: i32) -> (i32, i32) {
    %c0_i32 = arith.constant 0 : i32
    %c0_i32_0 = arith.constant 0 : i32
    return %arg0, %c0_i32 : i32, i32
  }
}

</mosaic_0001>

<sc_bundles>
// kernel: kernel.12.cloned.1.call-start
scs
__scs_entry_jumppad:
0x0: {  	(pc) =	sbr.rel $0x88, $3  }
0x1: {  	(tag) =	ssettag $0x0;
	lr =	simm.s32 $0x1  }
0x2: {  	[smem:$0x3F93] =	sst lr;
	_ =	strace $0xD0000000  }
0x3: {  	_ = 	snop  }
0x4: {  	_ = 	snop  }
0x5: {  	_ = 	snop  }
0x6: {  	_ = 	snop  }
0x7: {  	_ = 	snop  }
__scs_overlays_trampoline_lowered:
0x8: {  	[smem:$0x3FA2] =	sst s0  }
0x9: {  	[smem:$0x3FA3] =	sst s1  }
0xa: {  	[smem:$0x3FA4] =	sst s2  }
0xb: {  	[smem:$0x3FA5] =	sst s3  }
0xc: {  	[smem:$0x3FA6] =	sst s4  }
0xd: {  	[smem:$0x3FA7] =	sst s5  }
0xe: {  	[smem:$0x3FA8] =	sst s6  }
0xf: {  	[smem:$0x3FA9] =	sst s7  }
0x10: {  	[smem:$0x3FAA] =	sst s8  }
0x11: {  	[smem:$0x3FAB] =	sst s9;
	s0 =	simm.s32 @!p0 $0x0  }
0x12: {  	s1 =	sld [smem:$0x3F91];
	s0 =	simm.s32 @p0 $0x1  }
0x13: {  	[smem:$0x3FAC] =	sst s0;
	s0 =	simm.s32 @!p1 $0x0  }
0x14: {  	s2 =	sld [smem:$0x3F90];
	s0 =	simm.s32 @p1 $0x1  }
0x15: {  	[smem:$0x3FAD] =	sst s0;
	s0 =	simm.s32 @!p2 $0x0  }
0x16: {  	s3 =	sld [smem:$0x3FDB];
	s0 =	simm.s32 @p2 $0x1  }
0x17: {  	s4 =	simm.s32 $0x1BF5;
	[smem:$0x3FAF] =	sst s0  }
0x18: {  	s0 =	sld [smem:$0x3F92];
	_ =	swait.ge [sflag:s4], $0x0  }
0x19: {  	s7 =	sld [smem:$0x3F93]  }
0x1a: {  	s8 =	sadd.s32 $0xFFFFE003, lr  }
0x1b: {  	s9 =	sadd.s32 $0xFFFFFEF7, lr;
	s5 =	simm.s32 $0xFFFFFFFF;
	p2 =	slt.u32 s8, $0xFFFFF086  }
0x1c: {  	p1 =	slt.u32 s9, $0xF7A;
	s5 =	simm.s32 @!p2 $0x0  }
0x1d: {  	s5 =	simm.s32 @p1 $0x1;
	p0 =	seq.s32 s7, s2  }
0x1e: {  	s7 =	smul.u32 @!p0 $0xF7A, s2;
	p2 =	seq.s32 @!p0 s5, $0x0  }
0x1f: {  	s9 =	smul.u32 $0xF7A, s1;
	s8 =	simm.s32 @!p0 $0x1BF5;
	p2 =	por !p2, p0  }
0x20: {  	[sflag:s8] =	ssyncset.s32 @!p0 $0xFFFFF086;
	s6 =	sadd.s32 @!p0 s3, s7;
	s7 =	simm.s32 @!p0 $0x108  }
0x21: {  	s3 =	sadd.s32 s3, s9;
	s6 =	sadd.s32 @!p0 $0x88, s6;
	s7 =	simm.s32 @p2 $0x1082  }
0x22: {  	[simem:s7], [sflag:s8] =	dma.local @!p0 [hbm:s6], $0xF7A  }
0x23: {  	s9 =	sor.u32 $0xD0000000, s2;
	s6 =	simm.s32 $0x108;
	_ =	swait.ge @!p0 [sflag:s8], $0x0  }
0x24: {  	s3 =	sadd.s32 $0x88, s3;
	s6 =	simm.s32 @!p1 $0x1082;
	[sflag:s4] =	ssyncset.s32 $0xFFFFF086  }
0x25: {  	[simem:s6], [sflag:s4] =	dma.local [hbm:s3], $0xF7A  }
0x26: {  	[smem:$0x3F93] =	sst s1;
	(tag) =	ssettag s2;
	_ =	strace s9  }
0x27: {  	s1 =	sld [smem:$0x3FA3]  }
0x28: {  	s2 =	sld [smem:$0x3FA4]  }
0x29: {  	s4 =	sld [smem:$0x3FA6]  }
0x2a: {  	p0 =	seq.s32 s5, $0x0;
	s5 =	sld [smem:$0x3FA7]  }
0x2b: {  	s6 =	sld [smem:$0x3FA8]  }
0x2c: {  	s7 =	sld [smem:$0x3FA9]  }
0x2d: {  	s3 =	simm.s32 $0x108;
	s8 =	sld [smem:$0x3FAA]  }
0x2e: {  	s3 =	simm.s32 @!p0 $0x1082;
	s9 =	sld [smem:$0x3FAB]  }
0x2f: {  	lr =	sadd.s32 s0, s3;
	s0 =	sld [smem:$0x3FA2]  }
0x30: {  	s3 =	sld [smem:$0x3FA5]  }
0x31: {  	[smem:$0x3FAE] =	sst s10  }
0x32: {  	s10 =	sld [smem:$0x3FAC];
	_ =	sdelay $0x3  }
0x33: {  	p0 =	seq.s32 s10, $0x1;
	s10 =	sld [smem:$0x3FAE];
	_ =	sdelay $0x3  }
0x34: {  	[smem:$0x3FAE] =	sst s10  }
0x35: {  	s10 =	sld [smem:$0x3FAD];
	_ =	sdelay $0x3  }
0x36: {  	p1 =	seq.s32 s10, $0x1;
	s10 =	sld [smem:$0x3FAE];
	_ =	sdelay $0x3  }
0x37: {  	[smem:$0x3FAE] =	sst s10  }
0x38: {  	s10 =	sld [smem:$0x3FAF]  }
0x39: {  	_ = 	snop;
	(pc) =	sbr.ind lr, $3  }
0x3a: {  	_ = 	snop  }
0x3b: {  	_ = 	snop  }
0x3c: {  	p2 =	seq.s32 s10, $0x1;
	s10 =	sld [smem:$0x3FAE]  }
0x3d: {  	_ =	shalt  }
0x3e: {  	_ =	shalt  }
0x3f: {  	_ =	shalt  }
0x40: {  	_ =	shalt  }
0x41: {  	_ =	shalt  }
0x42: {  	_ =	shalt  }
0x43: {  	_ =	shalt  }
0x44: {  	_ =	shalt  }
0x45: {  	_ =	shalt  }
0x46: {  	_ =	shalt  }
0x47: {  	_ =	shalt  }
0x48: {  	_ =	shalt  }
0x49: {  	_ =	shalt  }
0x4a: {  	_ =	shalt  }
0x4b: {  	_ =	shalt  }
0x4c: {  	_ =	shalt  }
0x4d: {  	_ =	shalt  }
0x4e: {  	_ =	shalt  }
0x4f: {  	_ =	shalt  }
0x50: {  	_ =	shalt  }
0x51: {  	_ =	shalt  }
0x52: {  	_ =	shalt  }
0x53: {  	_ =	shalt  }
0x54: {  	_ =	shalt  }
0x55: {  	_ =	shalt  }
0x56: {  	_ =	shalt  }
0x57: {  	_ =	shalt  }
0x58: {  	_ =	shalt  }
0x59: {  	_ =	shalt  }
0x5a: {  	_ =	shalt  }
0x5b: {  	_ =	shalt  }
0x5c: {  	_ =	shalt  }
0x5d: {  	_ =	shalt  }
0x5e: {  	_ =	shalt  }
0x5f: {  	_ =	shalt  }
0x60: {  	_ =	shalt  }
0x61: {  	_ =	shalt  }
0x62: {  	_ =	shalt  }
0x63: {  	_ =	shalt  }
0x64: {  	_ =	shalt  }
0x65: {  	_ =	shalt  }
0x66: {  	_ =	shalt  }
0x67: {  	_ =	shalt  }
0x68: {  	_ =	shalt  }
0x69: {  	_ =	shalt  }
0x6a: {  	_ =	shalt  }
0x6b: {  	_ =	shalt  }
0x6c: {  	_ =	shalt  }
0x6d: {  	_ =	shalt  }
0x6e: {  	_ =	shalt  }
0x6f: {  	_ =	shalt  }
0x70: {  	_ =	shalt  }
0x71: {  	_ =	shalt  }
0x72: {  	_ =	shalt  }
0x73: {  	_ =	shalt  }
0x74: {  	_ =	shalt  }
0x75: {  	_ =	shalt  }
0x76: {  	_ =	shalt  }
0x77: {  	_ =	shalt  }
0x78: {  	_ =	shalt  }
0x79: {  	_ =	shalt  }
0x7a: {  	_ =	shalt  }
0x7b: {  	_ =	shalt  }
0x7c: {  	_ =	shalt  }
0x7d: {  	_ =	shalt  }
0x7e: {  	_ =	shalt  }
0x7f: {  	_ =	shalt  }
0x80: {  	_ =	shalt  }
0x81: {  	_ =	shalt  }
0x82: {  	_ =	shalt  }
0x83: {  	_ =	shalt  }
0x84: {  	_ =	shalt  }
0x85: {  	_ =	shalt  }
0x86: {  	_ =	shalt  }
0x87: {  	_ =	shalt  }
.Lfunc_end0:
.L_simem_size_0:
called_computation.1_lowered:
.L_overlay_start_0:
0x88: {  	s2 =	sld [smem:$0x3FD9]  }
0x89: {  	s3 =	sld [smem:$0x3FFE];
	_ =	sdelay $0x1  }
0x8a: {  	s1 =	srdreg.scid  }
0x8b: {  	s0 =	sand.u32 $0x1, s1  }
0x8c: {  	s17 =	sshll.u32 s0, $0xA;
	s2 =	sadd.s32 s3, s2  }
0x8d: {  	s2 =	sadd.s32 s2, s17  }
0x8e: {  	[smem:$0x3FBA] =	sst s2  }
0x8f: {  	_ = 	snop  }
0x90: {  	s2 =	sld [smem:$0x3FD0];
	(tm) =	ssettm $0x1  }
0x91: {  	s18 =	sld [smem:$0x3FFB];
	_ =	sdelay $0x3  }
0x92: {  	_ =	strace s18  }
0x93: {  	s3 =	sld [smem:$0x3FFC];
	_ =	sdelay $0x3  }
0x94: {  	_ =	strace s3  }
0x95: {  	s3 =	sld [smem:$0x3FFD];
	_ =	sdelay $0x3  }
0x96: {  	_ =	strace s3  }
0x97: {  	_ =	strace $0x8FFFFFFF  }
0x98: {  	s19 =	sld [smem:$0x3FDB];
	_ =	sdelay $0x1  }
0x99: {  	s4 =	simm.s32 $_scs_section_size  }
0x9a: {  	s5 =	simm.s32 $_size__tile_overlayer_lowered;
	s6 =	simm.s32 $_tile_overlayer_lowered  }
0x9b: {  	s22 =	simm.s32 $0x1BFF;
	s21 =	sshll.u32 s6, $0x1;
	s3 =	sadd.s32 s4, s19  }
0x9c: {  	s7 =	simm.s32 $0x0;
	s20 =	sshll.u32 s5, $0x1;
	s5 =	sadd.s32 s21, s3  }
0x9d: {  	[timem:s7], [sflag:s22] =	dma.local [hbm:s5], s20  }
0x9e: {  	_ =	swait.ge [sflag:s22], s20  }
0x9f: {  	s4 =	ssub.s32 $0x0, s20;
	[sflag:s22] =	ssyncset.done $0x0  }
0xa0: {  	[sflag:s22] =	ssyncadd.s32 s4;
	_ =	sdelay $0x1  }
0xa1: {  	s23 =	simm.s32 $0x1B8B  }
0xa2: {  	_ =	swait.ge [sflag:s23], $0x1  }
0xa3: {  	[sflag:s23] =	ssyncset.done $0x0  }
0xa4: {  	s25 =	simm.s32 $0x1B8E;
	s24 =	sld [smem:$0x3FFE];
	[sflag:s23] =	ssyncadd.s32 $0xFFFFFFFF  }
0xa5: {  	s26 =	simm.s32 $execute0_lowered;
	[smem:$0x3FD2] =	sst s25  }
0xa6: {  	s5 =	sshll.u32 s26, $0x1;
	_ =	strace $0x80000049;
	[dreg:$0x1] =	wrdreg $0xFFFFFFFF  }
0xa7: {  	s28 =	simm.s32 $_size_execute0_lowered;
	s3 =	sadd.s32 s3, s5;
	[dreg:$0x0] =	wrdreg $0x0  }
0xa8: {  	s5 =	sshll.u32 s28, $0x1;
	[dreg:$0x2] =	wrdreg s3  }
0xa9: {  	[dreg:$0x3] =	wrdreg s5  }
0xaa: {  	[dreg:$0x4] =	wrdreg $0xC0  }
0xab: {  	_ =	task [dreg:s7], $0x5FFFF  }
0xac: {  	[dreg:$0x1] =	wrdreg $0xFFFFFFFF  }
0xad: {  	[dreg:$0x0] =	wrdreg $0x60  }
0xae: {  	[dreg:$0x2] =	wrdreg s24  }
0xaf: {  	[dreg:$0x3] =	wrdreg s2  }
0xb0: {  	[dreg:$0x4] =	wrdreg $0x98800  }
0xb1: {  	[dreg:$0x5] =	wrdreg $0x1D4800  }
0xb2: {  	[dreg:$0x6] =	wrdreg $0x9  }
0xb3: {  	_ =	task.clear_ibuf [dreg:s7], $0x7FFFF;
	_ =	strace $0x90000049  }
0xb4: {  	s29 =	simm.s32 $0x9;
	_ =	strace $0x8000004B  }
0xb5: {  	_ =	swait.ge [sflag:s29], $0x1  }
0xb6: {  	[sflag:s29] =	ssyncadd.s32 $0xFFFFFFFF  }
0xb7: {  	_ =	strace $0x9000004B  }
0xb8: {  	_ =	sfence  }
0xb9: {  	s30 =	sld [smem:$0x0];
	_ =	sdelay $0x2  }
0xba: {  	s31 =	sshll.u32 s1, $0xD;
	s1 =	sshrl.u32 s1, $0x2  }
0xbb: {  	s3 =	sand.u32 $0x4000, s31;
	s1 =	sadd.s32 s1, s30  }
0xbc: {  	s0 =	sor.u32 s3, s0;
	s1 =	sshll.u32 s1, $0x11  }
0xbd: {  	s0 =	sor.u32 s1, s0  }
0xbe: {  	s0 =	sadd.s32 $0x8F2B, s0  }
0xbf: {  	[sflag:s0] =	ssyncadd.remote.s32 $0x1  }
0xc0: {  	_ =	sfence.sel $0xFFFF  }
0xc1: {  	[dreg:$0x0] =	wrdreg $0xFFFFFFFF;
	(pc) =	sbr.abs _section_cstart, $3  }
0xc2: {  	[dreg:$0x1] =	wrdreg $0xFFFFFFFF  }
0xc3: {  	_ =	task.clear_ibuf [dreg:s7], $0x2FFFF;
	_ =	strace $0x9FFFFFFF  }
0xc4: {  	(tm) =	ssettm $0x7FFFFFFF  }
0xc5: {  	_ =	shalt  }
tec
execute0_lowered:
.L_overlay_start_1:
0x0: {  	(tag) =	ssettag $0x1  }
0x1: {  	s1 =	rddreg [dreg:$0x0]  }
0x2: {  	s3 =	simm.s32 $0x0;
	s2 =	srdreg.scid;
	s9 =	stileid.u32  }
0x3: {  	s5 =	sand.u32 $0x1, s2;
	s7 =	sshll.u32 s9, $0x1;
	s8 =	smul.u32 $0x278, s9  }
0x4: {  	[smem:$0x7FF] =	sst s3;
	s3 =	sor.u32 s5, s7;
	s7 =	smul.u32 $0x13C00, s9  }
0x5: {  	s0 =	rddreg [dreg:$0x1];
	s4 =	sadd.s32 $0x3D800, s1;
	s9 =	smul.u32 $0x2780, s9  }
0x6: {  	s6 =	sadd.s32 $0x33A00, s1;
	s2 =	ssub.s32 $0x2, s5;
	s13 =	smul.u32 $0x13C000, s5  }
0x7: {  	s5 =	smul.u32 $0x27800, s5;
	s23 =	sshrl.u32 s2, $0x1;
	s10 =	sadd.s32 $0x80, s8  }
0x8: {  	s11 =	sadd.s32 $0x100, s8;
	s12 =	sadd.s32 $0x180, s8;
	s8 =	sadd.s32 $0x200, s8  }
0x9: {  	s31 =	smul.u32 $0x2880, s3;
	s3 =	simm.s32 $0x5080;
	s2 =	ssub.s32 s2, s23  }
0xa: {  	s14 =	sshll.u32 s10, $0x7;
	s10 =	sshll.u32 s10, $0x4;
	s15 =	sshll.u32 s11, $0x7  }
0xb: {  	s11 =	sshll.u32 s11, $0x4;
	s17 =	sshll.u32 s12, $0x7;
	s18 =	sshll.u32 s12, $0x4  }
0xc: {  	s20 =	sshll.u32 s8, $0x7;
	s24 =	sadd.s32 s7, s13;
	s8 =	sshll.u32 s8, $0x4  }
0xd: {  	s25 =	sadd.s32 s9, s5;
	s12 =	sshrl.u32 s24, $0x3;
	s16 =	sadd.s32 s13, s14  }
0xe: {  	s26 =	sadd.s32 s5, s10;
	s19 =	sadd.s32 s13, s15;
	s21 =	sadd.s32 s13, s17  }
0xf: {  	s13 =	sadd.s32 s13, s20;
	s22 =	sadd.s32 s5, s11;
	s12 =	sadd.s32 s4, s12  }
0x10: {  	s16 =	sshrl.u32 s16, $0x3;
	s19 =	sshrl.u32 s19, $0x3;
	s21 =	sshrl.u32 s21, $0x3  }
0x11: {  	s13 =	sshrl.u32 s13, $0x3;
	[dreg:$0x5] =	wrdreg s12;
	s16 =	sadd.s32 s4, s16  }
0x12: {  	s23 =	sshrl.u32 s26, $0x3;
	s19 =	sadd.s32 s4, s19;
	[dreg:$0x6] =	wrdreg s16  }
0x13: {  	s12 =	sshrl.u32 s25, $0x3;
	s24 =	sadd.s32 s6, s23;
	[dreg:$0x7] =	wrdreg s19  }
0x14: {  	s25 =	sadd.s32 s5, s18;
	s5 =	sadd.s32 s5, s8;
	[dreg:$0xb] =	wrdreg s24  }
0x15: {  	s19 =	sadd.s32 s4, s21;
	s4 =	sadd.s32 s4, s13;
	s13 =	rddreg [dreg:$0x3]  }
0x16: {  	s12 =	sadd.s32 s6, s12;
	s5 =	sshrl.u32 s5, $0x3;
	[dreg:$0x8] =	wrdreg s19  }
0x17: {  	s16 =	sadd.s32 $0x1400, s1;
	s24 =	smax.u32 s2, $0x1;
	[dreg:$0x9] =	wrdreg s4  }
0x18: {  	s2 =	simm.s32 $0x2;
	s4 =	sshrl.u32 s22, $0x3;
	[dreg:$0xa] =	wrdreg s12  }
0x19: {  	s12 =	rddreg [dreg:$0x2];
	s26 =	sadd.s32 s6, s5;
	s5 =	sadd.s32 $0x28C00, s1  }
0x1a: {  	s19 =	sadd.s32 $0x29800, s1;
	s22 =	sadd.s32 s9, s13;
	s4 =	sadd.s32 s6, s4  }
0x1b: {  	s28 =	sadd.s32 s18, s13;
	[dreg:$0xc] =	wrdreg s4;
	s4 =	sshrl.u32 s25, $0x3  }
0x1c: {  	s30 =	sadd.s32 s8, s13;
	[dreg:$0xe] =	wrdreg s26;
	s4 =	sadd.s32 s6, s4  }
0x1d: {  	s8 =	simm.s32 $0x1;
	s21 =	sadd.s32 s7, s12;
	[dreg:$0xd] =	wrdreg s4  }
0x1e: {  	s6 =	sadd.s32 $0x29200, s1;
	_ =	strace $0x8000004A;
	[dreg:$0xf] =	wrdreg s5  }
0x1f: {  	s9 =	sadd.s32 s14, s12;
	s14 =	sadd.s32 s10, s13;
	[dreg:$0x10] =	wrdreg s6  }
0x20: {  	s23 =	sadd.s32 s15, s12;
	s26 =	sadd.s32 s17, s12;
	[dreg:$0x11] =	wrdreg s9  }
0x21: {  	s29 =	sadd.s32 s20, s12;
	s7 =	simm.s32 $0x80;
	[dreg:$0x12] =	wrdreg s14  }
0x22: {  	s10 =	simm.s32 $0x0;
	s25 =	sadd.s32 s11, s13;
	[dreg:$0x13] =	wrdreg s23  }
0x23: {  	s1 =	simm.s32 $0x2780;
	s4 =	simm.s32 $0x9080;
	[dreg:$0x14] =	wrdreg s24  }
0x24: {  	v0 =	vimm.f32 $0.0e+00;
	s5 =	simm.s32 $0x4F00;
	s6 =	simm.s32 $0x4F80;
	s9 =	simm.s32 $0x5000  }
.LBB2_1:
0x25: {  	s11 =	simm.s32 $0x0;
	s14 =	rddreg [dreg:$0xf]  }
0x26: {  	[tilespmem:s11], [sflag:$0x2] =	stream.linear.gather [hbm4b:s14+s11], $0x2780, $0x38;
	[tilespmem:$0x1FC00] =	vst v63  }
0x27: {  	_ =	swait.ge [sflag:s2], $0x2780  }
0x28: {  	[sflag:s2] =	ssyncset.done $0x0  }
0x29: {  	s24 =	rddreg [dreg:$0x10];
	[sflag:s2] =	ssyncadd.s32 $0xFFFFD880  }
0x2a: {  	[tilespmem:s1], [sflag:$0x2] =	stream.linear.gather [hbm4b:s24+s11], $0x2780, $0x38;
	[tilespmem:$0x1FC00] =	vst v63  }
0x2b: {  	_ =	swait.ge [sflag:s2], $0x2780  }
0x2c: {  	[sflag:s2] =	ssyncset.done $0x0  }
0x2d: {  	s11 =	simm.s32 $0x50C0;
	[sflag:s2] =	ssyncadd.s32 $0xFFFFD880  }
0x2e: {  	[tilespmem:s11+$0xFFFFFFD0] =	vst v0  }
0x2f: {  	[tilespmem:s11+$0xFFFFFFE0] =	vst v0  }
0x30: {  	[tilespmem:s11+$0xFFFFFFF0] =	vst v0  }
0x31: {  	[tilespmem:s11+$0x0] =	vst v0  }
0x32: {  	[tilespmem:s11+$0x10] =	vst v0  }
0x33: {  	[tilespmem:s11+$0x20] =	vst v0  }
0x34: {  	[tilespmem:s11+$0x30] =	vst v0  }
0x35: {  	s15 =	simm.s32 $0x0;
	s14 =	simm.s32 $0x40;
	[tilespmem:s11+$0xFFFFFFC0] =	vst v0  }
.LBB2_2:
0x36: {  	p0 =	sne.s32 s14, $0x1FC0;
	[tilespmem:s15+$0x9080] =	vst v0;
	s11 =	sadd.s32 $0x80, s11  }
0x37: {  	[tilespmem:s11+$0xFFFFFFD0] =	vst v0  }
0x38: {  	[tilespmem:s11+$0xFFFFFFE0] =	vst v0  }
0x39: {  	[tilespmem:s11+$0xFFFFFFF0] =	vst v0  }
.Ltmp0:
0x3a: {  	[tilespmem:s11+$0x0] =	vst v0;
	(pc) =	sbr.rel @p0 .LBB2_2-.Ltmp0, $4  }
0x3b: {  	[tilespmem:s11+$0x10] =	vst v0  }
0x3c: {  	[tilespmem:s11+$0x20] =	vst v0  }
0x3d: {  	[tilespmem:s11+$0x30] =	vst v0  }
0x3e: {  	s15 =	sshra.s32 s14, $0x2;
	s14 =	sadd.s32 $0x40, s14;
	[tilespmem:s11+$0xFFFFFFC0] =	vst v0  }
0x3f: {  	[tilespmem:s15+$0x9080] =	vst v0  }
0x40: {  	[spmem:s21] =	stream.linear.scatter [tilespmem:s3], [sflag:$0x2], $0x4000, $0x38;
	[tilespmem:$0x1FC00] =	vst v63  }
0x41: {  	_ =	swait.ge [sflag:s2], $0x4000  }
0x42: {  	[sflag:s2] =	ssyncset.done $0x0  }
0x43: {  	[sflag:s2] =	ssyncadd.s32 $0xFFFFC000  }
0x44: {  	[spmem:s22] =	stream.linear.scatter [tilespmem:s4], [sflag:$0x2], $0x800, $0x38;
	[tilespmem:$0x1FC00] =	vst v63  }
0x45: {  	_ =	swait.ge [sflag:s2], $0x800  }
0x46: {  	[sflag:s2] =	ssyncset.done $0x0  }
0x47: {  	s11 =	rddreg [dreg:$0x11];
	[sflag:s2] =	ssyncadd.s32 $0xFFFFF800  }
0x48: {  	[spmem:s11] =	stream.linear.scatter [tilespmem:s3], [sflag:$0x2], $0x4000, $0x38;
	[tilespmem:$0x1FC00] =	vst v63  }
0x49: {  	_ =	swait.ge [sflag:s2], $0x4000  }
0x4a: {  	[sflag:s2] =	ssyncset.done $0x0  }
0x4b: {  	s23 =	smov.u32 s21;
	s21 =	rddreg [dreg:$0x12];
	[sflag:s2] =	ssyncadd.s32 $0xFFFFC000  }
0x4c: {  	[spmem:s21] =	stream.linear.scatter [tilespmem:s4], [sflag:$0x2], $0x800, $0x38;
	[tilespmem:$0x1FC00] =	vst v63  }
0x4d: {  	_ =	swait.ge [sflag:s2], $0x800  }
0x4e: {  	[sflag:s2] =	ssyncset.done $0x0  }
0x4f: {  	s24 =	smov.u32 s22;
	s22 =	rddreg [dreg:$0x13];
	[sflag:s2] =	ssyncadd.s32 $0xFFFFF800  }
0x50: {  	[spmem:s22] =	stream.linear.scatter [tilespmem:s3], [sflag:$0x2], $0x4000, $0x38;
	[tilespmem:$0x1FC00] =	vst v63  }
0x51: {  	_ =	swait.ge [sflag:s2], $0x4000  }
0x52: {  	[sflag:s2] =	ssyncset.done $0x0  }
0x53: {  	[sflag:s2] =	ssyncadd.s32 $0xFFFFC000  }
0x54: {  	[spmem:s25] =	stream.linear.scatter [tilespmem:s4], [sflag:$0x2], $0x800, $0x38;
	[tilespmem:$0x1FC00] =	vst v63  }
0x55: {  	_ =	swait.ge [sflag:s2], $0x800  }
0x56: {  	[sflag:s2] =	ssyncset.done $0x0  }
0x57: {  	[sflag:s2] =	ssyncadd.s32 $0xFFFFF800  }
0x58: {  	[spmem:s26] =	stream.linear.scatter [tilespmem:s3], [sflag:$0x2], $0x4000, $0x38;
	[tilespmem:$0x1FC00] =	vst v63  }
0x59: {  	_ =	swait.ge [sflag:s2], $0x4000  }
0x5a: {  	[sflag:s2] =	ssyncset.done $0x0  }
0x5b: {  	[sflag:s2] =	ssyncadd.s32 $0xFFFFC000  }
0x5c: {  	[spmem:s28] =	stream.linear.scatter [tilespmem:s4], [sflag:$0x2], $0x800, $0x38;
	[tilespmem:$0x1FC00] =	vst v63  }
0x5d: {  	_ =	swait.ge [sflag:s2], $0x800  }
0x5e: {  	[sflag:s2] =	ssyncset.done $0x0  }
0x5f: {  	[sflag:s2] =	ssyncadd.s32 $0xFFFFF800  }
0x60: {  	[spmem:s29] =	stream.linear.scatter [tilespmem:s3], [sflag:$0x2], $0x3C00, $0x38;
	[tilespmem:$0x1FC00] =	vst v63  }
0x61: {  	_ =	swait.ge [sflag:s2], $0x3C00  }
0x62: {  	[sflag:s2] =	ssyncset.done $0x0  }
0x63: {  	[sflag:s2] =	ssyncadd.s32 $0xFFFFC400  }
0x64: {  	[spmem:s30] =	stream.linear.scatter [tilespmem:s4], [sflag:$0x2], $0x780, $0x38;
	[tilespmem:$0x1FC00] =	vst v63  }
0x65: {  	_ =	swait.ge [sflag:s2], $0x780  }
0x66: {  	[sflag:s2] =	ssyncset.done $0x0  }
0x67: {  	[sflag:s2] =	ssyncadd.s32 $0xFFFFF880  }
0x68: {  	s14 =	simm.s32 $0x0;
	s15 =	simm.s32 $0x0;
	[bflag:$0x0] =	sbarrier.arrive $0xFFFF  }
.LBB2_4:
0x69: {  	s11 =	sshll.u32 s15, $0x7  }
0x6a: {  	s11 =	sadd.s32 s31, s11  }
0x6b: {  	s11 =	sshrl.u32 s11, $0x3  }
0x6c: {  	s17 =	sadd.s32 s0, s11  }
0x6d: {  	[tilespmem:s5], [sflag:$0x2] =	stream.linear.gather [hbm4b:s17+s14], $0x80, $0x38;
	[tilespmem:$0x1FC00] =	vst v63  }
0x6e: {  	_ =	swait.ge [sflag:s2], $0x80  }
0x6f: {  	[sflag:s2] =	ssyncset.done $0x0  }
0x70: {  	s11 =	sadd.s32 s19, s11;
	[sflag:s2] =	ssyncadd.s32 $0xFFFFFF80  }
0x71: {  	[tilespmem:s6], [sflag:$0x2] =	stream.linear.gather [hbm4b:s11+s14], $0x80, $0x38;
	[tilespmem:$0x1FC00] =	vst v63  }
0x72: {  	_ =	swait.ge [sflag:s2], $0x80  }
0x73: {  	[sflag:s2] =	ssyncset.done $0x0  }
0x74: {  	[sflag:s2] =	ssyncadd.s32 $0xFFFFFF80  }
0x75: {  	v1 =	vld [tilespmem:$0x4F00]  }
0x76: {  	v2 =	vld [tilespmem:$0x4F80];
	_ =	sdelay $0x6  }
0x77: {  	v1 =	vld.idx.msk [tilespmem:v1+s14+$0x0], $0xffff  }
0x78: {  	v2 =	vld.idx.msk [tilespmem:v2+s1+$0x0], $0xffff;
	_ =	sdelay $0x4  }
0x79: {  	v1 =	vadd.f32 v2, v1;
	_ =	sdelay $0x1  }
0x7a: {  	v2 =	vmul.f32 $2.000000030e-01, v1  }
0x7b: {  	vm0 =	vgt.f32 v1, $0.0e+00  }
0x7c: {  	v1 =	vsel vm0, v1, v2  }
0x7d: {  	v1 =	vmul.f32 $1.442695020e+00, v1;
	_ =	sdelay $0x1  }
0x7e: {  	(erf) = vpow2.f32 v1;
	_ =	sdelay $0x2  }
0x7f: {  	v1 =	vld [tilespmem:$0x4F10]  }
0x80: {  	v2 =	vld [tilespmem:$0x4F90];
	_ =	sdelay $0x4  }
0x81: {  	v3 =	vpop (erf)  }
0x82: {  	[tilespmem:$0x5000] =	vst v3  }
0x83: {  	v1 =	vld.idx.msk [tilespmem:v1+s14+$0x0], $0xffff  }
0x84: {  	v2 =	vld.idx.msk [tilespmem:v2+s1+$0x0], $0xffff;
	_ =	sdelay $0x4  }
0x85: {  	v1 =	vadd.f32 v2, v1;
	_ =	sdelay $0x1  }
0x86: {  	v2 =	vmul.f32 $2.000000030e-01, v1  }
0x87: {  	vm9 =	vgt.f32 v1, $0.0e+00  }
0x88: {  	v1 =	vsel vm9, v1, v2  }
0x89: {  	v1 =	vmul.f32 $1.442695020e+00, v1;
	_ =	sdelay $0x1  }
0x8a: {  	(erf) = vpow2.f32 v1;
	_ =	sdelay $0x2  }
0x8b: {  	v1 =	vld [tilespmem:$0x4F20]  }
0x8c: {  	v2 =	vld [tilespmem:$0x4FA0];
	_ =	sdelay $0x4  }
0x8d: {  	v3 =	vpop (erf)  }
0x8e: {  	[tilespmem:$0x5010] =	vst v3  }
0x8f: {  	v1 =	vld.idx.msk [tilespmem:v1+s14+$0x0], $0xffff  }
0x90: {  	v2 =	vld.idx.msk [tilespmem:v2+s1+$0x0], $0xffff;
	_ =	sdelay $0x4  }
0x91: {  	v1 =	vadd.f32 v2, v1;
	_ =	sdelay $0x1  }
0x92: {  	v2 =	vmul.f32 $2.000000030e-01, v1  }
0x93: {  	vm10 =	vgt.f32 v1, $0.0e+00  }
0x94: {  	v1 =	vsel vm10, v1, v2  }
0x95: {  	v1 =	vmul.f32 $1.442695020e+00, v1;
	_ =	sdelay $0x1  }
0x96: {  	(erf) = vpow2.f32 v1;
	_ =	sdelay $0x2  }
0x97: {  	v1 =	vld [tilespmem:$0x4F30]  }
0x98: {  	v2 =	vld [tilespmem:$0x4FB0];
	_ =	sdelay $0x4  }
0x99: {  	v3 =	vpop (erf)  }
0x9a: {  	[tilespmem:$0x5020] =	vst v3  }
0x9b: {  	v1 =	vld.idx.msk [tilespmem:v1+s14+$0x0], $0xffff  }
0x9c: {  	v2 =	vld.idx.msk [tilespmem:v2+s1+$0x0], $0xffff;
	_ =	sdelay $0x4  }
0x9d: {  	v1 =	vadd.f32 v2, v1;
	_ =	sdelay $0x1  }
0x9e: {  	v2 =	vmul.f32 $2.000000030e-01, v1  }
0x9f: {  	vm11 =	vgt.f32 v1, $0.0e+00  }
0xa0: {  	v1 =	vsel vm11, v1, v2  }
0xa1: {  	v1 =	vmul.f32 $1.442695020e+00, v1;
	_ =	sdelay $0x1  }
0xa2: {  	(erf) = vpow2.f32 v1;
	_ =	sdelay $0x2  }
0xa3: {  	v1 =	vld [tilespmem:$0x4F40]  }
0xa4: {  	v2 =	vld [tilespmem:$0x4FC0];
	_ =	sdelay $0x4  }
0xa5: {  	v3 =	vpop (erf)  }
0xa6: {  	[tilespmem:$0x5030] =	vst v3  }
0xa7: {  	v1 =	vld.idx.msk [tilespmem:v1+s14+$0x0], $0xffff  }
0xa8: {  	v2 =	vld.idx.msk [tilespmem:v2+s1+$0x0], $0xffff;
	_ =	sdelay $0x4  }
0xa9: {  	v1 =	vadd.f32 v2, v1;
	_ =	sdelay $0x1  }
0xaa: {  	v2 =	vmul.f32 $2.000000030e-01, v1  }
0xab: {  	vm12 =	vgt.f32 v1, $0.0e+00  }
0xac: {  	v1 =	vsel vm12, v1, v2  }
0xad: {  	v1 =	vmul.f32 $1.442695020e+00, v1;
	_ =	sdelay $0x1  }
0xae: {  	(erf) = vpow2.f32 v1;
	_ =	sdelay $0x2  }
0xaf: {  	v1 =	vld [tilespmem:$0x4F50]  }
0xb0: {  	v2 =	vld [tilespmem:$0x4FD0];
	_ =	sdelay $0x4  }
0xb1: {  	v3 =	vpop (erf)  }
0xb2: {  	[tilespmem:$0x5040] =	vst v3  }
0xb3: {  	v1 =	vld.idx.msk [tilespmem:v1+s14+$0x0], $0xffff  }
0xb4: {  	v2 =	vld.idx.msk [tilespmem:v2+s1+$0x0], $0xffff;
	_ =	sdelay $0x4  }
0xb5: {  	v1 =	vadd.f32 v2, v1;
	_ =	sdelay $0x1  }
0xb6: {  	v2 =	vmul.f32 $2.000000030e-01, v1  }
0xb7: {  	vm13 =	vgt.f32 v1, $0.0e+00  }
0xb8: {  	v1 =	vsel vm13, v1, v2  }
0xb9: {  	v1 =	vmul.f32 $1.442695020e+00, v1;
	_ =	sdelay $0x1  }
0xba: {  	(erf) = vpow2.f32 v1;
	_ =	sdelay $0x2  }
0xbb: {  	v1 =	vld [tilespmem:$0x4F60]  }
0xbc: {  	v2 =	vld [tilespmem:$0x4FE0];
	_ =	sdelay $0x4  }
0xbd: {  	v3 =	vpop (erf)  }
0xbe: {  	[tilespmem:$0x5050] =	vst v3  }
0xbf: {  	v1 =	vld.idx.msk [tilespmem:v1+s14+$0x0], $0xffff  }
0xc0: {  	v2 =	vld.idx.msk [tilespmem:v2+s1+$0x0], $0xffff;
	_ =	sdelay $0x4  }
0xc1: {  	v1 =	vadd.f32 v2, v1;
	_ =	sdelay $0x1  }
0xc2: {  	v2 =	vmul.f32 $2.000000030e-01, v1  }
0xc3: {  	vm14 =	vgt.f32 v1, $0.0e+00  }
0xc4: {  	v1 =	vsel vm14, v1, v2  }
0xc5: {  	v1 =	vmul.f32 $1.442695020e+00, v1;
	_ =	sdelay $0x1  }
0xc6: {  	(erf) = vpow2.f32 v1;
	_ =	sdelay $0x2  }
0xc7: {  	v1 =	vld [tilespmem:$0x4F70]  }
0xc8: {  	v2 =	vld [tilespmem:$0x4FF0];
	_ =	sdelay $0x4  }
0xc9: {  	v3 =	vpop (erf)  }
0xca: {  	[tilespmem:$0x5060] =	vst v3  }
0xcb: {  	v1 =	vld.idx.msk [tilespmem:v1+s14+$0x0], $0xffff  }
0xcc: {  	v2 =	vld.idx.msk [tilespmem:v2+s1+$0x0], $0xffff;
	_ =	sdelay $0x4  }
0xcd: {  	v1 =	vadd.f32 v2, v1;
	_ =	sdelay $0x1  }
0xce: {  	v2 =	vmul.f32 $2.000000030e-01, v1  }
0xcf: {  	vm15 =	vgt.f32 v1, $0.0e+00  }
0xd0: {  	v1 =	vsel vm15, v1, v2  }
0xd1: {  	v1 =	vmul.f32 $1.442695020e+00, v1;
	_ =	sdelay $0x1  }
0xd2: {  	(erf) = vpow2.f32 v1;
	_ =	sdelay $0x8  }
0xd3: {  	v1 =	vpop (erf)  }
0xd4: {  	[tilespmem:$0x5070] =	vst v1  }
0xd5: {  	[tilespmem:s3], [sflag:$0x1] =	stream.indirect.gather [hbm4b:s16+s7], $0x80, s5, s7, $0xb8;
	[tilespmem:$0x1FC00] =	vst v63  }
0xd6: {  	_ =	swait.ge [sflag:s8], $0x4000  }
0xd7: {  	v1 =	vmov s14;
	[sflag:s8] =	ssyncset.done $0x0  }
0xd8: {  	s11 =	simm.s32 $0x50C0;
	[sflag:s8] =	ssyncadd.s32 $0xFFFFC000  }
0xd9: {  	v4 =	vld [tilespmem:s11+$0xFFFFFFD0]  }
0xda: {  	v3 =	vld [tilespmem:s11+$0xFFFFFFE0]  }
0xdb: {  	v5 =	vld [tilespmem:s11+$0xFFFFFFC0]  }
0xdc: {  	v1 =	vld.idx.msk [tilespmem:v1+s9+$0x0], $0xffff  }
0xdd: {  	v8 =	vld [tilespmem:s11+$0x10]  }
0xde: {  	v2 =	vld [tilespmem:s11+$0x0]  }
0xdf: {  	s20 =	simm.s32 $0x9080;
	v6 =	vld [tilespmem:s11+$0x20]  }
0xe0: {  	s21 =	simm.s32 $0x1;
	s18 =	simm.s32 $0x9080;
	s17 =	simm.s32 $0x50C0;
	v7 =	vld [tilespmem:s11+$0xFFFFFFF0]  }
.LBB2_5:
0xe1: {  	p0 =	sne.s32 s21, $0x7F;
	v4 =	vmul.f32 v4, v1;
	v3 =	vmul.f32 v3, v1;
	s20 =	sadd.s32 $0x10, s20;
	s11 =	sadd.s32 $0x80, s11  }
0xe2: {  	v5 =	vmul.f32 v5, v1;
	s22 =	smov.u32 s21;
	s21 =	sadd.s32 $0x1, s21;
	v8 =	vmul.f32 v8, v1;
	v9 =	vld [tilespmem:s17+$0x30]  }
0xe3: {  	[tilespmem:s17+$0xFFFFFFD0] =	vst v4  }
0xe4: {  	[tilespmem:s17+$0xFFFFFFC0] =	vst v5;
	v4 =	vmul.f32 v6, v1  }
0xe5: {  	v2 =	vmul.f32 v2, v1;
	v5 =	vmul.f32 v7, v1;
	[tilespmem:s17+$0x10] =	vst v8  }
0xe6: {  	[tilespmem:s17+$0x20] =	vst v4  }
0xe7: {  	v6 =	vmov s22;
	[tilespmem:s17+$0xFFFFFFF0] =	vst v5;
	v4 =	vmul.f32 v9, v1  }
0xe8: {  	[tilespmem:s17+$0xFFFFFFE0] =	vst v3  }
0xe9: {  	[tilespmem:s17+$0x30] =	vst v4  }
0xea: {  	[tilespmem:s17+$0x0] =	vst v2;
	s17 =	smov.u32 s11  }
0xeb: {  	[tilespmem:s18+$0x0] =	vst v1;
	s18 =	smov.u32 s20  }
0xec: {  	v4 =	vld [tilespmem:s11+$0xFFFFFFD0]  }
0xed: {  	v3 =	vld [tilespmem:s11+$0xFFFFFFE0]  }
0xee: {  	v5 =	vld [tilespmem:s11+$0xFFFFFFC0]  }
0xef: {  	v1 =	vld.idx.msk [tilespmem:v6+s9+$0x0], $0xffff  }
.Ltmp1:
0xf0: {  	v2 =	vld [tilespmem:s11+$0x0];
	(pc) =	sbr.rel @p0 .LBB2_5-.Ltmp1, $3  }
0xf1: {  	v8 =	vld [tilespmem:s11+$0x10];
	_ =	sdelay $0x1  }
0xf2: {  	v6 =	vld [tilespmem:s11+$0x20]  }
0xf3: {  	v7 =	vld [tilespmem:s11+$0xFFFFFFF0]  }
0xf4: {  	v4 =	vmul.f32 v4, v1  }
0xf5: {  	v5 =	vmul.f32 v5, v1  }
0xf6: {  	v9 =	vld [tilespmem:s17+$0x30];
	v3 =	vmul.f32 v3, v1;
	[tilespmem:s17+$0xFFFFFFD0] =	vst v4  }
0xf7: {  	v2 =	vmul.f32 v2, v1;
	[tilespmem:s17+$0xFFFFFFC0] =	vst v5  }
0xf8: {  	v8 =	vmul.f32 v8, v1;
	[tilespmem:s17+$0xFFFFFFE0] =	vst v3  }
0xf9: {  	[tilespmem:s17+$0x0] =	vst v2;
	v61 =	vmul.f32 v6, v1  }
0xfa: {  	[tilespmem:s17+$0x10] =	vst v8;
	v62 =	vmul.f32 v7, v1  }
0xfb: {  	[tilespmem:s17+$0x20] =	vst v61;
	v63 =	vmul.f32 v9, v1  }
0xfc: {  	[tilespmem:s17+$0xFFFFFFF0] =	vst v62  }
0xfd: {  	[tilespmem:s17+$0x30] =	vst v63  }
0xfe: {  	[tilespmem:s18+$0x0] =	vst v1  }
0xff: {  	[spmem:s12] =	stream.indirect.scatter.add.f32 [tilespmem:s3], [sflag:$0x2], $0x80, s6, s7, $0xb8;
	[tilespmem:$0x1FC00] =	vst v63  }
0x100: {  	s15 =	sadd.s32 $0x1, s15;
	_ =	swait.ge [sflag:s2], $0x4000  }
0x101: {  	p0 =	sne.s32 s15, $0x51;
	[sflag:s2] =	ssyncset.done $0x0  }
.Ltmp2:
0x102: {  	[sflag:s2] =	ssyncadd.s32 $0xFFFFC000;
	(pc) =	sbr.rel @p0 .LBB2_4-.Ltmp2, $4  }
0x103: {  	[spmem:s13] =	stream.indirect.scatter.add.f32 [tilespmem:s4], [sflag:$0x2], $0x10, s6, s7, $0xb8;
	[tilespmem:$0x1FC00] =	vst v63  }
0x104: {  	_ =	swait.ge [sflag:s2], $0x800  }
0x105: {  	[sflag:s2] =	ssyncset.done $0x0  }
0x106: {  	[sflag:s2] =	ssyncadd.s32 $0xFFFFF800  }
0x107: {  	s11 =	stileid.u32  }
0x108: {  	[bflag:$0x0] =	sbarrier.arrive $0xFFFF;
	s11 =	sshll.u32 s11, $0x6  }
0x109: {  	s14 =	sshrl.u32 s23, $0x3;
	s15 =	rddreg [dreg:$0x5];
	s11 =	sor.u32 $0x1C02, s11  }
0x10a: {  	[hbm:s15], [sflag:s11] =	dma.local [spmem:s14], $0x800  }
0x10b: {  	_ =	swait.ge [sflag:s2], $0x800  }
0x10c: {  	s21 =	smov.u32 s23;
	s22 =	smov.u32 s24;
	[sflag:s2] =	ssyncset.done $0x0  }
0x10d: {  	s23 =	sshrl.u32 s24, $0x3;
	s24 =	rddreg [dreg:$0xa];
	[sflag:s2] =	ssyncadd.s32 $0xFFFFF800  }
0x10e: {  	[hbm:s24], [sflag:s11] =	dma.local [spmem:s23], $0x100  }
0x10f: {  	_ =	swait.ge [sflag:s2], $0x100  }
0x110: {  	[sflag:s2] =	ssyncset.done $0x0;
	s15 =	rddreg [dreg:$0x11]  }
0x111: {  	s17 =	rddreg [dreg:$0x6];
	[sflag:s2] =	ssyncadd.s32 $0xFFFFFF00;
	s14 =	sshrl.u32 s15, $0x3  }
0x112: {  	[hbm:s17], [sflag:s11] =	dma.local [spmem:s14], $0x800  }
0x113: {  	_ =	swait.ge [sflag:s2], $0x800  }
0x114: {  	[sflag:s2] =	ssyncset.done $0x0;
	s18 =	rddreg [dreg:$0x12]  }
0x115: {  	s20 =	rddreg [dreg:$0xb];
	[sflag:s2] =	ssyncadd.s32 $0xFFFFF800;
	s14 =	sshrl.u32 s18, $0x3  }
0x116: {  	[hbm:s20], [sflag:s11] =	dma.local [spmem:s14], $0x100  }
0x117: {  	_ =	swait.ge [sflag:s2], $0x100  }
0x118: {  	[sflag:s2] =	ssyncset.done $0x0;
	s23 =	rddreg [dreg:$0x13]  }
0x119: {  	s24 =	rddreg [dreg:$0x7];
	[sflag:s2] =	ssyncadd.s32 $0xFFFFFF00;
	s14 =	sshrl.u32 s23, $0x3  }
0x11a: {  	[hbm:s24], [sflag:s11] =	dma.local [spmem:s14], $0x800  }
0x11b: {  	_ =	swait.ge [sflag:s2], $0x800  }
0x11c: {  	[sflag:s2] =	ssyncset.done $0x0  }
0x11d: {  	s15 =	sshrl.u32 s25, $0x3;
	s17 =	rddreg [dreg:$0xc];
	[sflag:s2] =	ssyncadd.s32 $0xFFFFF800  }
0x11e: {  	[hbm:s17], [sflag:s11] =	dma.local [spmem:s15], $0x100  }
0x11f: {  	_ =	swait.ge [sflag:s2], $0x100  }
0x120: {  	[sflag:s2] =	ssyncset.done $0x0  }
0x121: {  	s18 =	sshrl.u32 s26, $0x3;
	s20 =	rddreg [dreg:$0x8];
	[sflag:s2] =	ssyncadd.s32 $0xFFFFFF00  }
0x122: {  	[hbm:s20], [sflag:s11] =	dma.local [spmem:s18], $0x800  }
0x123: {  	_ =	swait.ge [sflag:s2], $0x800  }
0x124: {  	[sflag:s2] =	ssyncset.done $0x0  }
0x125: {  	s23 =	sshrl.u32 s28, $0x3;
	s24 =	rddreg [dreg:$0xd];
	[sflag:s2] =	ssyncadd.s32 $0xFFFFF800  }
0x126: {  	[hbm:s24], [sflag:s11] =	dma.local [spmem:s23], $0x100  }
0x127: {  	_ =	swait.ge [sflag:s2], $0x100  }
0x128: {  	[sflag:s2] =	ssyncset.done $0x0  }
0x129: {  	s17 =	sshrl.u32 s29, $0x3;
	s18 =	rddreg [dreg:$0x9];
	[sflag:s2] =	ssyncadd.s32 $0xFFFFFF00  }
0x12a: {  	[hbm:s18], [sflag:s11] =	dma.local [spmem:s17], $0x780  }
0x12b: {  	_ =	swait.ge [sflag:s2], $0x780  }
0x12c: {  	[sflag:s2] =	ssyncset.done $0x0  }
0x12d: {  	s20 =	sshrl.u32 s30, $0x3;
	s23 =	rddreg [dreg:$0xe];
	[sflag:s2] =	ssyncadd.s32 $0xFFFFF880  }
0x12e: {  	[hbm:s23], [sflag:s11] =	dma.local [spmem:s20], $0xF0  }
0x12f: {  	_ =	swait.ge [sflag:s2], $0xF0  }
0x130: {  	s10 =	sadd.s32 $0x1, s10;
	s24 =	rddreg [dreg:$0x14]  }
0x131: {  	p0 =	sne.s32 s10, s24  }
.Ltmp3:
0x132: {  	_ = 	snop;
	(pc) =	sbr.rel @p0 .LBB2_1-.Ltmp3, $3  }
0x133: {  	_ =	sdelay $0x1  }
0x134: {  	[sflag:s2] =	ssyncset.done $0x0  }
0x135: {  	[sflag:s2] =	ssyncadd.s32 $0xFFFFFF10  }
0x136: {  	_ =	sfence.sel $0x180000  }
0x137: {  	[bflag:$0x0] =	sbarrier.arrive $0xFFFF  }
0x138: {  	_ =	strace $0x9000004A  }
0x139: {  	s0 =	stileid.u32;
	[bflag:$0x2] =	sbarrier.arrive $0xFFFF  }
0x13a: {  	p0 =	sne.s32 s0, $0x0;
	s0 =	rddreg [dreg:$0x4]  }
0x13b: {  	s0 =	sadd.s32 @!p0 $0x100000, s0  }
0x13c: {  	[sflag:s0] =	ssyncadd.tile.s32 @!p0 $0x1;
	_ =	shalt  }
.Lfunc_end2:
_tile_overlayer_lowered:
.L_overlay_start_2:
0x13d: {  	(tag) =	ssettag $0x2  }
0x13e: {  	s0 =	rddreg [dreg:$0x0];
	s2 =	stileid.u32  }
0x13f: {  	s1 =	rddreg [dreg:$0x1];
	p0 =	sne.s32 s2, $0x0  }
0x140: {  	s3 =	rddreg [dreg:$0x2];
	[bflag:$0x3] =	sbarrier.arrive $0xFFFF;
	s2 =	simm.s32 @!p0 $0x1C02  }
0x141: {  	[timem:s3], [sflag:s2] =	dma.local @!p0 [hbm:s0], s1  }
0x142: {  	s0 =	simm.s32 @!p0 $0x2  }
0x143: {  	_ =	swait.ge @!p0 [sflag:s0], s1  }
0x144: {  	s1 =	ssub.s32 @!p0 $0x0, s1;
	[sflag:s0] =	ssyncset.done @!p0 $0x0  }
0x145: {  	[sflag:s0] =	ssyncadd.s32 @!p0 s1  }
0x146: {  	[bflag:$0x3] =	sbarrier.arrive $0xFFFF  }
0x147: {  	_ =	shalt  }

// kernel: kernel.15.cloned.1.call-start
scs
__scs_entry_jumppad:
0x0: {  	(pc) =	sbr.rel $0x88, $3  }
0x1: {  	(tag) =	ssettag $0x0;
	lr =	simm.s32 $0x1  }
0x2: {  	[smem:$0x3F93] =	sst lr;
	_ =	strace $0xD0000000  }
0x3: {  	_ = 	snop  }
0x4: {  	_ = 	snop  }
0x5: {  	_ = 	snop  }
0x6: {  	_ = 	snop  }
0x7: {  	_ = 	snop  }
__scs_overlays_trampoline_lowered:
0x8: {  	[smem:$0x3FA2] =	sst s0  }
0x9: {  	[smem:$0x3FA3] =	sst s1  }
0xa: {  	[smem:$0x3FA4] =	sst s2  }
0xb: {  	[smem:$0x3FA5] =	sst s3  }
0xc: {  	[smem:$0x3FA6] =	sst s4  }
0xd: {  	[smem:$0x3FA7] =	sst s5  }
0xe: {  	[smem:$0x3FA8] =	sst s6  }
0xf: {  	[smem:$0x3FA9] =	sst s7  }
0x10: {  	[smem:$0x3FAA] =	sst s8  }
0x11: {  	[smem:$0x3FAB] =	sst s9;
	s0 =	simm.s32 @!p0 $0x0  }
0x12: {  	s1 =	sld [smem:$0x3F91];
	s0 =	simm.s32 @p0 $0x1  }
0x13: {  	[smem:$0x3FAC] =	sst s0;
	s0 =	simm.s32 @!p1 $0x0  }
0x14: {  	s2 =	sld [smem:$0x3F90];
	s0 =	simm.s32 @p1 $0x1  }
0x15: {  	[smem:$0x3FAD] =	sst s0;
	s0 =	simm.s32 @!p2 $0x0  }
0x16: {  	s3 =	sld [smem:$0x3FDB];
	s0 =	simm.s32 @p2 $0x1  }
0x17: {  	s4 =	simm.s32 $0x1BF5;
	[smem:$0x3FAF] =	sst s0  }
0x18: {  	s0 =	sld [smem:$0x3F92];
	_ =	swait.ge [sflag:s4], $0x0  }
0x19: {  	s7 =	sld [smem:$0x3F93]  }
0x1a: {  	s8 =	sadd.s32 $0xFFFFE003, lr  }
0x1b: {  	s9 =	sadd.s32 $0xFFFFFEF7, lr;
	s5 =	simm.s32 $0xFFFFFFFF;
	p2 =	slt.u32 s8, $0xFFFFF086  }
0x1c: {  	p1 =	slt.u32 s9, $0xF7A;
	s5 =	simm.s32 @!p2 $0x0  }
0x1d: {  	s5 =	simm.s32 @p1 $0x1;
	p0 =	seq.s32 s7, s2  }
0x1e: {  	s7 =	smul.u32 @!p0 $0xF7A, s2;
	p2 =	seq.s32 @!p0 s5, $0x0  }
0x1f: {  	s9 =	smul.u32 $0xF7A, s1;
	s8 =	simm.s32 @!p0 $0x1BF5;
	p2 =	por !p2, p0  }
0x20: {  	[sflag:s8] =	ssyncset.s32 @!p0 $0xFFFFF086;
	s6 =	sadd.s32 @!p0 s3, s7;
	s7 =	simm.s32 @!p0 $0x108  }
0x21: {  	s3 =	sadd.s32 s3, s9;
	s6 =	sadd.s32 @!p0 $0x88, s6;
	s7 =	simm.s32 @p2 $0x1082  }
0x22: {  	[simem:s7], [sflag:s8] =	dma.local @!p0 [hbm:s6], $0xF7A  }
0x23: {  	s9 =	sor.u32 $0xD0000000, s2;
	s6 =	simm.s32 $0x108;
	_ =	swait.ge @!p0 [sflag:s8], $0x0  }
0x24: {  	s3 =	sadd.s32 $0x88, s3;
	s6 =	simm.s32 @!p1 $0x1082;
	[sflag:s4] =	ssyncset.s32 $0xFFFFF086  }
0x25: {  	[simem:s6], [sflag:s4] =	dma.local [hbm:s3], $0xF7A  }
0x26: {  	[smem:$0x3F93] =	sst s1;
	(tag) =	ssettag s2;
	_ =	strace s9  }
0x27: {  	s1 =	sld [smem:$0x3FA3]  }
0x28: {  	s2 =	sld [smem:$0x3FA4]  }
0x29: {  	s4 =	sld [smem:$0x3FA6]  }
0x2a: {  	p0 =	seq.s32 s5, $0x0;
	s5 =	sld [smem:$0x3FA7]  }
0x2b: {  	s6 =	sld [smem:$0x3FA8]  }
0x2c: {  	s7 =	sld [smem:$0x3FA9]  }
0x2d: {  	s3 =	simm.s32 $0x108;
	s8 =	sld [smem:$0x3FAA]  }
0x2e: {  	s3 =	simm.s32 @!p0 $0x1082;
	s9 =	sld [smem:$0x3FAB]  }
0x2f: {  	lr =	sadd.s32 s0, s3;
	s0 =	sld [smem:$0x3FA2]  }
0x30: {  	s3 =	sld [smem:$0x3FA5]  }
0x31: {  	[smem:$0x3FAE] =	sst s10  }
0x32: {  	s10 =	sld [smem:$0x3FAC];
	_ =	sdelay $0x3  }
0x33: {  	p0 =	seq.s32 s10, $0x1;
	s10 =	sld [smem:$0x3FAE];
	_ =	sdelay $0x3  }
0x34: {  	[smem:$0x3FAE] =	sst s10  }
0x35: {  	s10 =	sld [smem:$0x3FAD];
	_ =	sdelay $0x3  }
0x36: {  	p1 =	seq.s32 s10, $0x1;
	s10 =	sld [smem:$0x3FAE];
	_ =	sdelay $0x3  }
0x37: {  	[smem:$0x3FAE] =	sst s10  }
0x38: {  	s10 =	sld [smem:$0x3FAF]  }
0x39: {  	_ = 	snop;
	(pc) =	sbr.ind lr, $3  }
0x3a: {  	_ = 	snop  }
0x3b: {  	_ = 	snop  }
0x3c: {  	p2 =	seq.s32 s10, $0x1;
	s10 =	sld [smem:$0x3FAE]  }
0x3d: {  	_ =	shalt  }
0x3e: {  	_ =	shalt  }
0x3f: {  	_ =	shalt  }
0x40: {  	_ =	shalt  }
0x41: {  	_ =	shalt  }
0x42: {  	_ =	shalt  }
0x43: {  	_ =	shalt  }
0x44: {  	_ =	shalt  }
0x45: {  	_ =	shalt  }
0x46: {  	_ =	shalt  }
0x47: {  	_ =	shalt  }
0x48: {  	_ =	shalt  }
0x49: {  	_ =	shalt  }
0x4a: {  	_ =	shalt  }
0x4b: {  	_ =	shalt  }
0x4c: {  	_ =	shalt  }
0x4d: {  	_ =	shalt  }
0x4e: {  	_ =	shalt  }
0x4f: {  	_ =	shalt  }
0x50: {  	_ =	shalt  }
0x51: {  	_ =	shalt  }
0x52: {  	_ =	shalt  }
0x53: {  	_ =	shalt  }
0x54: {  	_ =	shalt  }
0x55: {  	_ =	shalt  }
0x56: {  	_ =	shalt  }
0x57: {  	_ =	shalt  }
0x58: {  	_ =	shalt  }
0x59: {  	_ =	shalt  }
0x5a: {  	_ =	shalt  }
0x5b: {  	_ =	shalt  }
0x5c: {  	_ =	shalt  }
0x5d: {  	_ =	shalt  }
0x5e: {  	_ =	shalt  }
0x5f: {  	_ =	shalt  }
0x60: {  	_ =	shalt  }
0x61: {  	_ =	shalt  }
0x62: {  	_ =	shalt  }
0x63: {  	_ =	shalt  }
0x64: {  	_ =	shalt  }
0x65: {  	_ =	shalt  }
0x66: {  	_ =	shalt  }
0x67: {  	_ =	shalt  }
0x68: {  	_ =	shalt  }
0x69: {  	_ =	shalt  }
0x6a: {  	_ =	shalt  }
0x6b: {  	_ =	shalt  }
0x6c: {  	_ =	shalt  }
0x6d: {  	_ =	shalt  }
0x6e: {  	_ =	shalt  }
0x6f: {  	_ =	shalt  }
0x70: {  	_ =	shalt  }
0x71: {  	_ =	shalt  }
0x72: {  	_ =	shalt  }
0x73: {  	_ =	shalt  }
0x74: {  	_ =	shalt  }
0x75: {  	_ =	shalt  }
0x76: {  	_ =	shalt  }
0x77: {  	_ =	shalt  }
0x78: {  	_ =	shalt  }
0x79: {  	_ =	shalt  }
0x7a: {  	_ =	shalt  }
0x7b: {  	_ =	shalt  }
0x7c: {  	_ =	shalt  }
0x7d: {  	_ =	shalt  }
0x7e: {  	_ =	shalt  }
0x7f: {  	_ =	shalt  }
0x80: {  	_ =	shalt  }
0x81: {  	_ =	shalt  }
0x82: {  	_ =	shalt  }
0x83: {  	_ =	shalt  }
0x84: {  	_ =	shalt  }
0x85: {  	_ =	shalt  }
0x86: {  	_ =	shalt  }
0x87: {  	_ =	shalt  }
.Lfunc_end0:
.L_simem_size_0:
called_computation.2_lowered:
.L_overlay_start_0:
0x88: {  	s2 =	sld [smem:$0x3FD9]  }
0x89: {  	s3 =	sld [smem:$0x3FFE];
	_ =	sdelay $0x1  }
0x8a: {  	s1 =	srdreg.scid  }
0x8b: {  	s0 =	sand.u32 $0x1, s1  }
0x8c: {  	s17 =	sshll.u32 s0, $0xA;
	s2 =	sadd.s32 s3, s2  }
0x8d: {  	s2 =	sadd.s32 s2, s17  }
0x8e: {  	[smem:$0x3FBA] =	sst s2  }
0x8f: {  	_ = 	snop  }
0x90: {  	s2 =	sld [smem:$0x3FD0];
	(tm) =	ssettm $0x1  }
0x91: {  	s18 =	sld [smem:$0x3FFB];
	_ =	sdelay $0x3  }
0x92: {  	_ =	strace s18  }
0x93: {  	s3 =	sld [smem:$0x3FFC];
	_ =	sdelay $0x3  }
0x94: {  	_ =	strace s3  }
0x95: {  	s3 =	sld [smem:$0x3FFD];
	_ =	sdelay $0x3  }
0x96: {  	_ =	strace s3  }
0x97: {  	_ =	strace $0x8FFFFFFF  }
0x98: {  	s19 =	sld [smem:$0x3FDB];
	_ =	sdelay $0x1  }
0x99: {  	s4 =	simm.s32 $_scs_section_size  }
0x9a: {  	s5 =	simm.s32 $_size__tile_overlayer_lowered;
	s6 =	simm.s32 $_tile_overlayer_lowered  }
0x9b: {  	s22 =	simm.s32 $0x1BFF;
	s21 =	sshll.u32 s6, $0x1;
	s3 =	sadd.s32 s4, s19  }
0x9c: {  	s7 =	simm.s32 $0x0;
	s20 =	sshll.u32 s5, $0x1;
	s5 =	sadd.s32 s21, s3  }
0x9d: {  	[timem:s7], [sflag:s22] =	dma.local [hbm:s5], s20  }
0x9e: {  	_ =	swait.ge [sflag:s22], s20  }
0x9f: {  	s4 =	ssub.s32 $0x0, s20;
	[sflag:s22] =	ssyncset.done $0x0  }
0xa0: {  	[sflag:s22] =	ssyncadd.s32 s4;
	_ =	sdelay $0x1  }
0xa1: {  	s23 =	simm.s32 $0x1B8B  }
0xa2: {  	_ =	swait.ge [sflag:s23], $0x1  }
0xa3: {  	[sflag:s23] =	ssyncset.done $0x0  }
0xa4: {  	s25 =	simm.s32 $0x1B8E;
	s24 =	sld [smem:$0x3FFE];
	[sflag:s23] =	ssyncadd.s32 $0xFFFFFFFF  }
0xa5: {  	s26 =	simm.s32 $execute0_lowered;
	[smem:$0x3FD2] =	sst s25  }
0xa6: {  	s5 =	sshll.u32 s26, $0x1;
	_ =	strace $0x8000004C;
	[dreg:$0x1] =	wrdreg $0xFFFFFFFF  }
0xa7: {  	s28 =	simm.s32 $_size_execute0_lowered;
	s3 =	sadd.s32 s3, s5;
	[dreg:$0x0] =	wrdreg $0x0  }
0xa8: {  	s5 =	sshll.u32 s28, $0x1;
	[dreg:$0x2] =	wrdreg s3  }
0xa9: {  	[dreg:$0x3] =	wrdreg s5  }
0xaa: {  	[dreg:$0x4] =	wrdreg $0xC0  }
0xab: {  	_ =	task [dreg:s7], $0x5FFFF  }
0xac: {  	[dreg:$0x1] =	wrdreg $0xFFFFFFFF  }
0xad: {  	[dreg:$0x0] =	wrdreg $0x60  }
0xae: {  	[dreg:$0x2] =	wrdreg s24  }
0xaf: {  	[dreg:$0x3] =	wrdreg s2  }
0xb0: {  	[dreg:$0x4] =	wrdreg $0x98800  }
0xb1: {  	[dreg:$0x5] =	wrdreg $0x1D4800  }
0xb2: {  	[dreg:$0x6] =	wrdreg $0x9  }
0xb3: {  	_ =	task.clear_ibuf [dreg:s7], $0x7FFFF;
	_ =	strace $0x9000004C  }
0xb4: {  	s29 =	simm.s32 $0x9;
	_ =	strace $0x8000004E  }
0xb5: {  	_ =	swait.ge [sflag:s29], $0x1  }
0xb6: {  	[sflag:s29] =	ssyncadd.s32 $0xFFFFFFFF  }
0xb7: {  	_ =	strace $0x9000004E  }
0xb8: {  	_ =	sfence  }
0xb9: {  	s30 =	sld [smem:$0x0];
	_ =	sdelay $0x2  }
0xba: {  	s31 =	sshll.u32 s1, $0xD;
	s1 =	sshrl.u32 s1, $0x2  }
0xbb: {  	s3 =	sand.u32 $0x4000, s31;
	s1 =	sadd.s32 s1, s30  }
0xbc: {  	s0 =	sor.u32 s3, s0;
	s1 =	sshll.u32 s1, $0x11  }
0xbd: {  	s0 =	sor.u32 s1, s0  }
0xbe: {  	s0 =	sadd.s32 $0x8F2B, s0  }
0xbf: {  	[sflag:s0] =	ssyncadd.remote.s32 $0x1  }
0xc0: {  	_ =	sfence.sel $0xFFFF  }
0xc1: {  	[dreg:$0x0] =	wrdreg $0xFFFFFFFF;
	(pc) =	sbr.abs _section_cstart, $3  }
0xc2: {  	[dreg:$0x1] =	wrdreg $0xFFFFFFFF  }
0xc3: {  	_ =	task.clear_ibuf [dreg:s7], $0x2FFFF;
	_ =	strace $0x9FFFFFFF  }
0xc4: {  	(tm) =	ssettm $0x7FFFFFFF  }
0xc5: {  	_ =	shalt  }
tec
execute0_lowered:
.L_overlay_start_1:
0x0: {  	(tag) =	ssettag $0x1  }
0x1: {  	s1 =	rddreg [dreg:$0x0]  }
0x2: {  	s3 =	simm.s32 $0x0;
	s2 =	srdreg.scid;
	s9 =	stileid.u32  }
0x3: {  	s5 =	sand.u32 $0x1, s2;
	s7 =	sshll.u32 s9, $0x1;
	s8 =	smul.u32 $0x278, s9  }
0x4: {  	[smem:$0x7FF] =	sst s3;
	s3 =	sor.u32 s5, s7;
	s7 =	smul.u32 $0x13C00, s9  }
0x5: {  	s0 =	rddreg [dreg:$0x1];
	s4 =	sadd.s32 $0x3D800, s1;
	s9 =	smul.u32 $0x2780, s9  }
0x6: {  	s6 =	sadd.s32 $0x33A00, s1;
	s2 =	ssub.s32 $0x2, s5;
	s13 =	smul.u32 $0x13C000, s5  }
0x7: {  	s5 =	smul.u32 $0x27800, s5;
	s23 =	sshrl.u32 s2, $0x1;
	s10 =	sadd.s32 $0x80, s8  }
0x8: {  	s11 =	sadd.s32 $0x100, s8;
	s12 =	sadd.s32 $0x180, s8;
	s8 =	sadd.s32 $0x200, s8  }
0x9: {  	s31 =	smul.u32 $0x2880, s3;
	s3 =	simm.s32 $0x5080;
	s2 =	ssub.s32 s2, s23  }
0xa: {  	s14 =	sshll.u32 s10, $0x7;
	s10 =	sshll.u32 s10, $0x4;
	s15 =	sshll.u32 s11, $0x7  }
0xb: {  	s11 =	sshll.u32 s11, $0x4;
	s17 =	sshll.u32 s12, $0x7;
	s18 =	sshll.u32 s12, $0x4  }
0xc: {  	s20 =	sshll.u32 s8, $0x7;
	s24 =	sadd.s32 s7, s13;
	s8 =	sshll.u32 s8, $0x4  }
0xd: {  	s25 =	sadd.s32 s9, s5;
	s12 =	sshrl.u32 s24, $0x3;
	s16 =	sadd.s32 s13, s14  }
0xe: {  	s26 =	sadd.s32 s5, s10;
	s19 =	sadd.s32 s13, s15;
	s21 =	sadd.s32 s13, s17  }
0xf: {  	s13 =	sadd.s32 s13, s20;
	s22 =	sadd.s32 s5, s11;
	s12 =	sadd.s32 s4, s12  }
0x10: {  	s16 =	sshrl.u32 s16, $0x3;
	s19 =	sshrl.u32 s19, $0x3;
	s21 =	sshrl.u32 s21, $0x3  }
0x11: {  	s13 =	sshrl.u32 s13, $0x3;
	[dreg:$0x5] =	wrdreg s12;
	s16 =	sadd.s32 s4, s16  }
0x12: {  	s23 =	sshrl.u32 s26, $0x3;
	s19 =	sadd.s32 s4, s19;
	[dreg:$0x6] =	wrdreg s16  }
0x13: {  	s12 =	sshrl.u32 s25, $0x3;
	s24 =	sadd.s32 s6, s23;
	[dreg:$0x7] =	wrdreg s19  }
0x14: {  	s25 =	sadd.s32 s5, s18;
	s5 =	sadd.s32 s5, s8;
	[dreg:$0xb] =	wrdreg s24  }
0x15: {  	s19 =	sadd.s32 s4, s21;
	s4 =	sadd.s32 s4, s13;
	s13 =	rddreg [dreg:$0x3]  }
0x16: {  	s12 =	sadd.s32 s6, s12;
	s5 =	sshrl.u32 s5, $0x3;
	[dreg:$0x8] =	wrdreg s19  }
0x17: {  	s16 =	sadd.s32 $0x1400, s1;
	s24 =	smax.u32 s2, $0x1;
	[dreg:$0x9] =	wrdreg s4  }
0x18: {  	s2 =	simm.s32 $0x2;
	s4 =	sshrl.u32 s22, $0x3;
	[dreg:$0xa] =	wrdreg s12  }
0x19: {  	s12 =	rddreg [dreg:$0x2];
	s26 =	sadd.s32 s6, s5;
	s5 =	sadd.s32 $0x28C00, s1  }
0x1a: {  	s19 =	sadd.s32 $0x29800, s1;
	s22 =	sadd.s32 s9, s13;
	s4 =	sadd.s32 s6, s4  }
0x1b: {  	s28 =	sadd.s32 s18, s13;
	[dreg:$0xc] =	wrdreg s4;
	s4 =	sshrl.u32 s25, $0x3  }
0x1c: {  	s30 =	sadd.s32 s8, s13;
	[dreg:$0xe] =	wrdreg s26;
	s4 =	sadd.s32 s6, s4  }
0x1d: {  	s8 =	simm.s32 $0x1;
	s21 =	sadd.s32 s7, s12;
	[dreg:$0xd] =	wrdreg s4  }
0x1e: {  	s6 =	sadd.s32 $0x29200, s1;
	_ =	strace $0x8000004D;
	[dreg:$0xf] =	wrdreg s5  }
0x1f: {  	s9 =	sadd.s32 s14, s12;
	s14 =	sadd.s32 s10, s13;
	[dreg:$0x10] =	wrdreg s6  }
0x20: {  	s23 =	sadd.s32 s15, s12;
	s26 =	sadd.s32 s17, s12;
	[dreg:$0x11] =	wrdreg s9  }
0x21: {  	s29 =	sadd.s32 s20, s12;
	s7 =	simm.s32 $0x80;
	[dreg:$0x12] =	wrdreg s14  }
0x22: {  	s10 =	simm.s32 $0x0;
	s25 =	sadd.s32 s11, s13;
	[dreg:$0x13] =	wrdreg s23  }
0x23: {  	s1 =	simm.s32 $0x2780;
	s4 =	simm.s32 $0x9080;
	[dreg:$0x14] =	wrdreg s24  }
0x24: {  	v0 =	vimm.f32 $0.0e+00;
	s5 =	simm.s32 $0x4F00;
	s6 =	simm.s32 $0x4F80;
	s9 =	simm.s32 $0x5000  }
.LBB2_1:
0x25: {  	s11 =	simm.s32 $0x0;
	s14 =	rddreg [dreg:$0xf]  }
0x26: {  	[tilespmem:s11], [sflag:$0x2] =	stream.linear.gather [hbm4b:s14+s11], $0x2780, $0x38;
	[tilespmem:$0x1FC00] =	vst v63  }
0x27: {  	_ =	swait.ge [sflag:s2], $0x2780  }
0x28: {  	[sflag:s2] =	ssyncset.done $0x0  }
0x29: {  	s24 =	rddreg [dreg:$0x10];
	[sflag:s2] =	ssyncadd.s32 $0xFFFFD880  }
0x2a: {  	[tilespmem:s1], [sflag:$0x2] =	stream.linear.gather [hbm4b:s24+s11], $0x2780, $0x38;
	[tilespmem:$0x1FC00] =	vst v63  }
0x2b: {  	_ =	swait.ge [sflag:s2], $0x2780  }
0x2c: {  	[sflag:s2] =	ssyncset.done $0x0  }
0x2d: {  	s11 =	simm.s32 $0x50C0;
	[sflag:s2] =	ssyncadd.s32 $0xFFFFD880  }
0x2e: {  	[tilespmem:s11+$0xFFFFFFD0] =	vst v0  }
0x2f: {  	[tilespmem:s11+$0xFFFFFFE0] =	vst v0  }
0x30: {  	[tilespmem:s11+$0xFFFFFFF0] =	vst v0  }
0x31: {  	[tilespmem:s11+$0x0] =	vst v0  }
0x32: {  	[tilespmem:s11+$0x10] =	vst v0  }
0x33: {  	[tilespmem:s11+$0x20] =	vst v0  }
0x34: {  	[tilespmem:s11+$0x30] =	vst v0  }
0x35: {  	s15 =	simm.s32 $0x0;
	s14 =	simm.s32 $0x40;
	[tilespmem:s11+$0xFFFFFFC0] =	vst v0  }
.LBB2_2:
0x36: {  	p0 =	sne.s32 s14, $0x1FC0;
	[tilespmem:s15+$0x9080] =	vst v0;
	s11 =	sadd.s32 $0x80, s11  }
0x37: {  	[tilespmem:s11+$0xFFFFFFD0] =	vst v0  }
0x38: {  	[tilespmem:s11+$0xFFFFFFE0] =	vst v0  }
0x39: {  	[tilespmem:s11+$0xFFFFFFF0] =	vst v0  }
.Ltmp0:
0x3a: {  	[tilespmem:s11+$0x0] =	vst v0;
	(pc) =	sbr.rel @p0 .LBB2_2-.Ltmp0, $4  }
0x3b: {  	[tilespmem:s11+$0x10] =	vst v0  }
0x3c: {  	[tilespmem:s11+$0x20] =	vst v0  }
0x3d: {  	[tilespmem:s11+$0x30] =	vst v0  }
0x3e: {  	s15 =	sshra.s32 s14, $0x2;
	s14 =	sadd.s32 $0x40, s14;
	[tilespmem:s11+$0xFFFFFFC0] =	vst v0  }
0x3f: {  	[tilespmem:s15+$0x9080] =	vst v0  }
0x40: {  	[spmem:s21] =	stream.linear.scatter [tilespmem:s3], [sflag:$0x2], $0x4000, $0x38;
	[tilespmem:$0x1FC00] =	vst v63  }
0x41: {  	_ =	swait.ge [sflag:s2], $0x4000  }
0x42: {  	[sflag:s2] =	ssyncset.done $0x0  }
0x43: {  	[sflag:s2] =	ssyncadd.s32 $0xFFFFC000  }
0x44: {  	[spmem:s22] =	stream.linear.scatter [tilespmem:s4], [sflag:$0x2], $0x800, $0x38;
	[tilespmem:$0x1FC00] =	vst v63  }
0x45: {  	_ =	swait.ge [sflag:s2], $0x800  }
0x46: {  	[sflag:s2] =	ssyncset.done $0x0  }
0x47: {  	s11 =	rddreg [dreg:$0x11];
	[sflag:s2] =	ssyncadd.s32 $0xFFFFF800  }
0x48: {  	[spmem:s11] =	stream.linear.scatter [tilespmem:s3], [sflag:$0x2], $0x4000, $0x38;
	[tilespmem:$0x1FC00] =	vst v63  }
0x49: {  	_ =	swait.ge [sflag:s2], $0x4000  }
0x4a: {  	[sflag:s2] =	ssyncset.done $0x0  }
0x4b: {  	s23 =	smov.u32 s21;
	s21 =	rddreg [dreg:$0x12];
	[sflag:s2] =	ssyncadd.s32 $0xFFFFC000  }
0x4c: {  	[spmem:s21] =	stream.linear.scatter [tilespmem:s4], [sflag:$0x2], $0x800, $0x38;
	[tilespmem:$0x1FC00] =	vst v63  }
0x4d: {  	_ =	swait.ge [sflag:s2], $0x800  }
0x4e: {  	[sflag:s2] =	ssyncset.done $0x0  }
0x4f: {  	s24 =	smov.u32 s22;
	s22 =	rddreg [dreg:$0x13];
	[sflag:s2] =	ssyncadd.s32 $0xFFFFF800  }
0x50: {  	[spmem:s22] =	stream.linear.scatter [tilespmem:s3], [sflag:$0x2], $0x4000, $0x38;
	[tilespmem:$0x1FC00] =	vst v63  }
0x51: {  	_ =	swait.ge [sflag:s2], $0x4000  }
0x52: {  	[sflag:s2] =	ssyncset.done $0x0  }
0x53: {  	[sflag:s2] =	ssyncadd.s32 $0xFFFFC000  }
0x54: {  	[spmem:s25] =	stream.linear.scatter [tilespmem:s4], [sflag:$0x2], $0x800, $0x38;
	[tilespmem:$0x1FC00] =	vst v63  }
0x55: {  	_ =	swait.ge [sflag:s2], $0x800  }
0x56: {  	[sflag:s2] =	ssyncset.done $0x0  }
0x57: {  	[sflag:s2] =	ssyncadd.s32 $0xFFFFF800  }
0x58: {  	[spmem:s26] =	stream.linear.scatter [tilespmem:s3], [sflag:$0x2], $0x4000, $0x38;
	[tilespmem:$0x1FC00] =	vst v63  }
0x59: {  	_ =	swait.ge [sflag:s2], $0x4000  }
0x5a: {  	[sflag:s2] =	ssyncset.done $0x0  }
0x5b: {  	[sflag:s2] =	ssyncadd.s32 $0xFFFFC000  }
0x5c: {  	[spmem:s28] =	stream.linear.scatter [tilespmem:s4], [sflag:$0x2], $0x800, $0x38;
	[tilespmem:$0x1FC00] =	vst v63  }
0x5d: {  	_ =	swait.ge [sflag:s2], $0x800  }
0x5e: {  	[sflag:s2] =	ssyncset.done $0x0  }
0x5f: {  	[sflag:s2] =	ssyncadd.s32 $0xFFFFF800  }
0x60: {  	[spmem:s29] =	stream.linear.scatter [tilespmem:s3], [sflag:$0x2], $0x3C00, $0x38;
	[tilespmem:$0x1FC00] =	vst v63  }
0x61: {  	_ =	swait.ge [sflag:s2], $0x3C00  }
0x62: {  	[sflag:s2] =	ssyncset.done $0x0  }
0x63: {  	[sflag:s2] =	ssyncadd.s32 $0xFFFFC400  }
0x64: {  	[spmem:s30] =	stream.linear.scatter [tilespmem:s4], [sflag:$0x2], $0x780, $0x38;
	[tilespmem:$0x1FC00] =	vst v63  }
0x65: {  	_ =	swait.ge [sflag:s2], $0x780  }
0x66: {  	[sflag:s2] =	ssyncset.done $0x0  }
0x67: {  	[sflag:s2] =	ssyncadd.s32 $0xFFFFF880  }
0x68: {  	s14 =	simm.s32 $0x0;
	s15 =	simm.s32 $0x0;
	[bflag:$0x0] =	sbarrier.arrive $0xFFFF  }
.LBB2_4:
0x69: {  	s11 =	sshll.u32 s15, $0x7  }
0x6a: {  	s11 =	sadd.s32 s31, s11  }
0x6b: {  	s11 =	sshrl.u32 s11, $0x3  }
0x6c: {  	s17 =	sadd.s32 s0, s11  }
0x6d: {  	[tilespmem:s5], [sflag:$0x2] =	stream.linear.gather [hbm4b:s17+s14], $0x80, $0x38;
	[tilespmem:$0x1FC00] =	vst v63  }
0x6e: {  	_ =	swait.ge [sflag:s2], $0x80  }
0x6f: {  	[sflag:s2] =	ssyncset.done $0x0  }
0x70: {  	s11 =	sadd.s32 s19, s11;
	[sflag:s2] =	ssyncadd.s32 $0xFFFFFF80  }
0x71: {  	[tilespmem:s6], [sflag:$0x2] =	stream.linear.gather [hbm4b:s11+s14], $0x80, $0x38;
	[tilespmem:$0x1FC00] =	vst v63  }
0x72: {  	_ =	swait.ge [sflag:s2], $0x80  }
0x73: {  	[sflag:s2] =	ssyncset.done $0x0  }
0x74: {  	[sflag:s2] =	ssyncadd.s32 $0xFFFFFF80  }
0x75: {  	v1 =	vld [tilespmem:$0x4F00]  }
0x76: {  	v2 =	vld [tilespmem:$0x4F80];
	_ =	sdelay $0x6  }
0x77: {  	v1 =	vld.idx.msk [tilespmem:v1+s14+$0x0], $0xffff  }
0x78: {  	v2 =	vld.idx.msk [tilespmem:v2+s1+$0x0], $0xffff;
	_ =	sdelay $0x4  }
0x79: {  	v1 =	vadd.f32 v2, v1;
	_ =	sdelay $0x1  }
0x7a: {  	v2 =	vmul.f32 $2.000000030e-01, v1  }
0x7b: {  	vm0 =	vgt.f32 v1, $0.0e+00  }
0x7c: {  	v1 =	vsel vm0, v1, v2  }
0x7d: {  	v1 =	vmul.f32 $1.442695020e+00, v1;
	_ =	sdelay $0x1  }
0x7e: {  	(erf) = vpow2.f32 v1;
	_ =	sdelay $0x2  }
0x7f: {  	v1 =	vld [tilespmem:$0x4F10]  }
0x80: {  	v2 =	vld [tilespmem:$0x4F90];
	_ =	sdelay $0x4  }
0x81: {  	v3 =	vpop (erf)  }
0x82: {  	[tilespmem:$0x5000] =	vst v3  }
0x83: {  	v1 =	vld.idx.msk [tilespmem:v1+s14+$0x0], $0xffff  }
0x84: {  	v2 =	vld.idx.msk [tilespmem:v2+s1+$0x0], $0xffff;
	_ =	sdelay $0x4  }
0x85: {  	v1 =	vadd.f32 v2, v1;
	_ =	sdelay $0x1  }
0x86: {  	v2 =	vmul.f32 $2.000000030e-01, v1  }
0x87: {  	vm9 =	vgt.f32 v1, $0.0e+00  }
0x88: {  	v1 =	vsel vm9, v1, v2  }
0x89: {  	v1 =	vmul.f32 $1.442695020e+00, v1;
	_ =	sdelay $0x1  }
0x8a: {  	(erf) = vpow2.f32 v1;
	_ =	sdelay $0x2  }
0x8b: {  	v1 =	vld [tilespmem:$0x4F20]  }
0x8c: {  	v2 =	vld [tilespmem:$0x4FA0];
	_ =	sdelay $0x4  }
0x8d: {  	v3 =	vpop (erf)  }
0x8e: {  	[tilespmem:$0x5010] =	vst v3  }
0x8f: {  	v1 =	vld.idx.msk [tilespmem:v1+s14+$0x0], $0xffff  }
0x90: {  	v2 =	vld.idx.msk [tilespmem:v2+s1+$0x0], $0xffff;
	_ =	sdelay $0x4  }
0x91: {  	v1 =	vadd.f32 v2, v1;
	_ =	sdelay $0x1  }
0x92: {  	v2 =	vmul.f32 $2.000000030e-01, v1  }
0x93: {  	vm10 =	vgt.f32 v1, $0.0e+00  }
0x94: {  	v1 =	vsel vm10, v1, v2  }
0x95: {  	v1 =	vmul.f32 $1.442695020e+00, v1;
	_ =	sdelay $0x1  }
0x96: {  	(erf) = vpow2.f32 v1;
	_ =	sdelay $0x2  }
0x97: {  	v1 =	vld [tilespmem:$0x4F30]  }
0x98: {  	v2 =	vld [tilespmem:$0x4FB0];
	_ =	sdelay $0x4  }
0x99: {  	v3 =	vpop (erf)  }
0x9a: {  	[tilespmem:$0x5020] =	vst v3  }
0x9b: {  	v1 =	vld.idx.msk [tilespmem:v1+s14+$0x0], $0xffff  }
0x9c: {  	v2 =	vld.idx.msk [tilespmem:v2+s1+$0x0], $0xffff;
	_ =	sdelay $0x4  }
0x9d: {  	v1 =	vadd.f32 v2, v1;
	_ =	sdelay $0x1  }
0x9e: {  	v2 =	vmul.f32 $2.000000030e-01, v1  }
0x9f: {  	vm11 =	vgt.f32 v1, $0.0e+00  }
0xa0: {  	v1 =	vsel vm11, v1, v2  }
0xa1: {  	v1 =	vmul.f32 $1.442695020e+00, v1;
	_ =	sdelay $0x1  }
0xa2: {  	(erf) = vpow2.f32 v1;
	_ =	sdelay $0x2  }
0xa3: {  	v1 =	vld [tilespmem:$0x4F40]  }
0xa4: {  	v2 =	vld [tilespmem:$0x4FC0];
	_ =	sdelay $0x4  }
0xa5: {  	v3 =	vpop (erf)  }
0xa6: {  	[tilespmem:$0x5030] =	vst v3  }
0xa7: {  	v1 =	vld.idx.msk [tilespmem:v1+s14+$0x0], $0xffff  }
0xa8: {  	v2 =	vld.idx.msk [tilespmem:v2+s1+$0x0], $0xffff;
	_ =	sdelay $0x4  }
0xa9: {  	v1 =	vadd.f32 v2, v1;
	_ =	sdelay $0x1  }
0xaa: {  	v2 =	vmul.f32 $2.000000030e-01, v1  }
0xab: {  	vm12 =	vgt.f32 v1, $0.0e+00  }
0xac: {  	v1 =	vsel vm12, v1, v2  }
0xad: {  	v1 =	vmul.f32 $1.442695020e+00, v1;
	_ =	sdelay $0x1  }
0xae: {  	(erf) = vpow2.f32 v1;
	_ =	sdelay $0x2  }
0xaf: {  	v1 =	vld [tilespmem:$0x4F50]  }
0xb0: {  	v2 =	vld [tilespmem:$0x4FD0];
	_ =	sdelay $0x4  }
0xb1: {  	v3 =	vpop (erf)  }
0xb2: {  	[tilespmem:$0x5040] =	vst v3  }
0xb3: {  	v1 =	vld.idx.msk [tilespmem:v1+s14+$0x0], $0xffff  }
0xb4: {  	v2 =	vld.idx.msk [tilespmem:v2+s1+$0x0], $0xffff;
	_ =	sdelay $0x4  }
0xb5: {  	v1 =	vadd.f32 v2, v1;
	_ =	sdelay $0x1  }
0xb6: {  	v2 =	vmul.f32 $2.000000030e-01, v1  }
0xb7: {  	vm13 =	vgt.f32 v1, $0.0e+00  }
0xb8: {  	v1 =	vsel vm13, v1, v2  }
0xb9: {  	v1 =	vmul.f32 $1.442695020e+00, v1;
	_ =	sdelay $0x1  }
0xba: {  	(erf) = vpow2.f32 v1;
	_ =	sdelay $0x2  }
0xbb: {  	v1 =	vld [tilespmem:$0x4F60]  }
0xbc: {  	v2 =	vld [tilespmem:$0x4FE0];
	_ =	sdelay $0x4  }
0xbd: {  	v3 =	vpop (erf)  }
0xbe: {  	[tilespmem:$0x5050] =	vst v3  }
0xbf: {  	v1 =	vld.idx.msk [tilespmem:v1+s14+$0x0], $0xffff  }
0xc0: {  	v2 =	vld.idx.msk [tilespmem:v2+s1+$0x0], $0xffff;
	_ =	sdelay $0x4  }
0xc1: {  	v1 =	vadd.f32 v2, v1;
	_ =	sdelay $0x1  }
0xc2: {  	v2 =	vmul.f32 $2.000000030e-01, v1  }
0xc3: {  	vm14 =	vgt.f32 v1, $0.0e+00  }
0xc4: {  	v1 =	vsel vm14, v1, v2  }
0xc5: {  	v1 =	vmul.f32 $1.442695020e+00, v1;
	_ =	sdelay $0x1  }
0xc6: {  	(erf) = vpow2.f32 v1;
	_ =	sdelay $0x2  }
0xc7: {  	v1 =	vld [tilespmem:$0x4F70]  }
0xc8: {  	v2 =	vld [tilespmem:$0x4FF0];
	_ =	sdelay $0x4  }
0xc9: {  	v3 =	vpop (erf)  }
0xca: {  	[tilespmem:$0x5060] =	vst v3  }
0xcb: {  	v1 =	vld.idx.msk [tilespmem:v1+s14+$0x0], $0xffff  }
0xcc: {  	v2 =	vld.idx.msk [tilespmem:v2+s1+$0x0], $0xffff;
	_ =	sdelay $0x4  }
0xcd: {  	v1 =	vadd.f32 v2, v1;
	_ =	sdelay $0x1  }
0xce: {  	v2 =	vmul.f32 $2.000000030e-01, v1  }
0xcf: {  	vm15 =	vgt.f32 v1, $0.0e+00  }
0xd0: {  	v1 =	vsel vm15, v1, v2  }
0xd1: {  	v1 =	vmul.f32 $1.442695020e+00, v1;
	_ =	sdelay $0x1  }
0xd2: {  	(erf) = vpow2.f32 v1;
	_ =	sdelay $0x8  }
0xd3: {  	v1 =	vpop (erf)  }
0xd4: {  	[tilespmem:$0x5070] =	vst v1  }
0xd5: {  	[tilespmem:s3], [sflag:$0x1] =	stream.indirect.gather [hbm4b:s16+s7], $0x80, s5, s7, $0xb8;
	[tilespmem:$0x1FC00] =	vst v63  }
0xd6: {  	_ =	swait.ge [sflag:s8], $0x4000  }
0xd7: {  	v1 =	vmov s14;
	[sflag:s8] =	ssyncset.done $0x0  }
0xd8: {  	s11 =	simm.s32 $0x50C0;
	[sflag:s8] =	ssyncadd.s32 $0xFFFFC000  }
0xd9: {  	v4 =	vld [tilespmem:s11+$0xFFFFFFD0]  }
0xda: {  	v3 =	vld [tilespmem:s11+$0xFFFFFFE0]  }
0xdb: {  	v5 =	vld [tilespmem:s11+$0xFFFFFFC0]  }
0xdc: {  	v1 =	vld.idx.msk [tilespmem:v1+s9+$0x0], $0xffff  }
0xdd: {  	v8 =	vld [tilespmem:s11+$0x10]  }
0xde: {  	v2 =	vld [tilespmem:s11+$0x0]  }
0xdf: {  	s20 =	simm.s32 $0x9080;
	v6 =	vld [tilespmem:s11+$0x20]  }
0xe0: {  	s21 =	simm.s32 $0x1;
	s18 =	simm.s32 $0x9080;
	s17 =	simm.s32 $0x50C0;
	v7 =	vld [tilespmem:s11+$0xFFFFFFF0]  }
.LBB2_5:
0xe1: {  	p0 =	sne.s32 s21, $0x7F;
	v4 =	vmul.f32 v4, v1;
	v3 =	vmul.f32 v3, v1;
	s20 =	sadd.s32 $0x10, s20;
	s11 =	sadd.s32 $0x80, s11  }
0xe2: {  	v5 =	vmul.f32 v5, v1;
	s22 =	smov.u32 s21;
	s21 =	sadd.s32 $0x1, s21;
	v8 =	vmul.f32 v8, v1;
	v9 =	vld [tilespmem:s17+$0x30]  }
0xe3: {  	[tilespmem:s17+$0xFFFFFFD0] =	vst v4  }
0xe4: {  	[tilespmem:s17+$0xFFFFFFC0] =	vst v5;
	v4 =	vmul.f32 v6, v1  }
0xe5: {  	v2 =	vmul.f32 v2, v1;
	v5 =	vmul.f32 v7, v1;
	[tilespmem:s17+$0x10] =	vst v8  }
0xe6: {  	[tilespmem:s17+$0x20] =	vst v4  }
0xe7: {  	v6 =	vmov s22;
	[tilespmem:s17+$0xFFFFFFF0] =	vst v5;
	v4 =	vmul.f32 v9, v1  }
0xe8: {  	[tilespmem:s17+$0xFFFFFFE0] =	vst v3  }
0xe9: {  	[tilespmem:s17+$0x30] =	vst v4  }
0xea: {  	[tilespmem:s17+$0x0] =	vst v2;
	s17 =	smov.u32 s11  }
0xeb: {  	[tilespmem:s18+$0x0] =	vst v1;
	s18 =	smov.u32 s20  }
0xec: {  	v4 =	vld [tilespmem:s11+$0xFFFFFFD0]  }
0xed: {  	v3 =	vld [tilespmem:s11+$0xFFFFFFE0]  }
0xee: {  	v5 =	vld [tilespmem:s11+$0xFFFFFFC0]  }
0xef: {  	v1 =	vld.idx.msk [tilespmem:v6+s9+$0x0], $0xffff  }
.Ltmp1:
0xf0: {  	v2 =	vld [tilespmem:s11+$0x0];
	(pc) =	sbr.rel @p0 .LBB2_5-.Ltmp1, $3  }
0xf1: {  	v8 =	vld [tilespmem:s11+$0x10];
	_ =	sdelay $0x1  }
0xf2: {  	v6 =	vld [tilespmem:s11+$0x20]  }
0xf3: {  	v7 =	vld [tilespmem:s11+$0xFFFFFFF0]  }
0xf4: {  	v4 =	vmul.f32 v4, v1  }
0xf5: {  	v5 =	vmul.f32 v5, v1  }
0xf6: {  	v9 =	vld [tilespmem:s17+$0x30];
	v3 =	vmul.f32 v3, v1;
	[tilespmem:s17+$0xFFFFFFD0] =	vst v4  }
0xf7: {  	v2 =	vmul.f32 v2, v1;
	[tilespmem:s17+$0xFFFFFFC0] =	vst v5  }
0xf8: {  	v8 =	vmul.f32 v8, v1;
	[tilespmem:s17+$0xFFFFFFE0] =	vst v3  }
0xf9: {  	[tilespmem:s17+$0x0] =	vst v2;
	v61 =	vmul.f32 v6, v1  }
0xfa: {  	[tilespmem:s17+$0x10] =	vst v8;
	v62 =	vmul.f32 v7, v1  }
0xfb: {  	[tilespmem:s17+$0x20] =	vst v61;
	v63 =	vmul.f32 v9, v1  }
0xfc: {  	[tilespmem:s17+$0xFFFFFFF0] =	vst v62  }
0xfd: {  	[tilespmem:s17+$0x30] =	vst v63  }
0xfe: {  	[tilespmem:s18+$0x0] =	vst v1  }
0xff: {  	[spmem:s12] =	stream.indirect.scatter.add.f32 [tilespmem:s3], [sflag:$0x2], $0x80, s6, s7, $0xb8;
	[tilespmem:$0x1FC00] =	vst v63  }
0x100: {  	s15 =	sadd.s32 $0x1, s15;
	_ =	swait.ge [sflag:s2], $0x4000  }
0x101: {  	p0 =	sne.s32 s15, $0x51;
	[sflag:s2] =	ssyncset.done $0x0  }
.Ltmp2:
0x102: {  	[sflag:s2] =	ssyncadd.s32 $0xFFFFC000;
	(pc) =	sbr.rel @p0 .LBB2_4-.Ltmp2, $4  }
0x103: {  	[spmem:s13] =	stream.indirect.scatter.add.f32 [tilespmem:s4], [sflag:$0x2], $0x10, s6, s7, $0xb8;
	[tilespmem:$0x1FC00] =	vst v63  }
0x104: {  	_ =	swait.ge [sflag:s2], $0x800  }
0x105: {  	[sflag:s2] =	ssyncset.done $0x0  }
0x106: {  	[sflag:s2] =	ssyncadd.s32 $0xFFFFF800  }
0x107: {  	s11 =	stileid.u32  }
0x108: {  	[bflag:$0x0] =	sbarrier.arrive $0xFFFF;
	s11 =	sshll.u32 s11, $0x6  }
0x109: {  	s14 =	sshrl.u32 s23, $0x3;
	s15 =	rddreg [dreg:$0x5];
	s11 =	sor.u32 $0x1C02, s11  }
0x10a: {  	[hbm:s15], [sflag:s11] =	dma.local [spmem:s14], $0x800  }
0x10b: {  	_ =	swait.ge [sflag:s2], $0x800  }
0x10c: {  	s21 =	smov.u32 s23;
	s22 =	smov.u32 s24;
	[sflag:s2] =	ssyncset.done $0x0  }
0x10d: {  	s23 =	sshrl.u32 s24, $0x3;
	s24 =	rddreg [dreg:$0xa];
	[sflag:s2] =	ssyncadd.s32 $0xFFFFF800  }
0x10e: {  	[hbm:s24], [sflag:s11] =	dma.local [spmem:s23], $0x100  }
0x10f: {  	_ =	swait.ge [sflag:s2], $0x100  }
0x110: {  	[sflag:s2] =	ssyncset.done $0x0;
	s15 =	rddreg [dreg:$0x11]  }
0x111: {  	s17 =	rddreg [dreg:$0x6];
	[sflag:s2] =	ssyncadd.s32 $0xFFFFFF00;
	s14 =	sshrl.u32 s15, $0x3  }
0x112: {  	[hbm:s17], [sflag:s11] =	dma.local [spmem:s14], $0x800  }
0x113: {  	_ =	swait.ge [sflag:s2], $0x800  }
0x114: {  	[sflag:s2] =	ssyncset.done $0x0;
	s18 =	rddreg [dreg:$0x12]  }
0x115: {  	s20 =	rddreg [dreg:$0xb];
	[sflag:s2] =	ssyncadd.s32 $0xFFFFF800;
	s14 =	sshrl.u32 s18, $0x3  }
0x116: {  	[hbm:s20], [sflag:s11] =	dma.local [spmem:s14], $0x100  }
0x117: {  	_ =	swait.ge [sflag:s2], $0x100  }
0x118: {  	[sflag:s2] =	ssyncset.done $0x0;
	s23 =	rddreg [dreg:$0x13]  }
0x119: {  	s24 =	rddreg [dreg:$0x7];
	[sflag:s2] =	ssyncadd.s32 $0xFFFFFF00;
	s14 =	sshrl.u32 s23, $0x3  }
0x11a: {  	[hbm:s24], [sflag:s11] =	dma.local [spmem:s14], $0x800  }
0x11b: {  	_ =	swait.ge [sflag:s2], $0x800  }
0x11c: {  	[sflag:s2] =	ssyncset.done $0x0  }
0x11d: {  	s15 =	sshrl.u32 s25, $0x3;
	s17 =	rddreg [dreg:$0xc];
	[sflag:s2] =	ssyncadd.s32 $0xFFFFF800  }
0x11e: {  	[hbm:s17], [sflag:s11] =	dma.local [spmem:s15], $0x100  }
0x11f: {  	_ =	swait.ge [sflag:s2], $0x100  }
0x120: {  	[sflag:s2] =	ssyncset.done $0x0  }
0x121: {  	s18 =	sshrl.u32 s26, $0x3;
	s20 =	rddreg [dreg:$0x8];
	[sflag:s2] =	ssyncadd.s32 $0xFFFFFF00  }
0x122: {  	[hbm:s20], [sflag:s11] =	dma.local [spmem:s18], $0x800  }
0x123: {  	_ =	swait.ge [sflag:s2], $0x800  }
0x124: {  	[sflag:s2] =	ssyncset.done $0x0  }
0x125: {  	s23 =	sshrl.u32 s28, $0x3;
	s24 =	rddreg [dreg:$0xd];
	[sflag:s2] =	ssyncadd.s32 $0xFFFFF800  }
0x126: {  	[hbm:s24], [sflag:s11] =	dma.local [spmem:s23], $0x100  }
0x127: {  	_ =	swait.ge [sflag:s2], $0x100  }
0x128: {  	[sflag:s2] =	ssyncset.done $0x0  }
0x129: {  	s17 =	sshrl.u32 s29, $0x3;
	s18 =	rddreg [dreg:$0x9];
	[sflag:s2] =	ssyncadd.s32 $0xFFFFFF00  }
0x12a: {  	[hbm:s18], [sflag:s11] =	dma.local [spmem:s17], $0x780  }
0x12b: {  	_ =	swait.ge [sflag:s2], $0x780  }
0x12c: {  	[sflag:s2] =	ssyncset.done $0x0  }
0x12d: {  	s20 =	sshrl.u32 s30, $0x3;
	s23 =	rddreg [dreg:$0xe];
	[sflag:s2] =	ssyncadd.s32 $0xFFFFF880  }
0x12e: {  	[hbm:s23], [sflag:s11] =	dma.local [spmem:s20], $0xF0  }
0x12f: {  	_ =	swait.ge [sflag:s2], $0xF0  }
0x130: {  	s10 =	sadd.s32 $0x1, s10;
	s24 =	rddreg [dreg:$0x14]  }
0x131: {  	p0 =	sne.s32 s10, s24  }
.Ltmp3:
0x132: {  	_ = 	snop;
	(pc) =	sbr.rel @p0 .LBB2_1-.Ltmp3, $3  }
0x133: {  	_ =	sdelay $0x1  }
0x134: {  	[sflag:s2] =	ssyncset.done $0x0  }
0x135: {  	[sflag:s2] =	ssyncadd.s32 $0xFFFFFF10  }
0x136: {  	_ =	sfence.sel $0x180000  }
0x137: {  	[bflag:$0x0] =	sbarrier.arrive $0xFFFF  }
0x138: {  	_ =	strace $0x9000004D  }
0x139: {  	s0 =	stileid.u32;
	[bflag:$0x2] =	sbarrier.arrive $0xFFFF  }
0x13a: {  	p0 =	sne.s32 s0, $0x0;
	s0 =	rddreg [dreg:$0x4]  }
0x13b: {  	s0 =	sadd.s32 @!p0 $0x100000, s0  }
0x13c: {  	[sflag:s0] =	ssyncadd.tile.s32 @!p0 $0x1;
	_ =	shalt  }
.Lfunc_end2:
_tile_overlayer_lowered:
.L_overlay_start_2:
0x13d: {  	(tag) =	ssettag $0x2  }
0x13e: {  	s0 =	rddreg [dreg:$0x0];
	s2 =	stileid.u32  }
0x13f: {  	s1 =	rddreg [dreg:$0x1];
	p0 =	sne.s32 s2, $0x0  }
0x140: {  	s3 =	rddreg [dreg:$0x2];
	[bflag:$0x3] =	sbarrier.arrive $0xFFFF;
	s2 =	simm.s32 @!p0 $0x1C02  }
0x141: {  	[timem:s3], [sflag:s2] =	dma.local @!p0 [hbm:s0], s1  }
0x142: {  	s0 =	simm.s32 @!p0 $0x2  }
0x143: {  	_ =	swait.ge @!p0 [sflag:s0], s1  }
0x144: {  	s1 =	ssub.s32 @!p0 $0x0, s1;
	[sflag:s0] =	ssyncset.done @!p0 $0x0  }
0x145: {  	[sflag:s0] =	ssyncadd.s32 @!p0 s1  }
0x146: {  	[bflag:$0x3] =	sbarrier.arrive $0xFFFF  }
0x147: {  	_ =	shalt  }

// kernel: kernel.9.cloned.1.call-start
scs
__scs_entry_jumppad:
0x0: {  	(pc) =	sbr.rel $0x88, $3  }
0x1: {  	(tag) =	ssettag $0x0;
	lr =	simm.s32 $0x1  }
0x2: {  	[smem:$0x3F93] =	sst lr;
	_ =	strace $0xD0000000  }
0x3: {  	_ = 	snop  }
0x4: {  	_ = 	snop  }
0x5: {  	_ = 	snop  }
0x6: {  	_ = 	snop  }
0x7: {  	_ = 	snop  }
__scs_overlays_trampoline_lowered:
0x8: {  	[smem:$0x3FA2] =	sst s0  }
0x9: {  	[smem:$0x3FA3] =	sst s1  }
0xa: {  	[smem:$0x3FA4] =	sst s2  }
0xb: {  	[smem:$0x3FA5] =	sst s3  }
0xc: {  	[smem:$0x3FA6] =	sst s4  }
0xd: {  	[smem:$0x3FA7] =	sst s5  }
0xe: {  	[smem:$0x3FA8] =	sst s6  }
0xf: {  	[smem:$0x3FA9] =	sst s7  }
0x10: {  	[smem:$0x3FAA] =	sst s8  }
0x11: {  	[smem:$0x3FAB] =	sst s9;
	s0 =	simm.s32 @!p0 $0x0  }
0x12: {  	s1 =	sld [smem:$0x3F91];
	s0 =	simm.s32 @p0 $0x1  }
0x13: {  	[smem:$0x3FAC] =	sst s0;
	s0 =	simm.s32 @!p1 $0x0  }
0x14: {  	s2 =	sld [smem:$0x3F90];
	s0 =	simm.s32 @p1 $0x1  }
0x15: {  	[smem:$0x3FAD] =	sst s0;
	s0 =	simm.s32 @!p2 $0x0  }
0x16: {  	s3 =	sld [smem:$0x3FDB];
	s0 =	simm.s32 @p2 $0x1  }
0x17: {  	s4 =	simm.s32 $0x1BF5;
	[smem:$0x3FAF] =	sst s0  }
0x18: {  	s0 =	sld [smem:$0x3F92];
	_ =	swait.ge [sflag:s4], $0x0  }
0x19: {  	s7 =	sld [smem:$0x3F93]  }
0x1a: {  	s8 =	sadd.s32 $0xFFFFE003, lr  }
0x1b: {  	s9 =	sadd.s32 $0xFFFFFEF7, lr;
	s5 =	simm.s32 $0xFFFFFFFF;
	p2 =	slt.u32 s8, $0xFFFFF086  }
0x1c: {  	p1 =	slt.u32 s9, $0xF7A;
	s5 =	simm.s32 @!p2 $0x0  }
0x1d: {  	s5 =	simm.s32 @p1 $0x1;
	p0 =	seq.s32 s7, s2  }
0x1e: {  	s7 =	smul.u32 @!p0 $0xF7A, s2;
	p2 =	seq.s32 @!p0 s5, $0x0  }
0x1f: {  	s9 =	smul.u32 $0xF7A, s1;
	s8 =	simm.s32 @!p0 $0x1BF5;
	p2 =	por !p2, p0  }
0x20: {  	[sflag:s8] =	ssyncset.s32 @!p0 $0xFFFFF086;
	s6 =	sadd.s32 @!p0 s3, s7;
	s7 =	simm.s32 @!p0 $0x108  }
0x21: {  	s3 =	sadd.s32 s3, s9;
	s6 =	sadd.s32 @!p0 $0x88, s6;
	s7 =	simm.s32 @p2 $0x1082  }
0x22: {  	[simem:s7], [sflag:s8] =	dma.local @!p0 [hbm:s6], $0xF7A  }
0x23: {  	s9 =	sor.u32 $0xD0000000, s2;
	s6 =	simm.s32 $0x108;
	_ =	swait.ge @!p0 [sflag:s8], $0x0  }
0x24: {  	s3 =	sadd.s32 $0x88, s3;
	s6 =	simm.s32 @!p1 $0x1082;
	[sflag:s4] =	ssyncset.s32 $0xFFFFF086  }
0x25: {  	[simem:s6], [sflag:s4] =	dma.local [hbm:s3], $0xF7A  }
0x26: {  	[smem:$0x3F93] =	sst s1;
	(tag) =	ssettag s2;
	_ =	strace s9  }
0x27: {  	s1 =	sld [smem:$0x3FA3]  }
0x28: {  	s2 =	sld [smem:$0x3FA4]  }
0x29: {  	s4 =	sld [smem:$0x3FA6]  }
0x2a: {  	p0 =	seq.s32 s5, $0x0;
	s5 =	sld [smem:$0x3FA7]  }
0x2b: {  	s6 =	sld [smem:$0x3FA8]  }
0x2c: {  	s7 =	sld [smem:$0x3FA9]  }
0x2d: {  	s3 =	simm.s32 $0x108;
	s8 =	sld [smem:$0x3FAA]  }
0x2e: {  	s3 =	simm.s32 @!p0 $0x1082;
	s9 =	sld [smem:$0x3FAB]  }
0x2f: {  	lr =	sadd.s32 s0, s3;
	s0 =	sld [smem:$0x3FA2]  }
0x30: {  	s3 =	sld [smem:$0x3FA5]  }
0x31: {  	[smem:$0x3FAE] =	sst s10  }
0x32: {  	s10 =	sld [smem:$0x3FAC];
	_ =	sdelay $0x3  }
0x33: {  	p0 =	seq.s32 s10, $0x1;
	s10 =	sld [smem:$0x3FAE];
	_ =	sdelay $0x3  }
0x34: {  	[smem:$0x3FAE] =	sst s10  }
0x35: {  	s10 =	sld [smem:$0x3FAD];
	_ =	sdelay $0x3  }
0x36: {  	p1 =	seq.s32 s10, $0x1;
	s10 =	sld [smem:$0x3FAE];
	_ =	sdelay $0x3  }
0x37: {  	[smem:$0x3FAE] =	sst s10  }
0x38: {  	s10 =	sld [smem:$0x3FAF]  }
0x39: {  	_ = 	snop;
	(pc) =	sbr.ind lr, $3  }
0x3a: {  	_ = 	snop  }
0x3b: {  	_ = 	snop  }
0x3c: {  	p2 =	seq.s32 s10, $0x1;
	s10 =	sld [smem:$0x3FAE]  }
0x3d: {  	_ =	shalt  }
0x3e: {  	_ =	shalt  }
0x3f: {  	_ =	shalt  }
0x40: {  	_ =	shalt  }
0x41: {  	_ =	shalt  }
0x42: {  	_ =	shalt  }
0x43: {  	_ =	shalt  }
0x44: {  	_ =	shalt  }
0x45: {  	_ =	shalt  }
0x46: {  	_ =	shalt  }
0x47: {  	_ =	shalt  }
0x48: {  	_ =	shalt  }
0x49: {  	_ =	shalt  }
0x4a: {  	_ =	shalt  }
0x4b: {  	_ =	shalt  }
0x4c: {  	_ =	shalt  }
0x4d: {  	_ =	shalt  }
0x4e: {  	_ =	shalt  }
0x4f: {  	_ =	shalt  }
0x50: {  	_ =	shalt  }
0x51: {  	_ =	shalt  }
0x52: {  	_ =	shalt  }
0x53: {  	_ =	shalt  }
0x54: {  	_ =	shalt  }
0x55: {  	_ =	shalt  }
0x56: {  	_ =	shalt  }
0x57: {  	_ =	shalt  }
0x58: {  	_ =	shalt  }
0x59: {  	_ =	shalt  }
0x5a: {  	_ =	shalt  }
0x5b: {  	_ =	shalt  }
0x5c: {  	_ =	shalt  }
0x5d: {  	_ =	shalt  }
0x5e: {  	_ =	shalt  }
0x5f: {  	_ =	shalt  }
0x60: {  	_ =	shalt  }
0x61: {  	_ =	shalt  }
0x62: {  	_ =	shalt  }
0x63: {  	_ =	shalt  }
0x64: {  	_ =	shalt  }
0x65: {  	_ =	shalt  }
0x66: {  	_ =	shalt  }
0x67: {  	_ =	shalt  }
0x68: {  	_ =	shalt  }
0x69: {  	_ =	shalt  }
0x6a: {  	_ =	shalt  }
0x6b: {  	_ =	shalt  }
0x6c: {  	_ =	shalt  }
0x6d: {  	_ =	shalt  }
0x6e: {  	_ =	shalt  }
0x6f: {  	_ =	shalt  }
0x70: {  	_ =	shalt  }
0x71: {  	_ =	shalt  }
0x72: {  	_ =	shalt  }
0x73: {  	_ =	shalt  }
0x74: {  	_ =	shalt  }
0x75: {  	_ =	shalt  }
0x76: {  	_ =	shalt  }
0x77: {  	_ =	shalt  }
0x78: {  	_ =	shalt  }
0x79: {  	_ =	shalt  }
0x7a: {  	_ =	shalt  }
0x7b: {  	_ =	shalt  }
0x7c: {  	_ =	shalt  }
0x7d: {  	_ =	shalt  }
0x7e: {  	_ =	shalt  }
0x7f: {  	_ =	shalt  }
0x80: {  	_ =	shalt  }
0x81: {  	_ =	shalt  }
0x82: {  	_ =	shalt  }
0x83: {  	_ =	shalt  }
0x84: {  	_ =	shalt  }
0x85: {  	_ =	shalt  }
0x86: {  	_ =	shalt  }
0x87: {  	_ =	shalt  }
.Lfunc_end0:
.L_simem_size_0:
called_computation_lowered:
.L_overlay_start_0:
0x88: {  	s2 =	sld [smem:$0x3FD9]  }
0x89: {  	s3 =	sld [smem:$0x3FFE];
	_ =	sdelay $0x1  }
0x8a: {  	s1 =	srdreg.scid  }
0x8b: {  	s0 =	sand.u32 $0x1, s1  }
0x8c: {  	s17 =	sshll.u32 s0, $0xA;
	s2 =	sadd.s32 s3, s2  }
0x8d: {  	s2 =	sadd.s32 s2, s17  }
0x8e: {  	[smem:$0x3FBA] =	sst s2  }
0x8f: {  	_ = 	snop  }
0x90: {  	s2 =	sld [smem:$0x3FD0];
	(tm) =	ssettm $0x1  }
0x91: {  	s18 =	sld [smem:$0x3FFB];
	_ =	sdelay $0x3  }
0x92: {  	_ =	strace s18  }
0x93: {  	s3 =	sld [smem:$0x3FFC];
	_ =	sdelay $0x3  }
0x94: {  	_ =	strace s3  }
0x95: {  	s3 =	sld [smem:$0x3FFD];
	_ =	sdelay $0x3  }
0x96: {  	_ =	strace s3  }
0x97: {  	_ =	strace $0x8FFFFFFF  }
0x98: {  	s19 =	sld [smem:$0x3FDB];
	_ =	sdelay $0x1  }
0x99: {  	s4 =	simm.s32 $_scs_section_size  }
0x9a: {  	s5 =	simm.s32 $_size__tile_overlayer_lowered;
	s6 =	simm.s32 $_tile_overlayer_lowered  }
0x9b: {  	s22 =	simm.s32 $0x1BFF;
	s21 =	sshll.u32 s6, $0x1;
	s3 =	sadd.s32 s4, s19  }
0x9c: {  	s7 =	simm.s32 $0x0;
	s20 =	sshll.u32 s5, $0x1;
	s5 =	sadd.s32 s21, s3  }
0x9d: {  	[timem:s7], [sflag:s22] =	dma.local [hbm:s5], s20  }
0x9e: {  	_ =	swait.ge [sflag:s22], s20  }
0x9f: {  	s4 =	ssub.s32 $0x0, s20;
	[sflag:s22] =	ssyncset.done $0x0  }
0xa0: {  	[sflag:s22] =	ssyncadd.s32 s4;
	_ =	sdelay $0x1  }
0xa1: {  	s23 =	simm.s32 $0x1B8B  }
0xa2: {  	_ =	swait.ge [sflag:s23], $0x1  }
0xa3: {  	[sflag:s23] =	ssyncset.done $0x0  }
0xa4: {  	s25 =	simm.s32 $0x1B8E;
	s24 =	sld [smem:$0x3FFE];
	[sflag:s23] =	ssyncadd.s32 $0xFFFFFFFF  }
0xa5: {  	s26 =	simm.s32 $execute0_lowered;
	[smem:$0x3FD2] =	sst s25  }
0xa6: {  	s5 =	sshll.u32 s26, $0x1;
	_ =	strace $0x80000046;
	[dreg:$0x1] =	wrdreg $0xFFFFFFFF  }
0xa7: {  	s28 =	simm.s32 $_size_execute0_lowered;
	s3 =	sadd.s32 s3, s5;
	[dreg:$0x0] =	wrdreg $0x0  }
0xa8: {  	s5 =	sshll.u32 s28, $0x1;
	[dreg:$0x2] =	wrdreg s3  }
0xa9: {  	[dreg:$0x3] =	wrdreg s5  }
0xaa: {  	[dreg:$0x4] =	wrdreg $0xC0  }
0xab: {  	_ =	task [dreg:s7], $0x5FFFF  }
0xac: {  	[dreg:$0x1] =	wrdreg $0xFFFFFFFF  }
0xad: {  	[dreg:$0x0] =	wrdreg $0x60  }
0xae: {  	[dreg:$0x2] =	wrdreg s24  }
0xaf: {  	[dreg:$0x3] =	wrdreg s2  }
0xb0: {  	[dreg:$0x4] =	wrdreg $0x98800  }
0xb1: {  	[dreg:$0x5] =	wrdreg $0x1D4800  }
0xb2: {  	[dreg:$0x6] =	wrdreg $0x9  }
0xb3: {  	_ =	task.clear_ibuf [dreg:s7], $0x7FFFF;
	_ =	strace $0x90000046  }
0xb4: {  	s29 =	simm.s32 $0x9;
	_ =	strace $0x80000048  }
0xb5: {  	_ =	swait.ge [sflag:s29], $0x1  }
0xb6: {  	[sflag:s29] =	ssyncadd.s32 $0xFFFFFFFF  }
0xb7: {  	_ =	strace $0x90000048  }
0xb8: {  	_ =	sfence  }
0xb9: {  	s30 =	sld [smem:$0x0];
	_ =	sdelay $0x2  }
0xba: {  	s31 =	sshll.u32 s1, $0xD;
	s1 =	sshrl.u32 s1, $0x2  }
0xbb: {  	s3 =	sand.u32 $0x4000, s31;
	s1 =	sadd.s32 s1, s30  }
0xbc: {  	s0 =	sor.u32 s3, s0;
	s1 =	sshll.u32 s1, $0x11  }
0xbd: {  	s0 =	sor.u32 s1, s0  }
0xbe: {  	s0 =	sadd.s32 $0x8F2B, s0  }
0xbf: {  	[sflag:s0] =	ssyncadd.remote.s32 $0x1  }
0xc0: {  	_ =	sfence.sel $0xFFFF  }
0xc1: {  	[dreg:$0x0] =	wrdreg $0xFFFFFFFF;
	(pc) =	sbr.abs _section_cstart, $3  }
0xc2: {  	[dreg:$0x1] =	wrdreg $0xFFFFFFFF  }
0xc3: {  	_ =	task.clear_ibuf [dreg:s7], $0x2FFFF;
	_ =	strace $0x9FFFFFFF  }
0xc4: {  	(tm) =	ssettm $0x7FFFFFFF  }
0xc5: {  	_ =	shalt  }
tec
execute0_lowered:
.L_overlay_start_1:
0x0: {  	(tag) =	ssettag $0x1  }
0x1: {  	s1 =	rddreg [dreg:$0x0]  }
0x2: {  	s3 =	simm.s32 $0x0;
	s2 =	srdreg.scid;
	s9 =	stileid.u32  }
0x3: {  	s5 =	sand.u32 $0x1, s2;
	s7 =	sshll.u32 s9, $0x1;
	s8 =	smul.u32 $0x278, s9  }
0x4: {  	[smem:$0x7FF] =	sst s3;
	s3 =	sor.u32 s5, s7;
	s7 =	smul.u32 $0x13C00, s9  }
0x5: {  	s0 =	rddreg [dreg:$0x1];
	s4 =	sadd.s32 $0x3D800, s1;
	s9 =	smul.u32 $0x2780, s9  }
0x6: {  	s6 =	sadd.s32 $0x33A00, s1;
	s2 =	ssub.s32 $0x2, s5;
	s13 =	smul.u32 $0x13C000, s5  }
0x7: {  	s5 =	smul.u32 $0x27800, s5;
	s23 =	sshrl.u32 s2, $0x1;
	s10 =	sadd.s32 $0x80, s8  }
0x8: {  	s11 =	sadd.s32 $0x100, s8;
	s12 =	sadd.s32 $0x180, s8;
	s8 =	sadd.s32 $0x200, s8  }
0x9: {  	s31 =	smul.u32 $0x2880, s3;
	s3 =	simm.s32 $0x5080;
	s2 =	ssub.s32 s2, s23  }
0xa: {  	s14 =	sshll.u32 s10, $0x7;
	s10 =	sshll.u32 s10, $0x4;
	s15 =	sshll.u32 s11, $0x7  }
0xb: {  	s11 =	sshll.u32 s11, $0x4;
	s17 =	sshll.u32 s12, $0x7;
	s18 =	sshll.u32 s12, $0x4  }
0xc: {  	s20 =	sshll.u32 s8, $0x7;
	s24 =	sadd.s32 s7, s13;
	s8 =	sshll.u32 s8, $0x4  }
0xd: {  	s25 =	sadd.s32 s9, s5;
	s12 =	sshrl.u32 s24, $0x3;
	s16 =	sadd.s32 s13, s14  }
0xe: {  	s26 =	sadd.s32 s5, s10;
	s19 =	sadd.s32 s13, s15;
	s21 =	sadd.s32 s13, s17  }
0xf: {  	s13 =	sadd.s32 s13, s20;
	s22 =	sadd.s32 s5, s11;
	s12 =	sadd.s32 s4, s12  }
0x10: {  	s16 =	sshrl.u32 s16, $0x3;
	s19 =	sshrl.u32 s19, $0x3;
	s21 =	sshrl.u32 s21, $0x3  }
0x11: {  	s13 =	sshrl.u32 s13, $0x3;
	[dreg:$0x5] =	wrdreg s12;
	s16 =	sadd.s32 s4, s16  }
0x12: {  	s23 =	sshrl.u32 s26, $0x3;
	s19 =	sadd.s32 s4, s19;
	[dreg:$0x6] =	wrdreg s16  }
0x13: {  	s12 =	sshrl.u32 s25, $0x3;
	s24 =	sadd.s32 s6, s23;
	[dreg:$0x7] =	wrdreg s19  }
0x14: {  	s25 =	sadd.s32 s5, s18;
	s5 =	sadd.s32 s5, s8;
	[dreg:$0xb] =	wrdreg s24  }
0x15: {  	s19 =	sadd.s32 s4, s21;
	s4 =	sadd.s32 s4, s13;
	s13 =	rddreg [dreg:$0x3]  }
0x16: {  	s12 =	sadd.s32 s6, s12;
	s5 =	sshrl.u32 s5, $0x3;
	[dreg:$0x8] =	wrdreg s19  }
0x17: {  	s16 =	sadd.s32 $0x1400, s1;
	s24 =	smax.u32 s2, $0x1;
	[dreg:$0x9] =	wrdreg s4  }
0x18: {  	s2 =	simm.s32 $0x2;
	s4 =	sshrl.u32 s22, $0x3;
	[dreg:$0xa] =	wrdreg s12  }
0x19: {  	s12 =	rddreg [dreg:$0x2];
	s26 =	sadd.s32 s6, s5;
	s5 =	sadd.s32 $0x28C00, s1  }
0x1a: {  	s19 =	sadd.s32 $0x29800, s1;
	s22 =	sadd.s32 s9, s13;
	s4 =	sadd.s32 s6, s4  }
0x1b: {  	s28 =	sadd.s32 s18, s13;
	[dreg:$0xc] =	wrdreg s4;
	s4 =	sshrl.u32 s25, $0x3  }
0x1c: {  	s30 =	sadd.s32 s8, s13;
	[dreg:$0xe] =	wrdreg s26;
	s4 =	sadd.s32 s6, s4  }
0x1d: {  	s8 =	simm.s32 $0x1;
	s21 =	sadd.s32 s7, s12;
	[dreg:$0xd] =	wrdreg s4  }
0x1e: {  	s6 =	sadd.s32 $0x29200, s1;
	_ =	strace $0x80000047;
	[dreg:$0xf] =	wrdreg s5  }
0x1f: {  	s9 =	sadd.s32 s14, s12;
	s14 =	sadd.s32 s10, s13;
	[dreg:$0x10] =	wrdreg s6  }
0x20: {  	s23 =	sadd.s32 s15, s12;
	s26 =	sadd.s32 s17, s12;
	[dreg:$0x11] =	wrdreg s9  }
0x21: {  	s29 =	sadd.s32 s20, s12;
	s7 =	simm.s32 $0x80;
	[dreg:$0x12] =	wrdreg s14  }
0x22: {  	s10 =	simm.s32 $0x0;
	s25 =	sadd.s32 s11, s13;
	[dreg:$0x13] =	wrdreg s23  }
0x23: {  	s1 =	simm.s32 $0x2780;
	s4 =	simm.s32 $0x9080;
	[dreg:$0x14] =	wrdreg s24  }
0x24: {  	v0 =	vimm.f32 $0.0e+00;
	s5 =	simm.s32 $0x4F00;
	s6 =	simm.s32 $0x4F80;
	s9 =	simm.s32 $0x5000  }
.LBB2_1:
0x25: {  	s11 =	simm.s32 $0x0;
	s14 =	rddreg [dreg:$0xf]  }
0x26: {  	[tilespmem:s11], [sflag:$0x2] =	stream.linear.gather [hbm4b:s14+s11], $0x2780, $0x38;
	[tilespmem:$0x1FC00] =	vst v63  }
0x27: {  	_ =	swait.ge [sflag:s2], $0x2780  }
0x28: {  	[sflag:s2] =	ssyncset.done $0x0  }
0x29: {  	s24 =	rddreg [dreg:$0x10];
	[sflag:s2] =	ssyncadd.s32 $0xFFFFD880  }
0x2a: {  	[tilespmem:s1], [sflag:$0x2] =	stream.linear.gather [hbm4b:s24+s11], $0x2780, $0x38;
	[tilespmem:$0x1FC00] =	vst v63  }
0x2b: {  	_ =	swait.ge [sflag:s2], $0x2780  }
0x2c: {  	[sflag:s2] =	ssyncset.done $0x0  }
0x2d: {  	s11 =	simm.s32 $0x50C0;
	[sflag:s2] =	ssyncadd.s32 $0xFFFFD880  }
0x2e: {  	[tilespmem:s11+$0xFFFFFFD0] =	vst v0  }
0x2f: {  	[tilespmem:s11+$0xFFFFFFE0] =	vst v0  }
0x30: {  	[tilespmem:s11+$0xFFFFFFF0] =	vst v0  }
0x31: {  	[tilespmem:s11+$0x0] =	vst v0  }
0x32: {  	[tilespmem:s11+$0x10] =	vst v0  }
0x33: {  	[tilespmem:s11+$0x20] =	vst v0  }
0x34: {  	[tilespmem:s11+$0x30] =	vst v0  }
0x35: {  	s15 =	simm.s32 $0x0;
	s14 =	simm.s32 $0x40;
	[tilespmem:s11+$0xFFFFFFC0] =	vst v0  }
.LBB2_2:
0x36: {  	p0 =	sne.s32 s14, $0x1FC0;
	[tilespmem:s15+$0x9080] =	vst v0;
	s11 =	sadd.s32 $0x80, s11  }
0x37: {  	[tilespmem:s11+$0xFFFFFFD0] =	vst v0  }
0x38: {  	[tilespmem:s11+$0xFFFFFFE0] =	vst v0  }
0x39: {  	[tilespmem:s11+$0xFFFFFFF0] =	vst v0  }
.Ltmp0:
0x3a: {  	[tilespmem:s11+$0x0] =	vst v0;
	(pc) =	sbr.rel @p0 .LBB2_2-.Ltmp0, $4  }
0x3b: {  	[tilespmem:s11+$0x10] =	vst v0  }
0x3c: {  	[tilespmem:s11+$0x20] =	vst v0  }
0x3d: {  	[tilespmem:s11+$0x30] =	vst v0  }
0x3e: {  	s15 =	sshra.s32 s14, $0x2;
	s14 =	sadd.s32 $0x40, s14;
	[tilespmem:s11+$0xFFFFFFC0] =	vst v0  }
0x3f: {  	[tilespmem:s15+$0x9080] =	vst v0  }
0x40: {  	[spmem:s21] =	stream.linear.scatter [tilespmem:s3], [sflag:$0x2], $0x4000, $0x38;
	[tilespmem:$0x1FC00] =	vst v63  }
0x41: {  	_ =	swait.ge [sflag:s2], $0x4000  }
0x42: {  	[sflag:s2] =	ssyncset.done $0x0  }
0x43: {  	[sflag:s2] =	ssyncadd.s32 $0xFFFFC000  }
0x44: {  	[spmem:s22] =	stream.linear.scatter [tilespmem:s4], [sflag:$0x2], $0x800, $0x38;
	[tilespmem:$0x1FC00] =	vst v63  }
0x45: {  	_ =	swait.ge [sflag:s2], $0x800  }
0x46: {  	[sflag:s2] =	ssyncset.done $0x0  }
0x47: {  	s11 =	rddreg [dreg:$0x11];
	[sflag:s2] =	ssyncadd.s32 $0xFFFFF800  }
0x48: {  	[spmem:s11] =	stream.linear.scatter [tilespmem:s3], [sflag:$0x2], $0x4000, $0x38;
	[tilespmem:$0x1FC00] =	vst v63  }
0x49: {  	_ =	swait.ge [sflag:s2], $0x4000  }
0x4a: {  	[sflag:s2] =	ssyncset.done $0x0  }
0x4b: {  	s23 =	smov.u32 s21;
	s21 =	rddreg [dreg:$0x12];
	[sflag:s2] =	ssyncadd.s32 $0xFFFFC000  }
0x4c: {  	[spmem:s21] =	stream.linear.scatter [tilespmem:s4], [sflag:$0x2], $0x800, $0x38;
	[tilespmem:$0x1FC00] =	vst v63  }
0x4d: {  	_ =	swait.ge [sflag:s2], $0x800  }
0x4e: {  	[sflag:s2] =	ssyncset.done $0x0  }
0x4f: {  	s24 =	smov.u32 s22;
	s22 =	rddreg [dreg:$0x13];
	[sflag:s2] =	ssyncadd.s32 $0xFFFFF800  }
0x50: {  	[spmem:s22] =	stream.linear.scatter [tilespmem:s3], [sflag:$0x2], $0x4000, $0x38;
	[tilespmem:$0x1FC00] =	vst v63  }
0x51: {  	_ =	swait.ge [sflag:s2], $0x4000  }
0x52: {  	[sflag:s2] =	ssyncset.done $0x0  }
0x53: {  	[sflag:s2] =	ssyncadd.s32 $0xFFFFC000  }
0x54: {  	[spmem:s25] =	stream.linear.scatter [tilespmem:s4], [sflag:$0x2], $0x800, $0x38;
	[tilespmem:$0x1FC00] =	vst v63  }
0x55: {  	_ =	swait.ge [sflag:s2], $0x800  }
0x56: {  	[sflag:s2] =	ssyncset.done $0x0  }
0x57: {  	[sflag:s2] =	ssyncadd.s32 $0xFFFFF800  }
0x58: {  	[spmem:s26] =	stream.linear.scatter [tilespmem:s3], [sflag:$0x2], $0x4000, $0x38;
	[tilespmem:$0x1FC00] =	vst v63  }
0x59: {  	_ =	swait.ge [sflag:s2], $0x4000  }
0x5a: {  	[sflag:s2] =	ssyncset.done $0x0  }
0x5b: {  	[sflag:s2] =	ssyncadd.s32 $0xFFFFC000  }
0x5c: {  	[spmem:s28] =	stream.linear.scatter [tilespmem:s4], [sflag:$0x2], $0x800, $0x38;
	[tilespmem:$0x1FC00] =	vst v63  }
0x5d: {  	_ =	swait.ge [sflag:s2], $0x800  }
0x5e: {  	[sflag:s2] =	ssyncset.done $0x0  }
0x5f: {  	[sflag:s2] =	ssyncadd.s32 $0xFFFFF800  }
0x60: {  	[spmem:s29] =	stream.linear.scatter [tilespmem:s3], [sflag:$0x2], $0x3C00, $0x38;
	[tilespmem:$0x1FC00] =	vst v63  }
0x61: {  	_ =	swait.ge [sflag:s2], $0x3C00  }
0x62: {  	[sflag:s2] =	ssyncset.done $0x0  }
0x63: {  	[sflag:s2] =	ssyncadd.s32 $0xFFFFC400  }
0x64: {  	[spmem:s30] =	stream.linear.scatter [tilespmem:s4], [sflag:$0x2], $0x780, $0x38;
	[tilespmem:$0x1FC00] =	vst v63  }
0x65: {  	_ =	swait.ge [sflag:s2], $0x780  }
0x66: {  	[sflag:s2] =	ssyncset.done $0x0  }
0x67: {  	[sflag:s2] =	ssyncadd.s32 $0xFFFFF880  }
0x68: {  	s14 =	simm.s32 $0x0;
	s15 =	simm.s32 $0x0;
	[bflag:$0x0] =	sbarrier.arrive $0xFFFF  }
.LBB2_4:
0x69: {  	s11 =	sshll.u32 s15, $0x7  }
0x6a: {  	s11 =	sadd.s32 s31, s11  }
0x6b: {  	s11 =	sshrl.u32 s11, $0x3  }
0x6c: {  	s17 =	sadd.s32 s0, s11  }
0x6d: {  	[tilespmem:s5], [sflag:$0x2] =	stream.linear.gather [hbm4b:s17+s14], $0x80, $0x38;
	[tilespmem:$0x1FC00] =	vst v63  }
0x6e: {  	_ =	swait.ge [sflag:s2], $0x80  }
0x6f: {  	[sflag:s2] =	ssyncset.done $0x0  }
0x70: {  	s11 =	sadd.s32 s19, s11;
	[sflag:s2] =	ssyncadd.s32 $0xFFFFFF80  }
0x71: {  	[tilespmem:s6], [sflag:$0x2] =	stream.linear.gather [hbm4b:s11+s14], $0x80, $0x38;
	[tilespmem:$0x1FC00] =	vst v63  }
0x72: {  	_ =	swait.ge [sflag:s2], $0x80  }
0x73: {  	[sflag:s2] =	ssyncset.done $0x0  }
0x74: {  	[sflag:s2] =	ssyncadd.s32 $0xFFFFFF80  }
0x75: {  	v1 =	vld [tilespmem:$0x4F00]  }
0x76: {  	v2 =	vld [tilespmem:$0x4F80];
	_ =	sdelay $0x6  }
0x77: {  	v1 =	vld.idx.msk [tilespmem:v1+s14+$0x0], $0xffff  }
0x78: {  	v2 =	vld.idx.msk [tilespmem:v2+s1+$0x0], $0xffff;
	_ =	sdelay $0x4  }
0x79: {  	v1 =	vadd.f32 v2, v1;
	_ =	sdelay $0x1  }
0x7a: {  	v2 =	vmul.f32 $2.000000030e-01, v1  }
0x7b: {  	vm0 =	vgt.f32 v1, $0.0e+00  }
0x7c: {  	v1 =	vsel vm0, v1, v2  }
0x7d: {  	v1 =	vmul.f32 $1.442695020e+00, v1;
	_ =	sdelay $0x1  }
0x7e: {  	(erf) = vpow2.f32 v1;
	_ =	sdelay $0x2  }
0x7f: {  	v1 =	vld [tilespmem:$0x4F10]  }
0x80: {  	v2 =	vld [tilespmem:$0x4F90];
	_ =	sdelay $0x4  }
0x81: {  	v3 =	vpop (erf)  }
0x82: {  	[tilespmem:$0x5000] =	vst v3  }
0x83: {  	v1 =	vld.idx.msk [tilespmem:v1+s14+$0x0], $0xffff  }
0x84: {  	v2 =	vld.idx.msk [tilespmem:v2+s1+$0x0], $0xffff;
	_ =	sdelay $0x4  }
0x85: {  	v1 =	vadd.f32 v2, v1;
	_ =	sdelay $0x1  }
0x86: {  	v2 =	vmul.f32 $2.000000030e-01, v1  }
0x87: {  	vm9 =	vgt.f32 v1, $0.0e+00  }
0x88: {  	v1 =	vsel vm9, v1, v2  }
0x89: {  	v1 =	vmul.f32 $1.442695020e+00, v1;
	_ =	sdelay $0x1  }
0x8a: {  	(erf) = vpow2.f32 v1;
	_ =	sdelay $0x2  }
0x8b: {  	v1 =	vld [tilespmem:$0x4F20]  }
0x8c: {  	v2 =	vld [tilespmem:$0x4FA0];
	_ =	sdelay $0x4  }
0x8d: {  	v3 =	vpop (erf)  }
0x8e: {  	[tilespmem:$0x5010] =	vst v3  }
0x8f: {  	v1 =	vld.idx.msk [tilespmem:v1+s14+$0x0], $0xffff  }
0x90: {  	v2 =	vld.idx.msk [tilespmem:v2+s1+$0x0], $0xffff;
	_ =	sdelay $0x4  }
0x91: {  	v1 =	vadd.f32 v2, v1;
	_ =	sdelay $0x1  }
0x92: {  	v2 =	vmul.f32 $2.000000030e-01, v1  }
0x93: {  	vm10 =	vgt.f32 v1, $0.0e+00  }
0x94: {  	v1 =	vsel vm10, v1, v2  }
0x95: {  	v1 =	vmul.f32 $1.442695020e+00, v1;
	_ =	sdelay $0x1  }
0x96: {  	(erf) = vpow2.f32 v1;
	_ =	sdelay $0x2  }
0x97: {  	v1 =	vld [tilespmem:$0x4F30]  }
0x98: {  	v2 =	vld [tilespmem:$0x4FB0];
	_ =	sdelay $0x4  }
0x99: {  	v3 =	vpop (erf)  }
0x9a: {  	[tilespmem:$0x5020] =	vst v3  }
0x9b: {  	v1 =	vld.idx.msk [tilespmem:v1+s14+$0x0], $0xffff  }
0x9c: {  	v2 =	vld.idx.msk [tilespmem:v2+s1+$0x0], $0xffff;
	_ =	sdelay $0x4  }
0x9d: {  	v1 =	vadd.f32 v2, v1;
	_ =	sdelay $0x1  }
0x9e: {  	v2 =	vmul.f32 $2.000000030e-01, v1  }
0x9f: {  	vm11 =	vgt.f32 v1, $0.0e+00  }
0xa0: {  	v1 =	vsel vm11, v1, v2  }
0xa1: {  	v1 =	vmul.f32 $1.442695020e+00, v1;
	_ =	sdelay $0x1  }
0xa2: {  	(erf) = vpow2.f32 v1;
	_ =	sdelay $0x2  }
0xa3: {  	v1 =	vld [tilespmem:$0x4F40]  }
0xa4: {  	v2 =	vld [tilespmem:$0x4FC0];
	_ =	sdelay $0x4  }
0xa5: {  	v3 =	vpop (erf)  }
0xa6: {  	[tilespmem:$0x5030] =	vst v3  }
0xa7: {  	v1 =	vld.idx.msk [tilespmem:v1+s14+$0x0], $0xffff  }
0xa8: {  	v2 =	vld.idx.msk [tilespmem:v2+s1+$0x0], $0xffff;
	_ =	sdelay $0x4  }
0xa9: {  	v1 =	vadd.f32 v2, v1;
	_ =	sdelay $0x1  }
0xaa: {  	v2 =	vmul.f32 $2.000000030e-01, v1  }
0xab: {  	vm12 =	vgt.f32 v1, $0.0e+00  }
0xac: {  	v1 =	vsel vm12, v1, v2  }
0xad: {  	v1 =	vmul.f32 $1.442695020e+00, v1;
	_ =	sdelay $0x1  }
0xae: {  	(erf) = vpow2.f32 v1;
	_ =	sdelay $0x2  }
0xaf: {  	v1 =	vld [tilespmem:$0x4F50]  }
0xb0: {  	v2 =	vld [tilespmem:$0x4FD0];
	_ =	sdelay $0x4  }
0xb1: {  	v3 =	vpop (erf)  }
0xb2: {  	[tilespmem:$0x5040] =	vst v3  }
0xb3: {  	v1 =	vld.idx.msk [tilespmem:v1+s14+$0x0], $0xffff  }
0xb4: {  	v2 =	vld.idx.msk [tilespmem:v2+s1+$0x0], $0xffff;
	_ =	sdelay $0x4  }
0xb5: {  	v1 =	vadd.f32 v2, v1;
	_ =	sdelay $0x1  }
0xb6: {  	v2 =	vmul.f32 $2.000000030e-01, v1  }
0xb7: {  	vm13 =	vgt.f32 v1, $0.0e+00  }
0xb8: {  	v1 =	vsel vm13, v1, v2  }
0xb9: {  	v1 =	vmul.f32 $1.442695020e+00, v1;
	_ =	sdelay $0x1  }
0xba: {  	(erf) = vpow2.f32 v1;
	_ =	sdelay $0x2  }
0xbb: {  	v1 =	vld [tilespmem:$0x4F60]  }
0xbc: {  	v2 =	vld [tilespmem:$0x4FE0];
	_ =	sdelay $0x4  }
0xbd: {  	v3 =	vpop (erf)  }
0xbe: {  	[tilespmem:$0x5050] =	vst v3  }
0xbf: {  	v1 =	vld.idx.msk [tilespmem:v1+s14+$0x0], $0xffff  }
0xc0: {  	v2 =	vld.idx.msk [tilespmem:v2+s1+$0x0], $0xffff;
	_ =	sdelay $0x4  }
0xc1: {  	v1 =	vadd.f32 v2, v1;
	_ =	sdelay $0x1  }
0xc2: {  	v2 =	vmul.f32 $2.000000030e-01, v1  }
0xc3: {  	vm14 =	vgt.f32 v1, $0.0e+00  }
0xc4: {  	v1 =	vsel vm14, v1, v2  }
0xc5: {  	v1 =	vmul.f32 $1.442695020e+00, v1;
	_ =	sdelay $0x1  }
0xc6: {  	(erf) = vpow2.f32 v1;
	_ =	sdelay $0x2  }
0xc7: {  	v1 =	vld [tilespmem:$0x4F70]  }
0xc8: {  	v2 =	vld [tilespmem:$0x4FF0];
	_ =	sdelay $0x4  }
0xc9: {  	v3 =	vpop (erf)  }
0xca: {  	[tilespmem:$0x5060] =	vst v3  }
0xcb: {  	v1 =	vld.idx.msk [tilespmem:v1+s14+$0x0], $0xffff  }
0xcc: {  	v2 =	vld.idx.msk [tilespmem:v2+s1+$0x0], $0xffff;
	_ =	sdelay $0x4  }
0xcd: {  	v1 =	vadd.f32 v2, v1;
	_ =	sdelay $0x1  }
0xce: {  	v2 =	vmul.f32 $2.000000030e-01, v1  }
0xcf: {  	vm15 =	vgt.f32 v1, $0.0e+00  }
0xd0: {  	v1 =	vsel vm15, v1, v2  }
0xd1: {  	v1 =	vmul.f32 $1.442695020e+00, v1;
	_ =	sdelay $0x1  }
0xd2: {  	(erf) = vpow2.f32 v1;
	_ =	sdelay $0x8  }
0xd3: {  	v1 =	vpop (erf)  }
0xd4: {  	[tilespmem:$0x5070] =	vst v1  }
0xd5: {  	[tilespmem:s3], [sflag:$0x1] =	stream.indirect.gather [hbm4b:s16+s7], $0x80, s5, s7, $0xb8;
	[tilespmem:$0x1FC00] =	vst v63  }
0xd6: {  	_ =	swait.ge [sflag:s8], $0x4000  }
0xd7: {  	v1 =	vmov s14;
	[sflag:s8] =	ssyncset.done $0x0  }
0xd8: {  	s11 =	simm.s32 $0x50C0;
	[sflag:s8] =	ssyncadd.s32 $0xFFFFC000  }
0xd9: {  	v4 =	vld [tilespmem:s11+$0xFFFFFFD0]  }
0xda: {  	v3 =	vld [tilespmem:s11+$0xFFFFFFE0]  }
0xdb: {  	v5 =	vld [tilespmem:s11+$0xFFFFFFC0]  }
0xdc: {  	v1 =	vld.idx.msk [tilespmem:v1+s9+$0x0], $0xffff  }
0xdd: {  	v8 =	vld [tilespmem:s11+$0x10]  }
0xde: {  	v2 =	vld [tilespmem:s11+$0x0]  }
0xdf: {  	s20 =	simm.s32 $0x9080;
	v6 =	vld [tilespmem:s11+$0x20]  }
0xe0: {  	s21 =	simm.s32 $0x1;
	s18 =	simm.s32 $0x9080;
	s17 =	simm.s32 $0x50C0;
	v7 =	vld [tilespmem:s11+$0xFFFFFFF0]  }
.LBB2_5:
0xe1: {  	p0 =	sne.s32 s21, $0x7F;
	v4 =	vmul.f32 v4, v1;
	v3 =	vmul.f32 v3, v1;
	s20 =	sadd.s32 $0x10, s20;
	s11 =	sadd.s32 $0x80, s11  }
0xe2: {  	v5 =	vmul.f32 v5, v1;
	s22 =	smov.u32 s21;
	s21 =	sadd.s32 $0x1, s21;
	v8 =	vmul.f32 v8, v1;
	v9 =	vld [tilespmem:s17+$0x30]  }
0xe3: {  	[tilespmem:s17+$0xFFFFFFD0] =	vst v4  }
0xe4: {  	[tilespmem:s17+$0xFFFFFFC0] =	vst v5;
	v4 =	vmul.f32 v6, v1  }
0xe5: {  	v2 =	vmul.f32 v2, v1;
	v5 =	vmul.f32 v7, v1;
	[tilespmem:s17+$0x10] =	vst v8  }
0xe6: {  	[tilespmem:s17+$0x20] =	vst v4  }
0xe7: {  	v6 =	vmov s22;
	[tilespmem:s17+$0xFFFFFFF0] =	vst v5;
	v4 =	vmul.f32 v9, v1  }
0xe8: {  	[tilespmem:s17+$0xFFFFFFE0] =	vst v3  }
0xe9: {  	[tilespmem:s17+$0x30] =	vst v4  }
0xea: {  	[tilespmem:s17+$0x0] =	vst v2;
	s17 =	smov.u32 s11  }
0xeb: {  	[tilespmem:s18+$0x0] =	vst v1;
	s18 =	smov.u32 s20  }
0xec: {  	v4 =	vld [tilespmem:s11+$0xFFFFFFD0]  }
0xed: {  	v3 =	vld [tilespmem:s11+$0xFFFFFFE0]  }
0xee: {  	v5 =	vld [tilespmem:s11+$0xFFFFFFC0]  }
0xef: {  	v1 =	vld.idx.msk [tilespmem:v6+s9+$0x0], $0xffff  }
.Ltmp1:
0xf0: {  	v2 =	vld [tilespmem:s11+$0x0];
	(pc) =	sbr.rel @p0 .LBB2_5-.Ltmp1, $3  }
0xf1: {  	v8 =	vld [tilespmem:s11+$0x10];
	_ =	sdelay $0x1  }
0xf2: {  	v6 =	vld [tilespmem:s11+$0x20]  }
0xf3: {  	v7 =	vld [tilespmem:s11+$0xFFFFFFF0]  }
0xf4: {  	v4 =	vmul.f32 v4, v1  }
0xf5: {  	v5 =	vmul.f32 v5, v1  }
0xf6: {  	v9 =	vld [tilespmem:s17+$0x30];
	v3 =	vmul.f32 v3, v1;
	[tilespmem:s17+$0xFFFFFFD0] =	vst v4  }
0xf7: {  	v2 =	vmul.f32 v2, v1;
	[tilespmem:s17+$0xFFFFFFC0] =	vst v5  }
0xf8: {  	v8 =	vmul.f32 v8, v1;
	[tilespmem:s17+$0xFFFFFFE0] =	vst v3  }
0xf9: {  	[tilespmem:s17+$0x0] =	vst v2;
	v61 =	vmul.f32 v6, v1  }
0xfa: {  	[tilespmem:s17+$0x10] =	vst v8;
	v62 =	vmul.f32 v7, v1  }
0xfb: {  	[tilespmem:s17+$0x20] =	vst v61;
	v63 =	vmul.f32 v9, v1  }
0xfc: {  	[tilespmem:s17+$0xFFFFFFF0] =	vst v62  }
0xfd: {  	[tilespmem:s17+$0x30] =	vst v63  }
0xfe: {  	[tilespmem:s18+$0x0] =	vst v1  }
0xff: {  	[spmem:s12] =	stream.indirect.scatter.add.f32 [tilespmem:s3], [sflag:$0x2], $0x80, s6, s7, $0xb8;
	[tilespmem:$0x1FC00] =	vst v63  }
0x100: {  	s15 =	sadd.s32 $0x1, s15;
	_ =	swait.ge [sflag:s2], $0x4000  }
0x101: {  	p0 =	sne.s32 s15, $0x51;
	[sflag:s2] =	ssyncset.done $0x0  }
.Ltmp2:
0x102: {  	[sflag:s2] =	ssyncadd.s32 $0xFFFFC000;
	(pc) =	sbr.rel @p0 .LBB2_4-.Ltmp2, $4  }
0x103: {  	[spmem:s13] =	stream.indirect.scatter.add.f32 [tilespmem:s4], [sflag:$0x2], $0x10, s6, s7, $0xb8;
	[tilespmem:$0x1FC00] =	vst v63  }
0x104: {  	_ =	swait.ge [sflag:s2], $0x800  }
0x105: {  	[sflag:s2] =	ssyncset.done $0x0  }
0x106: {  	[sflag:s2] =	ssyncadd.s32 $0xFFFFF800  }
0x107: {  	s11 =	stileid.u32  }
0x108: {  	[bflag:$0x0] =	sbarrier.arrive $0xFFFF;
	s11 =	sshll.u32 s11, $0x6  }
0x109: {  	s14 =	sshrl.u32 s23, $0x3;
	s15 =	rddreg [dreg:$0x5];
	s11 =	sor.u32 $0x1C02, s11  }
0x10a: {  	[hbm:s15], [sflag:s11] =	dma.local [spmem:s14], $0x800  }
0x10b: {  	_ =	swait.ge [sflag:s2], $0x800  }
0x10c: {  	s21 =	smov.u32 s23;
	s22 =	smov.u32 s24;
	[sflag:s2] =	ssyncset.done $0x0  }
0x10d: {  	s23 =	sshrl.u32 s24, $0x3;
	s24 =	rddreg [dreg:$0xa];
	[sflag:s2] =	ssyncadd.s32 $0xFFFFF800  }
0x10e: {  	[hbm:s24], [sflag:s11] =	dma.local [spmem:s23], $0x100  }
0x10f: {  	_ =	swait.ge [sflag:s2], $0x100  }
0x110: {  	[sflag:s2] =	ssyncset.done $0x0;
	s15 =	rddreg [dreg:$0x11]  }
0x111: {  	s17 =	rddreg [dreg:$0x6];
	[sflag:s2] =	ssyncadd.s32 $0xFFFFFF00;
	s14 =	sshrl.u32 s15, $0x3  }
0x112: {  	[hbm:s17], [sflag:s11] =	dma.local [spmem:s14], $0x800  }
0x113: {  	_ =	swait.ge [sflag:s2], $0x800  }
0x114: {  	[sflag:s2] =	ssyncset.done $0x0;
	s18 =	rddreg [dreg:$0x12]  }
0x115: {  	s20 =	rddreg [dreg:$0xb];
	[sflag:s2] =	ssyncadd.s32 $0xFFFFF800;
	s14 =	sshrl.u32 s18, $0x3  }
0x116: {  	[hbm:s20], [sflag:s11] =	dma.local [spmem:s14], $0x100  }
0x117: {  	_ =	swait.ge [sflag:s2], $0x100  }
0x118: {  	[sflag:s2] =	ssyncset.done $0x0;
	s23 =	rddreg [dreg:$0x13]  }
0x119: {  	s24 =	rddreg [dreg:$0x7];
	[sflag:s2] =	ssyncadd.s32 $0xFFFFFF00;
	s14 =	sshrl.u32 s23, $0x3  }
0x11a: {  	[hbm:s24], [sflag:s11] =	dma.local [spmem:s14], $0x800  }
0x11b: {  	_ =	swait.ge [sflag:s2], $0x800  }
0x11c: {  	[sflag:s2] =	ssyncset.done $0x0  }
0x11d: {  	s15 =	sshrl.u32 s25, $0x3;
	s17 =	rddreg [dreg:$0xc];
	[sflag:s2] =	ssyncadd.s32 $0xFFFFF800  }
0x11e: {  	[hbm:s17], [sflag:s11] =	dma.local [spmem:s15], $0x100  }
0x11f: {  	_ =	swait.ge [sflag:s2], $0x100  }
0x120: {  	[sflag:s2] =	ssyncset.done $0x0  }
0x121: {  	s18 =	sshrl.u32 s26, $0x3;
	s20 =	rddreg [dreg:$0x8];
	[sflag:s2] =	ssyncadd.s32 $0xFFFFFF00  }
0x122: {  	[hbm:s20], [sflag:s11] =	dma.local [spmem:s18], $0x800  }
0x123: {  	_ =	swait.ge [sflag:s2], $0x800  }
0x124: {  	[sflag:s2] =	ssyncset.done $0x0  }
0x125: {  	s23 =	sshrl.u32 s28, $0x3;
	s24 =	rddreg [dreg:$0xd];
	[sflag:s2] =	ssyncadd.s32 $0xFFFFF800  }
0x126: {  	[hbm:s24], [sflag:s11] =	dma.local [spmem:s23], $0x100  }
0x127: {  	_ =	swait.ge [sflag:s2], $0x100  }
0x128: {  	[sflag:s2] =	ssyncset.done $0x0  }
0x129: {  	s17 =	sshrl.u32 s29, $0x3;
	s18 =	rddreg [dreg:$0x9];
	[sflag:s2] =	ssyncadd.s32 $0xFFFFFF00  }
0x12a: {  	[hbm:s18], [sflag:s11] =	dma.local [spmem:s17], $0x780  }
0x12b: {  	_ =	swait.ge [sflag:s2], $0x780  }
0x12c: {  	[sflag:s2] =	ssyncset.done $0x0  }
0x12d: {  	s20 =	sshrl.u32 s30, $0x3;
	s23 =	rddreg [dreg:$0xe];
	[sflag:s2] =	ssyncadd.s32 $0xFFFFF880  }
0x12e: {  	[hbm:s23], [sflag:s11] =	dma.local [spmem:s20], $0xF0  }
0x12f: {  	_ =	swait.ge [sflag:s2], $0xF0  }
0x130: {  	s10 =	sadd.s32 $0x1, s10;
	s24 =	rddreg [dreg:$0x14]  }
0x131: {  	p0 =	sne.s32 s10, s24  }
.Ltmp3:
0x132: {  	_ = 	snop;
	(pc) =	sbr.rel @p0 .LBB2_1-.Ltmp3, $3  }
0x133: {  	_ =	sdelay $0x1  }
0x134: {  	[sflag:s2] =	ssyncset.done $0x0  }
0x135: {  	[sflag:s2] =	ssyncadd.s32 $0xFFFFFF10  }
0x136: {  	_ =	sfence.sel $0x180000  }
0x137: {  	[bflag:$0x0] =	sbarrier.arrive $0xFFFF  }
0x138: {  	_ =	strace $0x90000047  }
0x139: {  	s0 =	stileid.u32;
	[bflag:$0x2] =	sbarrier.arrive $0xFFFF  }
0x13a: {  	p0 =	sne.s32 s0, $0x0;
	s0 =	rddreg [dreg:$0x4]  }
0x13b: {  	s0 =	sadd.s32 @!p0 $0x100000, s0  }
0x13c: {  	[sflag:s0] =	ssyncadd.tile.s32 @!p0 $0x1;
	_ =	shalt  }
.Lfunc_end2:
_tile_overlayer_lowered:
.L_overlay_start_2:
0x13d: {  	(tag) =	ssettag $0x2  }
0x13e: {  	s0 =	rddreg [dreg:$0x0];
	s2 =	stileid.u32  }
0x13f: {  	s1 =	rddreg [dreg:$0x1];
	p0 =	sne.s32 s2, $0x0  }
0x140: {  	s3 =	rddreg [dreg:$0x2];
	[bflag:$0x3] =	sbarrier.arrive $0xFFFF;
	s2 =	simm.s32 @!p0 $0x1C02  }
0x141: {  	[timem:s3], [sflag:s2] =	dma.local @!p0 [hbm:s0], s1  }
0x142: {  	s0 =	simm.s32 @!p0 $0x2  }
0x143: {  	_ =	swait.ge @!p0 [sflag:s0], s1  }
0x144: {  	s1 =	ssub.s32 @!p0 $0x0, s1;
	[sflag:s0] =	ssyncset.done @!p0 $0x0  }
0x145: {  	[sflag:s0] =	ssyncadd.s32 @!p0 s1  }
0x146: {  	[bflag:$0x3] =	sbarrier.arrive $0xFFFF  }
0x147: {  	_ =	shalt  }

</sc_bundles>
